<compile_context>
chip_gen: v7x
topology: tpu7x:2x2x1
jax: 0.10.2.dev20260603
libtpu: 0.0.44.dev20260713+nightly
codegen_flags: <defaults>
</compile_context>

<pallas_src>
import functools

import jax
import jax.numpy as jnp
from jax import lax
from jax.experimental import pallas as pl
from jax.experimental.pallas import tpu as pltpu
from jax.experimental.pallas import tpu_sc as plsc

_N = 10000
_E = 320000
_FN = 128
_FE = 16
_D = 128
_G = 64
_C = 12
_L = 6

_BE = 1000


def _edge_mlp_body(ea_ref, w1_ref, b1_ref, w2_ref, b2_ref, o_ref):
    ea = ea_ref[...]
    h1 = lax.dot_general(ea, w1_ref[0], (((1,), (1,)), ((), ())),
                         preferred_element_type=jnp.float32) + b1_ref[0]
    h1 = jnp.maximum(h1, 0.0)
    o = lax.dot_general(h1, w2_ref[0], (((1,), (1,)), ((), ())),
                        preferred_element_type=jnp.float32) + b2_ref[0]
    o_ref[0] = o


def _edge_mlp(edge_attr, bW1, bb1, bW2, bb2):
    grid = (_L, _E // _BE)
    return pl.pallas_call(
        _edge_mlp_body,
        grid=grid,
        in_specs=[
            pl.BlockSpec((_BE, _FE), lambda l, e: (e, 0)),
            pl.BlockSpec((1, _D, _FE), lambda l, e: (l, 0, 0)),
            pl.BlockSpec((1, 1, _D), lambda l, e: (l, 0, 0)),
            pl.BlockSpec((1, _D, _D), lambda l, e: (l, 0, 0)),
            pl.BlockSpec((1, 1, _D), lambda l, e: (l, 0, 0)),
        ],
        out_specs=pl.BlockSpec((1, _BE, _D), lambda l, e: (l, e, 0)),
        out_shape=jax.ShapeDtypeStruct((_L, _E, _D), jnp.float32),
    )(edge_attr, bW1, bb1.reshape(_L, 1, _D), bW2, bb2.reshape(_L, 1, _D))


_NC = 2
_NS = 16
_NW = _NC * _NS
_EPW = _E // _NW
_K = 80
_NCH = _EPW // _K
_RPT = 624
_TAIL = _N - _NS * _RPT


def _make_sc_aggr(layer):
    mesh = plsc.VectorSubcoreMesh(core_axis_name="c", subcore_axis_name="s",
                                  num_cores=_NC, num_subcores=_NS)

    @functools.partial(
        pl.kernel,
        out_type=jax.ShapeDtypeStruct((_NC, _N, _D), jnp.float32),
        mesh=mesh,
        scratch_types=[
            pltpu.VMEM((_K,), jnp.int32),
            pltpu.VMEM((_K,), jnp.int32),
            pltpu.VMEM((_K, _D), jnp.float32),
            pltpu.VMEM((_K, _D), jnp.float32),
            pltpu.VMEM_SHARED((_N, _D), jnp.float32),
            pltpu.SemaphoreType.DMA,
        ],
    )
    def sc_aggr(h_hbm, eemb_hbm, src_hbm, dst_hbm, zeros_hbm, out_hbm,
                src_v, dst_v, rows_v, eemb_v, aggr_sh, sem):
        c = lax.axis_index("c")
        s = lax.axis_index("s")
        wid = s * _NC + c
        w0 = wid * _EPW
        e0 = layer * _E + w0

        pltpu.sync_copy(zeros_hbm.at[pl.ds(s * _RPT, _RPT)],
                        aggr_sh.at[pl.ds(s * _RPT, _RPT)])

        @pl.when(s == 0)
        def _zero_tail():
            pltpu.sync_copy(zeros_hbm.at[pl.ds(_NS * _RPT, _TAIL)],
                            aggr_sh.at[pl.ds(_NS * _RPT, _TAIL)])

        plsc.subcore_barrier()

        def chunk(ci, carry):
            base = e0 + ci * _K
            ebase = w0 + ci * _K
            pltpu.sync_copy(src_hbm.at[pl.ds(ebase, _K)], src_v)
            pltpu.sync_copy(dst_hbm.at[pl.ds(ebase, _K)], dst_v)
            gcp = pltpu.async_copy(h_hbm.at[src_v], rows_v, sem)
            pltpu.sync_copy(eemb_hbm.at[pl.ds(base, _K)], eemb_v)
            gcp.wait()

            def row(k, rcarry):
                for j in range(_D // 16):
                    sl = pl.ds(j * 16, 16)
                    rows_v[k, sl] = jnp.maximum(rows_v[k, sl] + eemb_v[k, sl],
                                                0.0)
                return rcarry

            lax.fori_loop(0, _K, row, 0)
            pltpu.sync_copy(rows_v, aggr_sh.at[dst_v], add=True)
            return carry

        lax.fori_loop(0, _NCH, chunk, 0)
        plsc.subcore_barrier()
        pltpu.sync_copy(aggr_sh.at[pl.ds(s * _RPT, _RPT)],
                        out_hbm.at[c, pl.ds(s * _RPT, _RPT)])

        @pl.when(s == 0)
        def _flush_tail():
            pltpu.sync_copy(aggr_sh.at[pl.ds(_NS * _RPT, _TAIL)],
                            out_hbm.at[c, pl.ds(_NS * _RPT, _TAIL)])

    return sc_aggr


@functools.lru_cache(maxsize=None)
def _sc_aggr_fn(layer):
    return _make_sc_aggr(layer)


_BN = 1000


def _node_mlp_body(eps_ref, h_ref, p_ref, w1_ref, b1_ref, w2_ref, b2_ref,
                   o_ref):
    z = eps_ref[...] * h_ref[...] + p_ref[0] + p_ref[1]
    h1 = lax.dot_general(z, w1_ref[...], (((1,), (1,)), ((), ())),
                         preferred_element_type=jnp.float32) + b1_ref[...]
    h1 = jnp.maximum(h1, 0.0)
    z2 = lax.dot_general(h1, w2_ref[...], (((1,), (1,)), ((), ())),
                         preferred_element_type=jnp.float32) + b2_ref[...]
    o_ref[...] = jnp.maximum(z2, 0.0)


def _node_mlp(epsp, h, parts, w1, b1, w2, b2):
    grid = (_N // _BN,)
    return pl.pallas_call(
        _node_mlp_body,
        grid=grid,
        in_specs=[
            pl.BlockSpec((1, 1), lambda i: (0, 0)),
            pl.BlockSpec((_BN, _D), lambda i: (i, 0)),
            pl.BlockSpec((_NC, _BN, _D), lambda i: (0, i, 0)),
            pl.BlockSpec((_D, _D), lambda i: (0, 0)),
            pl.BlockSpec((_D,), lambda i: (0,)),
            pl.BlockSpec((_D, _D), lambda i: (0, 0)),
            pl.BlockSpec((_D,), lambda i: (0,)),
        ],
        out_specs=pl.BlockSpec((_BN, _D), lambda i: (i, 0)),
        out_shape=jax.ShapeDtypeStruct((_N, _D), jnp.float32),
    )(epsp, h, parts, w1, b1, w2, b2)


def _set2set_body(h_ref, batch_ref, wih_ref, whh_ref, bih_ref, bhh_ref,
                  fc1w_ref, fc1b_ref, fc4w_ref, fc4b_ref, o_ref):
    h = h_ref[...]
    batch = batch_ref[...]
    gid = lax.broadcasted_iota(jnp.int32, (_G, _N), 0)
    mask = batch[None, :] == gid

    q_star = jnp.zeros((_G, 2 * _D), dtype=jnp.float32)
    hs = jnp.zeros((_G, _D), dtype=jnp.float32)
    cs = jnp.zeros((_G, _D), dtype=jnp.float32)
    wih = wih_ref[...]
    whh = whh_ref[...]
    bih = bih_ref[...]
    bhh = bhh_ref[...]
    for _ in range(6):
        gates = (lax.dot_general(q_star, wih, (((1,), (1,)), ((), ())),
                                 preferred_element_type=jnp.float32) + bih
                 + lax.dot_general(hs, whh, (((1,), (1,)), ((), ())),
                                   preferred_element_type=jnp.float32) + bhh)
        ig = jax.nn.sigmoid(gates[:, :_D])
        fg = jax.nn.sigmoid(gates[:, _D:2 * _D])
        gg = jnp.tanh(gates[:, 2 * _D:3 * _D])
        og = jax.nn.sigmoid(gates[:, 3 * _D:])
        cs = fg * cs + ig * gg
        hs = og * jnp.tanh(cs)
        q = hs
        scores = lax.dot_general(q, h, (((1,), (1,)), ((), ())),
                                 preferred_element_type=jnp.float32)
        scores_m = jnp.where(mask, scores, -3.0e38)
        smax = jnp.max(scores_m, axis=1, keepdims=True)
        a = jnp.where(mask, jnp.exp(scores_m - smax), 0.0)
        denom = jnp.sum(a, axis=1, keepdims=True)
        attn = a / (denom + 1e-16)
        r = jnp.dot(attn, h, preferred_element_type=jnp.float32)
        q_star = jnp.concatenate([q, r], axis=1)

    y = lax.dot_general(q_star, fc1w_ref[...], (((1,), (1,)), ((), ())),
                        preferred_element_type=jnp.float32) + fc1b_ref[...]
    y = jnp.maximum(y, 0.0)
    o_ref[...] = lax.dot_general(y, fc4w_ref[...], (((1,), (1,)), ((), ())),
                                 preferred_element_type=jnp.float32) \
        + fc4b_ref[...]


def _set2set(h, batch, lstm_Wih, lstm_Whh, lstm_bih, lstm_bhh,
             fc1_W, fc1_b, fc4_W, fc4_b):
    return pl.pallas_call(
        _set2set_body,
        out_shape=jax.ShapeDtypeStruct((_G, _C), jnp.float32),
    )(h, batch, lstm_Wih, lstm_Whh, lstm_bih, lstm_bhh,
      fc1_W, fc1_b, fc4_W, fc4_b)


def kernel(x, edge_index, edge_attr, batch, bW1, bb1, bW2, bb2, mW1, mb1,
           mW2, mb2, eps, lstm_Wih, lstm_Whh, lstm_bih, lstm_bhh,
           fc1_W, fc1_b, fc4_W, fc4_b):
    src = edge_index[0].astype(jnp.int32)
    dst = edge_index[1].astype(jnp.int32)
    batch = batch.astype(jnp.int32)

    eemb = _edge_mlp(edge_attr, bW1, bb1, bW2, bb2)
    eemb_flat = eemb.reshape(_L * _E, _D)
    zeros = jnp.zeros((_N, _D), jnp.float32)

    h = x
    for l in range(_L):
        parts = _sc_aggr_fn(l)(h, eemb_flat, src, dst, zeros)
        epsp = (1.0 + eps[l]).reshape(1, 1).astype(jnp.float32)
        h = _node_mlp(epsp, h, parts, mW1[l], mb1[l], mW2[l], mb2[l])

    return _set2set(h, batch, lstm_Wih, lstm_Whh, lstm_bih, lstm_bhh,
                    fc1_W, fc1_b, fc4_W, fc4_b)

# --- scband reference (transcript-rebuilt; emitter-appended) ---
"""Pipeline reference for scband-net-gine-v2-35459249995957 (READ-ONLY COPY).

The authoritative reference and input builder live on the scoring server;
editing this copy changes nothing except your own understanding.
"""

import jax, jax.numpy as jnp
import numpy as np

N = 10000
E = 320000
FN = 128
FE = 16
D = 128
G = 64
C = 12
L = 6

def setup_inputs(seed: int = 0) -> dict:
    key = jax.random.key(seed)
    ks = jax.random.split(key, 24)
    s = 0.05
    inp = {}
    inp["x"] = jax.random.normal(ks[0], (N, FN), dtype=jnp.float32)
    inp["edge_index"] = jax.random.randint(ks[1], (2, E), 0, N)
    inp["edge_attr"] = jax.random.normal(ks[2], (E, FE), dtype=jnp.float32)
    inp["batch"] = jnp.sort(jax.random.randint(ks[3], (N,), 0, G))
    inp["bW1"] = jax.random.normal(ks[4], (L, D, FE), dtype=jnp.float32) * s
    inp["bb1"] = jax.random.normal(ks[5], (L, D), dtype=jnp.float32) * s
    inp["bW2"] = jax.random.normal(ks[6], (L, D, D), dtype=jnp.float32) * s
    inp["bb2"] = jax.random.normal(ks[7], (L, D), dtype=jnp.float32) * s
    inp["mW1"] = jax.random.normal(ks[8], (L, D, D), dtype=jnp.float32) * s
    inp["mb1"] = jax.random.normal(ks[9], (L, D), dtype=jnp.float32) * s
    inp["mW2"] = jax.random.normal(ks[10], (L, D, D), dtype=jnp.float32) * s
    inp["mb2"] = jax.random.normal(ks[11], (L, D), dtype=jnp.float32) * s
    inp["eps"] = jnp.zeros((L,), dtype=jnp.float32)
    inp["lstm_Wih"] = jax.random.normal(ks[12], (4 * D, 2 * D), dtype=jnp.float32) * s
    inp["lstm_Whh"] = jax.random.normal(ks[13], (4 * D, D), dtype=jnp.float32) * s
    inp["lstm_bih"] = jax.random.normal(ks[14], (4 * D,), dtype=jnp.float32) * s
    inp["lstm_bhh"] = jax.random.normal(ks[15], (4 * D,), dtype=jnp.float32) * s
    inp["fc1_W"] = jax.random.normal(ks[16], (D, 2 * D), dtype=jnp.float32) * s
    inp["fc1_b"] = jax.random.normal(ks[17], (D,), dtype=jnp.float32) * s
    inp["fc4_W"] = jax.random.normal(ks[18], (C, D), dtype=jnp.float32) * s
    inp["fc4_b"] = jax.random.normal(ks[19], (C,), dtype=jnp.float32) * s
    return inp

def _forward(x, edge_attr, bW1, bb1, bW2, bb2, mW1, mb1, mW2, mb2, eps, lstm_Wih, lstm_Whh, lstm_bih, lstm_bhh, fc1_W, fc1_b, fc4_W, fc4_b, edge_index, batch):
    src = edge_index[0]
    dst = edge_index[1]
    h = x
    for l in range(L):
        # GINConv_v2: bond_encoder MLP on edge_attr
        eemb = jnp.maximum(edge_attr @ bW1[l].T + bb1[l], 0.0) @ bW2[l].T + bb2[l]
        # message: relu(x_j + edge_emb), aggr='add' at dst
        msg = jnp.maximum(h[src] + eemb, 0.0)
        aggr = jax.ops.segment_sum(msg, dst, num_segments=N)
        z = (1.0 + eps[l]) * h + aggr
        z = jnp.maximum(z @ mW1[l].T + mb1[l], 0.0) @ mW2[l].T + mb2[l]
        h = jnp.maximum(z, 0.0)  # outer F.relu in NetGINE_v2.forward
    # Set2Set(dim, processing_steps=6) with single-layer LSTM
    q_star = jnp.zeros((G, 2 * D), dtype=h.dtype)
    hs = jnp.zeros((G, D), dtype=h.dtype)
    cs = jnp.zeros((G, D), dtype=h.dtype)
    for _ in range(6):
        gates = q_star @ lstm_Wih.T + lstm_bih + hs @ lstm_Whh.T + lstm_bhh
        i = jax.nn.sigmoid(gates[:, :D])
        f = jax.nn.sigmoid(gates[:, D:2 * D])
        g = jnp.tanh(gates[:, 2 * D:3 * D])
        o = jax.nn.sigmoid(gates[:, 3 * D:])
        cs = f * cs + i * g
        hs = o * jnp.tanh(cs)
        q = hs
        e = jnp.sum(h * q[batch], axis=-1)
        emax = jax.ops.segment_max(e, batch, num_segments=G)
        a = jnp.exp(e - emax[batch])
        denom = jax.ops.segment_sum(a, batch, num_segments=G)
        a = a / (denom[batch] + 1e-16)
        r = jax.ops.segment_sum(a[:, None] * h, batch, num_segments=G)
        q_star = jnp.concatenate([q, r], axis=-1)
    out = jnp.maximum(q_star @ fc1_W.T + fc1_b, 0.0) @ fc4_W.T + fc4_b
    return out

def reference(x, edge_index, edge_attr, batch, bW1, bb1, bW2, bb2, mW1, mb1, mW2, mb2, eps, lstm_Wih, lstm_Whh, lstm_bih, lstm_bhh, fc1_W, fc1_b, fc4_W, fc4_b):
    return _forward(x, edge_attr, bW1, bb1, bW2, bb2, mW1, mb1, mW2, mb2, eps, lstm_Wih, lstm_Whh, lstm_bih, lstm_bhh, fc1_W, fc1_b, fc4_W, fc4_b, edge_index, batch)

if __name__ == "__main__":
    import jax
    _d = setup_inputs()
    print(jax.jit(kernel)(*tuple(_d.values())))

</pallas_src>

<mosaic_0001>
#map = affine_map<(d0, d1) -> (0, 0)>
#map1 = affine_map<(d0, d1) -> (0)>
#map2 = affine_map<(d0, d1) -> (0, 0, 0)>
module attributes {stable_mosaic.version = 14 : i64} {
  func.func @sc_aggr(%arg0: i32, %arg1: i32, %arg2: memref<10000x128xf32, #tpu.memory_space<hbm>>, %arg3: memref<1920000x128xf32, #tpu.memory_space<hbm>>, %arg4: memref<320000xi32, #tpu.memory_space<hbm>>, %arg5: memref<320000xi32, #tpu.memory_space<hbm>>, %arg6: memref<10000x128xf32, #tpu.memory_space<hbm>>, %arg7: memref<2x10000x128xf32, #tpu.memory_space<hbm>>, %arg8: memref<80xi32, #tpu.memory_space<vmem>>, %arg9: memref<80xi32, #tpu.memory_space<vmem>>, %arg10: memref<80x128xf32, #tpu.memory_space<vmem>>, %arg11: memref<80x128xf32, #tpu.memory_space<vmem>>, %arg12: memref<10000x128xf32, #tpu.memory_space<vmem_shared>>, %arg13: memref<!tpu.dma_semaphore, #tpu.memory_space<semaphore_mem>>) attributes {dimension_semantics = [#tpu.dimension_semantics<core_parallel>, #tpu.dimension_semantics<subcore_parallel>], iteration_bounds = array<i64: 2, 16>, scalar_prefetch = 0 : i64, scratch_operands = 6 : i64, tpu.core_type = #tpu.core_type<sc_vector_subcore>, window_params = [{transform_indices = #map}, {transform_indices = #map}, {transform_indices = #map1}, {transform_indices = #map1}, {transform_indices = #map}, {transform_indices = #map2}]} {
    %mul3A = arith.constant 2 : i32
    %mul3A_0 = arith.muli %arg1, %mul3A : i32
    %add3A = arith.addi %mul3A_0, %arg0 : i32
    %mul3A_1 = arith.constant 10000 : i32
    %mul3A_2 = arith.muli %add3A, %mul3A_1 : i32
    %add3A_3 = arith.constant 320000 : i32
    %add3A_4 = arith.addi %add3A_3, %mul3A_2 : i32
    %mul3A_5 = arith.constant 624 : i32
    %mul3A_6 = arith.muli %arg1, %mul3A_5 : i32
    %mul3A_7 = arith.constant 624 : i32
    %mul3A_8 = arith.muli %arg1, %mul3A_7 : i32
    "tpu.region"() ({
      %run_scoped3A = tpu.sem_alloc : memref<!tpu.dma_semaphore, #tpu.memory_space<semaphore_mem>>
      %dma_start3A = arith.constant 0 : i32
      %dma_start3A_26 = tpu.memref_slice %arg12[%mul3A_8, %dma_start3A] : memref<10000x128xf32, #tpu.memory_space<vmem_shared>> -> memref<624x128xf32, #tpu.memory_space<vmem_shared>>
      %dma_start3A_27 = arith.constant 0 : i32
      %dma_start3A_28 = tpu.memref_slice %arg6[%mul3A_6, %dma_start3A_27] : memref<10000x128xf32, #tpu.memory_space<hbm>> -> memref<624x128xf32, #tpu.memory_space<hbm>>
      tpu.enqueue_dma source(%dma_start3A_28 : memref<624x128xf32, #tpu.memory_space<hbm>>) target(%dma_start3A_26 : memref<624x128xf32, #tpu.memory_space<vmem_shared>>) target_semaphore(%run_scoped3A : memref<!tpu.dma_semaphore, #tpu.memory_space<semaphore_mem>>)
      %dma_wait3A = arith.constant 0 : i32
      %dma_wait3A_29 = tpu.memref_slice %arg12[%mul3A_8, %dma_wait3A] : memref<10000x128xf32, #tpu.memory_space<vmem_shared>> -> memref<624x128xf32, #tpu.memory_space<vmem_shared>>
      %dma_wait3A_30 = arith.constant 0 : i32
      %dma_wait3A_31 = tpu.memref_slice %arg6[%mul3A_6, %dma_wait3A_30] : memref<10000x128xf32, #tpu.memory_space<hbm>> -> memref<624x128xf32, #tpu.memory_space<hbm>>
      tpu.wait_dma2 semaphore(%run_scoped3A : memref<!tpu.dma_semaphore, #tpu.memory_space<semaphore_mem>>) src(%dma_wait3A_31 : memref<624x128xf32, #tpu.memory_space<hbm>>) dst(%dma_wait3A_29 : memref<624x128xf32, #tpu.memory_space<vmem_shared>>)
      tpu.yield
    }) : () -> ()
    %eq3A = arith.constant 0 : i32
    %eq3A_9 = arith.cmpi eq, %arg1, %eq3A : i32
    %convert_element_type3A = arith.extui %eq3A_9 : i1 to i32
    %cond3A = arith.constant 0 : i32
    %cond3A_10 = arith.cmpi ne, %convert_element_type3A, %cond3A : i32
    scf.if %cond3A_10 {
      "tpu.region"() ({
        %run_scoped3A = tpu.sem_alloc : memref<!tpu.dma_semaphore, #tpu.memory_space<semaphore_mem>>
        %dma_start3A = arith.constant 9984 : i32
        %dma_start3A_26 = arith.constant 0 : i32
        %dma_start3A_27 = tpu.memref_slice %arg12[%dma_start3A, %dma_start3A_26] : memref<10000x128xf32, #tpu.memory_space<vmem_shared>> -> memref<16x128xf32, #tpu.memory_space<vmem_shared>>
        %dma_start3A_28 = arith.constant 9984 : i32
        %dma_start3A_29 = arith.constant 0 : i32
        %dma_start3A_30 = tpu.memref_slice %arg6[%dma_start3A_28, %dma_start3A_29] : memref<10000x128xf32, #tpu.memory_space<hbm>> -> memref<16x128xf32, #tpu.memory_space<hbm>>
        tpu.enqueue_dma source(%dma_start3A_30 : memref<16x128xf32, #tpu.memory_space<hbm>>) target(%dma_start3A_27 : memref<16x128xf32, #tpu.memory_space<vmem_shared>>) target_semaphore(%run_scoped3A : memref<!tpu.dma_semaphore, #tpu.memory_space<semaphore_mem>>)
        %dma_wait3A = arith.constant 9984 : i32
        %dma_wait3A_31 = arith.constant 0 : i32
        %dma_wait3A_32 = tpu.memref_slice %arg12[%dma_wait3A, %dma_wait3A_31] : memref<10000x128xf32, #tpu.memory_space<vmem_shared>> -> memref<16x128xf32, #tpu.memory_space<vmem_shared>>
        %dma_wait3A_33 = arith.constant 9984 : i32
        %dma_wait3A_34 = arith.constant 0 : i32
        %dma_wait3A_35 = tpu.memref_slice %arg6[%dma_wait3A_33, %dma_wait3A_34] : memref<10000x128xf32, #tpu.memory_space<hbm>> -> memref<16x128xf32, #tpu.memory_space<hbm>>
        tpu.wait_dma2 semaphore(%run_scoped3A : memref<!tpu.dma_semaphore, #tpu.memory_space<semaphore_mem>>) src(%dma_wait3A_35 : memref<16x128xf32, #tpu.memory_space<hbm>>) dst(%dma_wait3A_32 : memref<16x128xf32, #tpu.memory_space<vmem_shared>>)
        tpu.yield
      }) : () -> ()
    } else {
    }
    %barrier3A = arith.constant 0 : index
    tpu.barrier barrier_id(%barrier3A)
    %scan3A = arith.constant 0 : i32
    %scan3A_11 = arith.constant 0 : i32
    %scan3A_12 = arith.constant 125 : i32
    %scan3A_13 = arith.addi %scan3A_11, %scan3A_12 : i32
    %scan3A_14 = arith.constant 1 : i32
    scf.for %scan3A_26 = %scan3A_11 to %scan3A_13 step %scan3A_14  : i32 {
      %mul3A_27 = arith.constant 80 : i32
      %mul3A_28 = arith.muli %scan3A_26, %mul3A_27 : i32
      %add3A_29 = arith.addi %add3A_4, %mul3A_28 : i32
      %mul3A_30 = arith.constant 80 : i32
      %mul3A_31 = arith.muli %scan3A_26, %mul3A_30 : i32
      %add3A_32 = arith.addi %mul3A_2, %mul3A_31 : i32
      "tpu.region"() ({
        %run_scoped3A = tpu.sem_alloc : memref<!tpu.dma_semaphore, #tpu.memory_space<semaphore_mem>>
        %dma_start3A_43 = tpu.memref_slice %arg4[%add3A_32] : memref<320000xi32, #tpu.memory_space<hbm>> -> memref<80xi32, #tpu.memory_space<hbm>>
        %dma_start3A_44 = tpu.memref_slice %arg4[%add3A_32] : memref<320000xi32, #tpu.memory_space<hbm>> -> memref<80xi32, #tpu.memory_space<hbm>>
        tpu.enqueue_dma source(%dma_start3A_44 : memref<80xi32, #tpu.memory_space<hbm>>) target(%arg8 : memref<80xi32, #tpu.memory_space<vmem>>) target_semaphore(%run_scoped3A : memref<!tpu.dma_semaphore, #tpu.memory_space<semaphore_mem>>)
        %dma_wait3A_45 = tpu.memref_slice %arg4[%add3A_32] : memref<320000xi32, #tpu.memory_space<hbm>> -> memref<80xi32, #tpu.memory_space<hbm>>
        %dma_wait3A_46 = tpu.memref_slice %arg4[%add3A_32] : memref<320000xi32, #tpu.memory_space<hbm>> -> memref<80xi32, #tpu.memory_space<hbm>>
        tpu.wait_dma2 semaphore(%run_scoped3A : memref<!tpu.dma_semaphore, #tpu.memory_space<semaphore_mem>>) src(%dma_wait3A_46 : memref<80xi32, #tpu.memory_space<hbm>>) dst(%arg8 : memref<80xi32, #tpu.memory_space<vmem>>)
        tpu.yield
      }) : () -> ()
      "tpu.region"() ({
        %run_scoped3A = tpu.sem_alloc : memref<!tpu.dma_semaphore, #tpu.memory_space<semaphore_mem>>
        %dma_start3A_43 = tpu.memref_slice %arg5[%add3A_32] : memref<320000xi32, #tpu.memory_space<hbm>> -> memref<80xi32, #tpu.memory_space<hbm>>
        %dma_start3A_44 = tpu.memref_slice %arg5[%add3A_32] : memref<320000xi32, #tpu.memory_space<hbm>> -> memref<80xi32, #tpu.memory_space<hbm>>
        tpu.enqueue_dma source(%dma_start3A_44 : memref<80xi32, #tpu.memory_space<hbm>>) target(%arg9 : memref<80xi32, #tpu.memory_space<vmem>>) target_semaphore(%run_scoped3A : memref<!tpu.dma_semaphore, #tpu.memory_space<semaphore_mem>>)
        %dma_wait3A_45 = tpu.memref_slice %arg5[%add3A_32] : memref<320000xi32, #tpu.memory_space<hbm>> -> memref<80xi32, #tpu.memory_space<hbm>>
        %dma_wait3A_46 = tpu.memref_slice %arg5[%add3A_32] : memref<320000xi32, #tpu.memory_space<hbm>> -> memref<80xi32, #tpu.memory_space<hbm>>
        tpu.wait_dma2 semaphore(%run_scoped3A : memref<!tpu.dma_semaphore, #tpu.memory_space<semaphore_mem>>) src(%dma_wait3A_46 : memref<80xi32, #tpu.memory_space<hbm>>) dst(%arg9 : memref<80xi32, #tpu.memory_space<vmem>>)
        tpu.yield
      }) : () -> ()
      %dma_start3A = arith.constant 0 : i32
      %dma_start3A_33 = arith.constant 0 : i32
      %dma_start3A_34 = tpu.memref_slice %arg2[%dma_start3A, %dma_start3A_33] : memref<10000x128xf32, #tpu.memory_space<hbm>> -> memref<10000x128xf32, #tpu.memory_space<hbm>>
      tpu.enqueue_indirect_dma source(%dma_start3A_34 : memref<10000x128xf32, #tpu.memory_space<hbm>>) target(%arg10 : memref<80x128xf32, #tpu.memory_space<vmem>>) offsets(%arg8 : memref<80xi32, #tpu.memory_space<vmem>>) semaphore(%arg13 : memref<!tpu.dma_semaphore, #tpu.memory_space<semaphore_mem>>)
      "tpu.region"() ({
        %run_scoped3A = tpu.sem_alloc : memref<!tpu.dma_semaphore, #tpu.memory_space<semaphore_mem>>
        %dma_start3A_43 = arith.constant 0 : i32
        %dma_start3A_44 = tpu.memref_slice %arg3[%add3A_29, %dma_start3A_43] : memref<1920000x128xf32, #tpu.memory_space<hbm>> -> memref<80x128xf32, #tpu.memory_space<hbm>>
        %dma_start3A_45 = arith.constant 0 : i32
        %dma_start3A_46 = tpu.memref_slice %arg3[%add3A_29, %dma_start3A_45] : memref<1920000x128xf32, #tpu.memory_space<hbm>> -> memref<80x128xf32, #tpu.memory_space<hbm>>
        tpu.enqueue_dma source(%dma_start3A_46 : memref<80x128xf32, #tpu.memory_space<hbm>>) target(%arg11 : memref<80x128xf32, #tpu.memory_space<vmem>>) target_semaphore(%run_scoped3A : memref<!tpu.dma_semaphore, #tpu.memory_space<semaphore_mem>>)
        %dma_wait3A_47 = arith.constant 0 : i32
        %dma_wait3A_48 = tpu.memref_slice %arg3[%add3A_29, %dma_wait3A_47] : memref<1920000x128xf32, #tpu.memory_space<hbm>> -> memref<80x128xf32, #tpu.memory_space<hbm>>
        %dma_wait3A_49 = arith.constant 0 : i32
        %dma_wait3A_50 = tpu.memref_slice %arg3[%add3A_29, %dma_wait3A_49] : memref<1920000x128xf32, #tpu.memory_space<hbm>> -> memref<80x128xf32, #tpu.memory_space<hbm>>
        tpu.wait_dma2 semaphore(%run_scoped3A : memref<!tpu.dma_semaphore, #tpu.memory_space<semaphore_mem>>) src(%dma_wait3A_50 : memref<80x128xf32, #tpu.memory_space<hbm>>) dst(%arg11 : memref<80x128xf32, #tpu.memory_space<vmem>>)
        tpu.yield
      }) : () -> ()
      %dma_wait3A = arith.constant 0 : i32
      %dma_wait3A_35 = arith.constant 0 : i32
      %dma_wait3A_36 = tpu.memref_slice %arg2[%dma_wait3A, %dma_wait3A_35] : memref<10000x128xf32, #tpu.memory_space<hbm>> -> memref<10000x128xf32, #tpu.memory_space<hbm>>
      tpu.wait_indirect_dma semaphore(%arg13 : memref<!tpu.dma_semaphore, #tpu.memory_space<semaphore_mem>>) src(%dma_wait3A_36 : memref<10000x128xf32, #tpu.memory_space<hbm>>) dst(%arg10 : memref<80x128xf32, #tpu.memory_space<vmem>>)
      %scan3A_37 = arith.constant 0 : i32
      %scan3A_38 = arith.constant 0 : i32
      %scan3A_39 = arith.constant 80 : i32
      %scan3A_40 = arith.addi %scan3A_38, %scan3A_39 : i32
      %scan3A_41 = arith.constant 1 : i32
      scf.for %scan3A_43 = %scan3A_38 to %scan3A_40 step %scan3A_41  : i32 {
        %get3A = arith.index_cast %scan3A_43 : i32 to index
        %get3A_44 = arith.constant 0 : index
        %get3A_45 = tpu.vector_load %arg10[%get3A, %get3A_44] {strides = array<i32>} : memref<80x128xf32, #tpu.memory_space<vmem>>, vector<1x16xf32>,
        %get3A_46 = vector.shape_cast %get3A_45 : vector<1x16xf32> to vector<16xf32>
        %get3A_47 = arith.index_cast %scan3A_43 : i32 to index
        %get3A_48 = arith.constant 0 : index
        %get3A_49 = tpu.vector_load %arg11[%get3A_47, %get3A_48] {strides = array<i32>} : memref<80x128xf32, #tpu.memory_space<vmem>>, vector<1x16xf32>,
        %get3A_50 = vector.shape_cast %get3A_49 : vector<1x16xf32> to vector<16xf32>
        %add3A_51 = arith.addf %get3A_46, %get3A_50 : vector<16xf32>
        %max3A = arith.constant 0.000000e+00 : f32
        %max3A_52 = vector.broadcast %max3A : f32 to vector<16xf32>
        %max3A_53 = arith.maximumf %add3A_51, %max3A_52 : vector<16xf32>
        %swap3A = arith.index_cast %scan3A_43 : i32 to index
        %swap3A_54 = arith.constant 0 : index
        %swap3A_55 = tpu.vector_load %arg10[%swap3A, %swap3A_54] {strides = array<i32>} : memref<80x128xf32, #tpu.memory_space<vmem>>, vector<1x16xf32>,
        %swap3A_56 = vector.shape_cast %swap3A_55 : vector<1x16xf32> to vector<16xf32>
        %swap3A_57 = vector.shape_cast %max3A_53 : vector<16xf32> to vector<1x16xf32>
        tpu.vector_store %arg10[%swap3A, %swap3A_54], %swap3A_57 {strides = array<i32>} : memref<80x128xf32, #tpu.memory_space<vmem>>, vector<1x16xf32>,
        %get3A_58 = arith.index_cast %scan3A_43 : i32 to index
        %get3A_59 = arith.constant 16 : index
        %get3A_60 = tpu.vector_load %arg10[%get3A_58, %get3A_59] {strides = array<i32>} : memref<80x128xf32, #tpu.memory_space<vmem>>, vector<1x16xf32>,
        %get3A_61 = vector.shape_cast %get3A_60 : vector<1x16xf32> to vector<16xf32>
        %get3A_62 = arith.index_cast %scan3A_43 : i32 to index
        %get3A_63 = arith.constant 16 : index
        %get3A_64 = tpu.vector_load %arg11[%get3A_62, %get3A_63] {strides = array<i32>} : memref<80x128xf32, #tpu.memory_space<vmem>>, vector<1x16xf32>,
        %get3A_65 = vector.shape_cast %get3A_64 : vector<1x16xf32> to vector<16xf32>
        %add3A_66 = arith.addf %get3A_61, %get3A_65 : vector<16xf32>
        %max3A_67 = arith.constant 0.000000e+00 : f32
        %max3A_68 = vector.broadcast %max3A_67 : f32 to vector<16xf32>
        %max3A_69 = arith.maximumf %add3A_66, %max3A_68 : vector<16xf32>
        %swap3A_70 = arith.index_cast %scan3A_43 : i32 to index
        %swap3A_71 = arith.constant 16 : index
        %swap3A_72 = tpu.vector_load %arg10[%swap3A_70, %swap3A_71] {strides = array<i32>} : memref<80x128xf32, #tpu.memory_space<vmem>>, vector<1x16xf32>,
        %swap3A_73 = vector.shape_cast %swap3A_72 : vector<1x16xf32> to vector<16xf32>
        %swap3A_74 = vector.shape_cast %max3A_69 : vector<16xf32> to vector<1x16xf32>
        tpu.vector_store %arg10[%swap3A_70, %swap3A_71], %swap3A_74 {strides = array<i32>} : memref<80x128xf32, #tpu.memory_space<vmem>>, vector<1x16xf32>,
        %get3A_75 = arith.index_cast %scan3A_43 : i32 to index
        %get3A_76 = arith.constant 32 : index
        %get3A_77 = tpu.vector_load %arg10[%get3A_75, %get3A_76] {strides = array<i32>} : memref<80x128xf32, #tpu.memory_space<vmem>>, vector<1x16xf32>,
        %get3A_78 = vector.shape_cast %get3A_77 : vector<1x16xf32> to vector<16xf32>
        %get3A_79 = arith.index_cast %scan3A_43 : i32 to index
        %get3A_80 = arith.constant 32 : index
        %get3A_81 = tpu.vector_load %arg11[%get3A_79, %get3A_80] {strides = array<i32>} : memref<80x128xf32, #tpu.memory_space<vmem>>, vector<1x16xf32>,
        %get3A_82 = vector.shape_cast %get3A_81 : vector<1x16xf32> to vector<16xf32>
        %add3A_83 = arith.addf %get3A_78, %get3A_82 : vector<16xf32>
        %max3A_84 = arith.constant 0.000000e+00 : f32
        %max3A_85 = vector.broadcast %max3A_84 : f32 to vector<16xf32>
        %max3A_86 = arith.maximumf %add3A_83, %max3A_85 : vector<16xf32>
        %swap3A_87 = arith.index_cast %scan3A_43 : i32 to index
        %swap3A_88 = arith.constant 32 : index
        %swap3A_89 = tpu.vector_load %arg10[%swap3A_87, %swap3A_88] {strides = array<i32>} : memref<80x128xf32, #tpu.memory_space<vmem>>, vector<1x16xf32>,
        %swap3A_90 = vector.shape_cast %swap3A_89 : vector<1x16xf32> to vector<16xf32>
        %swap3A_91 = vector.shape_cast %max3A_86 : vector<16xf32> to vector<1x16xf32>
        tpu.vector_store %arg10[%swap3A_87, %swap3A_88], %swap3A_91 {strides = array<i32>} : memref<80x128xf32, #tpu.memory_space<vmem>>, vector<1x16xf32>,
        %get3A_92 = arith.index_cast %scan3A_43 : i32 to index
        %get3A_93 = arith.constant 48 : index
        %get3A_94 = tpu.vector_load %arg10[%get3A_92, %get3A_93] {strides = array<i32>} : memref<80x128xf32, #tpu.memory_space<vmem>>, vector<1x16xf32>,
        %get3A_95 = vector.shape_cast %get3A_94 : vector<1x16xf32> to vector<16xf32>
        %get3A_96 = arith.index_cast %scan3A_43 : i32 to index
        %get3A_97 = arith.constant 48 : index
        %get3A_98 = tpu.vector_load %arg11[%get3A_96, %get3A_97] {strides = array<i32>} : memref<80x128xf32, #tpu.memory_space<vmem>>, vector<1x16xf32>,
        %get3A_99 = vector.shape_cast %get3A_98 : vector<1x16xf32> to vector<16xf32>
        %add3A_100 = arith.addf %get3A_95, %get3A_99 : vector<16xf32>
        %max3A_101 = arith.constant 0.000000e+00 : f32
        %max3A_102 = vector.broadcast %max3A_101 : f32 to vector<16xf32>
        %max3A_103 = arith.maximumf %add3A_100, %max3A_102 : vector<16xf32>
        %swap3A_104 = arith.index_cast %scan3A_43 : i32 to index
        %swap3A_105 = arith.constant 48 : index
        %swap3A_106 = tpu.vector_load %arg10[%swap3A_104, %swap3A_105] {strides = array<i32>} : memref<80x128xf32, #tpu.memory_space<vmem>>, vector<1x16xf32>,
        %swap3A_107 = vector.shape_cast %swap3A_106 : vector<1x16xf32> to vector<16xf32>
        %swap3A_108 = vector.shape_cast %max3A_103 : vector<16xf32> to vector<1x16xf32>
        tpu.vector_store %arg10[%swap3A_104, %swap3A_105], %swap3A_108 {strides = array<i32>} : memref<80x128xf32, #tpu.memory_space<vmem>>, vector<1x16xf32>,
        %get3A_109 = arith.index_cast %scan3A_43 : i32 to index
        %get3A_110 = arith.constant 64 : index
        %get3A_111 = tpu.vector_load %arg10[%get3A_109, %get3A_110] {strides = array<i32>} : memref<80x128xf32, #tpu.memory_space<vmem>>, vector<1x16xf32>,
        %get3A_112 = vector.shape_cast %get3A_111 : vector<1x16xf32> to vector<16xf32>
        %get3A_113 = arith.index_cast %scan3A_43 : i32 to index
        %get3A_114 = arith.constant 64 : index
        %get3A_115 = tpu.vector_load %arg11[%get3A_113, %get3A_114] {strides = array<i32>} : memref<80x128xf32, #tpu.memory_space<vmem>>, vector<1x16xf32>,
        %get3A_116 = vector.shape_cast %get3A_115 : vector<1x16xf32> to vector<16xf32>
        %add3A_117 = arith.addf %get3A_112, %get3A_116 : vector<16xf32>
        %max3A_118 = arith.constant 0.000000e+00 : f32
        %max3A_119 = vector.broadcast %max3A_118 : f32 to vector<16xf32>
        %max3A_120 = arith.maximumf %add3A_117, %max3A_119 : vector<16xf32>
        %swap3A_121 = arith.index_cast %scan3A_43 : i32 to index
        %swap3A_122 = arith.constant 64 : index
        %swap3A_123 = tpu.vector_load %arg10[%swap3A_121, %swap3A_122] {strides = array<i32>} : memref<80x128xf32, #tpu.memory_space<vmem>>, vector<1x16xf32>,
        %swap3A_124 = vector.shape_cast %swap3A_123 : vector<1x16xf32> to vector<16xf32>
        %swap3A_125 = vector.shape_cast %max3A_120 : vector<16xf32> to vector<1x16xf32>
        tpu.vector_store %arg10[%swap3A_121, %swap3A_122], %swap3A_125 {strides = array<i32>} : memref<80x128xf32, #tpu.memory_space<vmem>>, vector<1x16xf32>,
        %get3A_126 = arith.index_cast %scan3A_43 : i32 to index
        %get3A_127 = arith.constant 80 : index
        %get3A_128 = tpu.vector_load %arg10[%get3A_126, %get3A_127] {strides = array<i32>} : memref<80x128xf32, #tpu.memory_space<vmem>>, vector<1x16xf32>,
        %get3A_129 = vector.shape_cast %get3A_128 : vector<1x16xf32> to vector<16xf32>
        %get3A_130 = arith.index_cast %scan3A_43 : i32 to index
        %get3A_131 = arith.constant 80 : index
        %get3A_132 = tpu.vector_load %arg11[%get3A_130, %get3A_131] {strides = array<i32>} : memref<80x128xf32, #tpu.memory_space<vmem>>, vector<1x16xf32>,
        %get3A_133 = vector.shape_cast %get3A_132 : vector<1x16xf32> to vector<16xf32>
        %add3A_134 = arith.addf %get3A_129, %get3A_133 : vector<16xf32>
        %max3A_135 = arith.constant 0.000000e+00 : f32
        %max3A_136 = vector.broadcast %max3A_135 : f32 to vector<16xf32>
        %max3A_137 = arith.maximumf %add3A_134, %max3A_136 : vector<16xf32>
        %swap3A_138 = arith.index_cast %scan3A_43 : i32 to index
        %swap3A_139 = arith.constant 80 : index
        %swap3A_140 = tpu.vector_load %arg10[%swap3A_138, %swap3A_139] {strides = array<i32>} : memref<80x128xf32, #tpu.memory_space<vmem>>, vector<1x16xf32>,
        %swap3A_141 = vector.shape_cast %swap3A_140 : vector<1x16xf32> to vector<16xf32>
        %swap3A_142 = vector.shape_cast %max3A_137 : vector<16xf32> to vector<1x16xf32>
        tpu.vector_store %arg10[%swap3A_138, %swap3A_139], %swap3A_142 {strides = array<i32>} : memref<80x128xf32, #tpu.memory_space<vmem>>, vector<1x16xf32>,
        %get3A_143 = arith.index_cast %scan3A_43 : i32 to index
        %get3A_144 = arith.constant 96 : index
        %get3A_145 = tpu.vector_load %arg10[%get3A_143, %get3A_144] {strides = array<i32>} : memref<80x128xf32, #tpu.memory_space<vmem>>, vector<1x16xf32>,
        %get3A_146 = vector.shape_cast %get3A_145 : vector<1x16xf32> to vector<16xf32>
        %get3A_147 = arith.index_cast %scan3A_43 : i32 to index
        %get3A_148 = arith.constant 96 : index
        %get3A_149 = tpu.vector_load %arg11[%get3A_147, %get3A_148] {strides = array<i32>} : memref<80x128xf32, #tpu.memory_space<vmem>>, vector<1x16xf32>,
        %get3A_150 = vector.shape_cast %get3A_149 : vector<1x16xf32> to vector<16xf32>
        %add3A_151 = arith.addf %get3A_146, %get3A_150 : vector<16xf32>
        %max3A_152 = arith.constant 0.000000e+00 : f32
        %max3A_153 = vector.broadcast %max3A_152 : f32 to vector<16xf32>
        %max3A_154 = arith.maximumf %add3A_151, %max3A_153 : vector<16xf32>
        %swap3A_155 = arith.index_cast %scan3A_43 : i32 to index
        %swap3A_156 = arith.constant 96 : index
        %swap3A_157 = tpu.vector_load %arg10[%swap3A_155, %swap3A_156] {strides = array<i32>} : memref<80x128xf32, #tpu.memory_space<vmem>>, vector<1x16xf32>,
        %swap3A_158 = vector.shape_cast %swap3A_157 : vector<1x16xf32> to vector<16xf32>
        %swap3A_159 = vector.shape_cast %max3A_154 : vector<16xf32> to vector<1x16xf32>
        tpu.vector_store %arg10[%swap3A_155, %swap3A_156], %swap3A_159 {strides = array<i32>} : memref<80x128xf32, #tpu.memory_space<vmem>>, vector<1x16xf32>,
        %get3A_160 = arith.index_cast %scan3A_43 : i32 to index
        %get3A_161 = arith.constant 112 : index
        %get3A_162 = tpu.vector_load %arg10[%get3A_160, %get3A_161] {strides = array<i32>} : memref<80x128xf32, #tpu.memory_space<vmem>>, vector<1x16xf32>,
        %get3A_163 = vector.shape_cast %get3A_162 : vector<1x16xf32> to vector<16xf32>
        %get3A_164 = arith.index_cast %scan3A_43 : i32 to index
        %get3A_165 = arith.constant 112 : index
        %get3A_166 = tpu.vector_load %arg11[%get3A_164, %get3A_165] {strides = array<i32>} : memref<80x128xf32, #tpu.memory_space<vmem>>, vector<1x16xf32>,
        %get3A_167 = vector.shape_cast %get3A_166 : vector<1x16xf32> to vector<16xf32>
        %add3A_168 = arith.addf %get3A_163, %get3A_167 : vector<16xf32>
        %max3A_169 = arith.constant 0.000000e+00 : f32
        %max3A_170 = vector.broadcast %max3A_169 : f32 to vector<16xf32>
        %max3A_171 = arith.maximumf %add3A_168, %max3A_170 : vector<16xf32>
        %swap3A_172 = arith.index_cast %scan3A_43 : i32 to index
        %swap3A_173 = arith.constant 112 : index
        %swap3A_174 = tpu.vector_load %arg10[%swap3A_172, %swap3A_173] {strides = array<i32>} : memref<80x128xf32, #tpu.memory_space<vmem>>, vector<1x16xf32>,
        %swap3A_175 = vector.shape_cast %swap3A_174 : vector<1x16xf32> to vector<16xf32>
        %swap3A_176 = vector.shape_cast %max3A_171 : vector<16xf32> to vector<1x16xf32>
        tpu.vector_store %arg10[%swap3A_172, %swap3A_173], %swap3A_176 {strides = array<i32>} : memref<80x128xf32, #tpu.memory_space<vmem>>, vector<1x16xf32>,
      }
      %scan3A_42 = arith.constant 80 : i32
      "tpu.region"() ({
        %run_scoped3A = tpu.sem_alloc : memref<!tpu.dma_semaphore, #tpu.memory_space<semaphore_mem>>
        %dma_start3A_43 = arith.constant 0 : i32
        %dma_start3A_44 = arith.constant 0 : i32
        %dma_start3A_45 = tpu.memref_slice %arg12[%dma_start3A_43, %dma_start3A_44] : memref<10000x128xf32, #tpu.memory_space<vmem_shared>> -> memref<10000x128xf32, #tpu.memory_space<vmem_shared>>
        tpu.enqueue_indirect_dma source(%arg10 : memref<80x128xf32, #tpu.memory_space<vmem>>) target(%dma_start3A_45 : memref<10000x128xf32, #tpu.memory_space<vmem_shared>>) offsets(%arg9 : memref<80xi32, #tpu.memory_space<vmem>>) semaphore(%run_scoped3A : memref<!tpu.dma_semaphore, #tpu.memory_space<semaphore_mem>>) {add = true}
        %dma_wait3A_46 = arith.constant 0 : i32
        %dma_wait3A_47 = arith.constant 0 : i32
        %dma_wait3A_48 = tpu.memref_slice %arg12[%dma_wait3A_46, %dma_wait3A_47] : memref<10000x128xf32, #tpu.memory_space<vmem_shared>> -> memref<10000x128xf32, #tpu.memory_space<vmem_shared>>
        tpu.wait_indirect_dma semaphore(%run_scoped3A : memref<!tpu.dma_semaphore, #tpu.memory_space<semaphore_mem>>) src(%arg10 : memref<80x128xf32, #tpu.memory_space<vmem>>) dst(%dma_wait3A_48 : memref<10000x128xf32, #tpu.memory_space<vmem_shared>>)
        tpu.yield
      }) : () -> ()
    }
    %scan3A_15 = arith.constant 125 : i32
    %barrier3A_16 = arith.constant 0 : index
    tpu.barrier barrier_id(%barrier3A_16)
    %mul3A_17 = arith.constant 624 : i32
    %mul3A_18 = arith.muli %arg1, %mul3A_17 : i32
    %mul3A_19 = arith.constant 624 : i32
    %mul3A_20 = arith.muli %arg1, %mul3A_19 : i32
    "tpu.region"() ({
      %run_scoped3A = tpu.sem_alloc : memref<!tpu.dma_semaphore, #tpu.memory_space<semaphore_mem>>
      %dma_start3A = arith.constant 0 : i32
      %dma_start3A_26 = tpu.memref_slice %arg7[%arg0, %mul3A_20, %dma_start3A] : memref<2x10000x128xf32, #tpu.memory_space<hbm>> -> memref<1x624x128xf32, #tpu.memory_space<hbm>>
      %dma_start3A_27 = tpu.memref_squeeze %dma_start3A_26 : memref<1x624x128xf32, #tpu.memory_space<hbm>> -> memref<624x128xf32, #tpu.memory_space<hbm>>
      %dma_start3A_28 = arith.constant 0 : i32
      %dma_start3A_29 = tpu.memref_slice %arg12[%mul3A_18, %dma_start3A_28] : memref<10000x128xf32, #tpu.memory_space<vmem_shared>> -> memref<624x128xf32, #tpu.memory_space<vmem_shared>>
      tpu.enqueue_dma source(%dma_start3A_29 : memref<624x128xf32, #tpu.memory_space<vmem_shared>>) target(%dma_start3A_27 : memref<624x128xf32, #tpu.memory_space<hbm>>) target_semaphore(%run_scoped3A : memref<!tpu.dma_semaphore, #tpu.memory_space<semaphore_mem>>)
      %dma_wait3A = arith.constant 0 : i32
      %dma_wait3A_30 = tpu.memref_slice %arg7[%arg0, %mul3A_20, %dma_wait3A] : memref<2x10000x128xf32, #tpu.memory_space<hbm>> -> memref<1x624x128xf32, #tpu.memory_space<hbm>>
      %dma_wait3A_31 = tpu.memref_squeeze %dma_wait3A_30 : memref<1x624x128xf32, #tpu.memory_space<hbm>> -> memref<624x128xf32, #tpu.memory_space<hbm>>
      %dma_wait3A_32 = arith.constant 0 : i32
      %dma_wait3A_33 = tpu.memref_slice %arg12[%mul3A_18, %dma_wait3A_32] : memref<10000x128xf32, #tpu.memory_space<vmem_shared>> -> memref<624x128xf32, #tpu.memory_space<vmem_shared>>
      tpu.wait_dma2 semaphore(%run_scoped3A : memref<!tpu.dma_semaphore, #tpu.memory_space<semaphore_mem>>) src(%dma_wait3A_33 : memref<624x128xf32, #tpu.memory_space<vmem_shared>>) dst(%dma_wait3A_31 : memref<624x128xf32, #tpu.memory_space<hbm>>)
      tpu.yield
    }) : () -> ()
    %eq3A_21 = arith.constant 0 : i32
    %eq3A_22 = arith.cmpi eq, %arg1, %eq3A_21 : i32
    %convert_element_type3A_23 = arith.extui %eq3A_22 : i1 to i32
    %cond3A_24 = arith.constant 0 : i32
    %cond3A_25 = arith.cmpi ne, %convert_element_type3A_23, %cond3A_24 : i32
    scf.if %cond3A_25 {
      "tpu.region"() ({
        %run_scoped3A = tpu.sem_alloc : memref<!tpu.dma_semaphore, #tpu.memory_space<semaphore_mem>>
        %dma_start3A = arith.constant 9984 : i32
        %dma_start3A_26 = arith.constant 0 : i32
        %dma_start3A_27 = tpu.memref_slice %arg7[%arg0, %dma_start3A, %dma_start3A_26] : memref<2x10000x128xf32, #tpu.memory_space<hbm>> -> memref<1x16x128xf32, #tpu.memory_space<hbm>>
        %dma_start3A_28 = tpu.memref_squeeze %dma_start3A_27 : memref<1x16x128xf32, #tpu.memory_space<hbm>> -> memref<16x128xf32, #tpu.memory_space<hbm>>
        %dma_start3A_29 = arith.constant 9984 : i32
        %dma_start3A_30 = arith.constant 0 : i32
        %dma_start3A_31 = tpu.memref_slice %arg12[%dma_start3A_29, %dma_start3A_30] : memref<10000x128xf32, #tpu.memory_space<vmem_shared>> -> memref<16x128xf32, #tpu.memory_space<vmem_shared>>
        tpu.enqueue_dma source(%dma_start3A_31 : memref<16x128xf32, #tpu.memory_space<vmem_shared>>) target(%dma_start3A_28 : memref<16x128xf32, #tpu.memory_space<hbm>>) target_semaphore(%run_scoped3A : memref<!tpu.dma_semaphore, #tpu.memory_space<semaphore_mem>>)
        %dma_wait3A = arith.constant 9984 : i32
        %dma_wait3A_32 = arith.constant 0 : i32
        %dma_wait3A_33 = tpu.memref_slice %arg7[%arg0, %dma_wait3A, %dma_wait3A_32] : memref<2x10000x128xf32, #tpu.memory_space<hbm>> -> memref<1x16x128xf32, #tpu.memory_space<hbm>>
        %dma_wait3A_34 = tpu.memref_squeeze %dma_wait3A_33 : memref<1x16x128xf32, #tpu.memory_space<hbm>> -> memref<16x128xf32, #tpu.memory_space<hbm>>
        %dma_wait3A_35 = arith.constant 9984 : i32
        %dma_wait3A_36 = arith.constant 0 : i32
        %dma_wait3A_37 = tpu.memref_slice %arg12[%dma_wait3A_35, %dma_wait3A_36] : memref<10000x128xf32, #tpu.memory_space<vmem_shared>> -> memref<16x128xf32, #tpu.memory_space<vmem_shared>>
        tpu.wait_dma2 semaphore(%run_scoped3A : memref<!tpu.dma_semaphore, #tpu.memory_space<semaphore_mem>>) src(%dma_wait3A_37 : memref<16x128xf32, #tpu.memory_space<vmem_shared>>) dst(%dma_wait3A_34 : memref<16x128xf32, #tpu.memory_space<hbm>>)
        tpu.yield
      }) : () -> ()
    } else {
    }
    return
  }
}

#map = affine_map<(d0, d1) -> (0, 0)>
#map1 = affine_map<(d0, d1) -> (0)>
#map2 = affine_map<(d0, d1) -> (0, 0, 0)>
module attributes {stable_mosaic.version = 14 : i64} {
  func.func @sc_aggr(%arg0: i32, %arg1: i32, %arg2: memref<10000x128xf32, #tpu.memory_space<hbm>>, %arg3: memref<1920000x128xf32, #tpu.memory_space<hbm>>, %arg4: memref<320000xi32, #tpu.memory_space<hbm>>, %arg5: memref<320000xi32, #tpu.memory_space<hbm>>, %arg6: memref<10000x128xf32, #tpu.memory_space<hbm>>, %arg7: memref<2x10000x128xf32, #tpu.memory_space<hbm>>, %arg8: memref<80xi32, #tpu.memory_space<vmem>>, %arg9: memref<80xi32, #tpu.memory_space<vmem>>, %arg10: memref<80x128xf32, #tpu.memory_space<vmem>>, %arg11: memref<80x128xf32, #tpu.memory_space<vmem>>, %arg12: memref<10000x128xf32, #tpu.memory_space<vmem_shared>>, %arg13: memref<!tpu.dma_semaphore, #tpu.memory_space<semaphore_mem>>) attributes {dimension_semantics = [#tpu.dimension_semantics<core_parallel>, #tpu.dimension_semantics<subcore_parallel>], iteration_bounds = array<i64: 2, 16>, scalar_prefetch = 0 : i64, scratch_operands = 6 : i64, tpu.core_type = #tpu.core_type<sc_vector_subcore>, window_params = [{transform_indices = #map}, {transform_indices = #map}, {transform_indices = #map1}, {transform_indices = #map1}, {transform_indices = #map}, {transform_indices = #map2}]} {
    %mul3A = arith.constant 2 : i32
    %mul3A_0 = arith.muli %arg1, %mul3A : i32
    %add3A = arith.addi %mul3A_0, %arg0 : i32
    %mul3A_1 = arith.constant 10000 : i32
    %mul3A_2 = arith.muli %add3A, %mul3A_1 : i32
    %add3A_3 = arith.constant 0 : i32
    %add3A_4 = arith.addi %add3A_3, %mul3A_2 : i32
    %mul3A_5 = arith.constant 624 : i32
    %mul3A_6 = arith.muli %arg1, %mul3A_5 : i32
    %mul3A_7 = arith.constant 624 : i32
    %mul3A_8 = arith.muli %arg1, %mul3A_7 : i32
    "tpu.region"() ({
      %run_scoped3A = tpu.sem_alloc : memref<!tpu.dma_semaphore, #tpu.memory_space<semaphore_mem>>
      %dma_start3A = arith.constant 0 : i32
      %dma_start3A_26 = tpu.memref_slice %arg12[%mul3A_8, %dma_start3A] : memref<10000x128xf32, #tpu.memory_space<vmem_shared>> -> memref<624x128xf32, #tpu.memory_space<vmem_shared>>
      %dma_start3A_27 = arith.constant 0 : i32
      %dma_start3A_28 = tpu.memref_slice %arg6[%mul3A_6, %dma_start3A_27] : memref<10000x128xf32, #tpu.memory_space<hbm>> -> memref<624x128xf32, #tpu.memory_space<hbm>>
      tpu.enqueue_dma source(%dma_start3A_28 : memref<624x128xf32, #tpu.memory_space<hbm>>) target(%dma_start3A_26 : memref<624x128xf32, #tpu.memory_space<vmem_shared>>) target_semaphore(%run_scoped3A : memref<!tpu.dma_semaphore, #tpu.memory_space<semaphore_mem>>)
      %dma_wait3A = arith.constant 0 : i32
      %dma_wait3A_29 = tpu.memref_slice %arg12[%mul3A_8, %dma_wait3A] : memref<10000x128xf32, #tpu.memory_space<vmem_shared>> -> memref<624x128xf32, #tpu.memory_space<vmem_shared>>
      %dma_wait3A_30 = arith.constant 0 : i32
      %dma_wait3A_31 = tpu.memref_slice %arg6[%mul3A_6, %dma_wait3A_30] : memref<10000x128xf32, #tpu.memory_space<hbm>> -> memref<624x128xf32, #tpu.memory_space<hbm>>
      tpu.wait_dma2 semaphore(%run_scoped3A : memref<!tpu.dma_semaphore, #tpu.memory_space<semaphore_mem>>) src(%dma_wait3A_31 : memref<624x128xf32, #tpu.memory_space<hbm>>) dst(%dma_wait3A_29 : memref<624x128xf32, #tpu.memory_space<vmem_shared>>)
      tpu.yield
    }) : () -> ()
    %eq3A = arith.constant 0 : i32
    %eq3A_9 = arith.cmpi eq, %arg1, %eq3A : i32
    %convert_element_type3A = arith.extui %eq3A_9 : i1 to i32
    %cond3A = arith.constant 0 : i32
    %cond3A_10 = arith.cmpi ne, %convert_element_type3A, %cond3A : i32
    scf.if %cond3A_10 {
      "tpu.region"() ({
        %run_scoped3A = tpu.sem_alloc : memref<!tpu.dma_semaphore, #tpu.memory_space<semaphore_mem>>
        %dma_start3A = arith.constant 9984 : i32
        %dma_start3A_26 = arith.constant 0 : i32
        %dma_start3A_27 = tpu.memref_slice %arg12[%dma_start3A, %dma_start3A_26] : memref<10000x128xf32, #tpu.memory_space<vmem_shared>> -> memref<16x128xf32, #tpu.memory_space<vmem_shared>>
        %dma_start3A_28 = arith.constant 9984 : i32
        %dma_start3A_29 = arith.constant 0 : i32
        %dma_start3A_30 = tpu.memref_slice %arg6[%dma_start3A_28, %dma_start3A_29] : memref<10000x128xf32, #tpu.memory_space<hbm>> -> memref<16x128xf32, #tpu.memory_space<hbm>>
        tpu.enqueue_dma source(%dma_start3A_30 : memref<16x128xf32, #tpu.memory_space<hbm>>) target(%dma_start3A_27 : memref<16x128xf32, #tpu.memory_space<vmem_shared>>) target_semaphore(%run_scoped3A : memref<!tpu.dma_semaphore, #tpu.memory_space<semaphore_mem>>)
        %dma_wait3A = arith.constant 9984 : i32
        %dma_wait3A_31 = arith.constant 0 : i32
        %dma_wait3A_32 = tpu.memref_slice %arg12[%dma_wait3A, %dma_wait3A_31] : memref<10000x128xf32, #tpu.memory_space<vmem_shared>> -> memref<16x128xf32, #tpu.memory_space<vmem_shared>>
        %dma_wait3A_33 = arith.constant 9984 : i32
        %dma_wait3A_34 = arith.constant 0 : i32
        %dma_wait3A_35 = tpu.memref_slice %arg6[%dma_wait3A_33, %dma_wait3A_34] : memref<10000x128xf32, #tpu.memory_space<hbm>> -> memref<16x128xf32, #tpu.memory_space<hbm>>
        tpu.wait_dma2 semaphore(%run_scoped3A : memref<!tpu.dma_semaphore, #tpu.memory_space<semaphore_mem>>) src(%dma_wait3A_35 : memref<16x128xf32, #tpu.memory_space<hbm>>) dst(%dma_wait3A_32 : memref<16x128xf32, #tpu.memory_space<vmem_shared>>)
        tpu.yield
      }) : () -> ()
    } else {
    }
    %barrier3A = arith.constant 0 : index
    tpu.barrier barrier_id(%barrier3A)
    %scan3A = arith.constant 0 : i32
    %scan3A_11 = arith.constant 0 : i32
    %scan3A_12 = arith.constant 125 : i32
    %scan3A_13 = arith.addi %scan3A_11, %scan3A_12 : i32
    %scan3A_14 = arith.constant 1 : i32
    scf.for %scan3A_26 = %scan3A_11 to %scan3A_13 step %scan3A_14  : i32 {
      %mul3A_27 = arith.constant 80 : i32
      %mul3A_28 = arith.muli %scan3A_26, %mul3A_27 : i32
      %add3A_29 = arith.addi %add3A_4, %mul3A_28 : i32
      %mul3A_30 = arith.constant 80 : i32
      %mul3A_31 = arith.muli %scan3A_26, %mul3A_30 : i32
      %add3A_32 = arith.addi %mul3A_2, %mul3A_31 : i32
      "tpu.region"() ({
        %run_scoped3A = tpu.sem_alloc : memref<!tpu.dma_semaphore, #tpu.memory_space<semaphore_mem>>
        %dma_start3A_43 = tpu.memref_slice %arg4[%add3A_32] : memref<320000xi32, #tpu.memory_space<hbm>> -> memref<80xi32, #tpu.memory_space<hbm>>
        %dma_start3A_44 = tpu.memref_slice %arg4[%add3A_32] : memref<320000xi32, #tpu.memory_space<hbm>> -> memref<80xi32, #tpu.memory_space<hbm>>
        tpu.enqueue_dma source(%dma_start3A_44 : memref<80xi32, #tpu.memory_space<hbm>>) target(%arg8 : memref<80xi32, #tpu.memory_space<vmem>>) target_semaphore(%run_scoped3A : memref<!tpu.dma_semaphore, #tpu.memory_space<semaphore_mem>>)
        %dma_wait3A_45 = tpu.memref_slice %arg4[%add3A_32] : memref<320000xi32, #tpu.memory_space<hbm>> -> memref<80xi32, #tpu.memory_space<hbm>>
        %dma_wait3A_46 = tpu.memref_slice %arg4[%add3A_32] : memref<320000xi32, #tpu.memory_space<hbm>> -> memref<80xi32, #tpu.memory_space<hbm>>
        tpu.wait_dma2 semaphore(%run_scoped3A : memref<!tpu.dma_semaphore, #tpu.memory_space<semaphore_mem>>) src(%dma_wait3A_46 : memref<80xi32, #tpu.memory_space<hbm>>) dst(%arg8 : memref<80xi32, #tpu.memory_space<vmem>>)
        tpu.yield
      }) : () -> ()
      "tpu.region"() ({
        %run_scoped3A = tpu.sem_alloc : memref<!tpu.dma_semaphore, #tpu.memory_space<semaphore_mem>>
        %dma_start3A_43 = tpu.memref_slice %arg5[%add3A_32] : memref<320000xi32, #tpu.memory_space<hbm>> -> memref<80xi32, #tpu.memory_space<hbm>>
        %dma_start3A_44 = tpu.memref_slice %arg5[%add3A_32] : memref<320000xi32, #tpu.memory_space<hbm>> -> memref<80xi32, #tpu.memory_space<hbm>>
        tpu.enqueue_dma source(%dma_start3A_44 : memref<80xi32, #tpu.memory_space<hbm>>) target(%arg9 : memref<80xi32, #tpu.memory_space<vmem>>) target_semaphore(%run_scoped3A : memref<!tpu.dma_semaphore, #tpu.memory_space<semaphore_mem>>)
        %dma_wait3A_45 = tpu.memref_slice %arg5[%add3A_32] : memref<320000xi32, #tpu.memory_space<hbm>> -> memref<80xi32, #tpu.memory_space<hbm>>
        %dma_wait3A_46 = tpu.memref_slice %arg5[%add3A_32] : memref<320000xi32, #tpu.memory_space<hbm>> -> memref<80xi32, #tpu.memory_space<hbm>>
        tpu.wait_dma2 semaphore(%run_scoped3A : memref<!tpu.dma_semaphore, #tpu.memory_space<semaphore_mem>>) src(%dma_wait3A_46 : memref<80xi32, #tpu.memory_space<hbm>>) dst(%arg9 : memref<80xi32, #tpu.memory_space<vmem>>)
        tpu.yield
      }) : () -> ()
      %dma_start3A = arith.constant 0 : i32
      %dma_start3A_33 = arith.constant 0 : i32
      %dma_start3A_34 = tpu.memref_slice %arg2[%dma_start3A, %dma_start3A_33] : memref<10000x128xf32, #tpu.memory_space<hbm>> -> memref<10000x128xf32, #tpu.memory_space<hbm>>
      tpu.enqueue_indirect_dma source(%dma_start3A_34 : memref<10000x128xf32, #tpu.memory_space<hbm>>) target(%arg10 : memref<80x128xf32, #tpu.memory_space<vmem>>) offsets(%arg8 : memref<80xi32, #tpu.memory_space<vmem>>) semaphore(%arg13 : memref<!tpu.dma_semaphore, #tpu.memory_space<semaphore_mem>>)
      "tpu.region"() ({
        %run_scoped3A = tpu.sem_alloc : memref<!tpu.dma_semaphore, #tpu.memory_space<semaphore_mem>>
        %dma_start3A_43 = arith.constant 0 : i32
        %dma_start3A_44 = tpu.memref_slice %arg3[%add3A_29, %dma_start3A_43] : memref<1920000x128xf32, #tpu.memory_space<hbm>> -> memref<80x128xf32, #tpu.memory_space<hbm>>
        %dma_start3A_45 = arith.constant 0 : i32
        %dma_start3A_46 = tpu.memref_slice %arg3[%add3A_29, %dma_start3A_45] : memref<1920000x128xf32, #tpu.memory_space<hbm>> -> memref<80x128xf32, #tpu.memory_space<hbm>>
        tpu.enqueue_dma source(%dma_start3A_46 : memref<80x128xf32, #tpu.memory_space<hbm>>) target(%arg11 : memref<80x128xf32, #tpu.memory_space<vmem>>) target_semaphore(%run_scoped3A : memref<!tpu.dma_semaphore, #tpu.memory_space<semaphore_mem>>)
        %dma_wait3A_47 = arith.constant 0 : i32
        %dma_wait3A_48 = tpu.memref_slice %arg3[%add3A_29, %dma_wait3A_47] : memref<1920000x128xf32, #tpu.memory_space<hbm>> -> memref<80x128xf32, #tpu.memory_space<hbm>>
        %dma_wait3A_49 = arith.constant 0 : i32
        %dma_wait3A_50 = tpu.memref_slice %arg3[%add3A_29, %dma_wait3A_49] : memref<1920000x128xf32, #tpu.memory_space<hbm>> -> memref<80x128xf32, #tpu.memory_space<hbm>>
        tpu.wait_dma2 semaphore(%run_scoped3A : memref<!tpu.dma_semaphore, #tpu.memory_space<semaphore_mem>>) src(%dma_wait3A_50 : memref<80x128xf32, #tpu.memory_space<hbm>>) dst(%arg11 : memref<80x128xf32, #tpu.memory_space<vmem>>)
        tpu.yield
      }) : () -> ()
      %dma_wait3A = arith.constant 0 : i32
      %dma_wait3A_35 = arith.constant 0 : i32
      %dma_wait3A_36 = tpu.memref_slice %arg2[%dma_wait3A, %dma_wait3A_35] : memref<10000x128xf32, #tpu.memory_space<hbm>> -> memref<10000x128xf32, #tpu.memory_space<hbm>>
      tpu.wait_indirect_dma semaphore(%arg13 : memref<!tpu.dma_semaphore, #tpu.memory_space<semaphore_mem>>) src(%dma_wait3A_36 : memref<10000x128xf32, #tpu.memory_space<hbm>>) dst(%arg10 : memref<80x128xf32, #tpu.memory_space<vmem>>)
      %scan3A_37 = arith.constant 0 : i32
      %scan3A_38 = arith.constant 0 : i32
      %scan3A_39 = arith.constant 80 : i32
      %scan3A_40 = arith.addi %scan3A_38, %scan3A_39 : i32
      %scan3A_41 = arith.constant 1 : i32
      scf.for %scan3A_43 = %scan3A_38 to %scan3A_40 step %scan3A_41  : i32 {
        %get3A = arith.index_cast %scan3A_43 : i32 to index
        %get3A_44 = arith.constant 0 : index
        %get3A_45 = tpu.vector_load %arg10[%get3A, %get3A_44] {strides = array<i32>} : memref<80x128xf32, #tpu.memory_space<vmem>>, vector<1x16xf32>,
        %get3A_46 = vector.shape_cast %get3A_45 : vector<1x16xf32> to vector<16xf32>
        %get3A_47 = arith.index_cast %scan3A_43 : i32 to index
        %get3A_48 = arith.constant 0 : index
        %get3A_49 = tpu.vector_load %arg11[%get3A_47, %get3A_48] {strides = array<i32>} : memref<80x128xf32, #tpu.memory_space<vmem>>, vector<1x16xf32>,
        %get3A_50 = vector.shape_cast %get3A_49 : vector<1x16xf32> to vector<16xf32>
        %add3A_51 = arith.addf %get3A_46, %get3A_50 : vector<16xf32>
        %max3A = arith.constant 0.000000e+00 : f32
        %max3A_52 = vector.broadcast %max3A : f32 to vector<16xf32>
        %max3A_53 = arith.maximumf %add3A_51, %max3A_52 : vector<16xf32>
        %swap3A = arith.index_cast %scan3A_43 : i32 to index
        %swap3A_54 = arith.constant 0 : index
        %swap3A_55 = tpu.vector_load %arg10[%swap3A, %swap3A_54] {strides = array<i32>} : memref<80x128xf32, #tpu.memory_space<vmem>>, vector<1x16xf32>,
        %swap3A_56 = vector.shape_cast %swap3A_55 : vector<1x16xf32> to vector<16xf32>
        %swap3A_57 = vector.shape_cast %max3A_53 : vector<16xf32> to vector<1x16xf32>
        tpu.vector_store %arg10[%swap3A, %swap3A_54], %swap3A_57 {strides = array<i32>} : memref<80x128xf32, #tpu.memory_space<vmem>>, vector<1x16xf32>,
        %get3A_58 = arith.index_cast %scan3A_43 : i32 to index
        %get3A_59 = arith.constant 16 : index
        %get3A_60 = tpu.vector_load %arg10[%get3A_58, %get3A_59] {strides = array<i32>} : memref<80x128xf32, #tpu.memory_space<vmem>>, vector<1x16xf32>,
        %get3A_61 = vector.shape_cast %get3A_60 : vector<1x16xf32> to vector<16xf32>
        %get3A_62 = arith.index_cast %scan3A_43 : i32 to index
        %get3A_63 = arith.constant 16 : index
        %get3A_64 = tpu.vector_load %arg11[%get3A_62, %get3A_63] {strides = array<i32>} : memref<80x128xf32, #tpu.memory_space<vmem>>, vector<1x16xf32>,
        %get3A_65 = vector.shape_cast %get3A_64 : vector<1x16xf32> to vector<16xf32>
        %add3A_66 = arith.addf %get3A_61, %get3A_65 : vector<16xf32>
        %max3A_67 = arith.constant 0.000000e+00 : f32
        %max3A_68 = vector.broadcast %max3A_67 : f32 to vector<16xf32>
        %max3A_69 = arith.maximumf %add3A_66, %max3A_68 : vector<16xf32>
        %swap3A_70 = arith.index_cast %scan3A_43 : i32 to index
        %swap3A_71 = arith.constant 16 : index
        %swap3A_72 = tpu.vector_load %arg10[%swap3A_70, %swap3A_71] {strides = array<i32>} : memref<80x128xf32, #tpu.memory_space<vmem>>, vector<1x16xf32>,
        %swap3A_73 = vector.shape_cast %swap3A_72 : vector<1x16xf32> to vector<16xf32>
        %swap3A_74 = vector.shape_cast %max3A_69 : vector<16xf32> to vector<1x16xf32>
        tpu.vector_store %arg10[%swap3A_70, %swap3A_71], %swap3A_74 {strides = array<i32>} : memref<80x128xf32, #tpu.memory_space<vmem>>, vector<1x16xf32>,
        %get3A_75 = arith.index_cast %scan3A_43 : i32 to index
        %get3A_76 = arith.constant 32 : index
        %get3A_77 = tpu.vector_load %arg10[%get3A_75, %get3A_76] {strides = array<i32>} : memref<80x128xf32, #tpu.memory_space<vmem>>, vector<1x16xf32>,
        %get3A_78 = vector.shape_cast %get3A_77 : vector<1x16xf32> to vector<16xf32>
        %get3A_79 = arith.index_cast %scan3A_43 : i32 to index
        %get3A_80 = arith.constant 32 : index
        %get3A_81 = tpu.vector_load %arg11[%get3A_79, %get3A_80] {strides = array<i32>} : memref<80x128xf32, #tpu.memory_space<vmem>>, vector<1x16xf32>,
        %get3A_82 = vector.shape_cast %get3A_81 : vector<1x16xf32> to vector<16xf32>
        %add3A_83 = arith.addf %get3A_78, %get3A_82 : vector<16xf32>
        %max3A_84 = arith.constant 0.000000e+00 : f32
        %max3A_85 = vector.broadcast %max3A_84 : f32 to vector<16xf32>
        %max3A_86 = arith.maximumf %add3A_83, %max3A_85 : vector<16xf32>
        %swap3A_87 = arith.index_cast %scan3A_43 : i32 to index
        %swap3A_88 = arith.constant 32 : index
        %swap3A_89 = tpu.vector_load %arg10[%swap3A_87, %swap3A_88] {strides = array<i32>} : memref<80x128xf32, #tpu.memory_space<vmem>>, vector<1x16xf32>,
        %swap3A_90 = vector.shape_cast %swap3A_89 : vector<1x16xf32> to vector<16xf32>
        %swap3A_91 = vector.shape_cast %max3A_86 : vector<16xf32> to vector<1x16xf32>
        tpu.vector_store %arg10[%swap3A_87, %swap3A_88], %swap3A_91 {strides = array<i32>} : memref<80x128xf32, #tpu.memory_space<vmem>>, vector<1x16xf32>,
        %get3A_92 = arith.index_cast %scan3A_43 : i32 to index
        %get3A_93 = arith.constant 48 : index
        %get3A_94 = tpu.vector_load %arg10[%get3A_92, %get3A_93] {strides = array<i32>} : memref<80x128xf32, #tpu.memory_space<vmem>>, vector<1x16xf32>,
        %get3A_95 = vector.shape_cast %get3A_94 : vector<1x16xf32> to vector<16xf32>
        %get3A_96 = arith.index_cast %scan3A_43 : i32 to index
        %get3A_97 = arith.constant 48 : index
        %get3A_98 = tpu.vector_load %arg11[%get3A_96, %get3A_97] {strides = array<i32>} : memref<80x128xf32, #tpu.memory_space<vmem>>, vector<1x16xf32>,
        %get3A_99 = vector.shape_cast %get3A_98 : vector<1x16xf32> to vector<16xf32>
        %add3A_100 = arith.addf %get3A_95, %get3A_99 : vector<16xf32>
        %max3A_101 = arith.constant 0.000000e+00 : f32
        %max3A_102 = vector.broadcast %max3A_101 : f32 to vector<16xf32>
        %max3A_103 = arith.maximumf %add3A_100, %max3A_102 : vector<16xf32>
        %swap3A_104 = arith.index_cast %scan3A_43 : i32 to index
        %swap3A_105 = arith.constant 48 : index
        %swap3A_106 = tpu.vector_load %arg10[%swap3A_104, %swap3A_105] {strides = array<i32>} : memref<80x128xf32, #tpu.memory_space<vmem>>, vector<1x16xf32>,
        %swap3A_107 = vector.shape_cast %swap3A_106 : vector<1x16xf32> to vector<16xf32>
        %swap3A_108 = vector.shape_cast %max3A_103 : vector<16xf32> to vector<1x16xf32>
        tpu.vector_store %arg10[%swap3A_104, %swap3A_105], %swap3A_108 {strides = array<i32>} : memref<80x128xf32, #tpu.memory_space<vmem>>, vector<1x16xf32>,
        %get3A_109 = arith.index_cast %scan3A_43 : i32 to index
        %get3A_110 = arith.constant 64 : index
        %get3A_111 = tpu.vector_load %arg10[%get3A_109, %get3A_110] {strides = array<i32>} : memref<80x128xf32, #tpu.memory_space<vmem>>, vector<1x16xf32>,
        %get3A_112 = vector.shape_cast %get3A_111 : vector<1x16xf32> to vector<16xf32>
        %get3A_113 = arith.index_cast %scan3A_43 : i32 to index
        %get3A_114 = arith.constant 64 : index
        %get3A_115 = tpu.vector_load %arg11[%get3A_113, %get3A_114] {strides = array<i32>} : memref<80x128xf32, #tpu.memory_space<vmem>>, vector<1x16xf32>,
        %get3A_116 = vector.shape_cast %get3A_115 : vector<1x16xf32> to vector<16xf32>
        %add3A_117 = arith.addf %get3A_112, %get3A_116 : vector<16xf32>
        %max3A_118 = arith.constant 0.000000e+00 : f32
        %max3A_119 = vector.broadcast %max3A_118 : f32 to vector<16xf32>
        %max3A_120 = arith.maximumf %add3A_117, %max3A_119 : vector<16xf32>
        %swap3A_121 = arith.index_cast %scan3A_43 : i32 to index
        %swap3A_122 = arith.constant 64 : index
        %swap3A_123 = tpu.vector_load %arg10[%swap3A_121, %swap3A_122] {strides = array<i32>} : memref<80x128xf32, #tpu.memory_space<vmem>>, vector<1x16xf32>,
        %swap3A_124 = vector.shape_cast %swap3A_123 : vector<1x16xf32> to vector<16xf32>
        %swap3A_125 = vector.shape_cast %max3A_120 : vector<16xf32> to vector<1x16xf32>
        tpu.vector_store %arg10[%swap3A_121, %swap3A_122], %swap3A_125 {strides = array<i32>} : memref<80x128xf32, #tpu.memory_space<vmem>>, vector<1x16xf32>,
        %get3A_126 = arith.index_cast %scan3A_43 : i32 to index
        %get3A_127 = arith.constant 80 : index
        %get3A_128 = tpu.vector_load %arg10[%get3A_126, %get3A_127] {strides = array<i32>} : memref<80x128xf32, #tpu.memory_space<vmem>>, vector<1x16xf32>,
        %get3A_129 = vector.shape_cast %get3A_128 : vector<1x16xf32> to vector<16xf32>
        %get3A_130 = arith.index_cast %scan3A_43 : i32 to index
        %get3A_131 = arith.constant 80 : index
        %get3A_132 = tpu.vector_load %arg11[%get3A_130, %get3A_131] {strides = array<i32>} : memref<80x128xf32, #tpu.memory_space<vmem>>, vector<1x16xf32>,
        %get3A_133 = vector.shape_cast %get3A_132 : vector<1x16xf32> to vector<16xf32>
        %add3A_134 = arith.addf %get3A_129, %get3A_133 : vector<16xf32>
        %max3A_135 = arith.constant 0.000000e+00 : f32
        %max3A_136 = vector.broadcast %max3A_135 : f32 to vector<16xf32>
        %max3A_137 = arith.maximumf %add3A_134, %max3A_136 : vector<16xf32>
        %swap3A_138 = arith.index_cast %scan3A_43 : i32 to index
        %swap3A_139 = arith.constant 80 : index
        %swap3A_140 = tpu.vector_load %arg10[%swap3A_138, %swap3A_139] {strides = array<i32>} : memref<80x128xf32, #tpu.memory_space<vmem>>, vector<1x16xf32>,
        %swap3A_141 = vector.shape_cast %swap3A_140 : vector<1x16xf32> to vector<16xf32>
        %swap3A_142 = vector.shape_cast %max3A_137 : vector<16xf32> to vector<1x16xf32>
        tpu.vector_store %arg10[%swap3A_138, %swap3A_139], %swap3A_142 {strides = array<i32>} : memref<80x128xf32, #tpu.memory_space<vmem>>, vector<1x16xf32>,
        %get3A_143 = arith.index_cast %scan3A_43 : i32 to index
        %get3A_144 = arith.constant 96 : index
        %get3A_145 = tpu.vector_load %arg10[%get3A_143, %get3A_144] {strides = array<i32>} : memref<80x128xf32, #tpu.memory_space<vmem>>, vector<1x16xf32>,
        %get3A_146 = vector.shape_cast %get3A_145 : vector<1x16xf32> to vector<16xf32>
        %get3A_147 = arith.index_cast %scan3A_43 : i32 to index
        %get3A_148 = arith.constant 96 : index
        %get3A_149 = tpu.vector_load %arg11[%get3A_147, %get3A_148] {strides = array<i32>} : memref<80x128xf32, #tpu.memory_space<vmem>>, vector<1x16xf32>,
        %get3A_150 = vector.shape_cast %get3A_149 : vector<1x16xf32> to vector<16xf32>
        %add3A_151 = arith.addf %get3A_146, %get3A_150 : vector<16xf32>
        %max3A_152 = arith.constant 0.000000e+00 : f32
        %max3A_153 = vector.broadcast %max3A_152 : f32 to vector<16xf32>
        %max3A_154 = arith.maximumf %add3A_151, %max3A_153 : vector<16xf32>
        %swap3A_155 = arith.index_cast %scan3A_43 : i32 to index
        %swap3A_156 = arith.constant 96 : index
        %swap3A_157 = tpu.vector_load %arg10[%swap3A_155, %swap3A_156] {strides = array<i32>} : memref<80x128xf32, #tpu.memory_space<vmem>>, vector<1x16xf32>,
        %swap3A_158 = vector.shape_cast %swap3A_157 : vector<1x16xf32> to vector<16xf32>
        %swap3A_159 = vector.shape_cast %max3A_154 : vector<16xf32> to vector<1x16xf32>
        tpu.vector_store %arg10[%swap3A_155, %swap3A_156], %swap3A_159 {strides = array<i32>} : memref<80x128xf32, #tpu.memory_space<vmem>>, vector<1x16xf32>,
        %get3A_160 = arith.index_cast %scan3A_43 : i32 to index
        %get3A_161 = arith.constant 112 : index
        %get3A_162 = tpu.vector_load %arg10[%get3A_160, %get3A_161] {strides = array<i32>} : memref<80x128xf32, #tpu.memory_space<vmem>>, vector<1x16xf32>,
        %get3A_163 = vector.shape_cast %get3A_162 : vector<1x16xf32> to vector<16xf32>
        %get3A_164 = arith.index_cast %scan3A_43 : i32 to index
        %get3A_165 = arith.constant 112 : index
        %get3A_166 = tpu.vector_load %arg11[%get3A_164, %get3A_165] {strides = array<i32>} : memref<80x128xf32, #tpu.memory_space<vmem>>, vector<1x16xf32>,
        %get3A_167 = vector.shape_cast %get3A_166 : vector<1x16xf32> to vector<16xf32>
        %add3A_168 = arith.addf %get3A_163, %get3A_167 : vector<16xf32>
        %max3A_169 = arith.constant 0.000000e+00 : f32
        %max3A_170 = vector.broadcast %max3A_169 : f32 to vector<16xf32>
        %max3A_171 = arith.maximumf %add3A_168, %max3A_170 : vector<16xf32>
        %swap3A_172 = arith.index_cast %scan3A_43 : i32 to index
        %swap3A_173 = arith.constant 112 : index
        %swap3A_174 = tpu.vector_load %arg10[%swap3A_172, %swap3A_173] {strides = array<i32>} : memref<80x128xf32, #tpu.memory_space<vmem>>, vector<1x16xf32>,
        %swap3A_175 = vector.shape_cast %swap3A_174 : vector<1x16xf32> to vector<16xf32>
        %swap3A_176 = vector.shape_cast %max3A_171 : vector<16xf32> to vector<1x16xf32>
        tpu.vector_store %arg10[%swap3A_172, %swap3A_173], %swap3A_176 {strides = array<i32>} : memref<80x128xf32, #tpu.memory_space<vmem>>, vector<1x16xf32>,
      }
      %scan3A_42 = arith.constant 80 : i32
      "tpu.region"() ({
        %run_scoped3A = tpu.sem_alloc : memref<!tpu.dma_semaphore, #tpu.memory_space<semaphore_mem>>
        %dma_start3A_43 = arith.constant 0 : i32
        %dma_start3A_44 = arith.constant 0 : i32
        %dma_start3A_45 = tpu.memref_slice %arg12[%dma_start3A_43, %dma_start3A_44] : memref<10000x128xf32, #tpu.memory_space<vmem_shared>> -> memref<10000x128xf32, #tpu.memory_space<vmem_shared>>
        tpu.enqueue_indirect_dma source(%arg10 : memref<80x128xf32, #tpu.memory_space<vmem>>) target(%dma_start3A_45 : memref<10000x128xf32, #tpu.memory_space<vmem_shared>>) offsets(%arg9 : memref<80xi32, #tpu.memory_space<vmem>>) semaphore(%run_scoped3A : memref<!tpu.dma_semaphore, #tpu.memory_space<semaphore_mem>>) {add = true}
        %dma_wait3A_46 = arith.constant 0 : i32
        %dma_wait3A_47 = arith.constant 0 : i32
        %dma_wait3A_48 = tpu.memref_slice %arg12[%dma_wait3A_46, %dma_wait3A_47] : memref<10000x128xf32, #tpu.memory_space<vmem_shared>> -> memref<10000x128xf32, #tpu.memory_space<vmem_shared>>
        tpu.wait_indirect_dma semaphore(%run_scoped3A : memref<!tpu.dma_semaphore, #tpu.memory_space<semaphore_mem>>) src(%arg10 : memref<80x128xf32, #tpu.memory_space<vmem>>) dst(%dma_wait3A_48 : memref<10000x128xf32, #tpu.memory_space<vmem_shared>>)
        tpu.yield
      }) : () -> ()
    }
    %scan3A_15 = arith.constant 125 : i32
    %barrier3A_16 = arith.constant 0 : index
    tpu.barrier barrier_id(%barrier3A_16)
    %mul3A_17 = arith.constant 624 : i32
    %mul3A_18 = arith.muli %arg1, %mul3A_17 : i32
    %mul3A_19 = arith.constant 624 : i32
    %mul3A_20 = arith.muli %arg1, %mul3A_19 : i32
    "tpu.region"() ({
      %run_scoped3A = tpu.sem_alloc : memref<!tpu.dma_semaphore, #tpu.memory_space<semaphore_mem>>
      %dma_start3A = arith.constant 0 : i32
      %dma_start3A_26 = tpu.memref_slice %arg7[%arg0, %mul3A_20, %dma_start3A] : memref<2x10000x128xf32, #tpu.memory_space<hbm>> -> memref<1x624x128xf32, #tpu.memory_space<hbm>>
      %dma_start3A_27 = tpu.memref_squeeze %dma_start3A_26 : memref<1x624x128xf32, #tpu.memory_space<hbm>> -> memref<624x128xf32, #tpu.memory_space<hbm>>
      %dma_start3A_28 = arith.constant 0 : i32
      %dma_start3A_29 = tpu.memref_slice %arg12[%mul3A_18, %dma_start3A_28] : memref<10000x128xf32, #tpu.memory_space<vmem_shared>> -> memref<624x128xf32, #tpu.memory_space<vmem_shared>>
      tpu.enqueue_dma source(%dma_start3A_29 : memref<624x128xf32, #tpu.memory_space<vmem_shared>>) target(%dma_start3A_27 : memref<624x128xf32, #tpu.memory_space<hbm>>) target_semaphore(%run_scoped3A : memref<!tpu.dma_semaphore, #tpu.memory_space<semaphore_mem>>)
      %dma_wait3A = arith.constant 0 : i32
      %dma_wait3A_30 = tpu.memref_slice %arg7[%arg0, %mul3A_20, %dma_wait3A] : memref<2x10000x128xf32, #tpu.memory_space<hbm>> -> memref<1x624x128xf32, #tpu.memory_space<hbm>>
      %dma_wait3A_31 = tpu.memref_squeeze %dma_wait3A_30 : memref<1x624x128xf32, #tpu.memory_space<hbm>> -> memref<624x128xf32, #tpu.memory_space<hbm>>
      %dma_wait3A_32 = arith.constant 0 : i32
      %dma_wait3A_33 = tpu.memref_slice %arg12[%mul3A_18, %dma_wait3A_32] : memref<10000x128xf32, #tpu.memory_space<vmem_shared>> -> memref<624x128xf32, #tpu.memory_space<vmem_shared>>
      tpu.wait_dma2 semaphore(%run_scoped3A : memref<!tpu.dma_semaphore, #tpu.memory_space<semaphore_mem>>) src(%dma_wait3A_33 : memref<624x128xf32, #tpu.memory_space<vmem_shared>>) dst(%dma_wait3A_31 : memref<624x128xf32, #tpu.memory_space<hbm>>)
      tpu.yield
    }) : () -> ()
    %eq3A_21 = arith.constant 0 : i32
    %eq3A_22 = arith.cmpi eq, %arg1, %eq3A_21 : i32
    %convert_element_type3A_23 = arith.extui %eq3A_22 : i1 to i32
    %cond3A_24 = arith.constant 0 : i32
    %cond3A_25 = arith.cmpi ne, %convert_element_type3A_23, %cond3A_24 : i32
    scf.if %cond3A_25 {
      "tpu.region"() ({
        %run_scoped3A = tpu.sem_alloc : memref<!tpu.dma_semaphore, #tpu.memory_space<semaphore_mem>>
        %dma_start3A = arith.constant 9984 : i32
        %dma_start3A_26 = arith.constant 0 : i32
        %dma_start3A_27 = tpu.memref_slice %arg7[%arg0, %dma_start3A, %dma_start3A_26] : memref<2x10000x128xf32, #tpu.memory_space<hbm>> -> memref<1x16x128xf32, #tpu.memory_space<hbm>>
        %dma_start3A_28 = tpu.memref_squeeze %dma_start3A_27 : memref<1x16x128xf32, #tpu.memory_space<hbm>> -> memref<16x128xf32, #tpu.memory_space<hbm>>
        %dma_start3A_29 = arith.constant 9984 : i32
        %dma_start3A_30 = arith.constant 0 : i32
        %dma_start3A_31 = tpu.memref_slice %arg12[%dma_start3A_29, %dma_start3A_30] : memref<10000x128xf32, #tpu.memory_space<vmem_shared>> -> memref<16x128xf32, #tpu.memory_space<vmem_shared>>
        tpu.enqueue_dma source(%dma_start3A_31 : memref<16x128xf32, #tpu.memory_space<vmem_shared>>) target(%dma_start3A_28 : memref<16x128xf32, #tpu.memory_space<hbm>>) target_semaphore(%run_scoped3A : memref<!tpu.dma_semaphore, #tpu.memory_space<semaphore_mem>>)
        %dma_wait3A = arith.constant 9984 : i32
        %dma_wait3A_32 = arith.constant 0 : i32
        %dma_wait3A_33 = tpu.memref_slice %arg7[%arg0, %dma_wait3A, %dma_wait3A_32] : memref<2x10000x128xf32, #tpu.memory_space<hbm>> -> memref<1x16x128xf32, #tpu.memory_space<hbm>>
        %dma_wait3A_34 = tpu.memref_squeeze %dma_wait3A_33 : memref<1x16x128xf32, #tpu.memory_space<hbm>> -> memref<16x128xf32, #tpu.memory_space<hbm>>
        %dma_wait3A_35 = arith.constant 9984 : i32
        %dma_wait3A_36 = arith.constant 0 : i32
        %dma_wait3A_37 = tpu.memref_slice %arg12[%dma_wait3A_35, %dma_wait3A_36] : memref<10000x128xf32, #tpu.memory_space<vmem_shared>> -> memref<16x128xf32, #tpu.memory_space<vmem_shared>>
        tpu.wait_dma2 semaphore(%run_scoped3A : memref<!tpu.dma_semaphore, #tpu.memory_space<semaphore_mem>>) src(%dma_wait3A_37 : memref<16x128xf32, #tpu.memory_space<vmem_shared>>) dst(%dma_wait3A_34 : memref<16x128xf32, #tpu.memory_space<hbm>>)
        tpu.yield
      }) : () -> ()
    } else {
    }
    return
  }
}

#map = affine_map<(d0, d1) -> (0, 0)>
#map1 = affine_map<(d0, d1) -> (0)>
#map2 = affine_map<(d0, d1) -> (0, 0, 0)>
module attributes {stable_mosaic.version = 14 : i64} {
  func.func @sc_aggr(%arg0: i32, %arg1: i32, %arg2: memref<10000x128xf32, #tpu.memory_space<hbm>>, %arg3: memref<1920000x128xf32, #tpu.memory_space<hbm>>, %arg4: memref<320000xi32, #tpu.memory_space<hbm>>, %arg5: memref<320000xi32, #tpu.memory_space<hbm>>, %arg6: memref<10000x128xf32, #tpu.memory_space<hbm>>, %arg7: memref<2x10000x128xf32, #tpu.memory_space<hbm>>, %arg8: memref<80xi32, #tpu.memory_space<vmem>>, %arg9: memref<80xi32, #tpu.memory_space<vmem>>, %arg10: memref<80x128xf32, #tpu.memory_space<vmem>>, %arg11: memref<80x128xf32, #tpu.memory_space<vmem>>, %arg12: memref<10000x128xf32, #tpu.memory_space<vmem_shared>>, %arg13: memref<!tpu.dma_semaphore, #tpu.memory_space<semaphore_mem>>) attributes {dimension_semantics = [#tpu.dimension_semantics<core_parallel>, #tpu.dimension_semantics<subcore_parallel>], iteration_bounds = array<i64: 2, 16>, scalar_prefetch = 0 : i64, scratch_operands = 6 : i64, tpu.core_type = #tpu.core_type<sc_vector_subcore>, window_params = [{transform_indices = #map}, {transform_indices = #map}, {transform_indices = #map1}, {transform_indices = #map1}, {transform_indices = #map}, {transform_indices = #map2}]} {
    %mul3A = arith.constant 2 : i32
    %mul3A_0 = arith.muli %arg1, %mul3A : i32
    %add3A = arith.addi %mul3A_0, %arg0 : i32
    %mul3A_1 = arith.constant 10000 : i32
    %mul3A_2 = arith.muli %add3A, %mul3A_1 : i32
    %add3A_3 = arith.constant 960000 : i32
    %add3A_4 = arith.addi %add3A_3, %mul3A_2 : i32
    %mul3A_5 = arith.constant 624 : i32
    %mul3A_6 = arith.muli %arg1, %mul3A_5 : i32
    %mul3A_7 = arith.constant 624 : i32
    %mul3A_8 = arith.muli %arg1, %mul3A_7 : i32
    "tpu.region"() ({
      %run_scoped3A = tpu.sem_alloc : memref<!tpu.dma_semaphore, #tpu.memory_space<semaphore_mem>>
      %dma_start3A = arith.constant 0 : i32
      %dma_start3A_26 = tpu.memref_slice %arg12[%mul3A_8, %dma_start3A] : memref<10000x128xf32, #tpu.memory_space<vmem_shared>> -> memref<624x128xf32, #tpu.memory_space<vmem_shared>>
      %dma_start3A_27 = arith.constant 0 : i32
      %dma_start3A_28 = tpu.memref_slice %arg6[%mul3A_6, %dma_start3A_27] : memref<10000x128xf32, #tpu.memory_space<hbm>> -> memref<624x128xf32, #tpu.memory_space<hbm>>
      tpu.enqueue_dma source(%dma_start3A_28 : memref<624x128xf32, #tpu.memory_space<hbm>>) target(%dma_start3A_26 : memref<624x128xf32, #tpu.memory_space<vmem_shared>>) target_semaphore(%run_scoped3A : memref<!tpu.dma_semaphore, #tpu.memory_space<semaphore_mem>>)
      %dma_wait3A = arith.constant 0 : i32
      %dma_wait3A_29 = tpu.memref_slice %arg12[%mul3A_8, %dma_wait3A] : memref<10000x128xf32, #tpu.memory_space<vmem_shared>> -> memref<624x128xf32, #tpu.memory_space<vmem_shared>>
      %dma_wait3A_30 = arith.constant 0 : i32
      %dma_wait3A_31 = tpu.memref_slice %arg6[%mul3A_6, %dma_wait3A_30] : memref<10000x128xf32, #tpu.memory_space<hbm>> -> memref<624x128xf32, #tpu.memory_space<hbm>>
      tpu.wait_dma2 semaphore(%run_scoped3A : memref<!tpu.dma_semaphore, #tpu.memory_space<semaphore_mem>>) src(%dma_wait3A_31 : memref<624x128xf32, #tpu.memory_space<hbm>>) dst(%dma_wait3A_29 : memref<624x128xf32, #tpu.memory_space<vmem_shared>>)
      tpu.yield
    }) : () -> ()
    %eq3A = arith.constant 0 : i32
    %eq3A_9 = arith.cmpi eq, %arg1, %eq3A : i32
    %convert_element_type3A = arith.extui %eq3A_9 : i1 to i32
    %cond3A = arith.constant 0 : i32
    %cond3A_10 = arith.cmpi ne, %convert_element_type3A, %cond3A : i32
    scf.if %cond3A_10 {
      "tpu.region"() ({
        %run_scoped3A = tpu.sem_alloc : memref<!tpu.dma_semaphore, #tpu.memory_space<semaphore_mem>>
        %dma_start3A = arith.constant 9984 : i32
        %dma_start3A_26 = arith.constant 0 : i32
        %dma_start3A_27 = tpu.memref_slice %arg12[%dma_start3A, %dma_start3A_26] : memref<10000x128xf32, #tpu.memory_space<vmem_shared>> -> memref<16x128xf32, #tpu.memory_space<vmem_shared>>
        %dma_start3A_28 = arith.constant 9984 : i32
        %dma_start3A_29 = arith.constant 0 : i32
        %dma_start3A_30 = tpu.memref_slice %arg6[%dma_start3A_28, %dma_start3A_29] : memref<10000x128xf32, #tpu.memory_space<hbm>> -> memref<16x128xf32, #tpu.memory_space<hbm>>
        tpu.enqueue_dma source(%dma_start3A_30 : memref<16x128xf32, #tpu.memory_space<hbm>>) target(%dma_start3A_27 : memref<16x128xf32, #tpu.memory_space<vmem_shared>>) target_semaphore(%run_scoped3A : memref<!tpu.dma_semaphore, #tpu.memory_space<semaphore_mem>>)
        %dma_wait3A = arith.constant 9984 : i32
        %dma_wait3A_31 = arith.constant 0 : i32
        %dma_wait3A_32 = tpu.memref_slice %arg12[%dma_wait3A, %dma_wait3A_31] : memref<10000x128xf32, #tpu.memory_space<vmem_shared>> -> memref<16x128xf32, #tpu.memory_space<vmem_shared>>
        %dma_wait3A_33 = arith.constant 9984 : i32
        %dma_wait3A_34 = arith.constant 0 : i32
        %dma_wait3A_35 = tpu.memref_slice %arg6[%dma_wait3A_33, %dma_wait3A_34] : memref<10000x128xf32, #tpu.memory_space<hbm>> -> memref<16x128xf32, #tpu.memory_space<hbm>>
        tpu.wait_dma2 semaphore(%run_scoped3A : memref<!tpu.dma_semaphore, #tpu.memory_space<semaphore_mem>>) src(%dma_wait3A_35 : memref<16x128xf32, #tpu.memory_space<hbm>>) dst(%dma_wait3A_32 : memref<16x128xf32, #tpu.memory_space<vmem_shared>>)
        tpu.yield
      }) : () -> ()
    } else {
    }
    %barrier3A = arith.constant 0 : index
    tpu.barrier barrier_id(%barrier3A)
    %scan3A = arith.constant 0 : i32
    %scan3A_11 = arith.constant 0 : i32
    %scan3A_12 = arith.constant 125 : i32
    %scan3A_13 = arith.addi %scan3A_11, %scan3A_12 : i32
    %scan3A_14 = arith.constant 1 : i32
    scf.for %scan3A_26 = %scan3A_11 to %scan3A_13 step %scan3A_14  : i32 {
      %mul3A_27 = arith.constant 80 : i32
      %mul3A_28 = arith.muli %scan3A_26, %mul3A_27 : i32
      %add3A_29 = arith.addi %add3A_4, %mul3A_28 : i32
      %mul3A_30 = arith.constant 80 : i32
      %mul3A_31 = arith.muli %scan3A_26, %mul3A_30 : i32
      %add3A_32 = arith.addi %mul3A_2, %mul3A_31 : i32
      "tpu.region"() ({
        %run_scoped3A = tpu.sem_alloc : memref<!tpu.dma_semaphore, #tpu.memory_space<semaphore_mem>>
        %dma_start3A_43 = tpu.memref_slice %arg4[%add3A_32] : memref<320000xi32, #tpu.memory_space<hbm>> -> memref<80xi32, #tpu.memory_space<hbm>>
        %dma_start3A_44 = tpu.memref_slice %arg4[%add3A_32] : memref<320000xi32, #tpu.memory_space<hbm>> -> memref<80xi32, #tpu.memory_space<hbm>>
        tpu.enqueue_dma source(%dma_start3A_44 : memref<80xi32, #tpu.memory_space<hbm>>) target(%arg8 : memref<80xi32, #tpu.memory_space<vmem>>) target_semaphore(%run_scoped3A : memref<!tpu.dma_semaphore, #tpu.memory_space<semaphore_mem>>)
        %dma_wait3A_45 = tpu.memref_slice %arg4[%add3A_32] : memref<320000xi32, #tpu.memory_space<hbm>> -> memref<80xi32, #tpu.memory_space<hbm>>
        %dma_wait3A_46 = tpu.memref_slice %arg4[%add3A_32] : memref<320000xi32, #tpu.memory_space<hbm>> -> memref<80xi32, #tpu.memory_space<hbm>>
        tpu.wait_dma2 semaphore(%run_scoped3A : memref<!tpu.dma_semaphore, #tpu.memory_space<semaphore_mem>>) src(%dma_wait3A_46 : memref<80xi32, #tpu.memory_space<hbm>>) dst(%arg8 : memref<80xi32, #tpu.memory_space<vmem>>)
        tpu.yield
      }) : () -> ()
      "tpu.region"() ({
        %run_scoped3A = tpu.sem_alloc : memref<!tpu.dma_semaphore, #tpu.memory_space<semaphore_mem>>
        %dma_start3A_43 = tpu.memref_slice %arg5[%add3A_32] : memref<320000xi32, #tpu.memory_space<hbm>> -> memref<80xi32, #tpu.memory_space<hbm>>
        %dma_start3A_44 = tpu.memref_slice %arg5[%add3A_32] : memref<320000xi32, #tpu.memory_space<hbm>> -> memref<80xi32, #tpu.memory_space<hbm>>
        tpu.enqueue_dma source(%dma_start3A_44 : memref<80xi32, #tpu.memory_space<hbm>>) target(%arg9 : memref<80xi32, #tpu.memory_space<vmem>>) target_semaphore(%run_scoped3A : memref<!tpu.dma_semaphore, #tpu.memory_space<semaphore_mem>>)
        %dma_wait3A_45 = tpu.memref_slice %arg5[%add3A_32] : memref<320000xi32, #tpu.memory_space<hbm>> -> memref<80xi32, #tpu.memory_space<hbm>>
        %dma_wait3A_46 = tpu.memref_slice %arg5[%add3A_32] : memref<320000xi32, #tpu.memory_space<hbm>> -> memref<80xi32, #tpu.memory_space<hbm>>
        tpu.wait_dma2 semaphore(%run_scoped3A : memref<!tpu.dma_semaphore, #tpu.memory_space<semaphore_mem>>) src(%dma_wait3A_46 : memref<80xi32, #tpu.memory_space<hbm>>) dst(%arg9 : memref<80xi32, #tpu.memory_space<vmem>>)
        tpu.yield
      }) : () -> ()
      %dma_start3A = arith.constant 0 : i32
      %dma_start3A_33 = arith.constant 0 : i32
      %dma_start3A_34 = tpu.memref_slice %arg2[%dma_start3A, %dma_start3A_33] : memref<10000x128xf32, #tpu.memory_space<hbm>> -> memref<10000x128xf32, #tpu.memory_space<hbm>>
      tpu.enqueue_indirect_dma source(%dma_start3A_34 : memref<10000x128xf32, #tpu.memory_space<hbm>>) target(%arg10 : memref<80x128xf32, #tpu.memory_space<vmem>>) offsets(%arg8 : memref<80xi32, #tpu.memory_space<vmem>>) semaphore(%arg13 : memref<!tpu.dma_semaphore, #tpu.memory_space<semaphore_mem>>)
      "tpu.region"() ({
        %run_scoped3A = tpu.sem_alloc : memref<!tpu.dma_semaphore, #tpu.memory_space<semaphore_mem>>
        %dma_start3A_43 = arith.constant 0 : i32
        %dma_start3A_44 = tpu.memref_slice %arg3[%add3A_29, %dma_start3A_43] : memref<1920000x128xf32, #tpu.memory_space<hbm>> -> memref<80x128xf32, #tpu.memory_space<hbm>>
        %dma_start3A_45 = arith.constant 0 : i32
        %dma_start3A_46 = tpu.memref_slice %arg3[%add3A_29, %dma_start3A_45] : memref<1920000x128xf32, #tpu.memory_space<hbm>> -> memref<80x128xf32, #tpu.memory_space<hbm>>
        tpu.enqueue_dma source(%dma_start3A_46 : memref<80x128xf32, #tpu.memory_space<hbm>>) target(%arg11 : memref<80x128xf32, #tpu.memory_space<vmem>>) target_semaphore(%run_scoped3A : memref<!tpu.dma_semaphore, #tpu.memory_space<semaphore_mem>>)
        %dma_wait3A_47 = arith.constant 0 : i32
        %dma_wait3A_48 = tpu.memref_slice %arg3[%add3A_29, %dma_wait3A_47] : memref<1920000x128xf32, #tpu.memory_space<hbm>> -> memref<80x128xf32, #tpu.memory_space<hbm>>
        %dma_wait3A_49 = arith.constant 0 : i32
        %dma_wait3A_50 = tpu.memref_slice %arg3[%add3A_29, %dma_wait3A_49] : memref<1920000x128xf32, #tpu.memory_space<hbm>> -> memref<80x128xf32, #tpu.memory_space<hbm>>
        tpu.wait_dma2 semaphore(%run_scoped3A : memref<!tpu.dma_semaphore, #tpu.memory_space<semaphore_mem>>) src(%dma_wait3A_50 : memref<80x128xf32, #tpu.memory_space<hbm>>) dst(%arg11 : memref<80x128xf32, #tpu.memory_space<vmem>>)
        tpu.yield
      }) : () -> ()
      %dma_wait3A = arith.constant 0 : i32
      %dma_wait3A_35 = arith.constant 0 : i32
      %dma_wait3A_36 = tpu.memref_slice %arg2[%dma_wait3A, %dma_wait3A_35] : memref<10000x128xf32, #tpu.memory_space<hbm>> -> memref<10000x128xf32, #tpu.memory_space<hbm>>
      tpu.wait_indirect_dma semaphore(%arg13 : memref<!tpu.dma_semaphore, #tpu.memory_space<semaphore_mem>>) src(%dma_wait3A_36 : memref<10000x128xf32, #tpu.memory_space<hbm>>) dst(%arg10 : memref<80x128xf32, #tpu.memory_space<vmem>>)
      %scan3A_37 = arith.constant 0 : i32
      %scan3A_38 = arith.constant 0 : i32
      %scan3A_39 = arith.constant 80 : i32
      %scan3A_40 = arith.addi %scan3A_38, %scan3A_39 : i32
      %scan3A_41 = arith.constant 1 : i32
      scf.for %scan3A_43 = %scan3A_38 to %scan3A_40 step %scan3A_41  : i32 {
        %get3A = arith.index_cast %scan3A_43 : i32 to index
        %get3A_44 = arith.constant 0 : index
        %get3A_45 = tpu.vector_load %arg10[%get3A, %get3A_44] {strides = array<i32>} : memref<80x128xf32, #tpu.memory_space<vmem>>, vector<1x16xf32>,
        %get3A_46 = vector.shape_cast %get3A_45 : vector<1x16xf32> to vector<16xf32>
        %get3A_47 = arith.index_cast %scan3A_43 : i32 to index
        %get3A_48 = arith.constant 0 : index
        %get3A_49 = tpu.vector_load %arg11[%get3A_47, %get3A_48] {strides = array<i32>} : memref<80x128xf32, #tpu.memory_space<vmem>>, vector<1x16xf32>,
        %get3A_50 = vector.shape_cast %get3A_49 : vector<1x16xf32> to vector<16xf32>
        %add3A_51 = arith.addf %get3A_46, %get3A_50 : vector<16xf32>
        %max3A = arith.constant 0.000000e+00 : f32
        %max3A_52 = vector.broadcast %max3A : f32 to vector<16xf32>
        %max3A_53 = arith.maximumf %add3A_51, %max3A_52 : vector<16xf32>
        %swap3A = arith.index_cast %scan3A_43 : i32 to index
        %swap3A_54 = arith.constant 0 : index
        %swap3A_55 = tpu.vector_load %arg10[%swap3A, %swap3A_54] {strides = array<i32>} : memref<80x128xf32, #tpu.memory_space<vmem>>, vector<1x16xf32>,
        %swap3A_56 = vector.shape_cast %swap3A_55 : vector<1x16xf32> to vector<16xf32>
        %swap3A_57 = vector.shape_cast %max3A_53 : vector<16xf32> to vector<1x16xf32>
        tpu.vector_store %arg10[%swap3A, %swap3A_54], %swap3A_57 {strides = array<i32>} : memref<80x128xf32, #tpu.memory_space<vmem>>, vector<1x16xf32>,
        %get3A_58 = arith.index_cast %scan3A_43 : i32 to index
        %get3A_59 = arith.constant 16 : index
        %get3A_60 = tpu.vector_load %arg10[%get3A_58, %get3A_59] {strides = array<i32>} : memref<80x128xf32, #tpu.memory_space<vmem>>, vector<1x16xf32>,
        %get3A_61 = vector.shape_cast %get3A_60 : vector<1x16xf32> to vector<16xf32>
        %get3A_62 = arith.index_cast %scan3A_43 : i32 to index
        %get3A_63 = arith.constant 16 : index
        %get3A_64 = tpu.vector_load %arg11[%get3A_62, %get3A_63] {strides = array<i32>} : memref<80x128xf32, #tpu.memory_space<vmem>>, vector<1x16xf32>,
        %get3A_65 = vector.shape_cast %get3A_64 : vector<1x16xf32> to vector<16xf32>
        %add3A_66 = arith.addf %get3A_61, %get3A_65 : vector<16xf32>
        %max3A_67 = arith.constant 0.000000e+00 : f32
        %max3A_68 = vector.broadcast %max3A_67 : f32 to vector<16xf32>
        %max3A_69 = arith.maximumf %add3A_66, %max3A_68 : vector<16xf32>
        %swap3A_70 = arith.index_cast %scan3A_43 : i32 to index
        %swap3A_71 = arith.constant 16 : index
        %swap3A_72 = tpu.vector_load %arg10[%swap3A_70, %swap3A_71] {strides = array<i32>} : memref<80x128xf32, #tpu.memory_space<vmem>>, vector<1x16xf32>,
        %swap3A_73 = vector.shape_cast %swap3A_72 : vector<1x16xf32> to vector<16xf32>
        %swap3A_74 = vector.shape_cast %max3A_69 : vector<16xf32> to vector<1x16xf32>
        tpu.vector_store %arg10[%swap3A_70, %swap3A_71], %swap3A_74 {strides = array<i32>} : memref<80x128xf32, #tpu.memory_space<vmem>>, vector<1x16xf32>,
        %get3A_75 = arith.index_cast %scan3A_43 : i32 to index
        %get3A_76 = arith.constant 32 : index
        %get3A_77 = tpu.vector_load %arg10[%get3A_75, %get3A_76] {strides = array<i32>} : memref<80x128xf32, #tpu.memory_space<vmem>>, vector<1x16xf32>,
        %get3A_78 = vector.shape_cast %get3A_77 : vector<1x16xf32> to vector<16xf32>
        %get3A_79 = arith.index_cast %scan3A_43 : i32 to index
        %get3A_80 = arith.constant 32 : index
        %get3A_81 = tpu.vector_load %arg11[%get3A_79, %get3A_80] {strides = array<i32>} : memref<80x128xf32, #tpu.memory_space<vmem>>, vector<1x16xf32>,
        %get3A_82 = vector.shape_cast %get3A_81 : vector<1x16xf32> to vector<16xf32>
        %add3A_83 = arith.addf %get3A_78, %get3A_82 : vector<16xf32>
        %max3A_84 = arith.constant 0.000000e+00 : f32
        %max3A_85 = vector.broadcast %max3A_84 : f32 to vector<16xf32>
        %max3A_86 = arith.maximumf %add3A_83, %max3A_85 : vector<16xf32>
        %swap3A_87 = arith.index_cast %scan3A_43 : i32 to index
        %swap3A_88 = arith.constant 32 : index
        %swap3A_89 = tpu.vector_load %arg10[%swap3A_87, %swap3A_88] {strides = array<i32>} : memref<80x128xf32, #tpu.memory_space<vmem>>, vector<1x16xf32>,
        %swap3A_90 = vector.shape_cast %swap3A_89 : vector<1x16xf32> to vector<16xf32>
        %swap3A_91 = vector.shape_cast %max3A_86 : vector<16xf32> to vector<1x16xf32>
        tpu.vector_store %arg10[%swap3A_87, %swap3A_88], %swap3A_91 {strides = array<i32>} : memref<80x128xf32, #tpu.memory_space<vmem>>, vector<1x16xf32>,
        %get3A_92 = arith.index_cast %scan3A_43 : i32 to index
        %get3A_93 = arith.constant 48 : index
        %get3A_94 = tpu.vector_load %arg10[%get3A_92, %get3A_93] {strides = array<i32>} : memref<80x128xf32, #tpu.memory_space<vmem>>, vector<1x16xf32>,
        %get3A_95 = vector.shape_cast %get3A_94 : vector<1x16xf32> to vector<16xf32>
        %get3A_96 = arith.index_cast %scan3A_43 : i32 to index
        %get3A_97 = arith.constant 48 : index
        %get3A_98 = tpu.vector_load %arg11[%get3A_96, %get3A_97] {strides = array<i32>} : memref<80x128xf32, #tpu.memory_space<vmem>>, vector<1x16xf32>,
        %get3A_99 = vector.shape_cast %get3A_98 : vector<1x16xf32> to vector<16xf32>
        %add3A_100 = arith.addf %get3A_95, %get3A_99 : vector<16xf32>
        %max3A_101 = arith.constant 0.000000e+00 : f32
        %max3A_102 = vector.broadcast %max3A_101 : f32 to vector<16xf32>
        %max3A_103 = arith.maximumf %add3A_100, %max3A_102 : vector<16xf32>
        %swap3A_104 = arith.index_cast %scan3A_43 : i32 to index
        %swap3A_105 = arith.constant 48 : index
        %swap3A_106 = tpu.vector_load %arg10[%swap3A_104, %swap3A_105] {strides = array<i32>} : memref<80x128xf32, #tpu.memory_space<vmem>>, vector<1x16xf32>,
        %swap3A_107 = vector.shape_cast %swap3A_106 : vector<1x16xf32> to vector<16xf32>
        %swap3A_108 = vector.shape_cast %max3A_103 : vector<16xf32> to vector<1x16xf32>
        tpu.vector_store %arg10[%swap3A_104, %swap3A_105], %swap3A_108 {strides = array<i32>} : memref<80x128xf32, #tpu.memory_space<vmem>>, vector<1x16xf32>,
        %get3A_109 = arith.index_cast %scan3A_43 : i32 to index
        %get3A_110 = arith.constant 64 : index
        %get3A_111 = tpu.vector_load %arg10[%get3A_109, %get3A_110] {strides = array<i32>} : memref<80x128xf32, #tpu.memory_space<vmem>>, vector<1x16xf32>,
        %get3A_112 = vector.shape_cast %get3A_111 : vector<1x16xf32> to vector<16xf32>
        %get3A_113 = arith.index_cast %scan3A_43 : i32 to index
        %get3A_114 = arith.constant 64 : index
        %get3A_115 = tpu.vector_load %arg11[%get3A_113, %get3A_114] {strides = array<i32>} : memref<80x128xf32, #tpu.memory_space<vmem>>, vector<1x16xf32>,
        %get3A_116 = vector.shape_cast %get3A_115 : vector<1x16xf32> to vector<16xf32>
        %add3A_117 = arith.addf %get3A_112, %get3A_116 : vector<16xf32>
        %max3A_118 = arith.constant 0.000000e+00 : f32
        %max3A_119 = vector.broadcast %max3A_118 : f32 to vector<16xf32>
        %max3A_120 = arith.maximumf %add3A_117, %max3A_119 : vector<16xf32>
        %swap3A_121 = arith.index_cast %scan3A_43 : i32 to index
        %swap3A_122 = arith.constant 64 : index
        %swap3A_123 = tpu.vector_load %arg10[%swap3A_121, %swap3A_122] {strides = array<i32>} : memref<80x128xf32, #tpu.memory_space<vmem>>, vector<1x16xf32>,
        %swap3A_124 = vector.shape_cast %swap3A_123 : vector<1x16xf32> to vector<16xf32>
        %swap3A_125 = vector.shape_cast %max3A_120 : vector<16xf32> to vector<1x16xf32>
        tpu.vector_store %arg10[%swap3A_121, %swap3A_122], %swap3A_125 {strides = array<i32>} : memref<80x128xf32, #tpu.memory_space<vmem>>, vector<1x16xf32>,
        %get3A_126 = arith.index_cast %scan3A_43 : i32 to index
        %get3A_127 = arith.constant 80 : index
        %get3A_128 = tpu.vector_load %arg10[%get3A_126, %get3A_127] {strides = array<i32>} : memref<80x128xf32, #tpu.memory_space<vmem>>, vector<1x16xf32>,
        %get3A_129 = vector.shape_cast %get3A_128 : vector<1x16xf32> to vector<16xf32>
        %get3A_130 = arith.index_cast %scan3A_43 : i32 to index
        %get3A_131 = arith.constant 80 : index
        %get3A_132 = tpu.vector_load %arg11[%get3A_130, %get3A_131] {strides = array<i32>} : memref<80x128xf32, #tpu.memory_space<vmem>>, vector<1x16xf32>,
        %get3A_133 = vector.shape_cast %get3A_132 : vector<1x16xf32> to vector<16xf32>
        %add3A_134 = arith.addf %get3A_129, %get3A_133 : vector<16xf32>
        %max3A_135 = arith.constant 0.000000e+00 : f32
        %max3A_136 = vector.broadcast %max3A_135 : f32 to vector<16xf32>
        %max3A_137 = arith.maximumf %add3A_134, %max3A_136 : vector<16xf32>
        %swap3A_138 = arith.index_cast %scan3A_43 : i32 to index
        %swap3A_139 = arith.constant 80 : index
        %swap3A_140 = tpu.vector_load %arg10[%swap3A_138, %swap3A_139] {strides = array<i32>} : memref<80x128xf32, #tpu.memory_space<vmem>>, vector<1x16xf32>,
        %swap3A_141 = vector.shape_cast %swap3A_140 : vector<1x16xf32> to vector<16xf32>
        %swap3A_142 = vector.shape_cast %max3A_137 : vector<16xf32> to vector<1x16xf32>
        tpu.vector_store %arg10[%swap3A_138, %swap3A_139], %swap3A_142 {strides = array<i32>} : memref<80x128xf32, #tpu.memory_space<vmem>>, vector<1x16xf32>,
        %get3A_143 = arith.index_cast %scan3A_43 : i32 to index
        %get3A_144 = arith.constant 96 : index
        %get3A_145 = tpu.vector_load %arg10[%get3A_143, %get3A_144] {strides = array<i32>} : memref<80x128xf32, #tpu.memory_space<vmem>>, vector<1x16xf32>,
        %get3A_146 = vector.shape_cast %get3A_145 : vector<1x16xf32> to vector<16xf32>
        %get3A_147 = arith.index_cast %scan3A_43 : i32 to index
        %get3A_148 = arith.constant 96 : index
        %get3A_149 = tpu.vector_load %arg11[%get3A_147, %get3A_148] {strides = array<i32>} : memref<80x128xf32, #tpu.memory_space<vmem>>, vector<1x16xf32>,
        %get3A_150 = vector.shape_cast %get3A_149 : vector<1x16xf32> to vector<16xf32>
        %add3A_151 = arith.addf %get3A_146, %get3A_150 : vector<16xf32>
        %max3A_152 = arith.constant 0.000000e+00 : f32
        %max3A_153 = vector.broadcast %max3A_152 : f32 to vector<16xf32>
        %max3A_154 = arith.maximumf %add3A_151, %max3A_153 : vector<16xf32>
        %swap3A_155 = arith.index_cast %scan3A_43 : i32 to index
        %swap3A_156 = arith.constant 96 : index
        %swap3A_157 = tpu.vector_load %arg10[%swap3A_155, %swap3A_156] {strides = array<i32>} : memref<80x128xf32, #tpu.memory_space<vmem>>, vector<1x16xf32>,
        %swap3A_158 = vector.shape_cast %swap3A_157 : vector<1x16xf32> to vector<16xf32>
        %swap3A_159 = vector.shape_cast %max3A_154 : vector<16xf32> to vector<1x16xf32>
        tpu.vector_store %arg10[%swap3A_155, %swap3A_156], %swap3A_159 {strides = array<i32>} : memref<80x128xf32, #tpu.memory_space<vmem>>, vector<1x16xf32>,
        %get3A_160 = arith.index_cast %scan3A_43 : i32 to index
        %get3A_161 = arith.constant 112 : index
        %get3A_162 = tpu.vector_load %arg10[%get3A_160, %get3A_161] {strides = array<i32>} : memref<80x128xf32, #tpu.memory_space<vmem>>, vector<1x16xf32>,
        %get3A_163 = vector.shape_cast %get3A_162 : vector<1x16xf32> to vector<16xf32>
        %get3A_164 = arith.index_cast %scan3A_43 : i32 to index
        %get3A_165 = arith.constant 112 : index
        %get3A_166 = tpu.vector_load %arg11[%get3A_164, %get3A_165] {strides = array<i32>} : memref<80x128xf32, #tpu.memory_space<vmem>>, vector<1x16xf32>,
        %get3A_167 = vector.shape_cast %get3A_166 : vector<1x16xf32> to vector<16xf32>
        %add3A_168 = arith.addf %get3A_163, %get3A_167 : vector<16xf32>
        %max3A_169 = arith.constant 0.000000e+00 : f32
        %max3A_170 = vector.broadcast %max3A_169 : f32 to vector<16xf32>
        %max3A_171 = arith.maximumf %add3A_168, %max3A_170 : vector<16xf32>
        %swap3A_172 = arith.index_cast %scan3A_43 : i32 to index
        %swap3A_173 = arith.constant 112 : index
        %swap3A_174 = tpu.vector_load %arg10[%swap3A_172, %swap3A_173] {strides = array<i32>} : memref<80x128xf32, #tpu.memory_space<vmem>>, vector<1x16xf32>,
        %swap3A_175 = vector.shape_cast %swap3A_174 : vector<1x16xf32> to vector<16xf32>
        %swap3A_176 = vector.shape_cast %max3A_171 : vector<16xf32> to vector<1x16xf32>
        tpu.vector_store %arg10[%swap3A_172, %swap3A_173], %swap3A_176 {strides = array<i32>} : memref<80x128xf32, #tpu.memory_space<vmem>>, vector<1x16xf32>,
      }
      %scan3A_42 = arith.constant 80 : i32
      "tpu.region"() ({
        %run_scoped3A = tpu.sem_alloc : memref<!tpu.dma_semaphore, #tpu.memory_space<semaphore_mem>>
        %dma_start3A_43 = arith.constant 0 : i32
        %dma_start3A_44 = arith.constant 0 : i32
        %dma_start3A_45 = tpu.memref_slice %arg12[%dma_start3A_43, %dma_start3A_44] : memref<10000x128xf32, #tpu.memory_space<vmem_shared>> -> memref<10000x128xf32, #tpu.memory_space<vmem_shared>>
        tpu.enqueue_indirect_dma source(%arg10 : memref<80x128xf32, #tpu.memory_space<vmem>>) target(%dma_start3A_45 : memref<10000x128xf32, #tpu.memory_space<vmem_shared>>) offsets(%arg9 : memref<80xi32, #tpu.memory_space<vmem>>) semaphore(%run_scoped3A : memref<!tpu.dma_semaphore, #tpu.memory_space<semaphore_mem>>) {add = true}
        %dma_wait3A_46 = arith.constant 0 : i32
        %dma_wait3A_47 = arith.constant 0 : i32
        %dma_wait3A_48 = tpu.memref_slice %arg12[%dma_wait3A_46, %dma_wait3A_47] : memref<10000x128xf32, #tpu.memory_space<vmem_shared>> -> memref<10000x128xf32, #tpu.memory_space<vmem_shared>>
        tpu.wait_indirect_dma semaphore(%run_scoped3A : memref<!tpu.dma_semaphore, #tpu.memory_space<semaphore_mem>>) src(%arg10 : memref<80x128xf32, #tpu.memory_space<vmem>>) dst(%dma_wait3A_48 : memref<10000x128xf32, #tpu.memory_space<vmem_shared>>)
        tpu.yield
      }) : () -> ()
    }
    %scan3A_15 = arith.constant 125 : i32
    %barrier3A_16 = arith.constant 0 : index
    tpu.barrier barrier_id(%barrier3A_16)
    %mul3A_17 = arith.constant 624 : i32
    %mul3A_18 = arith.muli %arg1, %mul3A_17 : i32
    %mul3A_19 = arith.constant 624 : i32
    %mul3A_20 = arith.muli %arg1, %mul3A_19 : i32
    "tpu.region"() ({
      %run_scoped3A = tpu.sem_alloc : memref<!tpu.dma_semaphore, #tpu.memory_space<semaphore_mem>>
      %dma_start3A = arith.constant 0 : i32
      %dma_start3A_26 = tpu.memref_slice %arg7[%arg0, %mul3A_20, %dma_start3A] : memref<2x10000x128xf32, #tpu.memory_space<hbm>> -> memref<1x624x128xf32, #tpu.memory_space<hbm>>
      %dma_start3A_27 = tpu.memref_squeeze %dma_start3A_26 : memref<1x624x128xf32, #tpu.memory_space<hbm>> -> memref<624x128xf32, #tpu.memory_space<hbm>>
      %dma_start3A_28 = arith.constant 0 : i32
      %dma_start3A_29 = tpu.memref_slice %arg12[%mul3A_18, %dma_start3A_28] : memref<10000x128xf32, #tpu.memory_space<vmem_shared>> -> memref<624x128xf32, #tpu.memory_space<vmem_shared>>
      tpu.enqueue_dma source(%dma_start3A_29 : memref<624x128xf32, #tpu.memory_space<vmem_shared>>) target(%dma_start3A_27 : memref<624x128xf32, #tpu.memory_space<hbm>>) target_semaphore(%run_scoped3A : memref<!tpu.dma_semaphore, #tpu.memory_space<semaphore_mem>>)
      %dma_wait3A = arith.constant 0 : i32
      %dma_wait3A_30 = tpu.memref_slice %arg7[%arg0, %mul3A_20, %dma_wait3A] : memref<2x10000x128xf32, #tpu.memory_space<hbm>> -> memref<1x624x128xf32, #tpu.memory_space<hbm>>
      %dma_wait3A_31 = tpu.memref_squeeze %dma_wait3A_30 : memref<1x624x128xf32, #tpu.memory_space<hbm>> -> memref<624x128xf32, #tpu.memory_space<hbm>>
      %dma_wait3A_32 = arith.constant 0 : i32
      %dma_wait3A_33 = tpu.memref_slice %arg12[%mul3A_18, %dma_wait3A_32] : memref<10000x128xf32, #tpu.memory_space<vmem_shared>> -> memref<624x128xf32, #tpu.memory_space<vmem_shared>>
      tpu.wait_dma2 semaphore(%run_scoped3A : memref<!tpu.dma_semaphore, #tpu.memory_space<semaphore_mem>>) src(%dma_wait3A_33 : memref<624x128xf32, #tpu.memory_space<vmem_shared>>) dst(%dma_wait3A_31 : memref<624x128xf32, #tpu.memory_space<hbm>>)
      tpu.yield
    }) : () -> ()
    %eq3A_21 = arith.constant 0 : i32
    %eq3A_22 = arith.cmpi eq, %arg1, %eq3A_21 : i32
    %convert_element_type3A_23 = arith.extui %eq3A_22 : i1 to i32
    %cond3A_24 = arith.constant 0 : i32
    %cond3A_25 = arith.cmpi ne, %convert_element_type3A_23, %cond3A_24 : i32
    scf.if %cond3A_25 {
      "tpu.region"() ({
        %run_scoped3A = tpu.sem_alloc : memref<!tpu.dma_semaphore, #tpu.memory_space<semaphore_mem>>
        %dma_start3A = arith.constant 9984 : i32
        %dma_start3A_26 = arith.constant 0 : i32
        %dma_start3A_27 = tpu.memref_slice %arg7[%arg0, %dma_start3A, %dma_start3A_26] : memref<2x10000x128xf32, #tpu.memory_space<hbm>> -> memref<1x16x128xf32, #tpu.memory_space<hbm>>
        %dma_start3A_28 = tpu.memref_squeeze %dma_start3A_27 : memref<1x16x128xf32, #tpu.memory_space<hbm>> -> memref<16x128xf32, #tpu.memory_space<hbm>>
        %dma_start3A_29 = arith.constant 9984 : i32
        %dma_start3A_30 = arith.constant 0 : i32
        %dma_start3A_31 = tpu.memref_slice %arg12[%dma_start3A_29, %dma_start3A_30] : memref<10000x128xf32, #tpu.memory_space<vmem_shared>> -> memref<16x128xf32, #tpu.memory_space<vmem_shared>>
        tpu.enqueue_dma source(%dma_start3A_31 : memref<16x128xf32, #tpu.memory_space<vmem_shared>>) target(%dma_start3A_28 : memref<16x128xf32, #tpu.memory_space<hbm>>) target_semaphore(%run_scoped3A : memref<!tpu.dma_semaphore, #tpu.memory_space<semaphore_mem>>)
        %dma_wait3A = arith.constant 9984 : i32
        %dma_wait3A_32 = arith.constant 0 : i32
        %dma_wait3A_33 = tpu.memref_slice %arg7[%arg0, %dma_wait3A, %dma_wait3A_32] : memref<2x10000x128xf32, #tpu.memory_space<hbm>> -> memref<1x16x128xf32, #tpu.memory_space<hbm>>
        %dma_wait3A_34 = tpu.memref_squeeze %dma_wait3A_33 : memref<1x16x128xf32, #tpu.memory_space<hbm>> -> memref<16x128xf32, #tpu.memory_space<hbm>>
        %dma_wait3A_35 = arith.constant 9984 : i32
        %dma_wait3A_36 = arith.constant 0 : i32
        %dma_wait3A_37 = tpu.memref_slice %arg12[%dma_wait3A_35, %dma_wait3A_36] : memref<10000x128xf32, #tpu.memory_space<vmem_shared>> -> memref<16x128xf32, #tpu.memory_space<vmem_shared>>
        tpu.wait_dma2 semaphore(%run_scoped3A : memref<!tpu.dma_semaphore, #tpu.memory_space<semaphore_mem>>) src(%dma_wait3A_37 : memref<16x128xf32, #tpu.memory_space<vmem_shared>>) dst(%dma_wait3A_34 : memref<16x128xf32, #tpu.memory_space<hbm>>)
        tpu.yield
      }) : () -> ()
    } else {
    }
    return
  }
}

#map = affine_map<(d0, d1) -> (0, 0)>
#map1 = affine_map<(d0, d1) -> (0)>
#map2 = affine_map<(d0, d1) -> (0, 0, 0)>
module attributes {stable_mosaic.version = 14 : i64} {
  func.func @sc_aggr(%arg0: i32, %arg1: i32, %arg2: memref<10000x128xf32, #tpu.memory_space<hbm>>, %arg3: memref<1920000x128xf32, #tpu.memory_space<hbm>>, %arg4: memref<320000xi32, #tpu.memory_space<hbm>>, %arg5: memref<320000xi32, #tpu.memory_space<hbm>>, %arg6: memref<10000x128xf32, #tpu.memory_space<hbm>>, %arg7: memref<2x10000x128xf32, #tpu.memory_space<hbm>>, %arg8: memref<80xi32, #tpu.memory_space<vmem>>, %arg9: memref<80xi32, #tpu.memory_space<vmem>>, %arg10: memref<80x128xf32, #tpu.memory_space<vmem>>, %arg11: memref<80x128xf32, #tpu.memory_space<vmem>>, %arg12: memref<10000x128xf32, #tpu.memory_space<vmem_shared>>, %arg13: memref<!tpu.dma_semaphore, #tpu.memory_space<semaphore_mem>>) attributes {dimension_semantics = [#tpu.dimension_semantics<core_parallel>, #tpu.dimension_semantics<subcore_parallel>], iteration_bounds = array<i64: 2, 16>, scalar_prefetch = 0 : i64, scratch_operands = 6 : i64, tpu.core_type = #tpu.core_type<sc_vector_subcore>, window_params = [{transform_indices = #map}, {transform_indices = #map}, {transform_indices = #map1}, {transform_indices = #map1}, {transform_indices = #map}, {transform_indices = #map2}]} {
    %mul3A = arith.constant 2 : i32
    %mul3A_0 = arith.muli %arg1, %mul3A : i32
    %add3A = arith.addi %mul3A_0, %arg0 : i32
    %mul3A_1 = arith.constant 10000 : i32
    %mul3A_2 = arith.muli %add3A, %mul3A_1 : i32
    %add3A_3 = arith.constant 640000 : i32
    %add3A_4 = arith.addi %add3A_3, %mul3A_2 : i32
    %mul3A_5 = arith.constant 624 : i32
    %mul3A_6 = arith.muli %arg1, %mul3A_5 : i32
    %mul3A_7 = arith.constant 624 : i32
    %mul3A_8 = arith.muli %arg1, %mul3A_7 : i32
    "tpu.region"() ({
      %run_scoped3A = tpu.sem_alloc : memref<!tpu.dma_semaphore, #tpu.memory_space<semaphore_mem>>
      %dma_start3A = arith.constant 0 : i32
      %dma_start3A_26 = tpu.memref_slice %arg12[%mul3A_8, %dma_start3A] : memref<10000x128xf32, #tpu.memory_space<vmem_shared>> -> memref<624x128xf32, #tpu.memory_space<vmem_shared>>
      %dma_start3A_27 = arith.constant 0 : i32
      %dma_start3A_28 = tpu.memref_slice %arg6[%mul3A_6, %dma_start3A_27] : memref<10000x128xf32, #tpu.memory_space<hbm>> -> memref<624x128xf32, #tpu.memory_space<hbm>>
      tpu.enqueue_dma source(%dma_start3A_28 : memref<624x128xf32, #tpu.memory_space<hbm>>) target(%dma_start3A_26 : memref<624x128xf32, #tpu.memory_space<vmem_shared>>) target_semaphore(%run_scoped3A : memref<!tpu.dma_semaphore, #tpu.memory_space<semaphore_mem>>)
      %dma_wait3A = arith.constant 0 : i32
      %dma_wait3A_29 = tpu.memref_slice %arg12[%mul3A_8, %dma_wait3A] : memref<10000x128xf32, #tpu.memory_space<vmem_shared>> -> memref<624x128xf32, #tpu.memory_space<vmem_shared>>
      %dma_wait3A_30 = arith.constant 0 : i32
      %dma_wait3A_31 = tpu.memref_slice %arg6[%mul3A_6, %dma_wait3A_30] : memref<10000x128xf32, #tpu.memory_space<hbm>> -> memref<624x128xf32, #tpu.memory_space<hbm>>
      tpu.wait_dma2 semaphore(%run_scoped3A : memref<!tpu.dma_semaphore, #tpu.memory_space<semaphore_mem>>) src(%dma_wait3A_31 : memref<624x128xf32, #tpu.memory_space<hbm>>) dst(%dma_wait3A_29 : memref<624x128xf32, #tpu.memory_space<vmem_shared>>)
      tpu.yield
    }) : () -> ()
    %eq3A = arith.constant 0 : i32
    %eq3A_9 = arith.cmpi eq, %arg1, %eq3A : i32
    %convert_element_type3A = arith.extui %eq3A_9 : i1 to i32
    %cond3A = arith.constant 0 : i32
    %cond3A_10 = arith.cmpi ne, %convert_element_type3A, %cond3A : i32
    scf.if %cond3A_10 {
      "tpu.region"() ({
        %run_scoped3A = tpu.sem_alloc : memref<!tpu.dma_semaphore, #tpu.memory_space<semaphore_mem>>
        %dma_start3A = arith.constant 9984 : i32
        %dma_start3A_26 = arith.constant 0 : i32
        %dma_start3A_27 = tpu.memref_slice %arg12[%dma_start3A, %dma_start3A_26] : memref<10000x128xf32, #tpu.memory_space<vmem_shared>> -> memref<16x128xf32, #tpu.memory_space<vmem_shared>>
        %dma_start3A_28 = arith.constant 9984 : i32
        %dma_start3A_29 = arith.constant 0 : i32
        %dma_start3A_30 = tpu.memref_slice %arg6[%dma_start3A_28, %dma_start3A_29] : memref<10000x128xf32, #tpu.memory_space<hbm>> -> memref<16x128xf32, #tpu.memory_space<hbm>>
        tpu.enqueue_dma source(%dma_start3A_30 : memref<16x128xf32, #tpu.memory_space<hbm>>) target(%dma_start3A_27 : memref<16x128xf32, #tpu.memory_space<vmem_shared>>) target_semaphore(%run_scoped3A : memref<!tpu.dma_semaphore, #tpu.memory_space<semaphore_mem>>)
        %dma_wait3A = arith.constant 9984 : i32
        %dma_wait3A_31 = arith.constant 0 : i32
        %dma_wait3A_32 = tpu.memref_slice %arg12[%dma_wait3A, %dma_wait3A_31] : memref<10000x128xf32, #tpu.memory_space<vmem_shared>> -> memref<16x128xf32, #tpu.memory_space<vmem_shared>>
        %dma_wait3A_33 = arith.constant 9984 : i32
        %dma_wait3A_34 = arith.constant 0 : i32
        %dma_wait3A_35 = tpu.memref_slice %arg6[%dma_wait3A_33, %dma_wait3A_34] : memref<10000x128xf32, #tpu.memory_space<hbm>> -> memref<16x128xf32, #tpu.memory_space<hbm>>
        tpu.wait_dma2 semaphore(%run_scoped3A : memref<!tpu.dma_semaphore, #tpu.memory_space<semaphore_mem>>) src(%dma_wait3A_35 : memref<16x128xf32, #tpu.memory_space<hbm>>) dst(%dma_wait3A_32 : memref<16x128xf32, #tpu.memory_space<vmem_shared>>)
        tpu.yield
      }) : () -> ()
    } else {
    }
    %barrier3A = arith.constant 0 : index
    tpu.barrier barrier_id(%barrier3A)
    %scan3A = arith.constant 0 : i32
    %scan3A_11 = arith.constant 0 : i32
    %scan3A_12 = arith.constant 125 : i32
    %scan3A_13 = arith.addi %scan3A_11, %scan3A_12 : i32
    %scan3A_14 = arith.constant 1 : i32
    scf.for %scan3A_26 = %scan3A_11 to %scan3A_13 step %scan3A_14  : i32 {
      %mul3A_27 = arith.constant 80 : i32
      %mul3A_28 = arith.muli %scan3A_26, %mul3A_27 : i32
      %add3A_29 = arith.addi %add3A_4, %mul3A_28 : i32
      %mul3A_30 = arith.constant 80 : i32
      %mul3A_31 = arith.muli %scan3A_26, %mul3A_30 : i32
      %add3A_32 = arith.addi %mul3A_2, %mul3A_31 : i32
      "tpu.region"() ({
        %run_scoped3A = tpu.sem_alloc : memref<!tpu.dma_semaphore, #tpu.memory_space<semaphore_mem>>
        %dma_start3A_43 = tpu.memref_slice %arg4[%add3A_32] : memref<320000xi32, #tpu.memory_space<hbm>> -> memref<80xi32, #tpu.memory_space<hbm>>
        %dma_start3A_44 = tpu.memref_slice %arg4[%add3A_32] : memref<320000xi32, #tpu.memory_space<hbm>> -> memref<80xi32, #tpu.memory_space<hbm>>
        tpu.enqueue_dma source(%dma_start3A_44 : memref<80xi32, #tpu.memory_space<hbm>>) target(%arg8 : memref<80xi32, #tpu.memory_space<vmem>>) target_semaphore(%run_scoped3A : memref<!tpu.dma_semaphore, #tpu.memory_space<semaphore_mem>>)
        %dma_wait3A_45 = tpu.memref_slice %arg4[%add3A_32] : memref<320000xi32, #tpu.memory_space<hbm>> -> memref<80xi32, #tpu.memory_space<hbm>>
        %dma_wait3A_46 = tpu.memref_slice %arg4[%add3A_32] : memref<320000xi32, #tpu.memory_space<hbm>> -> memref<80xi32, #tpu.memory_space<hbm>>
        tpu.wait_dma2 semaphore(%run_scoped3A : memref<!tpu.dma_semaphore, #tpu.memory_space<semaphore_mem>>) src(%dma_wait3A_46 : memref<80xi32, #tpu.memory_space<hbm>>) dst(%arg8 : memref<80xi32, #tpu.memory_space<vmem>>)
        tpu.yield
      }) : () -> ()
      "tpu.region"() ({
        %run_scoped3A = tpu.sem_alloc : memref<!tpu.dma_semaphore, #tpu.memory_space<semaphore_mem>>
        %dma_start3A_43 = tpu.memref_slice %arg5[%add3A_32] : memref<320000xi32, #tpu.memory_space<hbm>> -> memref<80xi32, #tpu.memory_space<hbm>>
        %dma_start3A_44 = tpu.memref_slice %arg5[%add3A_32] : memref<320000xi32, #tpu.memory_space<hbm>> -> memref<80xi32, #tpu.memory_space<hbm>>
        tpu.enqueue_dma source(%dma_start3A_44 : memref<80xi32, #tpu.memory_space<hbm>>) target(%arg9 : memref<80xi32, #tpu.memory_space<vmem>>) target_semaphore(%run_scoped3A : memref<!tpu.dma_semaphore, #tpu.memory_space<semaphore_mem>>)
        %dma_wait3A_45 = tpu.memref_slice %arg5[%add3A_32] : memref<320000xi32, #tpu.memory_space<hbm>> -> memref<80xi32, #tpu.memory_space<hbm>>
        %dma_wait3A_46 = tpu.memref_slice %arg5[%add3A_32] : memref<320000xi32, #tpu.memory_space<hbm>> -> memref<80xi32, #tpu.memory_space<hbm>>
        tpu.wait_dma2 semaphore(%run_scoped3A : memref<!tpu.dma_semaphore, #tpu.memory_space<semaphore_mem>>) src(%dma_wait3A_46 : memref<80xi32, #tpu.memory_space<hbm>>) dst(%arg9 : memref<80xi32, #tpu.memory_space<vmem>>)
        tpu.yield
      }) : () -> ()
      %dma_start3A = arith.constant 0 : i32
      %dma_start3A_33 = arith.constant 0 : i32
      %dma_start3A_34 = tpu.memref_slice %arg2[%dma_start3A, %dma_start3A_33] : memref<10000x128xf32, #tpu.memory_space<hbm>> -> memref<10000x128xf32, #tpu.memory_space<hbm>>
      tpu.enqueue_indirect_dma source(%dma_start3A_34 : memref<10000x128xf32, #tpu.memory_space<hbm>>) target(%arg10 : memref<80x128xf32, #tpu.memory_space<vmem>>) offsets(%arg8 : memref<80xi32, #tpu.memory_space<vmem>>) semaphore(%arg13 : memref<!tpu.dma_semaphore, #tpu.memory_space<semaphore_mem>>)
      "tpu.region"() ({
        %run_scoped3A = tpu.sem_alloc : memref<!tpu.dma_semaphore, #tpu.memory_space<semaphore_mem>>
        %dma_start3A_43 = arith.constant 0 : i32
        %dma_start3A_44 = tpu.memref_slice %arg3[%add3A_29, %dma_start3A_43] : memref<1920000x128xf32, #tpu.memory_space<hbm>> -> memref<80x128xf32, #tpu.memory_space<hbm>>
        %dma_start3A_45 = arith.constant 0 : i32
        %dma_start3A_46 = tpu.memref_slice %arg3[%add3A_29, %dma_start3A_45] : memref<1920000x128xf32, #tpu.memory_space<hbm>> -> memref<80x128xf32, #tpu.memory_space<hbm>>
        tpu.enqueue_dma source(%dma_start3A_46 : memref<80x128xf32, #tpu.memory_space<hbm>>) target(%arg11 : memref<80x128xf32, #tpu.memory_space<vmem>>) target_semaphore(%run_scoped3A : memref<!tpu.dma_semaphore, #tpu.memory_space<semaphore_mem>>)
        %dma_wait3A_47 = arith.constant 0 : i32
        %dma_wait3A_48 = tpu.memref_slice %arg3[%add3A_29, %dma_wait3A_47] : memref<1920000x128xf32, #tpu.memory_space<hbm>> -> memref<80x128xf32, #tpu.memory_space<hbm>>
        %dma_wait3A_49 = arith.constant 0 : i32
        %dma_wait3A_50 = tpu.memref_slice %arg3[%add3A_29, %dma_wait3A_49] : memref<1920000x128xf32, #tpu.memory_space<hbm>> -> memref<80x128xf32, #tpu.memory_space<hbm>>
        tpu.wait_dma2 semaphore(%run_scoped3A : memref<!tpu.dma_semaphore, #tpu.memory_space<semaphore_mem>>) src(%dma_wait3A_50 : memref<80x128xf32, #tpu.memory_space<hbm>>) dst(%arg11 : memref<80x128xf32, #tpu.memory_space<vmem>>)
        tpu.yield
      }) : () -> ()
      %dma_wait3A = arith.constant 0 : i32
      %dma_wait3A_35 = arith.constant 0 : i32
      %dma_wait3A_36 = tpu.memref_slice %arg2[%dma_wait3A, %dma_wait3A_35] : memref<10000x128xf32, #tpu.memory_space<hbm>> -> memref<10000x128xf32, #tpu.memory_space<hbm>>
      tpu.wait_indirect_dma semaphore(%arg13 : memref<!tpu.dma_semaphore, #tpu.memory_space<semaphore_mem>>) src(%dma_wait3A_36 : memref<10000x128xf32, #tpu.memory_space<hbm>>) dst(%arg10 : memref<80x128xf32, #tpu.memory_space<vmem>>)
      %scan3A_37 = arith.constant 0 : i32
      %scan3A_38 = arith.constant 0 : i32
      %scan3A_39 = arith.constant 80 : i32
      %scan3A_40 = arith.addi %scan3A_38, %scan3A_39 : i32
      %scan3A_41 = arith.constant 1 : i32
      scf.for %scan3A_43 = %scan3A_38 to %scan3A_40 step %scan3A_41  : i32 {
        %get3A = arith.index_cast %scan3A_43 : i32 to index
        %get3A_44 = arith.constant 0 : index
        %get3A_45 = tpu.vector_load %arg10[%get3A, %get3A_44] {strides = array<i32>} : memref<80x128xf32, #tpu.memory_space<vmem>>, vector<1x16xf32>,
        %get3A_46 = vector.shape_cast %get3A_45 : vector<1x16xf32> to vector<16xf32>
        %get3A_47 = arith.index_cast %scan3A_43 : i32 to index
        %get3A_48 = arith.constant 0 : index
        %get3A_49 = tpu.vector_load %arg11[%get3A_47, %get3A_48] {strides = array<i32>} : memref<80x128xf32, #tpu.memory_space<vmem>>, vector<1x16xf32>,
        %get3A_50 = vector.shape_cast %get3A_49 : vector<1x16xf32> to vector<16xf32>
        %add3A_51 = arith.addf %get3A_46, %get3A_50 : vector<16xf32>
        %max3A = arith.constant 0.000000e+00 : f32
        %max3A_52 = vector.broadcast %max3A : f32 to vector<16xf32>
        %max3A_53 = arith.maximumf %add3A_51, %max3A_52 : vector<16xf32>
        %swap3A = arith.index_cast %scan3A_43 : i32 to index
        %swap3A_54 = arith.constant 0 : index
        %swap3A_55 = tpu.vector_load %arg10[%swap3A, %swap3A_54] {strides = array<i32>} : memref<80x128xf32, #tpu.memory_space<vmem>>, vector<1x16xf32>,
        %swap3A_56 = vector.shape_cast %swap3A_55 : vector<1x16xf32> to vector<16xf32>
        %swap3A_57 = vector.shape_cast %max3A_53 : vector<16xf32> to vector<1x16xf32>
        tpu.vector_store %arg10[%swap3A, %swap3A_54], %swap3A_57 {strides = array<i32>} : memref<80x128xf32, #tpu.memory_space<vmem>>, vector<1x16xf32>,
        %get3A_58 = arith.index_cast %scan3A_43 : i32 to index
        %get3A_59 = arith.constant 16 : index
        %get3A_60 = tpu.vector_load %arg10[%get3A_58, %get3A_59] {strides = array<i32>} : memref<80x128xf32, #tpu.memory_space<vmem>>, vector<1x16xf32>,
        %get3A_61 = vector.shape_cast %get3A_60 : vector<1x16xf32> to vector<16xf32>
        %get3A_62 = arith.index_cast %scan3A_43 : i32 to index
        %get3A_63 = arith.constant 16 : index
        %get3A_64 = tpu.vector_load %arg11[%get3A_62, %get3A_63] {strides = array<i32>} : memref<80x128xf32, #tpu.memory_space<vmem>>, vector<1x16xf32>,
        %get3A_65 = vector.shape_cast %get3A_64 : vector<1x16xf32> to vector<16xf32>
        %add3A_66 = arith.addf %get3A_61, %get3A_65 : vector<16xf32>
        %max3A_67 = arith.constant 0.000000e+00 : f32
        %max3A_68 = vector.broadcast %max3A_67 : f32 to vector<16xf32>
        %max3A_69 = arith.maximumf %add3A_66, %max3A_68 : vector<16xf32>
        %swap3A_70 = arith.index_cast %scan3A_43 : i32 to index
        %swap3A_71 = arith.constant 16 : index
        %swap3A_72 = tpu.vector_load %arg10[%swap3A_70, %swap3A_71] {strides = array<i32>} : memref<80x128xf32, #tpu.memory_space<vmem>>, vector<1x16xf32>,
        %swap3A_73 = vector.shape_cast %swap3A_72 : vector<1x16xf32> to vector<16xf32>
        %swap3A_74 = vector.shape_cast %max3A_69 : vector<16xf32> to vector<1x16xf32>
        tpu.vector_store %arg10[%swap3A_70, %swap3A_71], %swap3A_74 {strides = array<i32>} : memref<80x128xf32, #tpu.memory_space<vmem>>, vector<1x16xf32>,
        %get3A_75 = arith.index_cast %scan3A_43 : i32 to index
        %get3A_76 = arith.constant 32 : index
        %get3A_77 = tpu.vector_load %arg10[%get3A_75, %get3A_76] {strides = array<i32>} : memref<80x128xf32, #tpu.memory_space<vmem>>, vector<1x16xf32>,
        %get3A_78 = vector.shape_cast %get3A_77 : vector<1x16xf32> to vector<16xf32>
        %get3A_79 = arith.index_cast %scan3A_43 : i32 to index
        %get3A_80 = arith.constant 32 : index
        %get3A_81 = tpu.vector_load %arg11[%get3A_79, %get3A_80] {strides = array<i32>} : memref<80x128xf32, #tpu.memory_space<vmem>>, vector<1x16xf32>,
        %get3A_82 = vector.shape_cast %get3A_81 : vector<1x16xf32> to vector<16xf32>
        %add3A_83 = arith.addf %get3A_78, %get3A_82 : vector<16xf32>
        %max3A_84 = arith.constant 0.000000e+00 : f32
        %max3A_85 = vector.broadcast %max3A_84 : f32 to vector<16xf32>
        %max3A_86 = arith.maximumf %add3A_83, %max3A_85 : vector<16xf32>
        %swap3A_87 = arith.index_cast %scan3A_43 : i32 to index
        %swap3A_88 = arith.constant 32 : index
        %swap3A_89 = tpu.vector_load %arg10[%swap3A_87, %swap3A_88] {strides = array<i32>} : memref<80x128xf32, #tpu.memory_space<vmem>>, vector<1x16xf32>,
        %swap3A_90 = vector.shape_cast %swap3A_89 : vector<1x16xf32> to vector<16xf32>
        %swap3A_91 = vector.shape_cast %max3A_86 : vector<16xf32> to vector<1x16xf32>
        tpu.vector_store %arg10[%swap3A_87, %swap3A_88], %swap3A_91 {strides = array<i32>} : memref<80x128xf32, #tpu.memory_space<vmem>>, vector<1x16xf32>,
        %get3A_92 = arith.index_cast %scan3A_43 : i32 to index
        %get3A_93 = arith.constant 48 : index
        %get3A_94 = tpu.vector_load %arg10[%get3A_92, %get3A_93] {strides = array<i32>} : memref<80x128xf32, #tpu.memory_space<vmem>>, vector<1x16xf32>,
        %get3A_95 = vector.shape_cast %get3A_94 : vector<1x16xf32> to vector<16xf32>
        %get3A_96 = arith.index_cast %scan3A_43 : i32 to index
        %get3A_97 = arith.constant 48 : index
        %get3A_98 = tpu.vector_load %arg11[%get3A_96, %get3A_97] {strides = array<i32>} : memref<80x128xf32, #tpu.memory_space<vmem>>, vector<1x16xf32>,
        %get3A_99 = vector.shape_cast %get3A_98 : vector<1x16xf32> to vector<16xf32>
        %add3A_100 = arith.addf %get3A_95, %get3A_99 : vector<16xf32>
        %max3A_101 = arith.constant 0.000000e+00 : f32
        %max3A_102 = vector.broadcast %max3A_101 : f32 to vector<16xf32>
        %max3A_103 = arith.maximumf %add3A_100, %max3A_102 : vector<16xf32>
        %swap3A_104 = arith.index_cast %scan3A_43 : i32 to index
        %swap3A_105 = arith.constant 48 : index
        %swap3A_106 = tpu.vector_load %arg10[%swap3A_104, %swap3A_105] {strides = array<i32>} : memref<80x128xf32, #tpu.memory_space<vmem>>, vector<1x16xf32>,
        %swap3A_107 = vector.shape_cast %swap3A_106 : vector<1x16xf32> to vector<16xf32>
        %swap3A_108 = vector.shape_cast %max3A_103 : vector<16xf32> to vector<1x16xf32>
        tpu.vector_store %arg10[%swap3A_104, %swap3A_105], %swap3A_108 {strides = array<i32>} : memref<80x128xf32, #tpu.memory_space<vmem>>, vector<1x16xf32>,
        %get3A_109 = arith.index_cast %scan3A_43 : i32 to index
        %get3A_110 = arith.constant 64 : index
        %get3A_111 = tpu.vector_load %arg10[%get3A_109, %get3A_110] {strides = array<i32>} : memref<80x128xf32, #tpu.memory_space<vmem>>, vector<1x16xf32>,
        %get3A_112 = vector.shape_cast %get3A_111 : vector<1x16xf32> to vector<16xf32>
        %get3A_113 = arith.index_cast %scan3A_43 : i32 to index
        %get3A_114 = arith.constant 64 : index
        %get3A_115 = tpu.vector_load %arg11[%get3A_113, %get3A_114] {strides = array<i32>} : memref<80x128xf32, #tpu.memory_space<vmem>>, vector<1x16xf32>,
        %get3A_116 = vector.shape_cast %get3A_115 : vector<1x16xf32> to vector<16xf32>
        %add3A_117 = arith.addf %get3A_112, %get3A_116 : vector<16xf32>
        %max3A_118 = arith.constant 0.000000e+00 : f32
        %max3A_119 = vector.broadcast %max3A_118 : f32 to vector<16xf32>
        %max3A_120 = arith.maximumf %add3A_117, %max3A_119 : vector<16xf32>
        %swap3A_121 = arith.index_cast %scan3A_43 : i32 to index
        %swap3A_122 = arith.constant 64 : index
        %swap3A_123 = tpu.vector_load %arg10[%swap3A_121, %swap3A_122] {strides = array<i32>} : memref<80x128xf32, #tpu.memory_space<vmem>>, vector<1x16xf32>,
        %swap3A_124 = vector.shape_cast %swap3A_123 : vector<1x16xf32> to vector<16xf32>
        %swap3A_125 = vector.shape_cast %max3A_120 : vector<16xf32> to vector<1x16xf32>
        tpu.vector_store %arg10[%swap3A_121, %swap3A_122], %swap3A_125 {strides = array<i32>} : memref<80x128xf32, #tpu.memory_space<vmem>>, vector<1x16xf32>,
        %get3A_126 = arith.index_cast %scan3A_43 : i32 to index
        %get3A_127 = arith.constant 80 : index
        %get3A_128 = tpu.vector_load %arg10[%get3A_126, %get3A_127] {strides = array<i32>} : memref<80x128xf32, #tpu.memory_space<vmem>>, vector<1x16xf32>,
        %get3A_129 = vector.shape_cast %get3A_128 : vector<1x16xf32> to vector<16xf32>
        %get3A_130 = arith.index_cast %scan3A_43 : i32 to index
        %get3A_131 = arith.constant 80 : index
        %get3A_132 = tpu.vector_load %arg11[%get3A_130, %get3A_131] {strides = array<i32>} : memref<80x128xf32, #tpu.memory_space<vmem>>, vector<1x16xf32>,
        %get3A_133 = vector.shape_cast %get3A_132 : vector<1x16xf32> to vector<16xf32>
        %add3A_134 = arith.addf %get3A_129, %get3A_133 : vector<16xf32>
        %max3A_135 = arith.constant 0.000000e+00 : f32
        %max3A_136 = vector.broadcast %max3A_135 : f32 to vector<16xf32>
        %max3A_137 = arith.maximumf %add3A_134, %max3A_136 : vector<16xf32>
        %swap3A_138 = arith.index_cast %scan3A_43 : i32 to index
        %swap3A_139 = arith.constant 80 : index
        %swap3A_140 = tpu.vector_load %arg10[%swap3A_138, %swap3A_139] {strides = array<i32>} : memref<80x128xf32, #tpu.memory_space<vmem>>, vector<1x16xf32>,
        %swap3A_141 = vector.shape_cast %swap3A_140 : vector<1x16xf32> to vector<16xf32>
        %swap3A_142 = vector.shape_cast %max3A_137 : vector<16xf32> to vector<1x16xf32>
        tpu.vector_store %arg10[%swap3A_138, %swap3A_139], %swap3A_142 {strides = array<i32>} : memref<80x128xf32, #tpu.memory_space<vmem>>, vector<1x16xf32>,
        %get3A_143 = arith.index_cast %scan3A_43 : i32 to index
        %get3A_144 = arith.constant 96 : index
        %get3A_145 = tpu.vector_load %arg10[%get3A_143, %get3A_144] {strides = array<i32>} : memref<80x128xf32, #tpu.memory_space<vmem>>, vector<1x16xf32>,
        %get3A_146 = vector.shape_cast %get3A_145 : vector<1x16xf32> to vector<16xf32>
        %get3A_147 = arith.index_cast %scan3A_43 : i32 to index
        %get3A_148 = arith.constant 96 : index
        %get3A_149 = tpu.vector_load %arg11[%get3A_147, %get3A_148] {strides = array<i32>} : memref<80x128xf32, #tpu.memory_space<vmem>>, vector<1x16xf32>,
        %get3A_150 = vector.shape_cast %get3A_149 : vector<1x16xf32> to vector<16xf32>
        %add3A_151 = arith.addf %get3A_146, %get3A_150 : vector<16xf32>
        %max3A_152 = arith.constant 0.000000e+00 : f32
        %max3A_153 = vector.broadcast %max3A_152 : f32 to vector<16xf32>
        %max3A_154 = arith.maximumf %add3A_151, %max3A_153 : vector<16xf32>
        %swap3A_155 = arith.index_cast %scan3A_43 : i32 to index
        %swap3A_156 = arith.constant 96 : index
        %swap3A_157 = tpu.vector_load %arg10[%swap3A_155, %swap3A_156] {strides = array<i32>} : memref<80x128xf32, #tpu.memory_space<vmem>>, vector<1x16xf32>,
        %swap3A_158 = vector.shape_cast %swap3A_157 : vector<1x16xf32> to vector<16xf32>
        %swap3A_159 = vector.shape_cast %max3A_154 : vector<16xf32> to vector<1x16xf32>
        tpu.vector_store %arg10[%swap3A_155, %swap3A_156], %swap3A_159 {strides = array<i32>} : memref<80x128xf32, #tpu.memory_space<vmem>>, vector<1x16xf32>,
        %get3A_160 = arith.index_cast %scan3A_43 : i32 to index
        %get3A_161 = arith.constant 112 : index
        %get3A_162 = tpu.vector_load %arg10[%get3A_160, %get3A_161] {strides = array<i32>} : memref<80x128xf32, #tpu.memory_space<vmem>>, vector<1x16xf32>,
        %get3A_163 = vector.shape_cast %get3A_162 : vector<1x16xf32> to vector<16xf32>
        %get3A_164 = arith.index_cast %scan3A_43 : i32 to index
        %get3A_165 = arith.constant 112 : index
        %get3A_166 = tpu.vector_load %arg11[%get3A_164, %get3A_165] {strides = array<i32>} : memref<80x128xf32, #tpu.memory_space<vmem>>, vector<1x16xf32>,
        %get3A_167 = vector.shape_cast %get3A_166 : vector<1x16xf32> to vector<16xf32>
        %add3A_168 = arith.addf %get3A_163, %get3A_167 : vector<16xf32>
        %max3A_169 = arith.constant 0.000000e+00 : f32
        %max3A_170 = vector.broadcast %max3A_169 : f32 to vector<16xf32>
        %max3A_171 = arith.maximumf %add3A_168, %max3A_170 : vector<16xf32>
        %swap3A_172 = arith.index_cast %scan3A_43 : i32 to index
        %swap3A_173 = arith.constant 112 : index
        %swap3A_174 = tpu.vector_load %arg10[%swap3A_172, %swap3A_173] {strides = array<i32>} : memref<80x128xf32, #tpu.memory_space<vmem>>, vector<1x16xf32>,
        %swap3A_175 = vector.shape_cast %swap3A_174 : vector<1x16xf32> to vector<16xf32>
        %swap3A_176 = vector.shape_cast %max3A_171 : vector<16xf32> to vector<1x16xf32>
        tpu.vector_store %arg10[%swap3A_172, %swap3A_173], %swap3A_176 {strides = array<i32>} : memref<80x128xf32, #tpu.memory_space<vmem>>, vector<1x16xf32>,
      }
      %scan3A_42 = arith.constant 80 : i32
      "tpu.region"() ({
        %run_scoped3A = tpu.sem_alloc : memref<!tpu.dma_semaphore, #tpu.memory_space<semaphore_mem>>
        %dma_start3A_43 = arith.constant 0 : i32
        %dma_start3A_44 = arith.constant 0 : i32
        %dma_start3A_45 = tpu.memref_slice %arg12[%dma_start3A_43, %dma_start3A_44] : memref<10000x128xf32, #tpu.memory_space<vmem_shared>> -> memref<10000x128xf32, #tpu.memory_space<vmem_shared>>
        tpu.enqueue_indirect_dma source(%arg10 : memref<80x128xf32, #tpu.memory_space<vmem>>) target(%dma_start3A_45 : memref<10000x128xf32, #tpu.memory_space<vmem_shared>>) offsets(%arg9 : memref<80xi32, #tpu.memory_space<vmem>>) semaphore(%run_scoped3A : memref<!tpu.dma_semaphore, #tpu.memory_space<semaphore_mem>>) {add = true}
        %dma_wait3A_46 = arith.constant 0 : i32
        %dma_wait3A_47 = arith.constant 0 : i32
        %dma_wait3A_48 = tpu.memref_slice %arg12[%dma_wait3A_46, %dma_wait3A_47] : memref<10000x128xf32, #tpu.memory_space<vmem_shared>> -> memref<10000x128xf32, #tpu.memory_space<vmem_shared>>
        tpu.wait_indirect_dma semaphore(%run_scoped3A : memref<!tpu.dma_semaphore, #tpu.memory_space<semaphore_mem>>) src(%arg10 : memref<80x128xf32, #tpu.memory_space<vmem>>) dst(%dma_wait3A_48 : memref<10000x128xf32, #tpu.memory_space<vmem_shared>>)
        tpu.yield
      }) : () -> ()
    }
    %scan3A_15 = arith.constant 125 : i32
    %barrier3A_16 = arith.constant 0 : index
    tpu.barrier barrier_id(%barrier3A_16)
    %mul3A_17 = arith.constant 624 : i32
    %mul3A_18 = arith.muli %arg1, %mul3A_17 : i32
    %mul3A_19 = arith.constant 624 : i32
    %mul3A_20 = arith.muli %arg1, %mul3A_19 : i32
    "tpu.region"() ({
      %run_scoped3A = tpu.sem_alloc : memref<!tpu.dma_semaphore, #tpu.memory_space<semaphore_mem>>
      %dma_start3A = arith.constant 0 : i32
      %dma_start3A_26 = tpu.memref_slice %arg7[%arg0, %mul3A_20, %dma_start3A] : memref<2x10000x128xf32, #tpu.memory_space<hbm>> -> memref<1x624x128xf32, #tpu.memory_space<hbm>>
      %dma_start3A_27 = tpu.memref_squeeze %dma_start3A_26 : memref<1x624x128xf32, #tpu.memory_space<hbm>> -> memref<624x128xf32, #tpu.memory_space<hbm>>
      %dma_start3A_28 = arith.constant 0 : i32
      %dma_start3A_29 = tpu.memref_slice %arg12[%mul3A_18, %dma_start3A_28] : memref<10000x128xf32, #tpu.memory_space<vmem_shared>> -> memref<624x128xf32, #tpu.memory_space<vmem_shared>>
      tpu.enqueue_dma source(%dma_start3A_29 : memref<624x128xf32, #tpu.memory_space<vmem_shared>>) target(%dma_start3A_27 : memref<624x128xf32, #tpu.memory_space<hbm>>) target_semaphore(%run_scoped3A : memref<!tpu.dma_semaphore, #tpu.memory_space<semaphore_mem>>)
      %dma_wait3A = arith.constant 0 : i32
      %dma_wait3A_30 = tpu.memref_slice %arg7[%arg0, %mul3A_20, %dma_wait3A] : memref<2x10000x128xf32, #tpu.memory_space<hbm>> -> memref<1x624x128xf32, #tpu.memory_space<hbm>>
      %dma_wait3A_31 = tpu.memref_squeeze %dma_wait3A_30 : memref<1x624x128xf32, #tpu.memory_space<hbm>> -> memref<624x128xf32, #tpu.memory_space<hbm>>
      %dma_wait3A_32 = arith.constant 0 : i32
      %dma_wait3A_33 = tpu.memref_slice %arg12[%mul3A_18, %dma_wait3A_32] : memref<10000x128xf32, #tpu.memory_space<vmem_shared>> -> memref<624x128xf32, #tpu.memory_space<vmem_shared>>
      tpu.wait_dma2 semaphore(%run_scoped3A : memref<!tpu.dma_semaphore, #tpu.memory_space<semaphore_mem>>) src(%dma_wait3A_33 : memref<624x128xf32, #tpu.memory_space<vmem_shared>>) dst(%dma_wait3A_31 : memref<624x128xf32, #tpu.memory_space<hbm>>)
      tpu.yield
    }) : () -> ()
    %eq3A_21 = arith.constant 0 : i32
    %eq3A_22 = arith.cmpi eq, %arg1, %eq3A_21 : i32
    %convert_element_type3A_23 = arith.extui %eq3A_22 : i1 to i32
    %cond3A_24 = arith.constant 0 : i32
    %cond3A_25 = arith.cmpi ne, %convert_element_type3A_23, %cond3A_24 : i32
    scf.if %cond3A_25 {
      "tpu.region"() ({
        %run_scoped3A = tpu.sem_alloc : memref<!tpu.dma_semaphore, #tpu.memory_space<semaphore_mem>>
        %dma_start3A = arith.constant 9984 : i32
        %dma_start3A_26 = arith.constant 0 : i32
        %dma_start3A_27 = tpu.memref_slice %arg7[%arg0, %dma_start3A, %dma_start3A_26] : memref<2x10000x128xf32, #tpu.memory_space<hbm>> -> memref<1x16x128xf32, #tpu.memory_space<hbm>>
        %dma_start3A_28 = tpu.memref_squeeze %dma_start3A_27 : memref<1x16x128xf32, #tpu.memory_space<hbm>> -> memref<16x128xf32, #tpu.memory_space<hbm>>
        %dma_start3A_29 = arith.constant 9984 : i32
        %dma_start3A_30 = arith.constant 0 : i32
        %dma_start3A_31 = tpu.memref_slice %arg12[%dma_start3A_29, %dma_start3A_30] : memref<10000x128xf32, #tpu.memory_space<vmem_shared>> -> memref<16x128xf32, #tpu.memory_space<vmem_shared>>
        tpu.enqueue_dma source(%dma_start3A_31 : memref<16x128xf32, #tpu.memory_space<vmem_shared>>) target(%dma_start3A_28 : memref<16x128xf32, #tpu.memory_space<hbm>>) target_semaphore(%run_scoped3A : memref<!tpu.dma_semaphore, #tpu.memory_space<semaphore_mem>>)
        %dma_wait3A = arith.constant 9984 : i32
        %dma_wait3A_32 = arith.constant 0 : i32
        %dma_wait3A_33 = tpu.memref_slice %arg7[%arg0, %dma_wait3A, %dma_wait3A_32] : memref<2x10000x128xf32, #tpu.memory_space<hbm>> -> memref<1x16x128xf32, #tpu.memory_space<hbm>>
        %dma_wait3A_34 = tpu.memref_squeeze %dma_wait3A_33 : memref<1x16x128xf32, #tpu.memory_space<hbm>> -> memref<16x128xf32, #tpu.memory_space<hbm>>
        %dma_wait3A_35 = arith.constant 9984 : i32
        %dma_wait3A_36 = arith.constant 0 : i32
        %dma_wait3A_37 = tpu.memref_slice %arg12[%dma_wait3A_35, %dma_wait3A_36] : memref<10000x128xf32, #tpu.memory_space<vmem_shared>> -> memref<16x128xf32, #tpu.memory_space<vmem_shared>>
        tpu.wait_dma2 semaphore(%run_scoped3A : memref<!tpu.dma_semaphore, #tpu.memory_space<semaphore_mem>>) src(%dma_wait3A_37 : memref<16x128xf32, #tpu.memory_space<vmem_shared>>) dst(%dma_wait3A_34 : memref<16x128xf32, #tpu.memory_space<hbm>>)
        tpu.yield
      }) : () -> ()
    } else {
    }
    return
  }
}

#map = affine_map<(d0, d1) -> (0, 0)>
#map1 = affine_map<(d0, d1) -> (0)>
#map2 = affine_map<(d0, d1) -> (0, 0, 0)>
module attributes {stable_mosaic.version = 14 : i64} {
  func.func @sc_aggr(%arg0: i32, %arg1: i32, %arg2: memref<10000x128xf32, #tpu.memory_space<hbm>>, %arg3: memref<1920000x128xf32, #tpu.memory_space<hbm>>, %arg4: memref<320000xi32, #tpu.memory_space<hbm>>, %arg5: memref<320000xi32, #tpu.memory_space<hbm>>, %arg6: memref<10000x128xf32, #tpu.memory_space<hbm>>, %arg7: memref<2x10000x128xf32, #tpu.memory_space<hbm>>, %arg8: memref<80xi32, #tpu.memory_space<vmem>>, %arg9: memref<80xi32, #tpu.memory_space<vmem>>, %arg10: memref<80x128xf32, #tpu.memory_space<vmem>>, %arg11: memref<80x128xf32, #tpu.memory_space<vmem>>, %arg12: memref<10000x128xf32, #tpu.memory_space<vmem_shared>>, %arg13: memref<!tpu.dma_semaphore, #tpu.memory_space<semaphore_mem>>) attributes {dimension_semantics = [#tpu.dimension_semantics<core_parallel>, #tpu.dimension_semantics<subcore_parallel>], iteration_bounds = array<i64: 2, 16>, scalar_prefetch = 0 : i64, scratch_operands = 6 : i64, tpu.core_type = #tpu.core_type<sc_vector_subcore>, window_params = [{transform_indices = #map}, {transform_indices = #map}, {transform_indices = #map1}, {transform_indices = #map1}, {transform_indices = #map}, {transform_indices = #map2}]} {
    %mul3A = arith.constant 2 : i32
    %mul3A_0 = arith.muli %arg1, %mul3A : i32
    %add3A = arith.addi %mul3A_0, %arg0 : i32
    %mul3A_1 = arith.constant 10000 : i32
    %mul3A_2 = arith.muli %add3A, %mul3A_1 : i32
    %add3A_3 = arith.constant 1280000 : i32
    %add3A_4 = arith.addi %add3A_3, %mul3A_2 : i32
    %mul3A_5 = arith.constant 624 : i32
    %mul3A_6 = arith.muli %arg1, %mul3A_5 : i32
    %mul3A_7 = arith.constant 624 : i32
    %mul3A_8 = arith.muli %arg1, %mul3A_7 : i32
    "tpu.region"() ({
      %run_scoped3A = tpu.sem_alloc : memref<!tpu.dma_semaphore, #tpu.memory_space<semaphore_mem>>
      %dma_start3A = arith.constant 0 : i32
      %dma_start3A_26 = tpu.memref_slice %arg12[%mul3A_8, %dma_start3A] : memref<10000x128xf32, #tpu.memory_space<vmem_shared>> -> memref<624x128xf32, #tpu.memory_space<vmem_shared>>
      %dma_start3A_27 = arith.constant 0 : i32
      %dma_start3A_28 = tpu.memref_slice %arg6[%mul3A_6, %dma_start3A_27] : memref<10000x128xf32, #tpu.memory_space<hbm>> -> memref<624x128xf32, #tpu.memory_space<hbm>>
      tpu.enqueue_dma source(%dma_start3A_28 : memref<624x128xf32, #tpu.memory_space<hbm>>) target(%dma_start3A_26 : memref<624x128xf32, #tpu.memory_space<vmem_shared>>) target_semaphore(%run_scoped3A : memref<!tpu.dma_semaphore, #tpu.memory_space<semaphore_mem>>)
      %dma_wait3A = arith.constant 0 : i32
      %dma_wait3A_29 = tpu.memref_slice %arg12[%mul3A_8, %dma_wait3A] : memref<10000x128xf32, #tpu.memory_space<vmem_shared>> -> memref<624x128xf32, #tpu.memory_space<vmem_shared>>
      %dma_wait3A_30 = arith.constant 0 : i32
      %dma_wait3A_31 = tpu.memref_slice %arg6[%mul3A_6, %dma_wait3A_30] : memref<10000x128xf32, #tpu.memory_space<hbm>> -> memref<624x128xf32, #tpu.memory_space<hbm>>
      tpu.wait_dma2 semaphore(%run_scoped3A : memref<!tpu.dma_semaphore, #tpu.memory_space<semaphore_mem>>) src(%dma_wait3A_31 : memref<624x128xf32, #tpu.memory_space<hbm>>) dst(%dma_wait3A_29 : memref<624x128xf32, #tpu.memory_space<vmem_shared>>)
      tpu.yield
    }) : () -> ()
    %eq3A = arith.constant 0 : i32
    %eq3A_9 = arith.cmpi eq, %arg1, %eq3A : i32
    %convert_element_type3A = arith.extui %eq3A_9 : i1 to i32
    %cond3A = arith.constant 0 : i32
    %cond3A_10 = arith.cmpi ne, %convert_element_type3A, %cond3A : i32
    scf.if %cond3A_10 {
      "tpu.region"() ({
        %run_scoped3A = tpu.sem_alloc : memref<!tpu.dma_semaphore, #tpu.memory_space<semaphore_mem>>
        %dma_start3A = arith.constant 9984 : i32
        %dma_start3A_26 = arith.constant 0 : i32
        %dma_start3A_27 = tpu.memref_slice %arg12[%dma_start3A, %dma_start3A_26] : memref<10000x128xf32, #tpu.memory_space<vmem_shared>> -> memref<16x128xf32, #tpu.memory_space<vmem_shared>>
        %dma_start3A_28 = arith.constant 9984 : i32
        %dma_start3A_29 = arith.constant 0 : i32
        %dma_start3A_30 = tpu.memref_slice %arg6[%dma_start3A_28, %dma_start3A_29] : memref<10000x128xf32, #tpu.memory_space<hbm>> -> memref<16x128xf32, #tpu.memory_space<hbm>>
        tpu.enqueue_dma source(%dma_start3A_30 : memref<16x128xf32, #tpu.memory_space<hbm>>) target(%dma_start3A_27 : memref<16x128xf32, #tpu.memory_space<vmem_shared>>) target_semaphore(%run_scoped3A : memref<!tpu.dma_semaphore, #tpu.memory_space<semaphore_mem>>)
        %dma_wait3A = arith.constant 9984 : i32
        %dma_wait3A_31 = arith.constant 0 : i32
        %dma_wait3A_32 = tpu.memref_slice %arg12[%dma_wait3A, %dma_wait3A_31] : memref<10000x128xf32, #tpu.memory_space<vmem_shared>> -> memref<16x128xf32, #tpu.memory_space<vmem_shared>>
        %dma_wait3A_33 = arith.constant 9984 : i32
        %dma_wait3A_34 = arith.constant 0 : i32
        %dma_wait3A_35 = tpu.memref_slice %arg6[%dma_wait3A_33, %dma_wait3A_34] : memref<10000x128xf32, #tpu.memory_space<hbm>> -> memref<16x128xf32, #tpu.memory_space<hbm>>
        tpu.wait_dma2 semaphore(%run_scoped3A : memref<!tpu.dma_semaphore, #tpu.memory_space<semaphore_mem>>) src(%dma_wait3A_35 : memref<16x128xf32, #tpu.memory_space<hbm>>) dst(%dma_wait3A_32 : memref<16x128xf32, #tpu.memory_space<vmem_shared>>)
        tpu.yield
      }) : () -> ()
    } else {
    }
    %barrier3A = arith.constant 0 : index
    tpu.barrier barrier_id(%barrier3A)
    %scan3A = arith.constant 0 : i32
    %scan3A_11 = arith.constant 0 : i32
    %scan3A_12 = arith.constant 125 : i32
    %scan3A_13 = arith.addi %scan3A_11, %scan3A_12 : i32
    %scan3A_14 = arith.constant 1 : i32
    scf.for %scan3A_26 = %scan3A_11 to %scan3A_13 step %scan3A_14  : i32 {
      %mul3A_27 = arith.constant 80 : i32
      %mul3A_28 = arith.muli %scan3A_26, %mul3A_27 : i32
      %add3A_29 = arith.addi %add3A_4, %mul3A_28 : i32
      %mul3A_30 = arith.constant 80 : i32
      %mul3A_31 = arith.muli %scan3A_26, %mul3A_30 : i32
      %add3A_32 = arith.addi %mul3A_2, %mul3A_31 : i32
      "tpu.region"() ({
        %run_scoped3A = tpu.sem_alloc : memref<!tpu.dma_semaphore, #tpu.memory_space<semaphore_mem>>
        %dma_start3A_43 = tpu.memref_slice %arg4[%add3A_32] : memref<320000xi32, #tpu.memory_space<hbm>> -> memref<80xi32, #tpu.memory_space<hbm>>
        %dma_start3A_44 = tpu.memref_slice %arg4[%add3A_32] : memref<320000xi32, #tpu.memory_space<hbm>> -> memref<80xi32, #tpu.memory_space<hbm>>
        tpu.enqueue_dma source(%dma_start3A_44 : memref<80xi32, #tpu.memory_space<hbm>>) target(%arg8 : memref<80xi32, #tpu.memory_space<vmem>>) target_semaphore(%run_scoped3A : memref<!tpu.dma_semaphore, #tpu.memory_space<semaphore_mem>>)
        %dma_wait3A_45 = tpu.memref_slice %arg4[%add3A_32] : memref<320000xi32, #tpu.memory_space<hbm>> -> memref<80xi32, #tpu.memory_space<hbm>>
        %dma_wait3A_46 = tpu.memref_slice %arg4[%add3A_32] : memref<320000xi32, #tpu.memory_space<hbm>> -> memref<80xi32, #tpu.memory_space<hbm>>
        tpu.wait_dma2 semaphore(%run_scoped3A : memref<!tpu.dma_semaphore, #tpu.memory_space<semaphore_mem>>) src(%dma_wait3A_46 : memref<80xi32, #tpu.memory_space<hbm>>) dst(%arg8 : memref<80xi32, #tpu.memory_space<vmem>>)
        tpu.yield
      }) : () -> ()
      "tpu.region"() ({
        %run_scoped3A = tpu.sem_alloc : memref<!tpu.dma_semaphore, #tpu.memory_space<semaphore_mem>>
        %dma_start3A_43 = tpu.memref_slice %arg5[%add3A_32] : memref<320000xi32, #tpu.memory_space<hbm>> -> memref<80xi32, #tpu.memory_space<hbm>>
        %dma_start3A_44 = tpu.memref_slice %arg5[%add3A_32] : memref<320000xi32, #tpu.memory_space<hbm>> -> memref<80xi32, #tpu.memory_space<hbm>>
        tpu.enqueue_dma source(%dma_start3A_44 : memref<80xi32, #tpu.memory_space<hbm>>) target(%arg9 : memref<80xi32, #tpu.memory_space<vmem>>) target_semaphore(%run_scoped3A : memref<!tpu.dma_semaphore, #tpu.memory_space<semaphore_mem>>)
        %dma_wait3A_45 = tpu.memref_slice %arg5[%add3A_32] : memref<320000xi32, #tpu.memory_space<hbm>> -> memref<80xi32, #tpu.memory_space<hbm>>
        %dma_wait3A_46 = tpu.memref_slice %arg5[%add3A_32] : memref<320000xi32, #tpu.memory_space<hbm>> -> memref<80xi32, #tpu.memory_space<hbm>>
        tpu.wait_dma2 semaphore(%run_scoped3A : memref<!tpu.dma_semaphore, #tpu.memory_space<semaphore_mem>>) src(%dma_wait3A_46 : memref<80xi32, #tpu.memory_space<hbm>>) dst(%arg9 : memref<80xi32, #tpu.memory_space<vmem>>)
        tpu.yield
      }) : () -> ()
      %dma_start3A = arith.constant 0 : i32
      %dma_start3A_33 = arith.constant 0 : i32
      %dma_start3A_34 = tpu.memref_slice %arg2[%dma_start3A, %dma_start3A_33] : memref<10000x128xf32, #tpu.memory_space<hbm>> -> memref<10000x128xf32, #tpu.memory_space<hbm>>
      tpu.enqueue_indirect_dma source(%dma_start3A_34 : memref<10000x128xf32, #tpu.memory_space<hbm>>) target(%arg10 : memref<80x128xf32, #tpu.memory_space<vmem>>) offsets(%arg8 : memref<80xi32, #tpu.memory_space<vmem>>) semaphore(%arg13 : memref<!tpu.dma_semaphore, #tpu.memory_space<semaphore_mem>>)
      "tpu.region"() ({
        %run_scoped3A = tpu.sem_alloc : memref<!tpu.dma_semaphore, #tpu.memory_space<semaphore_mem>>
        %dma_start3A_43 = arith.constant 0 : i32
        %dma_start3A_44 = tpu.memref_slice %arg3[%add3A_29, %dma_start3A_43] : memref<1920000x128xf32, #tpu.memory_space<hbm>> -> memref<80x128xf32, #tpu.memory_space<hbm>>
        %dma_start3A_45 = arith.constant 0 : i32
        %dma_start3A_46 = tpu.memref_slice %arg3[%add3A_29, %dma_start3A_45] : memref<1920000x128xf32, #tpu.memory_space<hbm>> -> memref<80x128xf32, #tpu.memory_space<hbm>>
        tpu.enqueue_dma source(%dma_start3A_46 : memref<80x128xf32, #tpu.memory_space<hbm>>) target(%arg11 : memref<80x128xf32, #tpu.memory_space<vmem>>) target_semaphore(%run_scoped3A : memref<!tpu.dma_semaphore, #tpu.memory_space<semaphore_mem>>)
        %dma_wait3A_47 = arith.constant 0 : i32
        %dma_wait3A_48 = tpu.memref_slice %arg3[%add3A_29, %dma_wait3A_47] : memref<1920000x128xf32, #tpu.memory_space<hbm>> -> memref<80x128xf32, #tpu.memory_space<hbm>>
        %dma_wait3A_49 = arith.constant 0 : i32
        %dma_wait3A_50 = tpu.memref_slice %arg3[%add3A_29, %dma_wait3A_49] : memref<1920000x128xf32, #tpu.memory_space<hbm>> -> memref<80x128xf32, #tpu.memory_space<hbm>>
        tpu.wait_dma2 semaphore(%run_scoped3A : memref<!tpu.dma_semaphore, #tpu.memory_space<semaphore_mem>>) src(%dma_wait3A_50 : memref<80x128xf32, #tpu.memory_space<hbm>>) dst(%arg11 : memref<80x128xf32, #tpu.memory_space<vmem>>)
        tpu.yield
      }) : () -> ()
      %dma_wait3A = arith.constant 0 : i32
      %dma_wait3A_35 = arith.constant 0 : i32
      %dma_wait3A_36 = tpu.memref_slice %arg2[%dma_wait3A, %dma_wait3A_35] : memref<10000x128xf32, #tpu.memory_space<hbm>> -> memref<10000x128xf32, #tpu.memory_space<hbm>>
      tpu.wait_indirect_dma semaphore(%arg13 : memref<!tpu.dma_semaphore, #tpu.memory_space<semaphore_mem>>) src(%dma_wait3A_36 : memref<10000x128xf32, #tpu.memory_space<hbm>>) dst(%arg10 : memref<80x128xf32, #tpu.memory_space<vmem>>)
      %scan3A_37 = arith.constant 0 : i32
      %scan3A_38 = arith.constant 0 : i32
      %scan3A_39 = arith.constant 80 : i32
      %scan3A_40 = arith.addi %scan3A_38, %scan3A_39 : i32
      %scan3A_41 = arith.constant 1 : i32
      scf.for %scan3A_43 = %scan3A_38 to %scan3A_40 step %scan3A_41  : i32 {
        %get3A = arith.index_cast %scan3A_43 : i32 to index
        %get3A_44 = arith.constant 0 : index
        %get3A_45 = tpu.vector_load %arg10[%get3A, %get3A_44] {strides = array<i32>} : memref<80x128xf32, #tpu.memory_space<vmem>>, vector<1x16xf32>,
        %get3A_46 = vector.shape_cast %get3A_45 : vector<1x16xf32> to vector<16xf32>
        %get3A_47 = arith.index_cast %scan3A_43 : i32 to index
        %get3A_48 = arith.constant 0 : index
        %get3A_49 = tpu.vector_load %arg11[%get3A_47, %get3A_48] {strides = array<i32>} : memref<80x128xf32, #tpu.memory_space<vmem>>, vector<1x16xf32>,
        %get3A_50 = vector.shape_cast %get3A_49 : vector<1x16xf32> to vector<16xf32>
        %add3A_51 = arith.addf %get3A_46, %get3A_50 : vector<16xf32>
        %max3A = arith.constant 0.000000e+00 : f32
        %max3A_52 = vector.broadcast %max3A : f32 to vector<16xf32>
        %max3A_53 = arith.maximumf %add3A_51, %max3A_52 : vector<16xf32>
        %swap3A = arith.index_cast %scan3A_43 : i32 to index
        %swap3A_54 = arith.constant 0 : index
        %swap3A_55 = tpu.vector_load %arg10[%swap3A, %swap3A_54] {strides = array<i32>} : memref<80x128xf32, #tpu.memory_space<vmem>>, vector<1x16xf32>,
        %swap3A_56 = vector.shape_cast %swap3A_55 : vector<1x16xf32> to vector<16xf32>
        %swap3A_57 = vector.shape_cast %max3A_53 : vector<16xf32> to vector<1x16xf32>
        tpu.vector_store %arg10[%swap3A, %swap3A_54], %swap3A_57 {strides = array<i32>} : memref<80x128xf32, #tpu.memory_space<vmem>>, vector<1x16xf32>,
        %get3A_58 = arith.index_cast %scan3A_43 : i32 to index
        %get3A_59 = arith.constant 16 : index
        %get3A_60 = tpu.vector_load %arg10[%get3A_58, %get3A_59] {strides = array<i32>} : memref<80x128xf32, #tpu.memory_space<vmem>>, vector<1x16xf32>,
        %get3A_61 = vector.shape_cast %get3A_60 : vector<1x16xf32> to vector<16xf32>
        %get3A_62 = arith.index_cast %scan3A_43 : i32 to index
        %get3A_63 = arith.constant 16 : index
        %get3A_64 = tpu.vector_load %arg11[%get3A_62, %get3A_63] {strides = array<i32>} : memref<80x128xf32, #tpu.memory_space<vmem>>, vector<1x16xf32>,
        %get3A_65 = vector.shape_cast %get3A_64 : vector<1x16xf32> to vector<16xf32>
        %add3A_66 = arith.addf %get3A_61, %get3A_65 : vector<16xf32>
        %max3A_67 = arith.constant 0.000000e+00 : f32
        %max3A_68 = vector.broadcast %max3A_67 : f32 to vector<16xf32>
        %max3A_69 = arith.maximumf %add3A_66, %max3A_68 : vector<16xf32>
        %swap3A_70 = arith.index_cast %scan3A_43 : i32 to index
        %swap3A_71 = arith.constant 16 : index
        %swap3A_72 = tpu.vector_load %arg10[%swap3A_70, %swap3A_71] {strides = array<i32>} : memref<80x128xf32, #tpu.memory_space<vmem>>, vector<1x16xf32>,
        %swap3A_73 = vector.shape_cast %swap3A_72 : vector<1x16xf32> to vector<16xf32>
        %swap3A_74 = vector.shape_cast %max3A_69 : vector<16xf32> to vector<1x16xf32>
        tpu.vector_store %arg10[%swap3A_70, %swap3A_71], %swap3A_74 {strides = array<i32>} : memref<80x128xf32, #tpu.memory_space<vmem>>, vector<1x16xf32>,
        %get3A_75 = arith.index_cast %scan3A_43 : i32 to index
        %get3A_76 = arith.constant 32 : index
        %get3A_77 = tpu.vector_load %arg10[%get3A_75, %get3A_76] {strides = array<i32>} : memref<80x128xf32, #tpu.memory_space<vmem>>, vector<1x16xf32>,
        %get3A_78 = vector.shape_cast %get3A_77 : vector<1x16xf32> to vector<16xf32>
        %get3A_79 = arith.index_cast %scan3A_43 : i32 to index
        %get3A_80 = arith.constant 32 : index
        %get3A_81 = tpu.vector_load %arg11[%get3A_79, %get3A_80] {strides = array<i32>} : memref<80x128xf32, #tpu.memory_space<vmem>>, vector<1x16xf32>,
        %get3A_82 = vector.shape_cast %get3A_81 : vector<1x16xf32> to vector<16xf32>
        %add3A_83 = arith.addf %get3A_78, %get3A_82 : vector<16xf32>
        %max3A_84 = arith.constant 0.000000e+00 : f32
        %max3A_85 = vector.broadcast %max3A_84 : f32 to vector<16xf32>
        %max3A_86 = arith.maximumf %add3A_83, %max3A_85 : vector<16xf32>
        %swap3A_87 = arith.index_cast %scan3A_43 : i32 to index
        %swap3A_88 = arith.constant 32 : index
        %swap3A_89 = tpu.vector_load %arg10[%swap3A_87, %swap3A_88] {strides = array<i32>} : memref<80x128xf32, #tpu.memory_space<vmem>>, vector<1x16xf32>,
        %swap3A_90 = vector.shape_cast %swap3A_89 : vector<1x16xf32> to vector<16xf32>
        %swap3A_91 = vector.shape_cast %max3A_86 : vector<16xf32> to vector<1x16xf32>
        tpu.vector_store %arg10[%swap3A_87, %swap3A_88], %swap3A_91 {strides = array<i32>} : memref<80x128xf32, #tpu.memory_space<vmem>>, vector<1x16xf32>,
        %get3A_92 = arith.index_cast %scan3A_43 : i32 to index
        %get3A_93 = arith.constant 48 : index
        %get3A_94 = tpu.vector_load %arg10[%get3A_92, %get3A_93] {strides = array<i32>} : memref<80x128xf32, #tpu.memory_space<vmem>>, vector<1x16xf32>,
        %get3A_95 = vector.shape_cast %get3A_94 : vector<1x16xf32> to vector<16xf32>
        %get3A_96 = arith.index_cast %scan3A_43 : i32 to index
        %get3A_97 = arith.constant 48 : index
        %get3A_98 = tpu.vector_load %arg11[%get3A_96, %get3A_97] {strides = array<i32>} : memref<80x128xf32, #tpu.memory_space<vmem>>, vector<1x16xf32>,
        %get3A_99 = vector.shape_cast %get3A_98 : vector<1x16xf32> to vector<16xf32>
        %add3A_100 = arith.addf %get3A_95, %get3A_99 : vector<16xf32>
        %max3A_101 = arith.constant 0.000000e+00 : f32
        %max3A_102 = vector.broadcast %max3A_101 : f32 to vector<16xf32>
        %max3A_103 = arith.maximumf %add3A_100, %max3A_102 : vector<16xf32>
        %swap3A_104 = arith.index_cast %scan3A_43 : i32 to index
        %swap3A_105 = arith.constant 48 : index
        %swap3A_106 = tpu.vector_load %arg10[%swap3A_104, %swap3A_105] {strides = array<i32>} : memref<80x128xf32, #tpu.memory_space<vmem>>, vector<1x16xf32>,
        %swap3A_107 = vector.shape_cast %swap3A_106 : vector<1x16xf32> to vector<16xf32>
        %swap3A_108 = vector.shape_cast %max3A_103 : vector<16xf32> to vector<1x16xf32>
        tpu.vector_store %arg10[%swap3A_104, %swap3A_105], %swap3A_108 {strides = array<i32>} : memref<80x128xf32, #tpu.memory_space<vmem>>, vector<1x16xf32>,
        %get3A_109 = arith.index_cast %scan3A_43 : i32 to index
        %get3A_110 = arith.constant 64 : index
        %get3A_111 = tpu.vector_load %arg10[%get3A_109, %get3A_110] {strides = array<i32>} : memref<80x128xf32, #tpu.memory_space<vmem>>, vector<1x16xf32>,
        %get3A_112 = vector.shape_cast %get3A_111 : vector<1x16xf32> to vector<16xf32>
        %get3A_113 = arith.index_cast %scan3A_43 : i32 to index
        %get3A_114 = arith.constant 64 : index
        %get3A_115 = tpu.vector_load %arg11[%get3A_113, %get3A_114] {strides = array<i32>} : memref<80x128xf32, #tpu.memory_space<vmem>>, vector<1x16xf32>,
        %get3A_116 = vector.shape_cast %get3A_115 : vector<1x16xf32> to vector<16xf32>
        %add3A_117 = arith.addf %get3A_112, %get3A_116 : vector<16xf32>
        %max3A_118 = arith.constant 0.000000e+00 : f32
        %max3A_119 = vector.broadcast %max3A_118 : f32 to vector<16xf32>
        %max3A_120 = arith.maximumf %add3A_117, %max3A_119 : vector<16xf32>
        %swap3A_121 = arith.index_cast %scan3A_43 : i32 to index
        %swap3A_122 = arith.constant 64 : index
        %swap3A_123 = tpu.vector_load %arg10[%swap3A_121, %swap3A_122] {strides = array<i32>} : memref<80x128xf32, #tpu.memory_space<vmem>>, vector<1x16xf32>,
        %swap3A_124 = vector.shape_cast %swap3A_123 : vector<1x16xf32> to vector<16xf32>
        %swap3A_125 = vector.shape_cast %max3A_120 : vector<16xf32> to vector<1x16xf32>
        tpu.vector_store %arg10[%swap3A_121, %swap3A_122], %swap3A_125 {strides = array<i32>} : memref<80x128xf32, #tpu.memory_space<vmem>>, vector<1x16xf32>,
        %get3A_126 = arith.index_cast %scan3A_43 : i32 to index
        %get3A_127 = arith.constant 80 : index
        %get3A_128 = tpu.vector_load %arg10[%get3A_126, %get3A_127] {strides = array<i32>} : memref<80x128xf32, #tpu.memory_space<vmem>>, vector<1x16xf32>,
        %get3A_129 = vector.shape_cast %get3A_128 : vector<1x16xf32> to vector<16xf32>
        %get3A_130 = arith.index_cast %scan3A_43 : i32 to index
        %get3A_131 = arith.constant 80 : index
        %get3A_132 = tpu.vector_load %arg11[%get3A_130, %get3A_131] {strides = array<i32>} : memref<80x128xf32, #tpu.memory_space<vmem>>, vector<1x16xf32>,
        %get3A_133 = vector.shape_cast %get3A_132 : vector<1x16xf32> to vector<16xf32>
        %add3A_134 = arith.addf %get3A_129, %get3A_133 : vector<16xf32>
        %max3A_135 = arith.constant 0.000000e+00 : f32
        %max3A_136 = vector.broadcast %max3A_135 : f32 to vector<16xf32>
        %max3A_137 = arith.maximumf %add3A_134, %max3A_136 : vector<16xf32>
        %swap3A_138 = arith.index_cast %scan3A_43 : i32 to index
        %swap3A_139 = arith.constant 80 : index
        %swap3A_140 = tpu.vector_load %arg10[%swap3A_138, %swap3A_139] {strides = array<i32>} : memref<80x128xf32, #tpu.memory_space<vmem>>, vector<1x16xf32>,
        %swap3A_141 = vector.shape_cast %swap3A_140 : vector<1x16xf32> to vector<16xf32>
        %swap3A_142 = vector.shape_cast %max3A_137 : vector<16xf32> to vector<1x16xf32>
        tpu.vector_store %arg10[%swap3A_138, %swap3A_139], %swap3A_142 {strides = array<i32>} : memref<80x128xf32, #tpu.memory_space<vmem>>, vector<1x16xf32>,
        %get3A_143 = arith.index_cast %scan3A_43 : i32 to index
        %get3A_144 = arith.constant 96 : index
        %get3A_145 = tpu.vector_load %arg10[%get3A_143, %get3A_144] {strides = array<i32>} : memref<80x128xf32, #tpu.memory_space<vmem>>, vector<1x16xf32>,
        %get3A_146 = vector.shape_cast %get3A_145 : vector<1x16xf32> to vector<16xf32>
        %get3A_147 = arith.index_cast %scan3A_43 : i32 to index
        %get3A_148 = arith.constant 96 : index
        %get3A_149 = tpu.vector_load %arg11[%get3A_147, %get3A_148] {strides = array<i32>} : memref<80x128xf32, #tpu.memory_space<vmem>>, vector<1x16xf32>,
        %get3A_150 = vector.shape_cast %get3A_149 : vector<1x16xf32> to vector<16xf32>
        %add3A_151 = arith.addf %get3A_146, %get3A_150 : vector<16xf32>
        %max3A_152 = arith.constant 0.000000e+00 : f32
        %max3A_153 = vector.broadcast %max3A_152 : f32 to vector<16xf32>
        %max3A_154 = arith.maximumf %add3A_151, %max3A_153 : vector<16xf32>
        %swap3A_155 = arith.index_cast %scan3A_43 : i32 to index
        %swap3A_156 = arith.constant 96 : index
        %swap3A_157 = tpu.vector_load %arg10[%swap3A_155, %swap3A_156] {strides = array<i32>} : memref<80x128xf32, #tpu.memory_space<vmem>>, vector<1x16xf32>,
        %swap3A_158 = vector.shape_cast %swap3A_157 : vector<1x16xf32> to vector<16xf32>
        %swap3A_159 = vector.shape_cast %max3A_154 : vector<16xf32> to vector<1x16xf32>
        tpu.vector_store %arg10[%swap3A_155, %swap3A_156], %swap3A_159 {strides = array<i32>} : memref<80x128xf32, #tpu.memory_space<vmem>>, vector<1x16xf32>,
        %get3A_160 = arith.index_cast %scan3A_43 : i32 to index
        %get3A_161 = arith.constant 112 : index
        %get3A_162 = tpu.vector_load %arg10[%get3A_160, %get3A_161] {strides = array<i32>} : memref<80x128xf32, #tpu.memory_space<vmem>>, vector<1x16xf32>,
        %get3A_163 = vector.shape_cast %get3A_162 : vector<1x16xf32> to vector<16xf32>
        %get3A_164 = arith.index_cast %scan3A_43 : i32 to index
        %get3A_165 = arith.constant 112 : index
        %get3A_166 = tpu.vector_load %arg11[%get3A_164, %get3A_165] {strides = array<i32>} : memref<80x128xf32, #tpu.memory_space<vmem>>, vector<1x16xf32>,
        %get3A_167 = vector.shape_cast %get3A_166 : vector<1x16xf32> to vector<16xf32>
        %add3A_168 = arith.addf %get3A_163, %get3A_167 : vector<16xf32>
        %max3A_169 = arith.constant 0.000000e+00 : f32
        %max3A_170 = vector.broadcast %max3A_169 : f32 to vector<16xf32>
        %max3A_171 = arith.maximumf %add3A_168, %max3A_170 : vector<16xf32>
        %swap3A_172 = arith.index_cast %scan3A_43 : i32 to index
        %swap3A_173 = arith.constant 112 : index
        %swap3A_174 = tpu.vector_load %arg10[%swap3A_172, %swap3A_173] {strides = array<i32>} : memref<80x128xf32, #tpu.memory_space<vmem>>, vector<1x16xf32>,
        %swap3A_175 = vector.shape_cast %swap3A_174 : vector<1x16xf32> to vector<16xf32>
        %swap3A_176 = vector.shape_cast %max3A_171 : vector<16xf32> to vector<1x16xf32>
        tpu.vector_store %arg10[%swap3A_172, %swap3A_173], %swap3A_176 {strides = array<i32>} : memref<80x128xf32, #tpu.memory_space<vmem>>, vector<1x16xf32>,
      }
      %scan3A_42 = arith.constant 80 : i32
      "tpu.region"() ({
        %run_scoped3A = tpu.sem_alloc : memref<!tpu.dma_semaphore, #tpu.memory_space<semaphore_mem>>
        %dma_start3A_43 = arith.constant 0 : i32
        %dma_start3A_44 = arith.constant 0 : i32
        %dma_start3A_45 = tpu.memref_slice %arg12[%dma_start3A_43, %dma_start3A_44] : memref<10000x128xf32, #tpu.memory_space<vmem_shared>> -> memref<10000x128xf32, #tpu.memory_space<vmem_shared>>
        tpu.enqueue_indirect_dma source(%arg10 : memref<80x128xf32, #tpu.memory_space<vmem>>) target(%dma_start3A_45 : memref<10000x128xf32, #tpu.memory_space<vmem_shared>>) offsets(%arg9 : memref<80xi32, #tpu.memory_space<vmem>>) semaphore(%run_scoped3A : memref<!tpu.dma_semaphore, #tpu.memory_space<semaphore_mem>>) {add = true}
        %dma_wait3A_46 = arith.constant 0 : i32
        %dma_wait3A_47 = arith.constant 0 : i32
        %dma_wait3A_48 = tpu.memref_slice %arg12[%dma_wait3A_46, %dma_wait3A_47] : memref<10000x128xf32, #tpu.memory_space<vmem_shared>> -> memref<10000x128xf32, #tpu.memory_space<vmem_shared>>
        tpu.wait_indirect_dma semaphore(%run_scoped3A : memref<!tpu.dma_semaphore, #tpu.memory_space<semaphore_mem>>) src(%arg10 : memref<80x128xf32, #tpu.memory_space<vmem>>) dst(%dma_wait3A_48 : memref<10000x128xf32, #tpu.memory_space<vmem_shared>>)
        tpu.yield
      }) : () -> ()
    }
    %scan3A_15 = arith.constant 125 : i32
    %barrier3A_16 = arith.constant 0 : index
    tpu.barrier barrier_id(%barrier3A_16)
    %mul3A_17 = arith.constant 624 : i32
    %mul3A_18 = arith.muli %arg1, %mul3A_17 : i32
    %mul3A_19 = arith.constant 624 : i32
    %mul3A_20 = arith.muli %arg1, %mul3A_19 : i32
    "tpu.region"() ({
      %run_scoped3A = tpu.sem_alloc : memref<!tpu.dma_semaphore, #tpu.memory_space<semaphore_mem>>
      %dma_start3A = arith.constant 0 : i32
      %dma_start3A_26 = tpu.memref_slice %arg7[%arg0, %mul3A_20, %dma_start3A] : memref<2x10000x128xf32, #tpu.memory_space<hbm>> -> memref<1x624x128xf32, #tpu.memory_space<hbm>>
      %dma_start3A_27 = tpu.memref_squeeze %dma_start3A_26 : memref<1x624x128xf32, #tpu.memory_space<hbm>> -> memref<624x128xf32, #tpu.memory_space<hbm>>
      %dma_start3A_28 = arith.constant 0 : i32
      %dma_start3A_29 = tpu.memref_slice %arg12[%mul3A_18, %dma_start3A_28] : memref<10000x128xf32, #tpu.memory_space<vmem_shared>> -> memref<624x128xf32, #tpu.memory_space<vmem_shared>>
      tpu.enqueue_dma source(%dma_start3A_29 : memref<624x128xf32, #tpu.memory_space<vmem_shared>>) target(%dma_start3A_27 : memref<624x128xf32, #tpu.memory_space<hbm>>) target_semaphore(%run_scoped3A : memref<!tpu.dma_semaphore, #tpu.memory_space<semaphore_mem>>)
      %dma_wait3A = arith.constant 0 : i32
      %dma_wait3A_30 = tpu.memref_slice %arg7[%arg0, %mul3A_20, %dma_wait3A] : memref<2x10000x128xf32, #tpu.memory_space<hbm>> -> memref<1x624x128xf32, #tpu.memory_space<hbm>>
      %dma_wait3A_31 = tpu.memref_squeeze %dma_wait3A_30 : memref<1x624x128xf32, #tpu.memory_space<hbm>> -> memref<624x128xf32, #tpu.memory_space<hbm>>
      %dma_wait3A_32 = arith.constant 0 : i32
      %dma_wait3A_33 = tpu.memref_slice %arg12[%mul3A_18, %dma_wait3A_32] : memref<10000x128xf32, #tpu.memory_space<vmem_shared>> -> memref<624x128xf32, #tpu.memory_space<vmem_shared>>
      tpu.wait_dma2 semaphore(%run_scoped3A : memref<!tpu.dma_semaphore, #tpu.memory_space<semaphore_mem>>) src(%dma_wait3A_33 : memref<624x128xf32, #tpu.memory_space<vmem_shared>>) dst(%dma_wait3A_31 : memref<624x128xf32, #tpu.memory_space<hbm>>)
      tpu.yield
    }) : () -> ()
    %eq3A_21 = arith.constant 0 : i32
    %eq3A_22 = arith.cmpi eq, %arg1, %eq3A_21 : i32
    %convert_element_type3A_23 = arith.extui %eq3A_22 : i1 to i32
    %cond3A_24 = arith.constant 0 : i32
    %cond3A_25 = arith.cmpi ne, %convert_element_type3A_23, %cond3A_24 : i32
    scf.if %cond3A_25 {
      "tpu.region"() ({
        %run_scoped3A = tpu.sem_alloc : memref<!tpu.dma_semaphore, #tpu.memory_space<semaphore_mem>>
        %dma_start3A = arith.constant 9984 : i32
        %dma_start3A_26 = arith.constant 0 : i32
        %dma_start3A_27 = tpu.memref_slice %arg7[%arg0, %dma_start3A, %dma_start3A_26] : memref<2x10000x128xf32, #tpu.memory_space<hbm>> -> memref<1x16x128xf32, #tpu.memory_space<hbm>>
        %dma_start3A_28 = tpu.memref_squeeze %dma_start3A_27 : memref<1x16x128xf32, #tpu.memory_space<hbm>> -> memref<16x128xf32, #tpu.memory_space<hbm>>
        %dma_start3A_29 = arith.constant 9984 : i32
        %dma_start3A_30 = arith.constant 0 : i32
        %dma_start3A_31 = tpu.memref_slice %arg12[%dma_start3A_29, %dma_start3A_30] : memref<10000x128xf32, #tpu.memory_space<vmem_shared>> -> memref<16x128xf32, #tpu.memory_space<vmem_shared>>
        tpu.enqueue_dma source(%dma_start3A_31 : memref<16x128xf32, #tpu.memory_space<vmem_shared>>) target(%dma_start3A_28 : memref<16x128xf32, #tpu.memory_space<hbm>>) target_semaphore(%run_scoped3A : memref<!tpu.dma_semaphore, #tpu.memory_space<semaphore_mem>>)
        %dma_wait3A = arith.constant 9984 : i32
        %dma_wait3A_32 = arith.constant 0 : i32
        %dma_wait3A_33 = tpu.memref_slice %arg7[%arg0, %dma_wait3A, %dma_wait3A_32] : memref<2x10000x128xf32, #tpu.memory_space<hbm>> -> memref<1x16x128xf32, #tpu.memory_space<hbm>>
        %dma_wait3A_34 = tpu.memref_squeeze %dma_wait3A_33 : memref<1x16x128xf32, #tpu.memory_space<hbm>> -> memref<16x128xf32, #tpu.memory_space<hbm>>
        %dma_wait3A_35 = arith.constant 9984 : i32
        %dma_wait3A_36 = arith.constant 0 : i32
        %dma_wait3A_37 = tpu.memref_slice %arg12[%dma_wait3A_35, %dma_wait3A_36] : memref<10000x128xf32, #tpu.memory_space<vmem_shared>> -> memref<16x128xf32, #tpu.memory_space<vmem_shared>>
        tpu.wait_dma2 semaphore(%run_scoped3A : memref<!tpu.dma_semaphore, #tpu.memory_space<semaphore_mem>>) src(%dma_wait3A_37 : memref<16x128xf32, #tpu.memory_space<vmem_shared>>) dst(%dma_wait3A_34 : memref<16x128xf32, #tpu.memory_space<hbm>>)
        tpu.yield
      }) : () -> ()
    } else {
    }
    return
  }
}

#map = affine_map<(d0, d1) -> (0, 0)>
#map1 = affine_map<(d0, d1) -> (0)>
#map2 = affine_map<(d0, d1) -> (0, 0, 0)>
module attributes {stable_mosaic.version = 14 : i64} {
  func.func @sc_aggr(%arg0: i32, %arg1: i32, %arg2: memref<10000x128xf32, #tpu.memory_space<hbm>>, %arg3: memref<1920000x128xf32, #tpu.memory_space<hbm>>, %arg4: memref<320000xi32, #tpu.memory_space<hbm>>, %arg5: memref<320000xi32, #tpu.memory_space<hbm>>, %arg6: memref<10000x128xf32, #tpu.memory_space<hbm>>, %arg7: memref<2x10000x128xf32, #tpu.memory_space<hbm>>, %arg8: memref<80xi32, #tpu.memory_space<vmem>>, %arg9: memref<80xi32, #tpu.memory_space<vmem>>, %arg10: memref<80x128xf32, #tpu.memory_space<vmem>>, %arg11: memref<80x128xf32, #tpu.memory_space<vmem>>, %arg12: memref<10000x128xf32, #tpu.memory_space<vmem_shared>>, %arg13: memref<!tpu.dma_semaphore, #tpu.memory_space<semaphore_mem>>) attributes {dimension_semantics = [#tpu.dimension_semantics<core_parallel>, #tpu.dimension_semantics<subcore_parallel>], iteration_bounds = array<i64: 2, 16>, scalar_prefetch = 0 : i64, scratch_operands = 6 : i64, tpu.core_type = #tpu.core_type<sc_vector_subcore>, window_params = [{transform_indices = #map}, {transform_indices = #map}, {transform_indices = #map1}, {transform_indices = #map1}, {transform_indices = #map}, {transform_indices = #map2}]} {
    %mul3A = arith.constant 2 : i32
    %mul3A_0 = arith.muli %arg1, %mul3A : i32
    %add3A = arith.addi %mul3A_0, %arg0 : i32
    %mul3A_1 = arith.constant 10000 : i32
    %mul3A_2 = arith.muli %add3A, %mul3A_1 : i32
    %add3A_3 = arith.constant 1600000 : i32
    %add3A_4 = arith.addi %add3A_3, %mul3A_2 : i32
    %mul3A_5 = arith.constant 624 : i32
    %mul3A_6 = arith.muli %arg1, %mul3A_5 : i32
    %mul3A_7 = arith.constant 624 : i32
    %mul3A_8 = arith.muli %arg1, %mul3A_7 : i32
    "tpu.region"() ({
      %run_scoped3A = tpu.sem_alloc : memref<!tpu.dma_semaphore, #tpu.memory_space<semaphore_mem>>
      %dma_start3A = arith.constant 0 : i32
      %dma_start3A_26 = tpu.memref_slice %arg12[%mul3A_8, %dma_start3A] : memref<10000x128xf32, #tpu.memory_space<vmem_shared>> -> memref<624x128xf32, #tpu.memory_space<vmem_shared>>
      %dma_start3A_27 = arith.constant 0 : i32
      %dma_start3A_28 = tpu.memref_slice %arg6[%mul3A_6, %dma_start3A_27] : memref<10000x128xf32, #tpu.memory_space<hbm>> -> memref<624x128xf32, #tpu.memory_space<hbm>>
      tpu.enqueue_dma source(%dma_start3A_28 : memref<624x128xf32, #tpu.memory_space<hbm>>) target(%dma_start3A_26 : memref<624x128xf32, #tpu.memory_space<vmem_shared>>) target_semaphore(%run_scoped3A : memref<!tpu.dma_semaphore, #tpu.memory_space<semaphore_mem>>)
      %dma_wait3A = arith.constant 0 : i32
      %dma_wait3A_29 = tpu.memref_slice %arg12[%mul3A_8, %dma_wait3A] : memref<10000x128xf32, #tpu.memory_space<vmem_shared>> -> memref<624x128xf32, #tpu.memory_space<vmem_shared>>
      %dma_wait3A_30 = arith.constant 0 : i32
      %dma_wait3A_31 = tpu.memref_slice %arg6[%mul3A_6, %dma_wait3A_30] : memref<10000x128xf32, #tpu.memory_space<hbm>> -> memref<624x128xf32, #tpu.memory_space<hbm>>
      tpu.wait_dma2 semaphore(%run_scoped3A : memref<!tpu.dma_semaphore, #tpu.memory_space<semaphore_mem>>) src(%dma_wait3A_31 : memref<624x128xf32, #tpu.memory_space<hbm>>) dst(%dma_wait3A_29 : memref<624x128xf32, #tpu.memory_space<vmem_shared>>)
      tpu.yield
    }) : () -> ()
    %eq3A = arith.constant 0 : i32
    %eq3A_9 = arith.cmpi eq, %arg1, %eq3A : i32
    %convert_element_type3A = arith.extui %eq3A_9 : i1 to i32
    %cond3A = arith.constant 0 : i32
    %cond3A_10 = arith.cmpi ne, %convert_element_type3A, %cond3A : i32
    scf.if %cond3A_10 {
      "tpu.region"() ({
        %run_scoped3A = tpu.sem_alloc : memref<!tpu.dma_semaphore, #tpu.memory_space<semaphore_mem>>
        %dma_start3A = arith.constant 9984 : i32
        %dma_start3A_26 = arith.constant 0 : i32
        %dma_start3A_27 = tpu.memref_slice %arg12[%dma_start3A, %dma_start3A_26] : memref<10000x128xf32, #tpu.memory_space<vmem_shared>> -> memref<16x128xf32, #tpu.memory_space<vmem_shared>>
        %dma_start3A_28 = arith.constant 9984 : i32
        %dma_start3A_29 = arith.constant 0 : i32
        %dma_start3A_30 = tpu.memref_slice %arg6[%dma_start3A_28, %dma_start3A_29] : memref<10000x128xf32, #tpu.memory_space<hbm>> -> memref<16x128xf32, #tpu.memory_space<hbm>>
        tpu.enqueue_dma source(%dma_start3A_30 : memref<16x128xf32, #tpu.memory_space<hbm>>) target(%dma_start3A_27 : memref<16x128xf32, #tpu.memory_space<vmem_shared>>) target_semaphore(%run_scoped3A : memref<!tpu.dma_semaphore, #tpu.memory_space<semaphore_mem>>)
        %dma_wait3A = arith.constant 9984 : i32
        %dma_wait3A_31 = arith.constant 0 : i32
        %dma_wait3A_32 = tpu.memref_slice %arg12[%dma_wait3A, %dma_wait3A_31] : memref<10000x128xf32, #tpu.memory_space<vmem_shared>> -> memref<16x128xf32, #tpu.memory_space<vmem_shared>>
        %dma_wait3A_33 = arith.constant 9984 : i32
        %dma_wait3A_34 = arith.constant 0 : i32
        %dma_wait3A_35 = tpu.memref_slice %arg6[%dma_wait3A_33, %dma_wait3A_34] : memref<10000x128xf32, #tpu.memory_space<hbm>> -> memref<16x128xf32, #tpu.memory_space<hbm>>
        tpu.wait_dma2 semaphore(%run_scoped3A : memref<!tpu.dma_semaphore, #tpu.memory_space<semaphore_mem>>) src(%dma_wait3A_35 : memref<16x128xf32, #tpu.memory_space<hbm>>) dst(%dma_wait3A_32 : memref<16x128xf32, #tpu.memory_space<vmem_shared>>)
        tpu.yield
      }) : () -> ()
    } else {
    }
    %barrier3A = arith.constant 0 : index
    tpu.barrier barrier_id(%barrier3A)
    %scan3A = arith.constant 0 : i32
    %scan3A_11 = arith.constant 0 : i32
    %scan3A_12 = arith.constant 125 : i32
    %scan3A_13 = arith.addi %scan3A_11, %scan3A_12 : i32
    %scan3A_14 = arith.constant 1 : i32
    scf.for %scan3A_26 = %scan3A_11 to %scan3A_13 step %scan3A_14  : i32 {
      %mul3A_27 = arith.constant 80 : i32
      %mul3A_28 = arith.muli %scan3A_26, %mul3A_27 : i32
      %add3A_29 = arith.addi %add3A_4, %mul3A_28 : i32
      %mul3A_30 = arith.constant 80 : i32
      %mul3A_31 = arith.muli %scan3A_26, %mul3A_30 : i32
      %add3A_32 = arith.addi %mul3A_2, %mul3A_31 : i32
      "tpu.region"() ({
        %run_scoped3A = tpu.sem_alloc : memref<!tpu.dma_semaphore, #tpu.memory_space<semaphore_mem>>
        %dma_start3A_43 = tpu.memref_slice %arg4[%add3A_32] : memref<320000xi32, #tpu.memory_space<hbm>> -> memref<80xi32, #tpu.memory_space<hbm>>
        %dma_start3A_44 = tpu.memref_slice %arg4[%add3A_32] : memref<320000xi32, #tpu.memory_space<hbm>> -> memref<80xi32, #tpu.memory_space<hbm>>
        tpu.enqueue_dma source(%dma_start3A_44 : memref<80xi32, #tpu.memory_space<hbm>>) target(%arg8 : memref<80xi32, #tpu.memory_space<vmem>>) target_semaphore(%run_scoped3A : memref<!tpu.dma_semaphore, #tpu.memory_space<semaphore_mem>>)
        %dma_wait3A_45 = tpu.memref_slice %arg4[%add3A_32] : memref<320000xi32, #tpu.memory_space<hbm>> -> memref<80xi32, #tpu.memory_space<hbm>>
        %dma_wait3A_46 = tpu.memref_slice %arg4[%add3A_32] : memref<320000xi32, #tpu.memory_space<hbm>> -> memref<80xi32, #tpu.memory_space<hbm>>
        tpu.wait_dma2 semaphore(%run_scoped3A : memref<!tpu.dma_semaphore, #tpu.memory_space<semaphore_mem>>) src(%dma_wait3A_46 : memref<80xi32, #tpu.memory_space<hbm>>) dst(%arg8 : memref<80xi32, #tpu.memory_space<vmem>>)
        tpu.yield
      }) : () -> ()
      "tpu.region"() ({
        %run_scoped3A = tpu.sem_alloc : memref<!tpu.dma_semaphore, #tpu.memory_space<semaphore_mem>>
        %dma_start3A_43 = tpu.memref_slice %arg5[%add3A_32] : memref<320000xi32, #tpu.memory_space<hbm>> -> memref<80xi32, #tpu.memory_space<hbm>>
        %dma_start3A_44 = tpu.memref_slice %arg5[%add3A_32] : memref<320000xi32, #tpu.memory_space<hbm>> -> memref<80xi32, #tpu.memory_space<hbm>>
        tpu.enqueue_dma source(%dma_start3A_44 : memref<80xi32, #tpu.memory_space<hbm>>) target(%arg9 : memref<80xi32, #tpu.memory_space<vmem>>) target_semaphore(%run_scoped3A : memref<!tpu.dma_semaphore, #tpu.memory_space<semaphore_mem>>)
        %dma_wait3A_45 = tpu.memref_slice %arg5[%add3A_32] : memref<320000xi32, #tpu.memory_space<hbm>> -> memref<80xi32, #tpu.memory_space<hbm>>
        %dma_wait3A_46 = tpu.memref_slice %arg5[%add3A_32] : memref<320000xi32, #tpu.memory_space<hbm>> -> memref<80xi32, #tpu.memory_space<hbm>>
        tpu.wait_dma2 semaphore(%run_scoped3A : memref<!tpu.dma_semaphore, #tpu.memory_space<semaphore_mem>>) src(%dma_wait3A_46 : memref<80xi32, #tpu.memory_space<hbm>>) dst(%arg9 : memref<80xi32, #tpu.memory_space<vmem>>)
        tpu.yield
      }) : () -> ()
      %dma_start3A = arith.constant 0 : i32
      %dma_start3A_33 = arith.constant 0 : i32
      %dma_start3A_34 = tpu.memref_slice %arg2[%dma_start3A, %dma_start3A_33] : memref<10000x128xf32, #tpu.memory_space<hbm>> -> memref<10000x128xf32, #tpu.memory_space<hbm>>
      tpu.enqueue_indirect_dma source(%dma_start3A_34 : memref<10000x128xf32, #tpu.memory_space<hbm>>) target(%arg10 : memref<80x128xf32, #tpu.memory_space<vmem>>) offsets(%arg8 : memref<80xi32, #tpu.memory_space<vmem>>) semaphore(%arg13 : memref<!tpu.dma_semaphore, #tpu.memory_space<semaphore_mem>>)
      "tpu.region"() ({
        %run_scoped3A = tpu.sem_alloc : memref<!tpu.dma_semaphore, #tpu.memory_space<semaphore_mem>>
        %dma_start3A_43 = arith.constant 0 : i32
        %dma_start3A_44 = tpu.memref_slice %arg3[%add3A_29, %dma_start3A_43] : memref<1920000x128xf32, #tpu.memory_space<hbm>> -> memref<80x128xf32, #tpu.memory_space<hbm>>
        %dma_start3A_45 = arith.constant 0 : i32
        %dma_start3A_46 = tpu.memref_slice %arg3[%add3A_29, %dma_start3A_45] : memref<1920000x128xf32, #tpu.memory_space<hbm>> -> memref<80x128xf32, #tpu.memory_space<hbm>>
        tpu.enqueue_dma source(%dma_start3A_46 : memref<80x128xf32, #tpu.memory_space<hbm>>) target(%arg11 : memref<80x128xf32, #tpu.memory_space<vmem>>) target_semaphore(%run_scoped3A : memref<!tpu.dma_semaphore, #tpu.memory_space<semaphore_mem>>)
        %dma_wait3A_47 = arith.constant 0 : i32
        %dma_wait3A_48 = tpu.memref_slice %arg3[%add3A_29, %dma_wait3A_47] : memref<1920000x128xf32, #tpu.memory_space<hbm>> -> memref<80x128xf32, #tpu.memory_space<hbm>>
        %dma_wait3A_49 = arith.constant 0 : i32
        %dma_wait3A_50 = tpu.memref_slice %arg3[%add3A_29, %dma_wait3A_49] : memref<1920000x128xf32, #tpu.memory_space<hbm>> -> memref<80x128xf32, #tpu.memory_space<hbm>>
        tpu.wait_dma2 semaphore(%run_scoped3A : memref<!tpu.dma_semaphore, #tpu.memory_space<semaphore_mem>>) src(%dma_wait3A_50 : memref<80x128xf32, #tpu.memory_space<hbm>>) dst(%arg11 : memref<80x128xf32, #tpu.memory_space<vmem>>)
        tpu.yield
      }) : () -> ()
      %dma_wait3A = arith.constant 0 : i32
      %dma_wait3A_35 = arith.constant 0 : i32
      %dma_wait3A_36 = tpu.memref_slice %arg2[%dma_wait3A, %dma_wait3A_35] : memref<10000x128xf32, #tpu.memory_space<hbm>> -> memref<10000x128xf32, #tpu.memory_space<hbm>>
      tpu.wait_indirect_dma semaphore(%arg13 : memref<!tpu.dma_semaphore, #tpu.memory_space<semaphore_mem>>) src(%dma_wait3A_36 : memref<10000x128xf32, #tpu.memory_space<hbm>>) dst(%arg10 : memref<80x128xf32, #tpu.memory_space<vmem>>)
      %scan3A_37 = arith.constant 0 : i32
      %scan3A_38 = arith.constant 0 : i32
      %scan3A_39 = arith.constant 80 : i32
      %scan3A_40 = arith.addi %scan3A_38, %scan3A_39 : i32
      %scan3A_41 = arith.constant 1 : i32
      scf.for %scan3A_43 = %scan3A_38 to %scan3A_40 step %scan3A_41  : i32 {
        %get3A = arith.index_cast %scan3A_43 : i32 to index
        %get3A_44 = arith.constant 0 : index
        %get3A_45 = tpu.vector_load %arg10[%get3A, %get3A_44] {strides = array<i32>} : memref<80x128xf32, #tpu.memory_space<vmem>>, vector<1x16xf32>,
        %get3A_46 = vector.shape_cast %get3A_45 : vector<1x16xf32> to vector<16xf32>
        %get3A_47 = arith.index_cast %scan3A_43 : i32 to index
        %get3A_48 = arith.constant 0 : index
        %get3A_49 = tpu.vector_load %arg11[%get3A_47, %get3A_48] {strides = array<i32>} : memref<80x128xf32, #tpu.memory_space<vmem>>, vector<1x16xf32>,
        %get3A_50 = vector.shape_cast %get3A_49 : vector<1x16xf32> to vector<16xf32>
        %add3A_51 = arith.addf %get3A_46, %get3A_50 : vector<16xf32>
        %max3A = arith.constant 0.000000e+00 : f32
        %max3A_52 = vector.broadcast %max3A : f32 to vector<16xf32>
        %max3A_53 = arith.maximumf %add3A_51, %max3A_52 : vector<16xf32>
        %swap3A = arith.index_cast %scan3A_43 : i32 to index
        %swap3A_54 = arith.constant 0 : index
        %swap3A_55 = tpu.vector_load %arg10[%swap3A, %swap3A_54] {strides = array<i32>} : memref<80x128xf32, #tpu.memory_space<vmem>>, vector<1x16xf32>,
        %swap3A_56 = vector.shape_cast %swap3A_55 : vector<1x16xf32> to vector<16xf32>
        %swap3A_57 = vector.shape_cast %max3A_53 : vector<16xf32> to vector<1x16xf32>
        tpu.vector_store %arg10[%swap3A, %swap3A_54], %swap3A_57 {strides = array<i32>} : memref<80x128xf32, #tpu.memory_space<vmem>>, vector<1x16xf32>,
        %get3A_58 = arith.index_cast %scan3A_43 : i32 to index
        %get3A_59 = arith.constant 16 : index
        %get3A_60 = tpu.vector_load %arg10[%get3A_58, %get3A_59] {strides = array<i32>} : memref<80x128xf32, #tpu.memory_space<vmem>>, vector<1x16xf32>,
        %get3A_61 = vector.shape_cast %get3A_60 : vector<1x16xf32> to vector<16xf32>
        %get3A_62 = arith.index_cast %scan3A_43 : i32 to index
        %get3A_63 = arith.constant 16 : index
        %get3A_64 = tpu.vector_load %arg11[%get3A_62, %get3A_63] {strides = array<i32>} : memref<80x128xf32, #tpu.memory_space<vmem>>, vector<1x16xf32>,
        %get3A_65 = vector.shape_cast %get3A_64 : vector<1x16xf32> to vector<16xf32>
        %add3A_66 = arith.addf %get3A_61, %get3A_65 : vector<16xf32>
        %max3A_67 = arith.constant 0.000000e+00 : f32
        %max3A_68 = vector.broadcast %max3A_67 : f32 to vector<16xf32>
        %max3A_69 = arith.maximumf %add3A_66, %max3A_68 : vector<16xf32>
        %swap3A_70 = arith.index_cast %scan3A_43 : i32 to index
        %swap3A_71 = arith.constant 16 : index
        %swap3A_72 = tpu.vector_load %arg10[%swap3A_70, %swap3A_71] {strides = array<i32>} : memref<80x128xf32, #tpu.memory_space<vmem>>, vector<1x16xf32>,
        %swap3A_73 = vector.shape_cast %swap3A_72 : vector<1x16xf32> to vector<16xf32>
        %swap3A_74 = vector.shape_cast %max3A_69 : vector<16xf32> to vector<1x16xf32>
        tpu.vector_store %arg10[%swap3A_70, %swap3A_71], %swap3A_74 {strides = array<i32>} : memref<80x128xf32, #tpu.memory_space<vmem>>, vector<1x16xf32>,
        %get3A_75 = arith.index_cast %scan3A_43 : i32 to index
        %get3A_76 = arith.constant 32 : index
        %get3A_77 = tpu.vector_load %arg10[%get3A_75, %get3A_76] {strides = array<i32>} : memref<80x128xf32, #tpu.memory_space<vmem>>, vector<1x16xf32>,
        %get3A_78 = vector.shape_cast %get3A_77 : vector<1x16xf32> to vector<16xf32>
        %get3A_79 = arith.index_cast %scan3A_43 : i32 to index
        %get3A_80 = arith.constant 32 : index
        %get3A_81 = tpu.vector_load %arg11[%get3A_79, %get3A_80] {strides = array<i32>} : memref<80x128xf32, #tpu.memory_space<vmem>>, vector<1x16xf32>,
        %get3A_82 = vector.shape_cast %get3A_81 : vector<1x16xf32> to vector<16xf32>
        %add3A_83 = arith.addf %get3A_78, %get3A_82 : vector<16xf32>
        %max3A_84 = arith.constant 0.000000e+00 : f32
        %max3A_85 = vector.broadcast %max3A_84 : f32 to vector<16xf32>
        %max3A_86 = arith.maximumf %add3A_83, %max3A_85 : vector<16xf32>
        %swap3A_87 = arith.index_cast %scan3A_43 : i32 to index
        %swap3A_88 = arith.constant 32 : index
        %swap3A_89 = tpu.vector_load %arg10[%swap3A_87, %swap3A_88] {strides = array<i32>} : memref<80x128xf32, #tpu.memory_space<vmem>>, vector<1x16xf32>,
        %swap3A_90 = vector.shape_cast %swap3A_89 : vector<1x16xf32> to vector<16xf32>
        %swap3A_91 = vector.shape_cast %max3A_86 : vector<16xf32> to vector<1x16xf32>
        tpu.vector_store %arg10[%swap3A_87, %swap3A_88], %swap3A_91 {strides = array<i32>} : memref<80x128xf32, #tpu.memory_space<vmem>>, vector<1x16xf32>,
        %get3A_92 = arith.index_cast %scan3A_43 : i32 to index
        %get3A_93 = arith.constant 48 : index
        %get3A_94 = tpu.vector_load %arg10[%get3A_92, %get3A_93] {strides = array<i32>} : memref<80x128xf32, #tpu.memory_space<vmem>>, vector<1x16xf32>,
        %get3A_95 = vector.shape_cast %get3A_94 : vector<1x16xf32> to vector<16xf32>
        %get3A_96 = arith.index_cast %scan3A_43 : i32 to index
        %get3A_97 = arith.constant 48 : index
        %get3A_98 = tpu.vector_load %arg11[%get3A_96, %get3A_97] {strides = array<i32>} : memref<80x128xf32, #tpu.memory_space<vmem>>, vector<1x16xf32>,
        %get3A_99 = vector.shape_cast %get3A_98 : vector<1x16xf32> to vector<16xf32>
        %add3A_100 = arith.addf %get3A_95, %get3A_99 : vector<16xf32>
        %max3A_101 = arith.constant 0.000000e+00 : f32
        %max3A_102 = vector.broadcast %max3A_101 : f32 to vector<16xf32>
        %max3A_103 = arith.maximumf %add3A_100, %max3A_102 : vector<16xf32>
        %swap3A_104 = arith.index_cast %scan3A_43 : i32 to index
        %swap3A_105 = arith.constant 48 : index
        %swap3A_106 = tpu.vector_load %arg10[%swap3A_104, %swap3A_105] {strides = array<i32>} : memref<80x128xf32, #tpu.memory_space<vmem>>, vector<1x16xf32>,
        %swap3A_107 = vector.shape_cast %swap3A_106 : vector<1x16xf32> to vector<16xf32>
        %swap3A_108 = vector.shape_cast %max3A_103 : vector<16xf32> to vector<1x16xf32>
        tpu.vector_store %arg10[%swap3A_104, %swap3A_105], %swap3A_108 {strides = array<i32>} : memref<80x128xf32, #tpu.memory_space<vmem>>, vector<1x16xf32>,
        %get3A_109 = arith.index_cast %scan3A_43 : i32 to index
        %get3A_110 = arith.constant 64 : index
        %get3A_111 = tpu.vector_load %arg10[%get3A_109, %get3A_110] {strides = array<i32>} : memref<80x128xf32, #tpu.memory_space<vmem>>, vector<1x16xf32>,
        %get3A_112 = vector.shape_cast %get3A_111 : vector<1x16xf32> to vector<16xf32>
        %get3A_113 = arith.index_cast %scan3A_43 : i32 to index
        %get3A_114 = arith.constant 64 : index
        %get3A_115 = tpu.vector_load %arg11[%get3A_113, %get3A_114] {strides = array<i32>} : memref<80x128xf32, #tpu.memory_space<vmem>>, vector<1x16xf32>,
        %get3A_116 = vector.shape_cast %get3A_115 : vector<1x16xf32> to vector<16xf32>
        %add3A_117 = arith.addf %get3A_112, %get3A_116 : vector<16xf32>
        %max3A_118 = arith.constant 0.000000e+00 : f32
        %max3A_119 = vector.broadcast %max3A_118 : f32 to vector<16xf32>
        %max3A_120 = arith.maximumf %add3A_117, %max3A_119 : vector<16xf32>
        %swap3A_121 = arith.index_cast %scan3A_43 : i32 to index
        %swap3A_122 = arith.constant 64 : index
        %swap3A_123 = tpu.vector_load %arg10[%swap3A_121, %swap3A_122] {strides = array<i32>} : memref<80x128xf32, #tpu.memory_space<vmem>>, vector<1x16xf32>,
        %swap3A_124 = vector.shape_cast %swap3A_123 : vector<1x16xf32> to vector<16xf32>
        %swap3A_125 = vector.shape_cast %max3A_120 : vector<16xf32> to vector<1x16xf32>
        tpu.vector_store %arg10[%swap3A_121, %swap3A_122], %swap3A_125 {strides = array<i32>} : memref<80x128xf32, #tpu.memory_space<vmem>>, vector<1x16xf32>,
        %get3A_126 = arith.index_cast %scan3A_43 : i32 to index
        %get3A_127 = arith.constant 80 : index
        %get3A_128 = tpu.vector_load %arg10[%get3A_126, %get3A_127] {strides = array<i32>} : memref<80x128xf32, #tpu.memory_space<vmem>>, vector<1x16xf32>,
        %get3A_129 = vector.shape_cast %get3A_128 : vector<1x16xf32> to vector<16xf32>
        %get3A_130 = arith.index_cast %scan3A_43 : i32 to index
        %get3A_131 = arith.constant 80 : index
        %get3A_132 = tpu.vector_load %arg11[%get3A_130, %get3A_131] {strides = array<i32>} : memref<80x128xf32, #tpu.memory_space<vmem>>, vector<1x16xf32>,
        %get3A_133 = vector.shape_cast %get3A_132 : vector<1x16xf32> to vector<16xf32>
        %add3A_134 = arith.addf %get3A_129, %get3A_133 : vector<16xf32>
        %max3A_135 = arith.constant 0.000000e+00 : f32
        %max3A_136 = vector.broadcast %max3A_135 : f32 to vector<16xf32>
        %max3A_137 = arith.maximumf %add3A_134, %max3A_136 : vector<16xf32>
        %swap3A_138 = arith.index_cast %scan3A_43 : i32 to index
        %swap3A_139 = arith.constant 80 : index
        %swap3A_140 = tpu.vector_load %arg10[%swap3A_138, %swap3A_139] {strides = array<i32>} : memref<80x128xf32, #tpu.memory_space<vmem>>, vector<1x16xf32>,
        %swap3A_141 = vector.shape_cast %swap3A_140 : vector<1x16xf32> to vector<16xf32>
        %swap3A_142 = vector.shape_cast %max3A_137 : vector<16xf32> to vector<1x16xf32>
        tpu.vector_store %arg10[%swap3A_138, %swap3A_139], %swap3A_142 {strides = array<i32>} : memref<80x128xf32, #tpu.memory_space<vmem>>, vector<1x16xf32>,
        %get3A_143 = arith.index_cast %scan3A_43 : i32 to index
        %get3A_144 = arith.constant 96 : index
        %get3A_145 = tpu.vector_load %arg10[%get3A_143, %get3A_144] {strides = array<i32>} : memref<80x128xf32, #tpu.memory_space<vmem>>, vector<1x16xf32>,
        %get3A_146 = vector.shape_cast %get3A_145 : vector<1x16xf32> to vector<16xf32>
        %get3A_147 = arith.index_cast %scan3A_43 : i32 to index
        %get3A_148 = arith.constant 96 : index
        %get3A_149 = tpu.vector_load %arg11[%get3A_147, %get3A_148] {strides = array<i32>} : memref<80x128xf32, #tpu.memory_space<vmem>>, vector<1x16xf32>,
        %get3A_150 = vector.shape_cast %get3A_149 : vector<1x16xf32> to vector<16xf32>
        %add3A_151 = arith.addf %get3A_146, %get3A_150 : vector<16xf32>
        %max3A_152 = arith.constant 0.000000e+00 : f32
        %max3A_153 = vector.broadcast %max3A_152 : f32 to vector<16xf32>
        %max3A_154 = arith.maximumf %add3A_151, %max3A_153 : vector<16xf32>
        %swap3A_155 = arith.index_cast %scan3A_43 : i32 to index
        %swap3A_156 = arith.constant 96 : index
        %swap3A_157 = tpu.vector_load %arg10[%swap3A_155, %swap3A_156] {strides = array<i32>} : memref<80x128xf32, #tpu.memory_space<vmem>>, vector<1x16xf32>,
        %swap3A_158 = vector.shape_cast %swap3A_157 : vector<1x16xf32> to vector<16xf32>
        %swap3A_159 = vector.shape_cast %max3A_154 : vector<16xf32> to vector<1x16xf32>
        tpu.vector_store %arg10[%swap3A_155, %swap3A_156], %swap3A_159 {strides = array<i32>} : memref<80x128xf32, #tpu.memory_space<vmem>>, vector<1x16xf32>,
        %get3A_160 = arith.index_cast %scan3A_43 : i32 to index
        %get3A_161 = arith.constant 112 : index
        %get3A_162 = tpu.vector_load %arg10[%get3A_160, %get3A_161] {strides = array<i32>} : memref<80x128xf32, #tpu.memory_space<vmem>>, vector<1x16xf32>,
        %get3A_163 = vector.shape_cast %get3A_162 : vector<1x16xf32> to vector<16xf32>
        %get3A_164 = arith.index_cast %scan3A_43 : i32 to index
        %get3A_165 = arith.constant 112 : index
        %get3A_166 = tpu.vector_load %arg11[%get3A_164, %get3A_165] {strides = array<i32>} : memref<80x128xf32, #tpu.memory_space<vmem>>, vector<1x16xf32>,
        %get3A_167 = vector.shape_cast %get3A_166 : vector<1x16xf32> to vector<16xf32>
        %add3A_168 = arith.addf %get3A_163, %get3A_167 : vector<16xf32>
        %max3A_169 = arith.constant 0.000000e+00 : f32
        %max3A_170 = vector.broadcast %max3A_169 : f32 to vector<16xf32>
        %max3A_171 = arith.maximumf %add3A_168, %max3A_170 : vector<16xf32>
        %swap3A_172 = arith.index_cast %scan3A_43 : i32 to index
        %swap3A_173 = arith.constant 112 : index
        %swap3A_174 = tpu.vector_load %arg10[%swap3A_172, %swap3A_173] {strides = array<i32>} : memref<80x128xf32, #tpu.memory_space<vmem>>, vector<1x16xf32>,
        %swap3A_175 = vector.shape_cast %swap3A_174 : vector<1x16xf32> to vector<16xf32>
        %swap3A_176 = vector.shape_cast %max3A_171 : vector<16xf32> to vector<1x16xf32>
        tpu.vector_store %arg10[%swap3A_172, %swap3A_173], %swap3A_176 {strides = array<i32>} : memref<80x128xf32, #tpu.memory_space<vmem>>, vector<1x16xf32>,
      }
      %scan3A_42 = arith.constant 80 : i32
      "tpu.region"() ({
        %run_scoped3A = tpu.sem_alloc : memref<!tpu.dma_semaphore, #tpu.memory_space<semaphore_mem>>
        %dma_start3A_43 = arith.constant 0 : i32
        %dma_start3A_44 = arith.constant 0 : i32
        %dma_start3A_45 = tpu.memref_slice %arg12[%dma_start3A_43, %dma_start3A_44] : memref<10000x128xf32, #tpu.memory_space<vmem_shared>> -> memref<10000x128xf32, #tpu.memory_space<vmem_shared>>
        tpu.enqueue_indirect_dma source(%arg10 : memref<80x128xf32, #tpu.memory_space<vmem>>) target(%dma_start3A_45 : memref<10000x128xf32, #tpu.memory_space<vmem_shared>>) offsets(%arg9 : memref<80xi32, #tpu.memory_space<vmem>>) semaphore(%run_scoped3A : memref<!tpu.dma_semaphore, #tpu.memory_space<semaphore_mem>>) {add = true}
        %dma_wait3A_46 = arith.constant 0 : i32
        %dma_wait3A_47 = arith.constant 0 : i32
        %dma_wait3A_48 = tpu.memref_slice %arg12[%dma_wait3A_46, %dma_wait3A_47] : memref<10000x128xf32, #tpu.memory_space<vmem_shared>> -> memref<10000x128xf32, #tpu.memory_space<vmem_shared>>
        tpu.wait_indirect_dma semaphore(%run_scoped3A : memref<!tpu.dma_semaphore, #tpu.memory_space<semaphore_mem>>) src(%arg10 : memref<80x128xf32, #tpu.memory_space<vmem>>) dst(%dma_wait3A_48 : memref<10000x128xf32, #tpu.memory_space<vmem_shared>>)
        tpu.yield
      }) : () -> ()
    }
    %scan3A_15 = arith.constant 125 : i32
    %barrier3A_16 = arith.constant 0 : index
    tpu.barrier barrier_id(%barrier3A_16)
    %mul3A_17 = arith.constant 624 : i32
    %mul3A_18 = arith.muli %arg1, %mul3A_17 : i32
    %mul3A_19 = arith.constant 624 : i32
    %mul3A_20 = arith.muli %arg1, %mul3A_19 : i32
    "tpu.region"() ({
      %run_scoped3A = tpu.sem_alloc : memref<!tpu.dma_semaphore, #tpu.memory_space<semaphore_mem>>
      %dma_start3A = arith.constant 0 : i32
      %dma_start3A_26 = tpu.memref_slice %arg7[%arg0, %mul3A_20, %dma_start3A] : memref<2x10000x128xf32, #tpu.memory_space<hbm>> -> memref<1x624x128xf32, #tpu.memory_space<hbm>>
      %dma_start3A_27 = tpu.memref_squeeze %dma_start3A_26 : memref<1x624x128xf32, #tpu.memory_space<hbm>> -> memref<624x128xf32, #tpu.memory_space<hbm>>
      %dma_start3A_28 = arith.constant 0 : i32
      %dma_start3A_29 = tpu.memref_slice %arg12[%mul3A_18, %dma_start3A_28] : memref<10000x128xf32, #tpu.memory_space<vmem_shared>> -> memref<624x128xf32, #tpu.memory_space<vmem_shared>>
      tpu.enqueue_dma source(%dma_start3A_29 : memref<624x128xf32, #tpu.memory_space<vmem_shared>>) target(%dma_start3A_27 : memref<624x128xf32, #tpu.memory_space<hbm>>) target_semaphore(%run_scoped3A : memref<!tpu.dma_semaphore, #tpu.memory_space<semaphore_mem>>)
      %dma_wait3A = arith.constant 0 : i32
      %dma_wait3A_30 = tpu.memref_slice %arg7[%arg0, %mul3A_20, %dma_wait3A] : memref<2x10000x128xf32, #tpu.memory_space<hbm>> -> memref<1x624x128xf32, #tpu.memory_space<hbm>>
      %dma_wait3A_31 = tpu.memref_squeeze %dma_wait3A_30 : memref<1x624x128xf32, #tpu.memory_space<hbm>> -> memref<624x128xf32, #tpu.memory_space<hbm>>
      %dma_wait3A_32 = arith.constant 0 : i32
      %dma_wait3A_33 = tpu.memref_slice %arg12[%mul3A_18, %dma_wait3A_32] : memref<10000x128xf32, #tpu.memory_space<vmem_shared>> -> memref<624x128xf32, #tpu.memory_space<vmem_shared>>
      tpu.wait_dma2 semaphore(%run_scoped3A : memref<!tpu.dma_semaphore, #tpu.memory_space<semaphore_mem>>) src(%dma_wait3A_33 : memref<624x128xf32, #tpu.memory_space<vmem_shared>>) dst(%dma_wait3A_31 : memref<624x128xf32, #tpu.memory_space<hbm>>)
      tpu.yield
    }) : () -> ()
    %eq3A_21 = arith.constant 0 : i32
    %eq3A_22 = arith.cmpi eq, %arg1, %eq3A_21 : i32
    %convert_element_type3A_23 = arith.extui %eq3A_22 : i1 to i32
    %cond3A_24 = arith.constant 0 : i32
    %cond3A_25 = arith.cmpi ne, %convert_element_type3A_23, %cond3A_24 : i32
    scf.if %cond3A_25 {
      "tpu.region"() ({
        %run_scoped3A = tpu.sem_alloc : memref<!tpu.dma_semaphore, #tpu.memory_space<semaphore_mem>>
        %dma_start3A = arith.constant 9984 : i32
        %dma_start3A_26 = arith.constant 0 : i32
        %dma_start3A_27 = tpu.memref_slice %arg7[%arg0, %dma_start3A, %dma_start3A_26] : memref<2x10000x128xf32, #tpu.memory_space<hbm>> -> memref<1x16x128xf32, #tpu.memory_space<hbm>>
        %dma_start3A_28 = tpu.memref_squeeze %dma_start3A_27 : memref<1x16x128xf32, #tpu.memory_space<hbm>> -> memref<16x128xf32, #tpu.memory_space<hbm>>
        %dma_start3A_29 = arith.constant 9984 : i32
        %dma_start3A_30 = arith.constant 0 : i32
        %dma_start3A_31 = tpu.memref_slice %arg12[%dma_start3A_29, %dma_start3A_30] : memref<10000x128xf32, #tpu.memory_space<vmem_shared>> -> memref<16x128xf32, #tpu.memory_space<vmem_shared>>
        tpu.enqueue_dma source(%dma_start3A_31 : memref<16x128xf32, #tpu.memory_space<vmem_shared>>) target(%dma_start3A_28 : memref<16x128xf32, #tpu.memory_space<hbm>>) target_semaphore(%run_scoped3A : memref<!tpu.dma_semaphore, #tpu.memory_space<semaphore_mem>>)
        %dma_wait3A = arith.constant 9984 : i32
        %dma_wait3A_32 = arith.constant 0 : i32
        %dma_wait3A_33 = tpu.memref_slice %arg7[%arg0, %dma_wait3A, %dma_wait3A_32] : memref<2x10000x128xf32, #tpu.memory_space<hbm>> -> memref<1x16x128xf32, #tpu.memory_space<hbm>>
        %dma_wait3A_34 = tpu.memref_squeeze %dma_wait3A_33 : memref<1x16x128xf32, #tpu.memory_space<hbm>> -> memref<16x128xf32, #tpu.memory_space<hbm>>
        %dma_wait3A_35 = arith.constant 9984 : i32
        %dma_wait3A_36 = arith.constant 0 : i32
        %dma_wait3A_37 = tpu.memref_slice %arg12[%dma_wait3A_35, %dma_wait3A_36] : memref<10000x128xf32, #tpu.memory_space<vmem_shared>> -> memref<16x128xf32, #tpu.memory_space<vmem_shared>>
        tpu.wait_dma2 semaphore(%run_scoped3A : memref<!tpu.dma_semaphore, #tpu.memory_space<semaphore_mem>>) src(%dma_wait3A_37 : memref<16x128xf32, #tpu.memory_space<vmem_shared>>) dst(%dma_wait3A_34 : memref<16x128xf32, #tpu.memory_space<hbm>>)
        tpu.yield
      }) : () -> ()
    } else {
    }
    return
  }
}

module attributes {stable_mosaic.version = 14 : i64} {
  func.func @_edge_mlp_body(%arg0: i32, %arg1: i32, %arg2: memref<1000x16xf32, #tpu.memory_space<vmem>>, %arg3: memref<1x128x16xf32, #tpu.memory_space<vmem>>, %arg4: memref<1x1x128xf32, #tpu.memory_space<vmem>>, %arg5: memref<1x128x128xf32, #tpu.memory_space<vmem>>, %arg6: memref<1x1x128xf32, #tpu.memory_space<vmem>>, %arg7: memref<1x1000x128xf32, #tpu.memory_space<vmem>>) attributes {dimension_semantics = [#tpu.dimension_semantics<arbitrary>, #tpu.dimension_semantics<arbitrary>], iteration_bounds = array<i64: 6, 320>, scalar_prefetch = 0 : i64, scratch_operands = 0 : i64, tpu.core_type = #tpu.core_type<tc>, window_params = [{transform_indices = @transform_0, window_bounds = array<i64: 1000, 16>}, {transform_indices = @transform_1, window_bounds = array<i64: 1, 128, 16>}, {transform_indices = @transform_2, window_bounds = array<i64: 1, 1, 128>}, {transform_indices = @transform_3, window_bounds = array<i64: 1, 128, 128>}, {transform_indices = @transform_4, window_bounds = array<i64: 1, 1, 128>}, {transform_indices = @transform_5, window_bounds = array<i64: 1, 1000, 128>}]} {
    %get3A = arith.constant 0 : index
    %get3A_0 = arith.constant 0 : index
    %get3A_1 = vector.load %arg2[%get3A, %get3A_0] : memref<1000x16xf32, #tpu.memory_space<vmem>>, vector<1000x16xf32>
    %get3A_2 = arith.constant 0 : index
    %get3A_3 = arith.constant 0 : index
    %get3A_4 = arith.constant 0 : index
    %get3A_5 = vector.load %arg3[%get3A_2, %get3A_3, %get3A_4] : memref<1x128x16xf32, #tpu.memory_space<vmem>>, vector<1x128x16xf32>
    %get3A_6 = vector.shape_cast %get3A_5 : vector<1x128x16xf32> to vector<128x16xf32>
    %dot_general3A = arith.constant dense<0.000000e+00> : vector<1000x128xf32>
    %dot_general3A_7 = tpu.matmul %get3A_1, %get3A_6, %dot_general3A {dimension_numbers = #tpu.dot_dimension_numbers<[1], [1], [0], [0], [0, 0, 1, 0], [], []>, transpose_lhs_hint = false} : vector<1000x16xf32>, vector<128x16xf32>, vector<1000x128xf32> -> vector<1000x128xf32>
    %get3A_8 = arith.constant 0 : index
    %get3A_9 = arith.constant 0 : index
    %get3A_10 = arith.constant 0 : index
    %get3A_11 = vector.load %arg4[%get3A_8, %get3A_9, %get3A_10] : memref<1x1x128xf32, #tpu.memory_space<vmem>>, vector<1x1x128xf32>
    %get3A_12 = vector.shape_cast %get3A_11 : vector<1x1x128xf32> to vector<1x128xf32>
    %add3A = vector.broadcast %get3A_12 : vector<1x128xf32> to vector<1000x128xf32>
    %add3A_13 = arith.addf %dot_general3A_7, %add3A : vector<1000x128xf32>
    %max3A = arith.constant 0.000000e+00 : f32
    %max3A_14 = vector.broadcast %max3A : f32 to vector<1000x128xf32>
    %max3A_15 = arith.maximumf %add3A_13, %max3A_14 : vector<1000x128xf32>
    %get3A_16 = arith.constant 0 : index
    %get3A_17 = arith.constant 0 : index
    %get3A_18 = arith.constant 0 : index
    %get3A_19 = vector.load %arg5[%get3A_16, %get3A_17, %get3A_18] : memref<1x128x128xf32, #tpu.memory_space<vmem>>, vector<1x128x128xf32>
    %get3A_20 = vector.shape_cast %get3A_19 : vector<1x128x128xf32> to vector<128x128xf32>
    %dot_general3A_21 = arith.constant dense<0.000000e+00> : vector<1000x128xf32>
    %dot_general3A_22 = tpu.matmul %max3A_15, %get3A_20, %dot_general3A_21 {dimension_numbers = #tpu.dot_dimension_numbers<[1], [1], [0], [0], [0, 0, 1, 0], [], []>, transpose_lhs_hint = false} : vector<1000x128xf32>, vector<128x128xf32>, vector<1000x128xf32> -> vector<1000x128xf32>
    %get3A_23 = arith.constant 0 : index
    %get3A_24 = arith.constant 0 : index
    %get3A_25 = arith.constant 0 : index
    %get3A_26 = vector.load %arg6[%get3A_23, %get3A_24, %get3A_25] : memref<1x1x128xf32, #tpu.memory_space<vmem>>, vector<1x1x128xf32>
    %get3A_27 = vector.shape_cast %get3A_26 : vector<1x1x128xf32> to vector<1x128xf32>
    %add3A_28 = vector.broadcast %get3A_27 : vector<1x128xf32> to vector<1000x128xf32>
    %add3A_29 = arith.addf %dot_general3A_22, %add3A_28 : vector<1000x128xf32>
    %swap3A = arith.constant 0 : index
    %swap3A_30 = arith.constant 0 : index
    %swap3A_31 = arith.constant 0 : index
    %swap3A_32 = vector.load %arg7[%swap3A, %swap3A_30, %swap3A_31] : memref<1x1000x128xf32, #tpu.memory_space<vmem>>, vector<1x1000x128xf32>
    %swap3A_33 = vector.shape_cast %swap3A_32 : vector<1x1000x128xf32> to vector<1000x128xf32>
    %swap3A_34 = vector.shape_cast %add3A_29 : vector<1000x128xf32> to vector<1x1000x128xf32>
    tpu.vector_store %arg7[%swap3A, %swap3A_30, %swap3A_31], %swap3A_34 {strides = array<i32>} : memref<1x1000x128xf32, #tpu.memory_space<vmem>>, vector<1x1000x128xf32>,
    return
  }
  func.func @transform_0(%arg0: i32, %arg1: i32) -> (i32, i32) {
    %c0_i32 = arith.constant 0 : i32
    %c0_i32_0 = arith.constant 0 : i32
    return %arg1, %c0_i32 : i32, i32
  }
  func.func @transform_1(%arg0: i32, %arg1: i32) -> (i32, i32, i32) {
    %c0_i32 = arith.constant 0 : i32
    %c0_i32_0 = arith.constant 0 : i32
    %c0_i32_1 = arith.constant 0 : i32
    return %arg0, %c0_i32, %c0_i32_0 : i32, i32, i32
  }
  func.func @transform_2(%arg0: i32, %arg1: i32) -> (i32, i32, i32) {
    %c0_i32 = arith.constant 0 : i32
    %c0_i32_0 = arith.constant 0 : i32
    %c0_i32_1 = arith.constant 0 : i32
    return %arg0, %c0_i32, %c0_i32_0 : i32, i32, i32
  }
  func.func @transform_3(%arg0: i32, %arg1: i32) -> (i32, i32, i32) {
    %c0_i32 = arith.constant 0 : i32
    %c0_i32_0 = arith.constant 0 : i32
    %c0_i32_1 = arith.constant 0 : i32
    return %arg0, %c0_i32, %c0_i32_0 : i32, i32, i32
  }
  func.func @transform_4(%arg0: i32, %arg1: i32) -> (i32, i32, i32) {
    %c0_i32 = arith.constant 0 : i32
    %c0_i32_0 = arith.constant 0 : i32
    %c0_i32_1 = arith.constant 0 : i32
    return %arg0, %c0_i32, %c0_i32_0 : i32, i32, i32
  }
  func.func @transform_5(%arg0: i32, %arg1: i32) -> (i32, i32, i32) {
    %c0_i32 = arith.constant 0 : i32
    %c0_i32_0 = arith.constant 0 : i32
    return %arg0, %arg1, %c0_i32 : i32, i32, i32
  }
}

module attributes {stable_mosaic.version = 14 : i64} {
  func.func @_node_mlp_body(%arg0: i32, %arg1: memref<1x1xf32, #tpu.memory_space<vmem>>, %arg2: memref<1000x128xf32, #tpu.memory_space<vmem>>, %arg3: memref<2x1000x128xf32, #tpu.memory_space<vmem>>, %arg4: memref<128x128xf32, #tpu.memory_space<vmem>>, %arg5: memref<128xf32, #tpu.memory_space<vmem>>, %arg6: memref<128x128xf32, #tpu.memory_space<vmem>>, %arg7: memref<128xf32, #tpu.memory_space<vmem>>, %arg8: memref<1000x128xf32, #tpu.memory_space<vmem>>) attributes {dimension_semantics = [#tpu.dimension_semantics<arbitrary>], iteration_bounds = array<i64: 10>, scalar_prefetch = 0 : i64, scratch_operands = 0 : i64, tpu.core_type = #tpu.core_type<tc>, window_params = [{pipeline_mode = #tpu.pipeline_mode<synchronous>, transform_indices = @transform_0, window_bounds = array<i64: 1, 1>}, {transform_indices = @transform_1, window_bounds = array<i64: 1000, 128>}, {transform_indices = @transform_2, window_bounds = array<i64: 2, 1000, 128>}, {pipeline_mode = #tpu.pipeline_mode<synchronous>, transform_indices = @transform_3, window_bounds = array<i64: 128, 128>}, {pipeline_mode = #tpu.pipeline_mode<synchronous>, transform_indices = @transform_4, window_bounds = array<i64: 128>}, {pipeline_mode = #tpu.pipeline_mode<synchronous>, transform_indices = @transform_5, window_bounds = array<i64: 128, 128>}, {pipeline_mode = #tpu.pipeline_mode<synchronous>, transform_indices = @transform_6, window_bounds = array<i64: 128>}, {transform_indices = @transform_7, window_bounds = array<i64: 1000, 128>}]} {
    %get3A = arith.constant 0 : index
    %get3A_0 = arith.constant 0 : index
    %get3A_1 = vector.load %arg1[%get3A, %get3A_0] : memref<1x1xf32, #tpu.memory_space<vmem>>, vector<1x1xf32>
    %get3A_2 = arith.constant 0 : index
    %get3A_3 = arith.constant 0 : index
    %get3A_4 = vector.load %arg2[%get3A_2, %get3A_3] : memref<1000x128xf32, #tpu.memory_space<vmem>>, vector<1000x128xf32>
    %mul3A = vector.broadcast %get3A_1 : vector<1x1xf32> to vector<1000x128xf32>
    %mul3A_5 = arith.mulf %mul3A, %get3A_4 : vector<1000x128xf32>
    %get3A_6 = arith.constant 0 : index
    %get3A_7 = arith.constant 0 : index
    %get3A_8 = arith.constant 0 : index
    %get3A_9 = vector.load %arg3[%get3A_6, %get3A_7, %get3A_8] : memref<2x1000x128xf32, #tpu.memory_space<vmem>>, vector<1x1000x128xf32>
    %get3A_10 = vector.shape_cast %get3A_9 : vector<1x1000x128xf32> to vector<1000x128xf32>
    %add3A = arith.addf %mul3A_5, %get3A_10 : vector<1000x128xf32>
    %get3A_11 = arith.constant 1 : index
    %get3A_12 = arith.constant 0 : index
    %get3A_13 = arith.constant 0 : index
    %get3A_14 = vector.load %arg3[%get3A_11, %get3A_12, %get3A_13] : memref<2x1000x128xf32, #tpu.memory_space<vmem>>, vector<1x1000x128xf32>
    %get3A_15 = vector.shape_cast %get3A_14 : vector<1x1000x128xf32> to vector<1000x128xf32>
    %add3A_16 = arith.addf %add3A, %get3A_15 : vector<1000x128xf32>
    %get3A_17 = arith.constant 0 : index
    %get3A_18 = arith.constant 0 : index
    %get3A_19 = vector.load %arg4[%get3A_17, %get3A_18] : memref<128x128xf32, #tpu.memory_space<vmem>>, vector<128x128xf32>
    %dot_general3A = arith.constant dense<0.000000e+00> : vector<1000x128xf32>
    %dot_general3A_20 = tpu.matmul %add3A_16, %get3A_19, %dot_general3A {dimension_numbers = #tpu.dot_dimension_numbers<[1], [1], [0], [0], [0, 0, 1, 0], [], []>, transpose_lhs_hint = false} : vector<1000x128xf32>, vector<128x128xf32>, vector<1000x128xf32> -> vector<1000x128xf32>
    %get3A_21 = arith.constant 0 : index
    %get3A_22 = vector.load %arg5[%get3A_21] : memref<128xf32, #tpu.memory_space<vmem>>, vector<128xf32>
    %broadcast_in_dim3A = vector.shape_cast %get3A_22 : vector<128xf32> to vector<1x128xf32>
    %add3A_23 = vector.broadcast %broadcast_in_dim3A : vector<1x128xf32> to vector<1000x128xf32>
    %add3A_24 = arith.addf %dot_general3A_20, %add3A_23 : vector<1000x128xf32>
    %max3A = arith.constant 0.000000e+00 : f32
    %max3A_25 = vector.broadcast %max3A : f32 to vector<1000x128xf32>
    %max3A_26 = arith.maximumf %add3A_24, %max3A_25 : vector<1000x128xf32>
    %get3A_27 = arith.constant 0 : index
    %get3A_28 = arith.constant 0 : index
    %get3A_29 = vector.load %arg6[%get3A_27, %get3A_28] : memref<128x128xf32, #tpu.memory_space<vmem>>, vector<128x128xf32>
    %dot_general3A_30 = arith.constant dense<0.000000e+00> : vector<1000x128xf32>
    %dot_general3A_31 = tpu.matmul %max3A_26, %get3A_29, %dot_general3A_30 {dimension_numbers = #tpu.dot_dimension_numbers<[1], [1], [0], [0], [0, 0, 1, 0], [], []>, transpose_lhs_hint = false} : vector<1000x128xf32>, vector<128x128xf32>, vector<1000x128xf32> -> vector<1000x128xf32>
    %get3A_32 = arith.constant 0 : index
    %get3A_33 = vector.load %arg7[%get3A_32] : memref<128xf32, #tpu.memory_space<vmem>>, vector<128xf32>
    %broadcast_in_dim3A_34 = vector.shape_cast %get3A_33 : vector<128xf32> to vector<1x128xf32>
    %add3A_35 = vector.broadcast %broadcast_in_dim3A_34 : vector<1x128xf32> to vector<1000x128xf32>
    %add3A_36 = arith.addf %dot_general3A_31, %add3A_35 : vector<1000x128xf32>
    %max3A_37 = arith.constant 0.000000e+00 : f32
    %max3A_38 = vector.broadcast %max3A_37 : f32 to vector<1000x128xf32>
    %max3A_39 = arith.maximumf %add3A_36, %max3A_38 : vector<1000x128xf32>
    %swap3A = arith.constant 0 : index
    %swap3A_40 = arith.constant 0 : index
    %swap3A_41 = vector.load %arg8[%swap3A, %swap3A_40] : memref<1000x128xf32, #tpu.memory_space<vmem>>, vector<1000x128xf32>
    tpu.vector_store %arg8[%swap3A, %swap3A_40], %max3A_39 {strides = array<i32>} : memref<1000x128xf32, #tpu.memory_space<vmem>>, vector<1000x128xf32>,
    return
  }
  func.func @transform_0(%arg0: i32) -> (i32, i32) {
    %c0_i32 = arith.constant 0 : i32
    %c0_i32_0 = arith.constant 0 : i32
    %c0_i32_1 = arith.constant 0 : i32
    return %c0_i32, %c0_i32_0 : i32, i32
  }
  func.func @transform_1(%arg0: i32) -> (i32, i32) {
    %c0_i32 = arith.constant 0 : i32
    %c0_i32_0 = arith.constant 0 : i32
    return %arg0, %c0_i32 : i32, i32
  }
  func.func @transform_2(%arg0: i32) -> (i32, i32, i32) {
    %c0_i32 = arith.constant 0 : i32
    %c0_i32_0 = arith.constant 0 : i32
    %c0_i32_1 = arith.constant 0 : i32
    return %c0_i32, %arg0, %c0_i32_0 : i32, i32, i32
  }
  func.func @transform_3(%arg0: i32) -> (i32, i32) {
    %c0_i32 = arith.constant 0 : i32
    %c0_i32_0 = arith.constant 0 : i32
    %c0_i32_1 = arith.constant 0 : i32
    return %c0_i32, %c0_i32_0 : i32, i32
  }
  func.func @transform_4(%arg0: i32) -> i32 {
    %c0_i32 = arith.constant 0 : i32
    %c0_i32_0 = arith.constant 0 : i32
    return %c0_i32 : i32
  }
  func.func @transform_5(%arg0: i32) -> (i32, i32) {
    %c0_i32 = arith.constant 0 : i32
    %c0_i32_0 = arith.constant 0 : i32
    %c0_i32_1 = arith.constant 0 : i32
    return %c0_i32, %c0_i32_0 : i32, i32
  }
  func.func @transform_6(%arg0: i32) -> i32 {
    %c0_i32 = arith.constant 0 : i32
    %c0_i32_0 = arith.constant 0 : i32
    return %c0_i32 : i32
  }
  func.func @transform_7(%arg0: i32) -> (i32, i32) {
    %c0_i32 = arith.constant 0 : i32
    %c0_i32_0 = arith.constant 0 : i32
    return %arg0, %c0_i32 : i32, i32
  }
}

module attributes {stable_mosaic.version = 14 : i64} {
  func.func @_set2set_body(%arg0: memref<10000x128xf32, #tpu.memory_space<vmem>>, %arg1: memref<10000xi32, #tpu.memory_space<vmem>>, %arg2: memref<512x256xf32, #tpu.memory_space<vmem>>, %arg3: memref<512x128xf32, #tpu.memory_space<vmem>>, %arg4: memref<512xf32, #tpu.memory_space<vmem>>, %arg5: memref<512xf32, #tpu.memory_space<vmem>>, %arg6: memref<128x256xf32, #tpu.memory_space<vmem>>, %arg7: memref<128xf32, #tpu.memory_space<vmem>>, %arg8: memref<12x128xf32, #tpu.memory_space<vmem>>, %arg9: memref<12xf32, #tpu.memory_space<vmem>>, %arg10: memref<64x12xf32, #tpu.memory_space<vmem>>) attributes {dimension_semantics = [], scalar_prefetch = 0 : i64, scratch_operands = 0 : i64, tpu.core_type = #tpu.core_type<tc>} {
    %get3A = arith.constant 0 : index
    %get3A_0 = arith.constant 0 : index
    %get3A_1 = vector.load %arg0[%get3A, %get3A_0] : memref<10000x128xf32, #tpu.memory_space<vmem>>, vector<10000x128xf32>
    %get3A_2 = arith.constant 0 : index
    %get3A_3 = vector.load %arg1[%get3A_2] : memref<10000xi32, #tpu.memory_space<vmem>>, vector<10000xi32>
    %iota3A = tpu.iota {dimensions = array<i32: 0>} : vector<64x10000xi32>
    %broadcast_in_dim3A = vector.shape_cast %get3A_3 : vector<10000xi32> to vector<1x10000xi32>
    %eq3A = vector.broadcast %broadcast_in_dim3A : vector<1x10000xi32> to vector<64x10000xi32>
    %eq3A_4 = arith.cmpi eq, %eq3A, %iota3A : vector<64x10000xi32>
    %broadcast_in_dim3A_5 = arith.constant 0.000000e+00 : f32
    %broadcast_in_dim3A_6 = vector.broadcast %broadcast_in_dim3A_5 : f32 to vector<64x256xf32>
    %broadcast_in_dim3A_7 = arith.constant 0.000000e+00 : f32
    %broadcast_in_dim3A_8 = vector.broadcast %broadcast_in_dim3A_7 : f32 to vector<64x128xf32>
    %broadcast_in_dim3A_9 = arith.constant 0.000000e+00 : f32
    %broadcast_in_dim3A_10 = vector.broadcast %broadcast_in_dim3A_9 : f32 to vector<64x128xf32>
    %get3A_11 = arith.constant 0 : index
    %get3A_12 = arith.constant 0 : index
    %get3A_13 = vector.load %arg2[%get3A_11, %get3A_12] : memref<512x256xf32, #tpu.memory_space<vmem>>, vector<512x256xf32>
    %get3A_14 = arith.constant 0 : index
    %get3A_15 = arith.constant 0 : index
    %get3A_16 = vector.load %arg3[%get3A_14, %get3A_15] : memref<512x128xf32, #tpu.memory_space<vmem>>, vector<512x128xf32>
    %get3A_17 = arith.constant 0 : index
    %get3A_18 = vector.load %arg4[%get3A_17] : memref<512xf32, #tpu.memory_space<vmem>>, vector<512xf32>
    %get3A_19 = arith.constant 0 : index
    %get3A_20 = vector.load %arg5[%get3A_19] : memref<512xf32, #tpu.memory_space<vmem>>, vector<512xf32>
    %dot_general3A = arith.constant dense<0.000000e+00> : vector<64x512xf32>
    %dot_general3A_21 = tpu.matmul %broadcast_in_dim3A_6, %get3A_13, %dot_general3A {dimension_numbers = #tpu.dot_dimension_numbers<[1], [1], [0], [0], [0, 0, 1, 0], [], []>, transpose_lhs_hint = false} : vector<64x256xf32>, vector<512x256xf32>, vector<64x512xf32> -> vector<64x512xf32>
    %broadcast_in_dim3A_22 = vector.shape_cast %get3A_18 : vector<512xf32> to vector<1x512xf32>
    %add3A = vector.broadcast %broadcast_in_dim3A_22 : vector<1x512xf32> to vector<64x512xf32>
    %add3A_23 = arith.addf %dot_general3A_21, %add3A : vector<64x512xf32>
    %dot_general3A_24 = arith.constant dense<0.000000e+00> : vector<64x512xf32>
    %dot_general3A_25 = tpu.matmul %broadcast_in_dim3A_8, %get3A_16, %dot_general3A_24 {dimension_numbers = #tpu.dot_dimension_numbers<[1], [1], [0], [0], [0, 0, 1, 0], [], []>, transpose_lhs_hint = false} : vector<64x128xf32>, vector<512x128xf32>, vector<64x512xf32> -> vector<64x512xf32>
    %add3A_26 = arith.addf %add3A_23, %dot_general3A_25 : vector<64x512xf32>
    %broadcast_in_dim3A_27 = vector.shape_cast %get3A_20 : vector<512xf32> to vector<1x512xf32>
    %add3A_28 = vector.broadcast %broadcast_in_dim3A_27 : vector<1x512xf32> to vector<64x512xf32>
    %add3A_29 = arith.addf %add3A_26, %add3A_28 : vector<64x512xf32>
    %slice3A = vector.extract_strided_slice %add3A_29 {offsets = [0, 0], sizes = [64, 128], strides = [1, 1]} : vector<64x512xf32> to vector<64x128xf32>
    %logistic3A = arith.negf %slice3A : vector<64x128xf32>
    %logistic3A_30 = math.exp %logistic3A : vector<64x128xf32>
    %logistic3A_31 = arith.constant 1.000000e+00 : f32
    %logistic3A_32 = vector.broadcast %logistic3A_31 : f32 to vector<64x128xf32>
    %logistic3A_33 = arith.addf %logistic3A_32, %logistic3A_30 : vector<64x128xf32>
    %logistic3A_34 = arith.divf %logistic3A_32, %logistic3A_33 : vector<64x128xf32>
    %slice3A_35 = vector.extract_strided_slice %add3A_29 {offsets = [0, 128], sizes = [64, 128], strides = [1, 1]} : vector<64x512xf32> to vector<64x128xf32>
    %logistic3A_36 = arith.negf %slice3A_35 : vector<64x128xf32>
    %logistic3A_37 = math.exp %logistic3A_36 : vector<64x128xf32>
    %logistic3A_38 = arith.constant 1.000000e+00 : f32
    %logistic3A_39 = vector.broadcast %logistic3A_38 : f32 to vector<64x128xf32>
    %logistic3A_40 = arith.addf %logistic3A_39, %logistic3A_37 : vector<64x128xf32>
    %logistic3A_41 = arith.divf %logistic3A_39, %logistic3A_40 : vector<64x128xf32>
    %slice3A_42 = vector.extract_strided_slice %add3A_29 {offsets = [0, 256], sizes = [64, 128], strides = [1, 1]} : vector<64x512xf32> to vector<64x128xf32>
    %tanh3A = math.tanh %slice3A_42 : vector<64x128xf32>
    %slice3A_43 = vector.extract_strided_slice %add3A_29 {offsets = [0, 384], sizes = [64, 128], strides = [1, 1]} : vector<64x512xf32> to vector<64x128xf32>
    %logistic3A_44 = arith.negf %slice3A_43 : vector<64x128xf32>
    %logistic3A_45 = math.exp %logistic3A_44 : vector<64x128xf32>
    %logistic3A_46 = arith.constant 1.000000e+00 : f32
    %logistic3A_47 = vector.broadcast %logistic3A_46 : f32 to vector<64x128xf32>
    %logistic3A_48 = arith.addf %logistic3A_47, %logistic3A_45 : vector<64x128xf32>
    %logistic3A_49 = arith.divf %logistic3A_47, %logistic3A_48 : vector<64x128xf32>
    %mul3A = arith.mulf %logistic3A_41, %broadcast_in_dim3A_10 : vector<64x128xf32>
    %mul3A_50 = arith.mulf %logistic3A_34, %tanh3A : vector<64x128xf32>
    %add3A_51 = arith.addf %mul3A, %mul3A_50 : vector<64x128xf32>
    %tanh3A_52 = math.tanh %add3A_51 : vector<64x128xf32>
    %mul3A_53 = arith.mulf %logistic3A_49, %tanh3A_52 : vector<64x128xf32>
    %dot_general3A_54 = arith.constant dense<0.000000e+00> : vector<64x10000xf32>
    %dot_general3A_55 = tpu.matmul %mul3A_53, %get3A_1, %dot_general3A_54 {dimension_numbers = #tpu.dot_dimension_numbers<[1], [1], [0], [0], [0, 0, 1, 0], [], []>, transpose_lhs_hint = false} : vector<64x128xf32>, vector<10000x128xf32>, vector<64x10000xf32> -> vector<64x10000xf32>
    %jit3A = arith.constant -3.000000e+38 : f32
    %broadcast_in_dim3A_56 = vector.broadcast %jit3A : f32 to vector<64x10000xf32>
    %select_n3A = arith.select %eq3A_4, %dot_general3A_55, %broadcast_in_dim3A_56 : vector<64x10000xi1>, vector<64x10000xf32>
    %reduce_max3A = arith.constant dense<0xFF800000> : vector<64xf32>
    %reduce_max3A_57 = vector.multi_reduction <maximumf>, %select_n3A, %reduce_max3A [1] : vector<64x10000xf32> to vector<64xf32>
    %broadcast_in_dim3A_58 = vector.shape_cast %reduce_max3A_57 : vector<64xf32> to vector<64x1xf32>
    %sub3A = vector.broadcast %broadcast_in_dim3A_58 : vector<64x1xf32> to vector<64x10000xf32>
    %sub3A_59 = arith.subf %select_n3A, %sub3A : vector<64x10000xf32>
    %exp3A = math.exp %sub3A_59 : vector<64x10000xf32>
    %jit3A_60 = arith.constant 0.000000e+00 : f32
    %broadcast_in_dim3A_61 = vector.broadcast %jit3A_60 : f32 to vector<64x10000xf32>
    %select_n3A_62 = arith.select %eq3A_4, %exp3A, %broadcast_in_dim3A_61 : vector<64x10000xi1>, vector<64x10000xf32>
    %reduce_sum3A = arith.constant dense<0.000000e+00> : vector<64xf32>
    %reduce_sum3A_63 = vector.multi_reduction <add>, %select_n3A_62, %reduce_sum3A [1] : vector<64x10000xf32> to vector<64xf32>
    %broadcast_in_dim3A_64 = vector.shape_cast %reduce_sum3A_63 : vector<64xf32> to vector<64x1xf32>
    %add3A_65 = arith.constant 1.000000e-16 : f32
    %add3A_66 = vector.broadcast %add3A_65 : f32 to vector<64x1xf32>
    %add3A_67 = arith.addf %broadcast_in_dim3A_64, %add3A_66 : vector<64x1xf32>
    %div3A = vector.broadcast %add3A_67 : vector<64x1xf32> to vector<64x10000xf32>
    %div3A_68 = arith.divf %select_n3A_62, %div3A : vector<64x10000xf32>
    %dot_general3A_69 = arith.constant dense<0.000000e+00> : vector<64x128xf32>
    %dot_general3A_70 = tpu.matmul %div3A_68, %get3A_1, %dot_general3A_69 {dimension_numbers = #tpu.dot_dimension_numbers<[1], [0], [0], [1], [0, 0, 1, 1], [], []>, transpose_lhs_hint = false} : vector<64x10000xf32>, vector<10000x128xf32>, vector<64x128xf32> -> vector<64x128xf32>
    %concatenate3A = tpu.concatenate %mul3A_53, %dot_general3A_70 in 1 : vector<64x128xf32>, vector<64x128xf32> -> vector<64x256xf32>
    %dot_general3A_71 = arith.constant dense<0.000000e+00> : vector<64x512xf32>
    %dot_general3A_72 = tpu.matmul %concatenate3A, %get3A_13, %dot_general3A_71 {dimension_numbers = #tpu.dot_dimension_numbers<[1], [1], [0], [0], [0, 0, 1, 0], [], []>, transpose_lhs_hint = false} : vector<64x256xf32>, vector<512x256xf32>, vector<64x512xf32> -> vector<64x512xf32>
    %broadcast_in_dim3A_73 = vector.shape_cast %get3A_18 : vector<512xf32> to vector<1x512xf32>
    %add3A_74 = vector.broadcast %broadcast_in_dim3A_73 : vector<1x512xf32> to vector<64x512xf32>
    %add3A_75 = arith.addf %dot_general3A_72, %add3A_74 : vector<64x512xf32>
    %dot_general3A_76 = arith.constant dense<0.000000e+00> : vector<64x512xf32>
    %dot_general3A_77 = tpu.matmul %mul3A_53, %get3A_16, %dot_general3A_76 {dimension_numbers = #tpu.dot_dimension_numbers<[1], [1], [0], [0], [0, 0, 1, 0], [], []>, transpose_lhs_hint = false} : vector<64x128xf32>, vector<512x128xf32>, vector<64x512xf32> -> vector<64x512xf32>
    %add3A_78 = arith.addf %add3A_75, %dot_general3A_77 : vector<64x512xf32>
    %broadcast_in_dim3A_79 = vector.shape_cast %get3A_20 : vector<512xf32> to vector<1x512xf32>
    %add3A_80 = vector.broadcast %broadcast_in_dim3A_79 : vector<1x512xf32> to vector<64x512xf32>
    %add3A_81 = arith.addf %add3A_78, %add3A_80 : vector<64x512xf32>
    %slice3A_82 = vector.extract_strided_slice %add3A_81 {offsets = [0, 0], sizes = [64, 128], strides = [1, 1]} : vector<64x512xf32> to vector<64x128xf32>
    %logistic3A_83 = arith.negf %slice3A_82 : vector<64x128xf32>
    %logistic3A_84 = math.exp %logistic3A_83 : vector<64x128xf32>
    %logistic3A_85 = arith.constant 1.000000e+00 : f32
    %logistic3A_86 = vector.broadcast %logistic3A_85 : f32 to vector<64x128xf32>
    %logistic3A_87 = arith.addf %logistic3A_86, %logistic3A_84 : vector<64x128xf32>
    %logistic3A_88 = arith.divf %logistic3A_86, %logistic3A_87 : vector<64x128xf32>
    %slice3A_89 = vector.extract_strided_slice %add3A_81 {offsets = [0, 128], sizes = [64, 128], strides = [1, 1]} : vector<64x512xf32> to vector<64x128xf32>
    %logistic3A_90 = arith.negf %slice3A_89 : vector<64x128xf32>
    %logistic3A_91 = math.exp %logistic3A_90 : vector<64x128xf32>
    %logistic3A_92 = arith.constant 1.000000e+00 : f32
    %logistic3A_93 = vector.broadcast %logistic3A_92 : f32 to vector<64x128xf32>
    %logistic3A_94 = arith.addf %logistic3A_93, %logistic3A_91 : vector<64x128xf32>
    %logistic3A_95 = arith.divf %logistic3A_93, %logistic3A_94 : vector<64x128xf32>
    %slice3A_96 = vector.extract_strided_slice %add3A_81 {offsets = [0, 256], sizes = [64, 128], strides = [1, 1]} : vector<64x512xf32> to vector<64x128xf32>
    %tanh3A_97 = math.tanh %slice3A_96 : vector<64x128xf32>
    %slice3A_98 = vector.extract_strided_slice %add3A_81 {offsets = [0, 384], sizes = [64, 128], strides = [1, 1]} : vector<64x512xf32> to vector<64x128xf32>
    %logistic3A_99 = arith.negf %slice3A_98 : vector<64x128xf32>
    %logistic3A_100 = math.exp %logistic3A_99 : vector<64x128xf32>
    %logistic3A_101 = arith.constant 1.000000e+00 : f32
    %logistic3A_102 = vector.broadcast %logistic3A_101 : f32 to vector<64x128xf32>
    %logistic3A_103 = arith.addf %logistic3A_102, %logistic3A_100 : vector<64x128xf32>
    %logistic3A_104 = arith.divf %logistic3A_102, %logistic3A_103 : vector<64x128xf32>
    %mul3A_105 = arith.mulf %logistic3A_95, %add3A_51 : vector<64x128xf32>
    %mul3A_106 = arith.mulf %logistic3A_88, %tanh3A_97 : vector<64x128xf32>
    %add3A_107 = arith.addf %mul3A_105, %mul3A_106 : vector<64x128xf32>
    %tanh3A_108 = math.tanh %add3A_107 : vector<64x128xf32>
    %mul3A_109 = arith.mulf %logistic3A_104, %tanh3A_108 : vector<64x128xf32>
    %dot_general3A_110 = arith.constant dense<0.000000e+00> : vector<64x10000xf32>
    %dot_general3A_111 = tpu.matmul %mul3A_109, %get3A_1, %dot_general3A_110 {dimension_numbers = #tpu.dot_dimension_numbers<[1], [1], [0], [0], [0, 0, 1, 0], [], []>, transpose_lhs_hint = false} : vector<64x128xf32>, vector<10000x128xf32>, vector<64x10000xf32> -> vector<64x10000xf32>
    %jit3A_112 = arith.constant -3.000000e+38 : f32
    %broadcast_in_dim3A_113 = vector.broadcast %jit3A_112 : f32 to vector<64x10000xf32>
    %select_n3A_114 = arith.select %eq3A_4, %dot_general3A_111, %broadcast_in_dim3A_113 : vector<64x10000xi1>, vector<64x10000xf32>
    %reduce_max3A_115 = arith.constant dense<0xFF800000> : vector<64xf32>
    %reduce_max3A_116 = vector.multi_reduction <maximumf>, %select_n3A_114, %reduce_max3A_115 [1] : vector<64x10000xf32> to vector<64xf32>
    %broadcast_in_dim3A_117 = vector.shape_cast %reduce_max3A_116 : vector<64xf32> to vector<64x1xf32>
    %sub3A_118 = vector.broadcast %broadcast_in_dim3A_117 : vector<64x1xf32> to vector<64x10000xf32>
    %sub3A_119 = arith.subf %select_n3A_114, %sub3A_118 : vector<64x10000xf32>
    %exp3A_120 = math.exp %sub3A_119 : vector<64x10000xf32>
    %jit3A_121 = arith.constant 0.000000e+00 : f32
    %broadcast_in_dim3A_122 = vector.broadcast %jit3A_121 : f32 to vector<64x10000xf32>
    %select_n3A_123 = arith.select %eq3A_4, %exp3A_120, %broadcast_in_dim3A_122 : vector<64x10000xi1>, vector<64x10000xf32>
    %reduce_sum3A_124 = arith.constant dense<0.000000e+00> : vector<64xf32>
    %reduce_sum3A_125 = vector.multi_reduction <add>, %select_n3A_123, %reduce_sum3A_124 [1] : vector<64x10000xf32> to vector<64xf32>
    %broadcast_in_dim3A_126 = vector.shape_cast %reduce_sum3A_125 : vector<64xf32> to vector<64x1xf32>
    %add3A_127 = arith.constant 1.000000e-16 : f32
    %add3A_128 = vector.broadcast %add3A_127 : f32 to vector<64x1xf32>
    %add3A_129 = arith.addf %broadcast_in_dim3A_126, %add3A_128 : vector<64x1xf32>
    %div3A_130 = vector.broadcast %add3A_129 : vector<64x1xf32> to vector<64x10000xf32>
    %div3A_131 = arith.divf %select_n3A_123, %div3A_130 : vector<64x10000xf32>
    %dot_general3A_132 = arith.constant dense<0.000000e+00> : vector<64x128xf32>
    %dot_general3A_133 = tpu.matmul %div3A_131, %get3A_1, %dot_general3A_132 {dimension_numbers = #tpu.dot_dimension_numbers<[1], [0], [0], [1], [0, 0, 1, 1], [], []>, transpose_lhs_hint = false} : vector<64x10000xf32>, vector<10000x128xf32>, vector<64x128xf32> -> vector<64x128xf32>
    %concatenate3A_134 = tpu.concatenate %mul3A_109, %dot_general3A_133 in 1 : vector<64x128xf32>, vector<64x128xf32> -> vector<64x256xf32>
    %dot_general3A_135 = arith.constant dense<0.000000e+00> : vector<64x512xf32>
    %dot_general3A_136 = tpu.matmul %concatenate3A_134, %get3A_13, %dot_general3A_135 {dimension_numbers = #tpu.dot_dimension_numbers<[1], [1], [0], [0], [0, 0, 1, 0], [], []>, transpose_lhs_hint = false} : vector<64x256xf32>, vector<512x256xf32>, vector<64x512xf32> -> vector<64x512xf32>
    %broadcast_in_dim3A_137 = vector.shape_cast %get3A_18 : vector<512xf32> to vector<1x512xf32>
    %add3A_138 = vector.broadcast %broadcast_in_dim3A_137 : vector<1x512xf32> to vector<64x512xf32>
    %add3A_139 = arith.addf %dot_general3A_136, %add3A_138 : vector<64x512xf32>
    %dot_general3A_140 = arith.constant dense<0.000000e+00> : vector<64x512xf32>
    %dot_general3A_141 = tpu.matmul %mul3A_109, %get3A_16, %dot_general3A_140 {dimension_numbers = #tpu.dot_dimension_numbers<[1], [1], [0], [0], [0, 0, 1, 0], [], []>, transpose_lhs_hint = false} : vector<64x128xf32>, vector<512x128xf32>, vector<64x512xf32> -> vector<64x512xf32>
    %add3A_142 = arith.addf %add3A_139, %dot_general3A_141 : vector<64x512xf32>
    %broadcast_in_dim3A_143 = vector.shape_cast %get3A_20 : vector<512xf32> to vector<1x512xf32>
    %add3A_144 = vector.broadcast %broadcast_in_dim3A_143 : vector<1x512xf32> to vector<64x512xf32>
    %add3A_145 = arith.addf %add3A_142, %add3A_144 : vector<64x512xf32>
    %slice3A_146 = vector.extract_strided_slice %add3A_145 {offsets = [0, 0], sizes = [64, 128], strides = [1, 1]} : vector<64x512xf32> to vector<64x128xf32>
    %logistic3A_147 = arith.negf %slice3A_146 : vector<64x128xf32>
    %logistic3A_148 = math.exp %logistic3A_147 : vector<64x128xf32>
    %logistic3A_149 = arith.constant 1.000000e+00 : f32
    %logistic3A_150 = vector.broadcast %logistic3A_149 : f32 to vector<64x128xf32>
    %logistic3A_151 = arith.addf %logistic3A_150, %logistic3A_148 : vector<64x128xf32>
    %logistic3A_152 = arith.divf %logistic3A_150, %logistic3A_151 : vector<64x128xf32>
    %slice3A_153 = vector.extract_strided_slice %add3A_145 {offsets = [0, 128], sizes = [64, 128], strides = [1, 1]} : vector<64x512xf32> to vector<64x128xf32>
    %logistic3A_154 = arith.negf %slice3A_153 : vector<64x128xf32>
    %logistic3A_155 = math.exp %logistic3A_154 : vector<64x128xf32>
    %logistic3A_156 = arith.constant 1.000000e+00 : f32
    %logistic3A_157 = vector.broadcast %logistic3A_156 : f32 to vector<64x128xf32>
    %logistic3A_158 = arith.addf %logistic3A_157, %logistic3A_155 : vector<64x128xf32>
    %logistic3A_159 = arith.divf %logistic3A_157, %logistic3A_158 : vector<64x128xf32>
    %slice3A_160 = vector.extract_strided_slice %add3A_145 {offsets = [0, 256], sizes = [64, 128], strides = [1, 1]} : vector<64x512xf32> to vector<64x128xf32>
    %tanh3A_161 = math.tanh %slice3A_160 : vector<64x128xf32>
    %slice3A_162 = vector.extract_strided_slice %add3A_145 {offsets = [0, 384], sizes = [64, 128], strides = [1, 1]} : vector<64x512xf32> to vector<64x128xf32>
    %logistic3A_163 = arith.negf %slice3A_162 : vector<64x128xf32>
    %logistic3A_164 = math.exp %logistic3A_163 : vector<64x128xf32>
    %logistic3A_165 = arith.constant 1.000000e+00 : f32
    %logistic3A_166 = vector.broadcast %logistic3A_165 : f32 to vector<64x128xf32>
    %logistic3A_167 = arith.addf %logistic3A_166, %logistic3A_164 : vector<64x128xf32>
    %logistic3A_168 = arith.divf %logistic3A_166, %logistic3A_167 : vector<64x128xf32>
    %mul3A_169 = arith.mulf %logistic3A_159, %add3A_107 : vector<64x128xf32>
    %mul3A_170 = arith.mulf %logistic3A_152, %tanh3A_161 : vector<64x128xf32>
    %add3A_171 = arith.addf %mul3A_169, %mul3A_170 : vector<64x128xf32>
    %tanh3A_172 = math.tanh %add3A_171 : vector<64x128xf32>
    %mul3A_173 = arith.mulf %logistic3A_168, %tanh3A_172 : vector<64x128xf32>
    %dot_general3A_174 = arith.constant dense<0.000000e+00> : vector<64x10000xf32>
    %dot_general3A_175 = tpu.matmul %mul3A_173, %get3A_1, %dot_general3A_174 {dimension_numbers = #tpu.dot_dimension_numbers<[1], [1], [0], [0], [0, 0, 1, 0], [], []>, transpose_lhs_hint = false} : vector<64x128xf32>, vector<10000x128xf32>, vector<64x10000xf32> -> vector<64x10000xf32>
    %jit3A_176 = arith.constant -3.000000e+38 : f32
    %broadcast_in_dim3A_177 = vector.broadcast %jit3A_176 : f32 to vector<64x10000xf32>
    %select_n3A_178 = arith.select %eq3A_4, %dot_general3A_175, %broadcast_in_dim3A_177 : vector<64x10000xi1>, vector<64x10000xf32>
    %reduce_max3A_179 = arith.constant dense<0xFF800000> : vector<64xf32>
    %reduce_max3A_180 = vector.multi_reduction <maximumf>, %select_n3A_178, %reduce_max3A_179 [1] : vector<64x10000xf32> to vector<64xf32>
    %broadcast_in_dim3A_181 = vector.shape_cast %reduce_max3A_180 : vector<64xf32> to vector<64x1xf32>
    %sub3A_182 = vector.broadcast %broadcast_in_dim3A_181 : vector<64x1xf32> to vector<64x10000xf32>
    %sub3A_183 = arith.subf %select_n3A_178, %sub3A_182 : vector<64x10000xf32>
    %exp3A_184 = math.exp %sub3A_183 : vector<64x10000xf32>
    %jit3A_185 = arith.constant 0.000000e+00 : f32
    %broadcast_in_dim3A_186 = vector.broadcast %jit3A_185 : f32 to vector<64x10000xf32>
    %select_n3A_187 = arith.select %eq3A_4, %exp3A_184, %broadcast_in_dim3A_186 : vector<64x10000xi1>, vector<64x10000xf32>
    %reduce_sum3A_188 = arith.constant dense<0.000000e+00> : vector<64xf32>
    %reduce_sum3A_189 = vector.multi_reduction <add>, %select_n3A_187, %reduce_sum3A_188 [1] : vector<64x10000xf32> to vector<64xf32>
    %broadcast_in_dim3A_190 = vector.shape_cast %reduce_sum3A_189 : vector<64xf32> to vector<64x1xf32>
    %add3A_191 = arith.constant 1.000000e-16 : f32
    %add3A_192 = vector.broadcast %add3A_191 : f32 to vector<64x1xf32>
    %add3A_193 = arith.addf %broadcast_in_dim3A_190, %add3A_192 : vector<64x1xf32>
    %div3A_194 = vector.broadcast %add3A_193 : vector<64x1xf32> to vector<64x10000xf32>
    %div3A_195 = arith.divf %select_n3A_187, %div3A_194 : vector<64x10000xf32>
    %dot_general3A_196 = arith.constant dense<0.000000e+00> : vector<64x128xf32>
    %dot_general3A_197 = tpu.matmul %div3A_195, %get3A_1, %dot_general3A_196 {dimension_numbers = #tpu.dot_dimension_numbers<[1], [0], [0], [1], [0, 0, 1, 1], [], []>, transpose_lhs_hint = false} : vector<64x10000xf32>, vector<10000x128xf32>, vector<64x128xf32> -> vector<64x128xf32>
    %concatenate3A_198 = tpu.concatenate %mul3A_173, %dot_general3A_197 in 1 : vector<64x128xf32>, vector<64x128xf32> -> vector<64x256xf32>
    %dot_general3A_199 = arith.constant dense<0.000000e+00> : vector<64x512xf32>
    %dot_general3A_200 = tpu.matmul %concatenate3A_198, %get3A_13, %dot_general3A_199 {dimension_numbers = #tpu.dot_dimension_numbers<[1], [1], [0], [0], [0, 0, 1, 0], [], []>, transpose_lhs_hint = false} : vector<64x256xf32>, vector<512x256xf32>, vector<64x512xf32> -> vector<64x512xf32>
    %broadcast_in_dim3A_201 = vector.shape_cast %get3A_18 : vector<512xf32> to vector<1x512xf32>
    %add3A_202 = vector.broadcast %broadcast_in_dim3A_201 : vector<1x512xf32> to vector<64x512xf32>
    %add3A_203 = arith.addf %dot_general3A_200, %add3A_202 : vector<64x512xf32>
    %dot_general3A_204 = arith.constant dense<0.000000e+00> : vector<64x512xf32>
    %dot_general3A_205 = tpu.matmul %mul3A_173, %get3A_16, %dot_general3A_204 {dimension_numbers = #tpu.dot_dimension_numbers<[1], [1], [0], [0], [0, 0, 1, 0], [], []>, transpose_lhs_hint = false} : vector<64x128xf32>, vector<512x128xf32>, vector<64x512xf32> -> vector<64x512xf32>
    %add3A_206 = arith.addf %add3A_203, %dot_general3A_205 : vector<64x512xf32>
    %broadcast_in_dim3A_207 = vector.shape_cast %get3A_20 : vector<512xf32> to vector<1x512xf32>
    %add3A_208 = vector.broadcast %broadcast_in_dim3A_207 : vector<1x512xf32> to vector<64x512xf32>
    %add3A_209 = arith.addf %add3A_206, %add3A_208 : vector<64x512xf32>
    %slice3A_210 = vector.extract_strided_slice %add3A_209 {offsets = [0, 0], sizes = [64, 128], strides = [1, 1]} : vector<64x512xf32> to vector<64x128xf32>
    %logistic3A_211 = arith.negf %slice3A_210 : vector<64x128xf32>
    %logistic3A_212 = math.exp %logistic3A_211 : vector<64x128xf32>
    %logistic3A_213 = arith.constant 1.000000e+00 : f32
    %logistic3A_214 = vector.broadcast %logistic3A_213 : f32 to vector<64x128xf32>
    %logistic3A_215 = arith.addf %logistic3A_214, %logistic3A_212 : vector<64x128xf32>
    %logistic3A_216 = arith.divf %logistic3A_214, %logistic3A_215 : vector<64x128xf32>
    %slice3A_217 = vector.extract_strided_slice %add3A_209 {offsets = [0, 128], sizes = [64, 128], strides = [1, 1]} : vector<64x512xf32> to vector<64x128xf32>
    %logistic3A_218 = arith.negf %slice3A_217 : vector<64x128xf32>
    %logistic3A_219 = math.exp %logistic3A_218 : vector<64x128xf32>
    %logistic3A_220 = arith.constant 1.000000e+00 : f32
    %logistic3A_221 = vector.broadcast %logistic3A_220 : f32 to vector<64x128xf32>
    %logistic3A_222 = arith.addf %logistic3A_221, %logistic3A_219 : vector<64x128xf32>
    %logistic3A_223 = arith.divf %logistic3A_221, %logistic3A_222 : vector<64x128xf32>
    %slice3A_224 = vector.extract_strided_slice %add3A_209 {offsets = [0, 256], sizes = [64, 128], strides = [1, 1]} : vector<64x512xf32> to vector<64x128xf32>
    %tanh3A_225 = math.tanh %slice3A_224 : vector<64x128xf32>
    %slice3A_226 = vector.extract_strided_slice %add3A_209 {offsets = [0, 384], sizes = [64, 128], strides = [1, 1]} : vector<64x512xf32> to vector<64x128xf32>
    %logistic3A_227 = arith.negf %slice3A_226 : vector<64x128xf32>
    %logistic3A_228 = math.exp %logistic3A_227 : vector<64x128xf32>
    %logistic3A_229 = arith.constant 1.000000e+00 : f32
    %logistic3A_230 = vector.broadcast %logistic3A_229 : f32 to vector<64x128xf32>
    %logistic3A_231 = arith.addf %logistic3A_230, %logistic3A_228 : vector<64x128xf32>
    %logistic3A_232 = arith.divf %logistic3A_230, %logistic3A_231 : vector<64x128xf32>
    %mul3A_233 = arith.mulf %logistic3A_223, %add3A_171 : vector<64x128xf32>
    %mul3A_234 = arith.mulf %logistic3A_216, %tanh3A_225 : vector<64x128xf32>
    %add3A_235 = arith.addf %mul3A_233, %mul3A_234 : vector<64x128xf32>
    %tanh3A_236 = math.tanh %add3A_235 : vector<64x128xf32>
    %mul3A_237 = arith.mulf %logistic3A_232, %tanh3A_236 : vector<64x128xf32>
    %dot_general3A_238 = arith.constant dense<0.000000e+00> : vector<64x10000xf32>
    %dot_general3A_239 = tpu.matmul %mul3A_237, %get3A_1, %dot_general3A_238 {dimension_numbers = #tpu.dot_dimension_numbers<[1], [1], [0], [0], [0, 0, 1, 0], [], []>, transpose_lhs_hint = false} : vector<64x128xf32>, vector<10000x128xf32>, vector<64x10000xf32> -> vector<64x10000xf32>
    %jit3A_240 = arith.constant -3.000000e+38 : f32
    %broadcast_in_dim3A_241 = vector.broadcast %jit3A_240 : f32 to vector<64x10000xf32>
    %select_n3A_242 = arith.select %eq3A_4, %dot_general3A_239, %broadcast_in_dim3A_241 : vector<64x10000xi1>, vector<64x10000xf32>
    %reduce_max3A_243 = arith.constant dense<0xFF800000> : vector<64xf32>
    %reduce_max3A_244 = vector.multi_reduction <maximumf>, %select_n3A_242, %reduce_max3A_243 [1] : vector<64x10000xf32> to vector<64xf32>
    %broadcast_in_dim3A_245 = vector.shape_cast %reduce_max3A_244 : vector<64xf32> to vector<64x1xf32>
    %sub3A_246 = vector.broadcast %broadcast_in_dim3A_245 : vector<64x1xf32> to vector<64x10000xf32>
    %sub3A_247 = arith.subf %select_n3A_242, %sub3A_246 : vector<64x10000xf32>
    %exp3A_248 = math.exp %sub3A_247 : vector<64x10000xf32>
    %jit3A_249 = arith.constant 0.000000e+00 : f32
    %broadcast_in_dim3A_250 = vector.broadcast %jit3A_249 : f32 to vector<64x10000xf32>
    %select_n3A_251 = arith.select %eq3A_4, %exp3A_248, %broadcast_in_dim3A_250 : vector<64x10000xi1>, vector<64x10000xf32>
    %reduce_sum3A_252 = arith.constant dense<0.000000e+00> : vector<64xf32>
    %reduce_sum3A_253 = vector.multi_reduction <add>, %select_n3A_251, %reduce_sum3A_252 [1] : vector<64x10000xf32> to vector<64xf32>
    %broadcast_in_dim3A_254 = vector.shape_cast %reduce_sum3A_253 : vector<64xf32> to vector<64x1xf32>
    %add3A_255 = arith.constant 1.000000e-16 : f32
    %add3A_256 = vector.broadcast %add3A_255 : f32 to vector<64x1xf32>
    %add3A_257 = arith.addf %broadcast_in_dim3A_254, %add3A_256 : vector<64x1xf32>
    %div3A_258 = vector.broadcast %add3A_257 : vector<64x1xf32> to vector<64x10000xf32>
    %div3A_259 = arith.divf %select_n3A_251, %div3A_258 : vector<64x10000xf32>
    %dot_general3A_260 = arith.constant dense<0.000000e+00> : vector<64x128xf32>
    %dot_general3A_261 = tpu.matmul %div3A_259, %get3A_1, %dot_general3A_260 {dimension_numbers = #tpu.dot_dimension_numbers<[1], [0], [0], [1], [0, 0, 1, 1], [], []>, transpose_lhs_hint = false} : vector<64x10000xf32>, vector<10000x128xf32>, vector<64x128xf32> -> vector<64x128xf32>
    %concatenate3A_262 = tpu.concatenate %mul3A_237, %dot_general3A_261 in 1 : vector<64x128xf32>, vector<64x128xf32> -> vector<64x256xf32>
    %dot_general3A_263 = arith.constant dense<0.000000e+00> : vector<64x512xf32>
    %dot_general3A_264 = tpu.matmul %concatenate3A_262, %get3A_13, %dot_general3A_263 {dimension_numbers = #tpu.dot_dimension_numbers<[1], [1], [0], [0], [0, 0, 1, 0], [], []>, transpose_lhs_hint = false} : vector<64x256xf32>, vector<512x256xf32>, vector<64x512xf32> -> vector<64x512xf32>
    %broadcast_in_dim3A_265 = vector.shape_cast %get3A_18 : vector<512xf32> to vector<1x512xf32>
    %add3A_266 = vector.broadcast %broadcast_in_dim3A_265 : vector<1x512xf32> to vector<64x512xf32>
    %add3A_267 = arith.addf %dot_general3A_264, %add3A_266 : vector<64x512xf32>
    %dot_general3A_268 = arith.constant dense<0.000000e+00> : vector<64x512xf32>
    %dot_general3A_269 = tpu.matmul %mul3A_237, %get3A_16, %dot_general3A_268 {dimension_numbers = #tpu.dot_dimension_numbers<[1], [1], [0], [0], [0, 0, 1, 0], [], []>, transpose_lhs_hint = false} : vector<64x128xf32>, vector<512x128xf32>, vector<64x512xf32> -> vector<64x512xf32>
    %add3A_270 = arith.addf %add3A_267, %dot_general3A_269 : vector<64x512xf32>
    %broadcast_in_dim3A_271 = vector.shape_cast %get3A_20 : vector<512xf32> to vector<1x512xf32>
    %add3A_272 = vector.broadcast %broadcast_in_dim3A_271 : vector<1x512xf32> to vector<64x512xf32>
    %add3A_273 = arith.addf %add3A_270, %add3A_272 : vector<64x512xf32>
    %slice3A_274 = vector.extract_strided_slice %add3A_273 {offsets = [0, 0], sizes = [64, 128], strides = [1, 1]} : vector<64x512xf32> to vector<64x128xf32>
    %logistic3A_275 = arith.negf %slice3A_274 : vector<64x128xf32>
    %logistic3A_276 = math.exp %logistic3A_275 : vector<64x128xf32>
    %logistic3A_277 = arith.constant 1.000000e+00 : f32
    %logistic3A_278 = vector.broadcast %logistic3A_277 : f32 to vector<64x128xf32>
    %logistic3A_279 = arith.addf %logistic3A_278, %logistic3A_276 : vector<64x128xf32>
    %logistic3A_280 = arith.divf %logistic3A_278, %logistic3A_279 : vector<64x128xf32>
    %slice3A_281 = vector.extract_strided_slice %add3A_273 {offsets = [0, 128], sizes = [64, 128], strides = [1, 1]} : vector<64x512xf32> to vector<64x128xf32>
    %logistic3A_282 = arith.negf %slice3A_281 : vector<64x128xf32>
    %logistic3A_283 = math.exp %logistic3A_282 : vector<64x128xf32>
    %logistic3A_284 = arith.constant 1.000000e+00 : f32
    %logistic3A_285 = vector.broadcast %logistic3A_284 : f32 to vector<64x128xf32>
    %logistic3A_286 = arith.addf %logistic3A_285, %logistic3A_283 : vector<64x128xf32>
    %logistic3A_287 = arith.divf %logistic3A_285, %logistic3A_286 : vector<64x128xf32>
    %slice3A_288 = vector.extract_strided_slice %add3A_273 {offsets = [0, 256], sizes = [64, 128], strides = [1, 1]} : vector<64x512xf32> to vector<64x128xf32>
    %tanh3A_289 = math.tanh %slice3A_288 : vector<64x128xf32>
    %slice3A_290 = vector.extract_strided_slice %add3A_273 {offsets = [0, 384], sizes = [64, 128], strides = [1, 1]} : vector<64x512xf32> to vector<64x128xf32>
    %logistic3A_291 = arith.negf %slice3A_290 : vector<64x128xf32>
    %logistic3A_292 = math.exp %logistic3A_291 : vector<64x128xf32>
    %logistic3A_293 = arith.constant 1.000000e+00 : f32
    %logistic3A_294 = vector.broadcast %logistic3A_293 : f32 to vector<64x128xf32>
    %logistic3A_295 = arith.addf %logistic3A_294, %logistic3A_292 : vector<64x128xf32>
    %logistic3A_296 = arith.divf %logistic3A_294, %logistic3A_295 : vector<64x128xf32>
    %mul3A_297 = arith.mulf %logistic3A_287, %add3A_235 : vector<64x128xf32>
    %mul3A_298 = arith.mulf %logistic3A_280, %tanh3A_289 : vector<64x128xf32>
    %add3A_299 = arith.addf %mul3A_297, %mul3A_298 : vector<64x128xf32>
    %tanh3A_300 = math.tanh %add3A_299 : vector<64x128xf32>
    %mul3A_301 = arith.mulf %logistic3A_296, %tanh3A_300 : vector<64x128xf32>
    %dot_general3A_302 = arith.constant dense<0.000000e+00> : vector<64x10000xf32>
    %dot_general3A_303 = tpu.matmul %mul3A_301, %get3A_1, %dot_general3A_302 {dimension_numbers = #tpu.dot_dimension_numbers<[1], [1], [0], [0], [0, 0, 1, 0], [], []>, transpose_lhs_hint = false} : vector<64x128xf32>, vector<10000x128xf32>, vector<64x10000xf32> -> vector<64x10000xf32>
    %jit3A_304 = arith.constant -3.000000e+38 : f32
    %broadcast_in_dim3A_305 = vector.broadcast %jit3A_304 : f32 to vector<64x10000xf32>
    %select_n3A_306 = arith.select %eq3A_4, %dot_general3A_303, %broadcast_in_dim3A_305 : vector<64x10000xi1>, vector<64x10000xf32>
    %reduce_max3A_307 = arith.constant dense<0xFF800000> : vector<64xf32>
    %reduce_max3A_308 = vector.multi_reduction <maximumf>, %select_n3A_306, %reduce_max3A_307 [1] : vector<64x10000xf32> to vector<64xf32>
    %broadcast_in_dim3A_309 = vector.shape_cast %reduce_max3A_308 : vector<64xf32> to vector<64x1xf32>
    %sub3A_310 = vector.broadcast %broadcast_in_dim3A_309 : vector<64x1xf32> to vector<64x10000xf32>
    %sub3A_311 = arith.subf %select_n3A_306, %sub3A_310 : vector<64x10000xf32>
    %exp3A_312 = math.exp %sub3A_311 : vector<64x10000xf32>
    %jit3A_313 = arith.constant 0.000000e+00 : f32
    %broadcast_in_dim3A_314 = vector.broadcast %jit3A_313 : f32 to vector<64x10000xf32>
    %select_n3A_315 = arith.select %eq3A_4, %exp3A_312, %broadcast_in_dim3A_314 : vector<64x10000xi1>, vector<64x10000xf32>
    %reduce_sum3A_316 = arith.constant dense<0.000000e+00> : vector<64xf32>
    %reduce_sum3A_317 = vector.multi_reduction <add>, %select_n3A_315, %reduce_sum3A_316 [1] : vector<64x10000xf32> to vector<64xf32>
    %broadcast_in_dim3A_318 = vector.shape_cast %reduce_sum3A_317 : vector<64xf32> to vector<64x1xf32>
    %add3A_319 = arith.constant 1.000000e-16 : f32
    %add3A_320 = vector.broadcast %add3A_319 : f32 to vector<64x1xf32>
    %add3A_321 = arith.addf %broadcast_in_dim3A_318, %add3A_320 : vector<64x1xf32>
    %div3A_322 = vector.broadcast %add3A_321 : vector<64x1xf32> to vector<64x10000xf32>
    %div3A_323 = arith.divf %select_n3A_315, %div3A_322 : vector<64x10000xf32>
    %dot_general3A_324 = arith.constant dense<0.000000e+00> : vector<64x128xf32>
    %dot_general3A_325 = tpu.matmul %div3A_323, %get3A_1, %dot_general3A_324 {dimension_numbers = #tpu.dot_dimension_numbers<[1], [0], [0], [1], [0, 0, 1, 1], [], []>, transpose_lhs_hint = false} : vector<64x10000xf32>, vector<10000x128xf32>, vector<64x128xf32> -> vector<64x128xf32>
    %concatenate3A_326 = tpu.concatenate %mul3A_301, %dot_general3A_325 in 1 : vector<64x128xf32>, vector<64x128xf32> -> vector<64x256xf32>
    %dot_general3A_327 = arith.constant dense<0.000000e+00> : vector<64x512xf32>
    %dot_general3A_328 = tpu.matmul %concatenate3A_326, %get3A_13, %dot_general3A_327 {dimension_numbers = #tpu.dot_dimension_numbers<[1], [1], [0], [0], [0, 0, 1, 0], [], []>, transpose_lhs_hint = false} : vector<64x256xf32>, vector<512x256xf32>, vector<64x512xf32> -> vector<64x512xf32>
    %broadcast_in_dim3A_329 = vector.shape_cast %get3A_18 : vector<512xf32> to vector<1x512xf32>
    %add3A_330 = vector.broadcast %broadcast_in_dim3A_329 : vector<1x512xf32> to vector<64x512xf32>
    %add3A_331 = arith.addf %dot_general3A_328, %add3A_330 : vector<64x512xf32>
    %dot_general3A_332 = arith.constant dense<0.000000e+00> : vector<64x512xf32>
    %dot_general3A_333 = tpu.matmul %mul3A_301, %get3A_16, %dot_general3A_332 {dimension_numbers = #tpu.dot_dimension_numbers<[1], [1], [0], [0], [0, 0, 1, 0], [], []>, transpose_lhs_hint = false} : vector<64x128xf32>, vector<512x128xf32>, vector<64x512xf32> -> vector<64x512xf32>
    %add3A_334 = arith.addf %add3A_331, %dot_general3A_333 : vector<64x512xf32>
    %broadcast_in_dim3A_335 = vector.shape_cast %get3A_20 : vector<512xf32> to vector<1x512xf32>
    %add3A_336 = vector.broadcast %broadcast_in_dim3A_335 : vector<1x512xf32> to vector<64x512xf32>
    %add3A_337 = arith.addf %add3A_334, %add3A_336 : vector<64x512xf32>
    %slice3A_338 = vector.extract_strided_slice %add3A_337 {offsets = [0, 0], sizes = [64, 128], strides = [1, 1]} : vector<64x512xf32> to vector<64x128xf32>
    %logistic3A_339 = arith.negf %slice3A_338 : vector<64x128xf32>
    %logistic3A_340 = math.exp %logistic3A_339 : vector<64x128xf32>
    %logistic3A_341 = arith.constant 1.000000e+00 : f32
    %logistic3A_342 = vector.broadcast %logistic3A_341 : f32 to vector<64x128xf32>
    %logistic3A_343 = arith.addf %logistic3A_342, %logistic3A_340 : vector<64x128xf32>
    %logistic3A_344 = arith.divf %logistic3A_342, %logistic3A_343 : vector<64x128xf32>
    %slice3A_345 = vector.extract_strided_slice %add3A_337 {offsets = [0, 128], sizes = [64, 128], strides = [1, 1]} : vector<64x512xf32> to vector<64x128xf32>
    %logistic3A_346 = arith.negf %slice3A_345 : vector<64x128xf32>
    %logistic3A_347 = math.exp %logistic3A_346 : vector<64x128xf32>
    %logistic3A_348 = arith.constant 1.000000e+00 : f32
    %logistic3A_349 = vector.broadcast %logistic3A_348 : f32 to vector<64x128xf32>
    %logistic3A_350 = arith.addf %logistic3A_349, %logistic3A_347 : vector<64x128xf32>
    %logistic3A_351 = arith.divf %logistic3A_349, %logistic3A_350 : vector<64x128xf32>
    %slice3A_352 = vector.extract_strided_slice %add3A_337 {offsets = [0, 256], sizes = [64, 128], strides = [1, 1]} : vector<64x512xf32> to vector<64x128xf32>
    %tanh3A_353 = math.tanh %slice3A_352 : vector<64x128xf32>
    %slice3A_354 = vector.extract_strided_slice %add3A_337 {offsets = [0, 384], sizes = [64, 128], strides = [1, 1]} : vector<64x512xf32> to vector<64x128xf32>
    %logistic3A_355 = arith.negf %slice3A_354 : vector<64x128xf32>
    %logistic3A_356 = math.exp %logistic3A_355 : vector<64x128xf32>
    %logistic3A_357 = arith.constant 1.000000e+00 : f32
    %logistic3A_358 = vector.broadcast %logistic3A_357 : f32 to vector<64x128xf32>
    %logistic3A_359 = arith.addf %logistic3A_358, %logistic3A_356 : vector<64x128xf32>
    %logistic3A_360 = arith.divf %logistic3A_358, %logistic3A_359 : vector<64x128xf32>
    %mul3A_361 = arith.mulf %logistic3A_351, %add3A_299 : vector<64x128xf32>
    %mul3A_362 = arith.mulf %logistic3A_344, %tanh3A_353 : vector<64x128xf32>
    %add3A_363 = arith.addf %mul3A_361, %mul3A_362 : vector<64x128xf32>
    %tanh3A_364 = math.tanh %add3A_363 : vector<64x128xf32>
    %mul3A_365 = arith.mulf %logistic3A_360, %tanh3A_364 : vector<64x128xf32>
    %dot_general3A_366 = arith.constant dense<0.000000e+00> : vector<64x10000xf32>
    %dot_general3A_367 = tpu.matmul %mul3A_365, %get3A_1, %dot_general3A_366 {dimension_numbers = #tpu.dot_dimension_numbers<[1], [1], [0], [0], [0, 0, 1, 0], [], []>, transpose_lhs_hint = false} : vector<64x128xf32>, vector<10000x128xf32>, vector<64x10000xf32> -> vector<64x10000xf32>
    %jit3A_368 = arith.constant -3.000000e+38 : f32
    %broadcast_in_dim3A_369 = vector.broadcast %jit3A_368 : f32 to vector<64x10000xf32>
    %select_n3A_370 = arith.select %eq3A_4, %dot_general3A_367, %broadcast_in_dim3A_369 : vector<64x10000xi1>, vector<64x10000xf32>
    %reduce_max3A_371 = arith.constant dense<0xFF800000> : vector<64xf32>
    %reduce_max3A_372 = vector.multi_reduction <maximumf>, %select_n3A_370, %reduce_max3A_371 [1] : vector<64x10000xf32> to vector<64xf32>
    %broadcast_in_dim3A_373 = vector.shape_cast %reduce_max3A_372 : vector<64xf32> to vector<64x1xf32>
    %sub3A_374 = vector.broadcast %broadcast_in_dim3A_373 : vector<64x1xf32> to vector<64x10000xf32>
    %sub3A_375 = arith.subf %select_n3A_370, %sub3A_374 : vector<64x10000xf32>
    %exp3A_376 = math.exp %sub3A_375 : vector<64x10000xf32>
    %jit3A_377 = arith.constant 0.000000e+00 : f32
    %broadcast_in_dim3A_378 = vector.broadcast %jit3A_377 : f32 to vector<64x10000xf32>
    %select_n3A_379 = arith.select %eq3A_4, %exp3A_376, %broadcast_in_dim3A_378 : vector<64x10000xi1>, vector<64x10000xf32>
    %reduce_sum3A_380 = arith.constant dense<0.000000e+00> : vector<64xf32>
    %reduce_sum3A_381 = vector.multi_reduction <add>, %select_n3A_379, %reduce_sum3A_380 [1] : vector<64x10000xf32> to vector<64xf32>
    %broadcast_in_dim3A_382 = vector.shape_cast %reduce_sum3A_381 : vector<64xf32> to vector<64x1xf32>
    %add3A_383 = arith.constant 1.000000e-16 : f32
    %add3A_384 = vector.broadcast %add3A_383 : f32 to vector<64x1xf32>
    %add3A_385 = arith.addf %broadcast_in_dim3A_382, %add3A_384 : vector<64x1xf32>
    %div3A_386 = vector.broadcast %add3A_385 : vector<64x1xf32> to vector<64x10000xf32>
    %div3A_387 = arith.divf %select_n3A_379, %div3A_386 : vector<64x10000xf32>
    %dot_general3A_388 = arith.constant dense<0.000000e+00> : vector<64x128xf32>
    %dot_general3A_389 = tpu.matmul %div3A_387, %get3A_1, %dot_general3A_388 {dimension_numbers = #tpu.dot_dimension_numbers<[1], [0], [0], [1], [0, 0, 1, 1], [], []>, transpose_lhs_hint = false} : vector<64x10000xf32>, vector<10000x128xf32>, vector<64x128xf32> -> vector<64x128xf32>
    %concatenate3A_390 = tpu.concatenate %mul3A_365, %dot_general3A_389 in 1 : vector<64x128xf32>, vector<64x128xf32> -> vector<64x256xf32>
    %get3A_391 = arith.constant 0 : index
    %get3A_392 = arith.constant 0 : index
    %get3A_393 = vector.load %arg6[%get3A_391, %get3A_392] : memref<128x256xf32, #tpu.memory_space<vmem>>, vector<128x256xf32>
    %dot_general3A_394 = arith.constant dense<0.000000e+00> : vector<64x128xf32>
    %dot_general3A_395 = tpu.matmul %concatenate3A_390, %get3A_393, %dot_general3A_394 {dimension_numbers = #tpu.dot_dimension_numbers<[1], [1], [0], [0], [0, 0, 1, 0], [], []>, transpose_lhs_hint = false} : vector<64x256xf32>, vector<128x256xf32>, vector<64x128xf32> -> vector<64x128xf32>
    %get3A_396 = arith.constant 0 : index
    %get3A_397 = vector.load %arg7[%get3A_396] : memref<128xf32, #tpu.memory_space<vmem>>, vector<128xf32>
    %broadcast_in_dim3A_398 = vector.shape_cast %get3A_397 : vector<128xf32> to vector<1x128xf32>
    %add3A_399 = vector.broadcast %broadcast_in_dim3A_398 : vector<1x128xf32> to vector<64x128xf32>
    %add3A_400 = arith.addf %dot_general3A_395, %add3A_399 : vector<64x128xf32>
    %max3A = arith.constant 0.000000e+00 : f32
    %max3A_401 = vector.broadcast %max3A : f32 to vector<64x128xf32>
    %max3A_402 = arith.maximumf %add3A_400, %max3A_401 : vector<64x128xf32>
    %get3A_403 = arith.constant 0 : index
    %get3A_404 = arith.constant 0 : index
    %get3A_405 = vector.load %arg8[%get3A_403, %get3A_404] : memref<12x128xf32, #tpu.memory_space<vmem>>, vector<12x128xf32>
    %dot_general3A_406 = arith.constant dense<0.000000e+00> : vector<64x12xf32>
    %dot_general3A_407 = tpu.matmul %max3A_402, %get3A_405, %dot_general3A_406 {dimension_numbers = #tpu.dot_dimension_numbers<[1], [1], [0], [0], [0, 0, 1, 0], [], []>, transpose_lhs_hint = false} : vector<64x128xf32>, vector<12x128xf32>, vector<64x12xf32> -> vector<64x12xf32>
    %get3A_408 = arith.constant 0 : index
    %get3A_409 = vector.load %arg9[%get3A_408] : memref<12xf32, #tpu.memory_space<vmem>>, vector<12xf32>
    %broadcast_in_dim3A_410 = vector.shape_cast %get3A_409 : vector<12xf32> to vector<1x12xf32>
    %add3A_411 = vector.broadcast %broadcast_in_dim3A_410 : vector<1x12xf32> to vector<64x12xf32>
    %add3A_412 = arith.addf %dot_general3A_407, %add3A_411 : vector<64x12xf32>
    %swap3A = arith.constant 0 : index
    %swap3A_413 = arith.constant 0 : index
    %swap3A_414 = vector.load %arg10[%swap3A, %swap3A_413] : memref<64x12xf32, #tpu.memory_space<vmem>>, vector<64x12xf32>
    tpu.vector_store %arg10[%swap3A, %swap3A_413], %add3A_412 {strides = array<i32>} : memref<64x12xf32, #tpu.memory_space<vmem>>, vector<64x12xf32>,
    return
  }
}

</mosaic_0001>

<sc_bundles>
// kernel: kernel.16.cloned.1.call-start
scs
__scs_entry_jumppad:
0x0: {  	(pc) =	sbr.rel $0x88, $3  }
0x1: {  	(tag) =	ssettag $0x0;
	lr =	simm.s32 $0x1  }
0x2: {  	[smem:$0x3F8C] =	sst lr;
	_ =	strace $0xD0000000  }
0x3: {  	_ = 	snop  }
0x4: {  	_ = 	snop  }
0x5: {  	_ = 	snop  }
0x6: {  	_ = 	snop  }
0x7: {  	_ = 	snop  }
__scs_overlays_trampoline_lowered:
0x8: {  	[smem:$0x3F9B] =	sst s0  }
0x9: {  	[smem:$0x3F9C] =	sst s1  }
0xa: {  	[smem:$0x3F9D] =	sst s2  }
0xb: {  	[smem:$0x3F9E] =	sst s3  }
0xc: {  	[smem:$0x3F9F] =	sst s4  }
0xd: {  	[smem:$0x3FA0] =	sst s5  }
0xe: {  	[smem:$0x3FA1] =	sst s6  }
0xf: {  	[smem:$0x3FA2] =	sst s7  }
0x10: {  	[smem:$0x3FA3] =	sst s8  }
0x11: {  	[smem:$0x3FA4] =	sst s9;
	s0 =	simm.s32 @!p0 $0x0  }
0x12: {  	s1 =	sld [smem:$0x3F8A];
	s0 =	simm.s32 @p0 $0x1  }
0x13: {  	[smem:$0x3FA5] =	sst s0;
	s0 =	simm.s32 @!p1 $0x0  }
0x14: {  	s2 =	sld [smem:$0x3F89];
	s0 =	simm.s32 @p1 $0x1  }
0x15: {  	[smem:$0x3FA6] =	sst s0;
	s0 =	simm.s32 @!p2 $0x0  }
0x16: {  	s3 =	sld [smem:$0x3FDB];
	s0 =	simm.s32 @p2 $0x1  }
0x17: {  	s4 =	simm.s32 $0x1BF5;
	[smem:$0x3FA8] =	sst s0  }
0x18: {  	s0 =	sld [smem:$0x3F8B];
	_ =	swait.ge [sflag:s4], $0x0  }
0x19: {  	s7 =	sld [smem:$0x3F8C]  }
0x1a: {  	s8 =	sadd.s32 $0xFFFFE003, lr  }
0x1b: {  	s9 =	sadd.s32 $0xFFFFFEF7, lr;
	s5 =	simm.s32 $0xFFFFFFFF;
	p2 =	slt.u32 s8, $0xFFFFF086  }
0x1c: {  	p1 =	slt.u32 s9, $0xF7A;
	s5 =	simm.s32 @!p2 $0x0  }
0x1d: {  	s5 =	simm.s32 @p1 $0x1;
	p0 =	seq.s32 s7, s2  }
0x1e: {  	s7 =	smul.u32 @!p0 $0xF7A, s2;
	p2 =	seq.s32 @!p0 s5, $0x0  }
0x1f: {  	s9 =	smul.u32 $0xF7A, s1;
	s8 =	simm.s32 @!p0 $0x1BF5;
	p2 =	por !p2, p0  }
0x20: {  	[sflag:s8] =	ssyncset.s32 @!p0 $0xFFFFF086;
	s6 =	sadd.s32 @!p0 s3, s7;
	s7 =	simm.s32 @!p0 $0x108  }
0x21: {  	s3 =	sadd.s32 s3, s9;
	s6 =	sadd.s32 @!p0 $0x88, s6;
	s7 =	simm.s32 @p2 $0x1082  }
0x22: {  	[simem:s7], [sflag:s8] =	dma.local @!p0 [hbm:s6], $0xF7A  }
0x23: {  	s9 =	sor.u32 $0xD0000000, s2;
	s6 =	simm.s32 $0x108;
	_ =	swait.ge @!p0 [sflag:s8], $0x0  }
0x24: {  	s3 =	sadd.s32 $0x88, s3;
	s6 =	simm.s32 @!p1 $0x1082;
	[sflag:s4] =	ssyncset.s32 $0xFFFFF086  }
0x25: {  	[simem:s6], [sflag:s4] =	dma.local [hbm:s3], $0xF7A  }
0x26: {  	[smem:$0x3F8C] =	sst s1;
	(tag) =	ssettag s2;
	_ =	strace s9  }
0x27: {  	s1 =	sld [smem:$0x3F9C]  }
0x28: {  	s2 =	sld [smem:$0x3F9D]  }
0x29: {  	s4 =	sld [smem:$0x3F9F]  }
0x2a: {  	p0 =	seq.s32 s5, $0x0;
	s5 =	sld [smem:$0x3FA0]  }
0x2b: {  	s6 =	sld [smem:$0x3FA1]  }
0x2c: {  	s7 =	sld [smem:$0x3FA2]  }
0x2d: {  	s3 =	simm.s32 $0x108;
	s8 =	sld [smem:$0x3FA3]  }
0x2e: {  	s3 =	simm.s32 @!p0 $0x1082;
	s9 =	sld [smem:$0x3FA4]  }
0x2f: {  	lr =	sadd.s32 s0, s3;
	s0 =	sld [smem:$0x3F9B]  }
0x30: {  	s3 =	sld [smem:$0x3F9E]  }
0x31: {  	[smem:$0x3FA7] =	sst s10  }
0x32: {  	s10 =	sld [smem:$0x3FA5];
	_ =	sdelay $0x3  }
0x33: {  	p0 =	seq.s32 s10, $0x1;
	s10 =	sld [smem:$0x3FA7];
	_ =	sdelay $0x3  }
0x34: {  	[smem:$0x3FA7] =	sst s10  }
0x35: {  	s10 =	sld [smem:$0x3FA6];
	_ =	sdelay $0x3  }
0x36: {  	p1 =	seq.s32 s10, $0x1;
	s10 =	sld [smem:$0x3FA7];
	_ =	sdelay $0x3  }
0x37: {  	[smem:$0x3FA7] =	sst s10  }
0x38: {  	s10 =	sld [smem:$0x3FA8]  }
0x39: {  	_ = 	snop;
	(pc) =	sbr.ind lr, $3  }
0x3a: {  	_ = 	snop  }
0x3b: {  	_ = 	snop  }
0x3c: {  	p2 =	seq.s32 s10, $0x1;
	s10 =	sld [smem:$0x3FA7]  }
0x3d: {  	_ =	shalt  }
0x3e: {  	_ =	shalt  }
0x3f: {  	_ =	shalt  }
0x40: {  	_ =	shalt  }
0x41: {  	_ =	shalt  }
0x42: {  	_ =	shalt  }
0x43: {  	_ =	shalt  }
0x44: {  	_ =	shalt  }
0x45: {  	_ =	shalt  }
0x46: {  	_ =	shalt  }
0x47: {  	_ =	shalt  }
0x48: {  	_ =	shalt  }
0x49: {  	_ =	shalt  }
0x4a: {  	_ =	shalt  }
0x4b: {  	_ =	shalt  }
0x4c: {  	_ =	shalt  }
0x4d: {  	_ =	shalt  }
0x4e: {  	_ =	shalt  }
0x4f: {  	_ =	shalt  }
0x50: {  	_ =	shalt  }
0x51: {  	_ =	shalt  }
0x52: {  	_ =	shalt  }
0x53: {  	_ =	shalt  }
0x54: {  	_ =	shalt  }
0x55: {  	_ =	shalt  }
0x56: {  	_ =	shalt  }
0x57: {  	_ =	shalt  }
0x58: {  	_ =	shalt  }
0x59: {  	_ =	shalt  }
0x5a: {  	_ =	shalt  }
0x5b: {  	_ =	shalt  }
0x5c: {  	_ =	shalt  }
0x5d: {  	_ =	shalt  }
0x5e: {  	_ =	shalt  }
0x5f: {  	_ =	shalt  }
0x60: {  	_ =	shalt  }
0x61: {  	_ =	shalt  }
0x62: {  	_ =	shalt  }
0x63: {  	_ =	shalt  }
0x64: {  	_ =	shalt  }
0x65: {  	_ =	shalt  }
0x66: {  	_ =	shalt  }
0x67: {  	_ =	shalt  }
0x68: {  	_ =	shalt  }
0x69: {  	_ =	shalt  }
0x6a: {  	_ =	shalt  }
0x6b: {  	_ =	shalt  }
0x6c: {  	_ =	shalt  }
0x6d: {  	_ =	shalt  }
0x6e: {  	_ =	shalt  }
0x6f: {  	_ =	shalt  }
0x70: {  	_ =	shalt  }
0x71: {  	_ =	shalt  }
0x72: {  	_ =	shalt  }
0x73: {  	_ =	shalt  }
0x74: {  	_ =	shalt  }
0x75: {  	_ =	shalt  }
0x76: {  	_ =	shalt  }
0x77: {  	_ =	shalt  }
0x78: {  	_ =	shalt  }
0x79: {  	_ =	shalt  }
0x7a: {  	_ =	shalt  }
0x7b: {  	_ =	shalt  }
0x7c: {  	_ =	shalt  }
0x7d: {  	_ =	shalt  }
0x7e: {  	_ =	shalt  }
0x7f: {  	_ =	shalt  }
0x80: {  	_ =	shalt  }
0x81: {  	_ =	shalt  }
0x82: {  	_ =	shalt  }
0x83: {  	_ =	shalt  }
0x84: {  	_ =	shalt  }
0x85: {  	_ =	shalt  }
0x86: {  	_ =	shalt  }
0x87: {  	_ =	shalt  }
.Lfunc_end0:
.L_simem_size_0:
called_computation_lowered:
.L_overlay_start_0:
0x88: {  	s2 =	sld [smem:$0x3FD9]  }
0x89: {  	s3 =	sld [smem:$0x3FFE];
	_ =	sdelay $0x1  }
0x8a: {  	s1 =	srdreg.scid  }
0x8b: {  	s0 =	sand.u32 $0x1, s1  }
0x8c: {  	s17 =	sshll.u32 s0, $0xA;
	s2 =	sadd.s32 s3, s2  }
0x8d: {  	s2 =	sadd.s32 s2, s17  }
0x8e: {  	[smem:$0x3FB3] =	sst s2  }
0x8f: {  	_ = 	snop  }
0x90: {  	s2 =	sld [smem:$0x3FC9];
	(tm) =	ssettm $0x1  }
0x91: {  	s18 =	sld [smem:$0x3FFB];
	_ =	sdelay $0x3  }
0x92: {  	_ =	strace s18  }
0x93: {  	s3 =	sld [smem:$0x3FFC];
	_ =	sdelay $0x3  }
0x94: {  	_ =	strace s3  }
0x95: {  	s3 =	sld [smem:$0x3FFD];
	_ =	sdelay $0x3  }
0x96: {  	_ =	strace s3  }
0x97: {  	_ =	strace $0x8FFFFFFF  }
0x98: {  	s19 =	sld [smem:$0x3FDB];
	_ =	sdelay $0x1  }
0x99: {  	s4 =	simm.s32 $_scs_section_size  }
0x9a: {  	s5 =	simm.s32 $_size__tile_overlayer_lowered;
	s6 =	simm.s32 $_tile_overlayer_lowered  }
0x9b: {  	s22 =	simm.s32 $0x1BFF;
	s21 =	sshll.u32 s6, $0x1;
	s3 =	sadd.s32 s4, s19  }
0x9c: {  	s7 =	simm.s32 $0x0;
	s20 =	sshll.u32 s5, $0x1;
	s5 =	sadd.s32 s21, s3  }
0x9d: {  	[timem:s7], [sflag:s22] =	dma.local [hbm:s5], s20  }
0x9e: {  	_ =	swait.ge [sflag:s22], s20  }
0x9f: {  	s4 =	ssub.s32 $0x0, s20;
	[sflag:s22] =	ssyncset.done $0x0  }
0xa0: {  	[sflag:s22] =	ssyncadd.s32 s4;
	_ =	sdelay $0x1  }
0xa1: {  	s23 =	simm.s32 $0x1B8B  }
0xa2: {  	_ =	swait.ge [sflag:s23], $0x1  }
0xa3: {  	[sflag:s23] =	ssyncset.done $0x0  }
0xa4: {  	s25 =	simm.s32 $0x1B8E;
	s24 =	sld [smem:$0x3FFE];
	[sflag:s23] =	ssyncadd.s32 $0xFFFFFFFF  }
0xa5: {  	s26 =	simm.s32 $execute0_lowered;
	[smem:$0x3FD2] =	sst s25  }
0xa6: {  	s5 =	sshll.u32 s26, $0x1;
	_ =	strace $0x80000046;
	[dreg:$0x1] =	wrdreg $0xFFFFFFFF  }
0xa7: {  	s28 =	simm.s32 $_size_execute0_lowered;
	s3 =	sadd.s32 s3, s5;
	[dreg:$0x0] =	wrdreg $0x0  }
0xa8: {  	s5 =	sshll.u32 s28, $0x1;
	[dreg:$0x2] =	wrdreg s3  }
0xa9: {  	[dreg:$0x3] =	wrdreg s5  }
0xaa: {  	[dreg:$0x4] =	wrdreg $0xC0  }
0xab: {  	_ =	task [dreg:s7], $0x5FFFF  }
0xac: {  	[dreg:$0x1] =	wrdreg $0xFFFFFFFF  }
0xad: {  	[dreg:$0x0] =	wrdreg $0x60  }
0xae: {  	[dreg:$0x2] =	wrdreg s2  }
0xaf: {  	[dreg:$0x3] =	wrdreg s24  }
0xb0: {  	[dreg:$0x4] =	wrdreg $0x51000  }
0xb1: {  	[dreg:$0x5] =	wrdreg $0x9  }
0xb2: {  	_ =	task.clear_ibuf [dreg:s7], $0x6FFFF;
	_ =	strace $0x90000046  }
0xb3: {  	s29 =	simm.s32 $0x9;
	_ =	strace $0x80000048  }
0xb4: {  	_ =	swait.ge [sflag:s29], $0x1  }
0xb5: {  	[sflag:s29] =	ssyncadd.s32 $0xFFFFFFFF  }
0xb6: {  	_ =	strace $0x90000048  }
0xb7: {  	_ =	sfence  }
0xb8: {  	s30 =	sld [smem:$0x0];
	_ =	sdelay $0x2  }
0xb9: {  	s31 =	sshll.u32 s1, $0xD;
	s1 =	sshrl.u32 s1, $0x2  }
0xba: {  	s3 =	sand.u32 $0x4000, s31;
	s1 =	sadd.s32 s1, s30  }
0xbb: {  	s0 =	sor.u32 s3, s0;
	s1 =	sshll.u32 s1, $0x11  }
0xbc: {  	s0 =	sor.u32 s1, s0  }
0xbd: {  	s0 =	sadd.s32 $0x8F2B, s0  }
0xbe: {  	[sflag:s0] =	ssyncadd.remote.s32 $0x1  }
0xbf: {  	_ =	sfence.sel $0xFFFF  }
0xc0: {  	[dreg:$0x0] =	wrdreg $0xFFFFFFFF;
	(pc) =	sbr.abs _section_cstart, $3  }
0xc1: {  	[dreg:$0x1] =	wrdreg $0xFFFFFFFF  }
0xc2: {  	_ =	task.clear_ibuf [dreg:s7], $0x2FFFF;
	_ =	strace $0x9FFFFFFF  }
0xc3: {  	(tm) =	ssettm $0x7FFFFFFF  }
tec
execute0_lowered:
.L_overlay_start_1:
0x0: {  	(tag) =	ssettag $0x1  }
0x1: {  	s1 =	rddreg [dreg:$0x0]  }
0x2: {  	s10 =	rddreg [dreg:$0x1]  }
0x3: {  	s2 =	rddreg [dreg:$0x2]  }
0x4: {  	s0 =	rddreg [dreg:$0x3]  }
0x5: {  	s3 =	simm.s32 $0x0;
	s14 =	stileid.u32;
	s7 =	srdreg.scid  }
0x6: {  	s20 =	simm.s32 $0x2900;
	s21 =	simm.s32 $0x1;
	s26 =	simm.s32 $0x0  }
0x7: {  	[smem:$0x7FF] =	sst s3;
	s11 =	smul.u32 $0x13800, s14;
	s4 =	sadd.s32 $0x4FE200, s10  }
0x8: {  	s5 =	sadd.s32 $0x4F4400, s10;
	s6 =	sadd.s32 $0x4EA600, s10;
	s9 =	sand.u32 $0x1, s7  }
0x9: {  	s12 =	sshll.u32 s14, $0x1;
	s15 =	smul.u32 $0x4E000, s14;
	s16 =	sadd.s32 $0x2F800, s10  }
0xa: {  	s30 =	sshll.u32 s14, $0x6;
	s19 =	sadd.s32 $0x138000, s2;
	p0 =	sne.s32 s14, $0x0  }
0xb: {  	_ =	strace $0x80000047;
	s7 =	ssub.s32 $0x2, s9;
	s12 =	sor.u32 s9, s12  }
0xc: {  	s17 =	smul.u32 $0x138800, s9;
	s9 =	sor.u32 $0x1C02, s30;
	s8 =	sshrl.u32 s11, $0x3  }
0xd: {  	s13 =	sshrl.u32 s7, $0x1;
	s29 =	sshrl.u32 s15, $0x2;
	s15 =	simm.s32 $0x2  }
0xe: {  	s8 =	sadd.s32 s8, s10;
	s13 =	ssub.s32 s7, s13;
	s7 =	smul.u32 $0x2710, s12  }
0xf: {  	s18 =	sadd.s32 s29, s2;
	s11 =	sadd.s32 s11, s17;
	s31 =	sshrl.u32 s17, $0x3  }
0x10: {  	s10 =	sadd.s32 $0x2F600, s10;
	s17 =	simm.s32 $0x80;
	s8 =	sadd.s32 $0x8600, s8  }
0x11: {  	s11 =	sshrl.u32 s11, $0x3;
	s12 =	sadd.s32 s16, s31;
	s13 =	smax.u32 s13, $0x1  }
0x12: {  	s14 =	sshrl.u32 s18, $0x3;
	s18 =	simm.s32 $0x50;
	s11 =	sadd.s32 s16, s11  }
0x13: {  	s12 =	sadd.s32 $0x27000, s12;
	s16 =	sshrl.u32 @!p0 s19, $0x3;
	s19 =	simm.s32 $0x100  }
.LBB2_1:
0x14: {  	[spmem:s14], [sflag:s9] =	dma.local [hbm:s8], $0x2700  }
0x15: {  	_ =	swait.ge [sflag:s15], $0x2700  }
0x16: {  	[sflag:s15] =	ssyncset.done $0x0  }
0x17: {  	s22 =	simm.s32 @!p0 $0x2;
	[sflag:s15] =	ssyncadd.s32 $0xFFFFD900  }
0x18: {  	[spmem:s16], [sflag:s9] =	dma.local @!p0 [hbm:s10], $0x100  }
0x19: {  	_ =	swait.ge @!p0 [sflag:s22], $0x100  }
0x1a: {  	[sflag:s22] =	ssyncset.done @!p0 $0x0  }
0x1b: {  	[sflag:s22] =	ssyncadd.s32 @!p0 $0xFFFFFF00  }
0x1c: {  	s22 =	simm.s32 $0x0;
	[bflag:$0x0] =	sbarrier.arrive $0xFFFF  }
.LBB2_2:
0x1d: {  	s23 =	smul.u32 $0x50, s22;
	_ =	sdelay $0x1  }
0x1e: {  	s23 =	sadd.s32 s7, s23  }
0x1f: {  	s24 =	sshrl.u32 s23, $0x3  }
0x20: {  	s25 =	sadd.s32 s5, s24  }
0x21: {  	[tilespmem:s26], [sflag:$0x2] =	stream.linear.gather [hbm4b:s25+s26], $0x50, $0x38;
	[tilespmem:$0x18980] =	vst v63  }
0x22: {  	_ =	swait.ge [sflag:s15], $0x50  }
0x23: {  	[sflag:s15] =	ssyncset.done $0x0  }
0x24: {  	s24 =	sadd.s32 s6, s24;
	[sflag:s15] =	ssyncadd.s32 $0xFFFFFFB0  }
0x25: {  	[tilespmem:s17], [sflag:$0x2] =	stream.linear.gather [hbm4b:s24+s26], $0x50, $0x38;
	[tilespmem:$0x18980] =	vst v63  }
0x26: {  	_ =	swait.ge [sflag:s15], $0x50  }
0x27: {  	[sflag:s15] =	ssyncset.done $0x0  }
0x28: {  	s23 =	sshll.u32 s23, $0x4;
	[sflag:s15] =	ssyncadd.s32 $0xFFFFFFB0  }
0x29: {  	[tilespmem:s19], [sflag:$0x1] =	stream.indirect.gather [hbm4b:s1+s18], $0x80, s26, s18, $0xb8;
	[tilespmem:$0x18980] =	vst v63  }
0x2a: {  	s23 =	sadd.s32 s4, s23  }
0x2b: {  	[tilespmem:s20], [sflag:$0x2] =	stream.linear.gather [hbm4b:s23+s26], $0x2800, $0x38;
	[tilespmem:$0x18980] =	vst v63  }
0x2c: {  	_ =	swait.ge [sflag:s15], $0x2800  }
0x2d: {  	[sflag:s15] =	ssyncset.done $0x0  }
0x2e: {  	[sflag:s15] =	ssyncadd.s32 $0xFFFFD800  }
0x2f: {  	_ =	swait.ge [sflag:s21], $0x2800  }
0x30: {  	[sflag:s21] =	ssyncset.done $0x0  }
0x31: {  	s23 =	simm.s32 $0x0;
	[sflag:s21] =	ssyncadd.s32 $0xFFFFD800  }
0x32: {  	v6 =	vld [tilespmem:s23+$0x2900]  }
0x33: {  	v11 =	vld [tilespmem:s23+$0x2910]  }
0x34: {  	v5 =	vld [tilespmem:s23+$0x2920]  }
0x35: {  	v4 =	vld [tilespmem:s23+$0x2930]  }
0x36: {  	v3 =	vld [tilespmem:s23+$0x2940]  }
0x37: {  	v2 =	vld [tilespmem:s23+$0x2950]  }
0x38: {  	v1 =	vld [tilespmem:s23+$0x2960]  }
0x39: {  	v0 =	vld [tilespmem:s23+$0x2970]  }
0x3a: {  	v12 =	vld [tilespmem:s23+$0x100]  }
0x3b: {  	v13 =	vld [tilespmem:s23+$0x110]  }
0x3c: {  	v10 =	vld [tilespmem:s23+$0x120]  }
0x3d: {  	v9 =	vld [tilespmem:s23+$0x130]  }
0x3e: {  	v8 =	vld [tilespmem:s23+$0x140]  }
0x3f: {  	v7 =	vld [tilespmem:s23+$0x150];
	v12 =	vadd.f32 v6, v12  }
0x40: {  	s24 =	simm.s32 $0x200;
	v11 =	vadd.f32 v11, v13;
	v6 =	vld [tilespmem:s23+$0x160]  }
.LBB2_3:
0x41: {  	s25 =	sshra.s32 s24, $0x2;
	p1 =	sne.s32 s24, $0x9E00;
	v12 =	vmax.f32 v12, $0.0e+00;
	v5 =	vadd.f32 v5, v10;
	v10 =	vld [tilespmem:s23+$0x170]  }
0x42: {  	v13 =	vld [tilespmem:s25+$0x2900];
	[tilespmem:s23+$0x100] =	vst v12;
	v11 =	vmax.f32 v11, $0.0e+00;
	v4 =	vadd.f32 v4, v9  }
0x43: {  	v14 =	vld [tilespmem:s25+$0x2910];
	[tilespmem:s23+$0x110] =	vst v11;
	v9 =	vmax.f32 v5, $0.0e+00;
	v3 =	vadd.f32 v3, v8  }
0x44: {  	v5 =	vld [tilespmem:s25+$0x2920];
	[tilespmem:s23+$0x120] =	vst v9;
	v8 =	vmax.f32 v4, $0.0e+00;
	v2 =	vadd.f32 v2, v7  }
0x45: {  	v4 =	vld [tilespmem:s25+$0x2930];
	[tilespmem:s23+$0x130] =	vst v8;
	v7 =	vmax.f32 v3, $0.0e+00;
	v1 =	vadd.f32 v1, v6  }
0x46: {  	v3 =	vld [tilespmem:s25+$0x2940];
	[tilespmem:s23+$0x140] =	vst v7;
	v6 =	vmax.f32 v2, $0.0e+00;
	v0 =	vadd.f32 v0, v10  }
0x47: {  	v2 =	vld [tilespmem:s25+$0x2950];
	[tilespmem:s23+$0x150] =	vst v6;
	v6 =	vmax.f32 v1, $0.0e+00  }
0x48: {  	v1 =	vld [tilespmem:s25+$0x2960];
	[tilespmem:s23+$0x160] =	vst v6;
	v6 =	vmax.f32 v0, $0.0e+00  }
0x49: {  	v0 =	vld [tilespmem:s25+$0x2970];
	[tilespmem:s23+$0x170] =	vst v6;
	s23 =	smov.u32 s25  }
0x4a: {  	v6 =	vld [tilespmem:s23+$0x100]  }
0x4b: {  	v11 =	vld [tilespmem:s23+$0x110]  }
.Ltmp0:
0x4c: {  	v10 =	vld [tilespmem:s23+$0x120];
	(pc) =	sbr.rel @p1 .LBB2_3-.Ltmp0, $4  }
0x4d: {  	v9 =	vld [tilespmem:s23+$0x130]  }
0x4e: {  	v8 =	vld [tilespmem:s23+$0x140]  }
0x4f: {  	v12 =	vadd.f32 v13, v6;
	v7 =	vld [tilespmem:s23+$0x150]  }
0x50: {  	s24 =	sadd.s32 $0x200, s24;
	v11 =	vadd.f32 v14, v11;
	v6 =	vld [tilespmem:s23+$0x160]  }
0x51: {  	v12 =	vmax.f32 v12, $0.0e+00;
	v5 =	vadd.f32 v5, v10;
	v63 =	vld [tilespmem:s23+$0x170]  }
0x52: {  	[tilespmem:s23+$0x100] =	vst v12;
	v11 =	vmax.f32 v11, $0.0e+00;
	v4 =	vadd.f32 v4, v9  }
0x53: {  	[tilespmem:s23+$0x110] =	vst v11;
	v5 =	vmax.f32 v5, $0.0e+00;
	v3 =	vadd.f32 v3, v8  }
0x54: {  	[tilespmem:s23+$0x120] =	vst v5;
	v4 =	vmax.f32 v4, $0.0e+00;
	v2 =	vadd.f32 v2, v7  }
0x55: {  	[tilespmem:s23+$0x130] =	vst v4;
	v3 =	vmax.f32 v3, $0.0e+00;
	v1 =	vadd.f32 v1, v6  }
0x56: {  	[tilespmem:s23+$0x140] =	vst v3;
	v2 =	vmax.f32 v2, $0.0e+00;
	v0 =	vadd.f32 v0, v63  }
0x57: {  	s22 =	sadd.s32 $0x1, s22;
	[tilespmem:s23+$0x150] =	vst v2;
	v1 =	vmax.f32 v1, $0.0e+00  }
0x58: {  	p1 =	sne.s32 s22, $0x7D;
	[tilespmem:s23+$0x160] =	vst v1;
	v0 =	vmax.f32 v0, $0.0e+00  }
.Ltmp1:
0x59: {  	[tilespmem:s23+$0x170] =	vst v0;
	(pc) =	sbr.rel @p1 .LBB2_2-.Ltmp1, $4  }
0x5a: {  	[spmem:s2] =	stream.indirect.scatter.add.f32 [tilespmem:s19], [sflag:$0x2], $0x80, s17, s18, $0xb8;
	[tilespmem:$0x18980] =	vst v63  }
0x5b: {  	_ =	swait.ge [sflag:s15], $0x2800  }
0x5c: {  	[sflag:s15] =	ssyncset.done $0x0  }
0x5d: {  	[sflag:s15] =	ssyncadd.s32 $0xFFFFD800  }
0x5e: {  	[bflag:$0x0] =	sbarrier.arrive $0xFFFF  }
0x5f: {  	[hbm:s11], [sflag:s9] =	dma.local [spmem:s14], $0x2700  }
0x60: {  	s3 =	sadd.s32 $0x1, s3;
	_ =	swait.ge [sflag:s15], $0x2700  }
0x61: {  	p1 =	sne.s32 s3, s13;
	[sflag:s15] =	ssyncset.done $0x0  }
.Ltmp2:
0x62: {  	s22 =	simm.s32 @!p0 $0x2;
	[sflag:s15] =	ssyncadd.s32 $0xFFFFD900;
	(pc) =	sbr.rel @p1 .LBB2_1-.Ltmp2, $4  }
0x63: {  	[hbm:s12], [sflag:s9] =	dma.local @!p0 [spmem:s16], $0x100  }
0x64: {  	_ =	swait.ge @!p0 [sflag:s22], $0x100  }
0x65: {  	[sflag:s22] =	ssyncset.done @!p0 $0x0  }
0x66: {  	[sflag:s22] =	ssyncadd.s32 @!p0 $0xFFFFFF00  }
0x67: {  	_ =	sfence.sel $0x180000  }
0x68: {  	[bflag:$0x0] =	sbarrier.arrive $0xFFFF  }
0x69: {  	_ =	strace $0x90000047  }
0x6a: {  	s0 =	sadd.s32 @!p0 $0x100000, s0;
	[bflag:$0x2] =	sbarrier.arrive $0xFFFF  }
0x6b: {  	[sflag:s0] =	ssyncadd.tile.s32 @!p0 $0x1;
	_ =	shalt  }
.Lfunc_end2:
_tile_overlayer_lowered:
.L_overlay_start_2:
0x6c: {  	(tag) =	ssettag $0x2  }
0x6d: {  	s0 =	rddreg [dreg:$0x0];
	s2 =	stileid.u32  }
0x6e: {  	s1 =	rddreg [dreg:$0x1];
	p0 =	sne.s32 s2, $0x0  }
0x6f: {  	s3 =	rddreg [dreg:$0x2];
	[bflag:$0x3] =	sbarrier.arrive $0xFFFF;
	s2 =	simm.s32 @!p0 $0x1C02  }
0x70: {  	[timem:s3], [sflag:s2] =	dma.local @!p0 [hbm:s0], s1  }
0x71: {  	s0 =	simm.s32 @!p0 $0x2  }
0x72: {  	_ =	swait.ge @!p0 [sflag:s0], s1  }
0x73: {  	s1 =	ssub.s32 @!p0 $0x0, s1;
	[sflag:s0] =	ssyncset.done @!p0 $0x0  }
0x74: {  	[sflag:s0] =	ssyncadd.s32 @!p0 s1  }
0x75: {  	[bflag:$0x3] =	sbarrier.arrive $0xFFFF  }
0x76: {  	_ =	shalt  }

// kernel: kernel.19.cloned.1.call-start
scs
__scs_entry_jumppad:
0x0: {  	(pc) =	sbr.rel $0x88, $3  }
0x1: {  	(tag) =	ssettag $0x0;
	lr =	simm.s32 $0x1  }
0x2: {  	[smem:$0x3F8C] =	sst lr;
	_ =	strace $0xD0000000  }
0x3: {  	_ = 	snop  }
0x4: {  	_ = 	snop  }
0x5: {  	_ = 	snop  }
0x6: {  	_ = 	snop  }
0x7: {  	_ = 	snop  }
__scs_overlays_trampoline_lowered:
0x8: {  	[smem:$0x3F9B] =	sst s0  }
0x9: {  	[smem:$0x3F9C] =	sst s1  }
0xa: {  	[smem:$0x3F9D] =	sst s2  }
0xb: {  	[smem:$0x3F9E] =	sst s3  }
0xc: {  	[smem:$0x3F9F] =	sst s4  }
0xd: {  	[smem:$0x3FA0] =	sst s5  }
0xe: {  	[smem:$0x3FA1] =	sst s6  }
0xf: {  	[smem:$0x3FA2] =	sst s7  }
0x10: {  	[smem:$0x3FA3] =	sst s8  }
0x11: {  	[smem:$0x3FA4] =	sst s9;
	s0 =	simm.s32 @!p0 $0x0  }
0x12: {  	s1 =	sld [smem:$0x3F8A];
	s0 =	simm.s32 @p0 $0x1  }
0x13: {  	[smem:$0x3FA5] =	sst s0;
	s0 =	simm.s32 @!p1 $0x0  }
0x14: {  	s2 =	sld [smem:$0x3F89];
	s0 =	simm.s32 @p1 $0x1  }
0x15: {  	[smem:$0x3FA6] =	sst s0;
	s0 =	simm.s32 @!p2 $0x0  }
0x16: {  	s3 =	sld [smem:$0x3FDB];
	s0 =	simm.s32 @p2 $0x1  }
0x17: {  	s4 =	simm.s32 $0x1BF5;
	[smem:$0x3FA8] =	sst s0  }
0x18: {  	s0 =	sld [smem:$0x3F8B];
	_ =	swait.ge [sflag:s4], $0x0  }
0x19: {  	s7 =	sld [smem:$0x3F8C]  }
0x1a: {  	s8 =	sadd.s32 $0xFFFFE003, lr  }
0x1b: {  	s9 =	sadd.s32 $0xFFFFFEF7, lr;
	s5 =	simm.s32 $0xFFFFFFFF;
	p2 =	slt.u32 s8, $0xFFFFF086  }
0x1c: {  	p1 =	slt.u32 s9, $0xF7A;
	s5 =	simm.s32 @!p2 $0x0  }
0x1d: {  	s5 =	simm.s32 @p1 $0x1;
	p0 =	seq.s32 s7, s2  }
0x1e: {  	s7 =	smul.u32 @!p0 $0xF7A, s2;
	p2 =	seq.s32 @!p0 s5, $0x0  }
0x1f: {  	s9 =	smul.u32 $0xF7A, s1;
	s8 =	simm.s32 @!p0 $0x1BF5;
	p2 =	por !p2, p0  }
0x20: {  	[sflag:s8] =	ssyncset.s32 @!p0 $0xFFFFF086;
	s6 =	sadd.s32 @!p0 s3, s7;
	s7 =	simm.s32 @!p0 $0x108  }
0x21: {  	s3 =	sadd.s32 s3, s9;
	s6 =	sadd.s32 @!p0 $0x88, s6;
	s7 =	simm.s32 @p2 $0x1082  }
0x22: {  	[simem:s7], [sflag:s8] =	dma.local @!p0 [hbm:s6], $0xF7A  }
0x23: {  	s9 =	sor.u32 $0xD0000000, s2;
	s6 =	simm.s32 $0x108;
	_ =	swait.ge @!p0 [sflag:s8], $0x0  }
0x24: {  	s3 =	sadd.s32 $0x88, s3;
	s6 =	simm.s32 @!p1 $0x1082;
	[sflag:s4] =	ssyncset.s32 $0xFFFFF086  }
0x25: {  	[simem:s6], [sflag:s4] =	dma.local [hbm:s3], $0xF7A  }
0x26: {  	[smem:$0x3F8C] =	sst s1;
	(tag) =	ssettag s2;
	_ =	strace s9  }
0x27: {  	s1 =	sld [smem:$0x3F9C]  }
0x28: {  	s2 =	sld [smem:$0x3F9D]  }
0x29: {  	s4 =	sld [smem:$0x3F9F]  }
0x2a: {  	p0 =	seq.s32 s5, $0x0;
	s5 =	sld [smem:$0x3FA0]  }
0x2b: {  	s6 =	sld [smem:$0x3FA1]  }
0x2c: {  	s7 =	sld [smem:$0x3FA2]  }
0x2d: {  	s3 =	simm.s32 $0x108;
	s8 =	sld [smem:$0x3FA3]  }
0x2e: {  	s3 =	simm.s32 @!p0 $0x1082;
	s9 =	sld [smem:$0x3FA4]  }
0x2f: {  	lr =	sadd.s32 s0, s3;
	s0 =	sld [smem:$0x3F9B]  }
0x30: {  	s3 =	sld [smem:$0x3F9E]  }
0x31: {  	[smem:$0x3FA7] =	sst s10  }
0x32: {  	s10 =	sld [smem:$0x3FA5];
	_ =	sdelay $0x3  }
0x33: {  	p0 =	seq.s32 s10, $0x1;
	s10 =	sld [smem:$0x3FA7];
	_ =	sdelay $0x3  }
0x34: {  	[smem:$0x3FA7] =	sst s10  }
0x35: {  	s10 =	sld [smem:$0x3FA6];
	_ =	sdelay $0x3  }
0x36: {  	p1 =	seq.s32 s10, $0x1;
	s10 =	sld [smem:$0x3FA7];
	_ =	sdelay $0x3  }
0x37: {  	[smem:$0x3FA7] =	sst s10  }
0x38: {  	s10 =	sld [smem:$0x3FA8]  }
0x39: {  	_ = 	snop;
	(pc) =	sbr.ind lr, $3  }
0x3a: {  	_ = 	snop  }
0x3b: {  	_ = 	snop  }
0x3c: {  	p2 =	seq.s32 s10, $0x1;
	s10 =	sld [smem:$0x3FA7]  }
0x3d: {  	_ =	shalt  }
0x3e: {  	_ =	shalt  }
0x3f: {  	_ =	shalt  }
0x40: {  	_ =	shalt  }
0x41: {  	_ =	shalt  }
0x42: {  	_ =	shalt  }
0x43: {  	_ =	shalt  }
0x44: {  	_ =	shalt  }
0x45: {  	_ =	shalt  }
0x46: {  	_ =	shalt  }
0x47: {  	_ =	shalt  }
0x48: {  	_ =	shalt  }
0x49: {  	_ =	shalt  }
0x4a: {  	_ =	shalt  }
0x4b: {  	_ =	shalt  }
0x4c: {  	_ =	shalt  }
0x4d: {  	_ =	shalt  }
0x4e: {  	_ =	shalt  }
0x4f: {  	_ =	shalt  }
0x50: {  	_ =	shalt  }
0x51: {  	_ =	shalt  }
0x52: {  	_ =	shalt  }
0x53: {  	_ =	shalt  }
0x54: {  	_ =	shalt  }
0x55: {  	_ =	shalt  }
0x56: {  	_ =	shalt  }
0x57: {  	_ =	shalt  }
0x58: {  	_ =	shalt  }
0x59: {  	_ =	shalt  }
0x5a: {  	_ =	shalt  }
0x5b: {  	_ =	shalt  }
0x5c: {  	_ =	shalt  }
0x5d: {  	_ =	shalt  }
0x5e: {  	_ =	shalt  }
0x5f: {  	_ =	shalt  }
0x60: {  	_ =	shalt  }
0x61: {  	_ =	shalt  }
0x62: {  	_ =	shalt  }
0x63: {  	_ =	shalt  }
0x64: {  	_ =	shalt  }
0x65: {  	_ =	shalt  }
0x66: {  	_ =	shalt  }
0x67: {  	_ =	shalt  }
0x68: {  	_ =	shalt  }
0x69: {  	_ =	shalt  }
0x6a: {  	_ =	shalt  }
0x6b: {  	_ =	shalt  }
0x6c: {  	_ =	shalt  }
0x6d: {  	_ =	shalt  }
0x6e: {  	_ =	shalt  }
0x6f: {  	_ =	shalt  }
0x70: {  	_ =	shalt  }
0x71: {  	_ =	shalt  }
0x72: {  	_ =	shalt  }
0x73: {  	_ =	shalt  }
0x74: {  	_ =	shalt  }
0x75: {  	_ =	shalt  }
0x76: {  	_ =	shalt  }
0x77: {  	_ =	shalt  }
0x78: {  	_ =	shalt  }
0x79: {  	_ =	shalt  }
0x7a: {  	_ =	shalt  }
0x7b: {  	_ =	shalt  }
0x7c: {  	_ =	shalt  }
0x7d: {  	_ =	shalt  }
0x7e: {  	_ =	shalt  }
0x7f: {  	_ =	shalt  }
0x80: {  	_ =	shalt  }
0x81: {  	_ =	shalt  }
0x82: {  	_ =	shalt  }
0x83: {  	_ =	shalt  }
0x84: {  	_ =	shalt  }
0x85: {  	_ =	shalt  }
0x86: {  	_ =	shalt  }
0x87: {  	_ =	shalt  }
.Lfunc_end0:
.L_simem_size_0:
called_computation.1_lowered:
.L_overlay_start_0:
0x88: {  	s2 =	sld [smem:$0x3FD9]  }
0x89: {  	s3 =	sld [smem:$0x3FFE];
	_ =	sdelay $0x1  }
0x8a: {  	s1 =	srdreg.scid  }
0x8b: {  	s0 =	sand.u32 $0x1, s1  }
0x8c: {  	s16 =	sshll.u32 s0, $0xA;
	s2 =	sadd.s32 s3, s2  }
0x8d: {  	s2 =	sadd.s32 s2, s16  }
0x8e: {  	[smem:$0x3FB3] =	sst s2  }
0x8f: {  	_ = 	snop  }
0x90: {  	(tm) =	ssettm $0x1  }
0x91: {  	s17 =	sld [smem:$0x3FFB];
	_ =	sdelay $0x3  }
0x92: {  	_ =	strace s17  }
0x93: {  	s2 =	sld [smem:$0x3FFC];
	_ =	sdelay $0x3  }
0x94: {  	_ =	strace s2  }
0x95: {  	s2 =	sld [smem:$0x3FFD];
	_ =	sdelay $0x3  }
0x96: {  	_ =	strace s2  }
0x97: {  	_ =	strace $0x8FFFFFFF  }
0x98: {  	s18 =	sld [smem:$0x3FDB];
	_ =	sdelay $0x1  }
0x99: {  	s19 =	simm.s32 $_scs_section_size  }
0x9a: {  	s4 =	simm.s32 $_size__tile_overlayer_lowered;
	s5 =	simm.s32 $_tile_overlayer_lowered  }
0x9b: {  	s22 =	simm.s32 $0x1BFF;
	s21 =	sshll.u32 s5, $0x1;
	s2 =	sadd.s32 s19, s18  }
0x9c: {  	s6 =	simm.s32 $0x0;
	s20 =	sshll.u32 s4, $0x1;
	s4 =	sadd.s32 s21, s2  }
0x9d: {  	[timem:s6], [sflag:s22] =	dma.local [hbm:s4], s20  }
0x9e: {  	_ =	swait.ge [sflag:s22], s20  }
0x9f: {  	s3 =	ssub.s32 $0x0, s20;
	[sflag:s22] =	ssyncset.done $0x0  }
0xa0: {  	[sflag:s22] =	ssyncadd.s32 s3;
	_ =	sdelay $0x1  }
0xa1: {  	s23 =	simm.s32 $0x1B8B  }
0xa2: {  	_ =	swait.ge [sflag:s23], $0x1  }
0xa3: {  	[sflag:s23] =	ssyncset.done $0x0  }
0xa4: {  	s25 =	simm.s32 $0x1B8E;
	s24 =	sld [smem:$0x3FFE];
	[sflag:s23] =	ssyncadd.s32 $0xFFFFFFFF  }
0xa5: {  	s26 =	simm.s32 $execute0_lowered;
	[smem:$0x3FD2] =	sst s25  }
0xa6: {  	s4 =	sshll.u32 s26, $0x1;
	_ =	strace $0x80000049;
	[dreg:$0x1] =	wrdreg $0xFFFFFFFF  }
0xa7: {  	s28 =	simm.s32 $_size_execute0_lowered;
	s2 =	sadd.s32 s2, s4;
	[dreg:$0x0] =	wrdreg $0x0  }
0xa8: {  	s4 =	sshll.u32 s28, $0x1;
	[dreg:$0x2] =	wrdreg s2  }
0xa9: {  	[dreg:$0x3] =	wrdreg s4  }
0xaa: {  	[dreg:$0x4] =	wrdreg $0xC0  }
0xab: {  	_ =	task [dreg:s6], $0x5FFFF  }
0xac: {  	[dreg:$0x1] =	wrdreg $0xFFFFFFFF  }
0xad: {  	[dreg:$0x0] =	wrdreg $0x60  }
0xae: {  	[dreg:$0x2] =	wrdreg s24  }
0xaf: {  	[dreg:$0x3] =	wrdreg $0x51000  }
0xb0: {  	[dreg:$0x4] =	wrdreg $0x9  }
0xb1: {  	_ =	task.clear_ibuf [dreg:s6], $0x5FFFF;
	_ =	strace $0x90000049  }
0xb2: {  	s29 =	simm.s32 $0x9;
	_ =	strace $0x8000004B  }
0xb3: {  	_ =	swait.ge [sflag:s29], $0x1  }
0xb4: {  	[sflag:s29] =	ssyncadd.s32 $0xFFFFFFFF  }
0xb5: {  	_ =	strace $0x9000004B  }
0xb6: {  	_ =	sfence  }
0xb7: {  	s30 =	sld [smem:$0x0];
	_ =	sdelay $0x2  }
0xb8: {  	s31 =	sshll.u32 s1, $0xD;
	s1 =	sshrl.u32 s1, $0x2  }
0xb9: {  	s3 =	sand.u32 $0x4000, s31;
	s1 =	sadd.s32 s1, s30  }
0xba: {  	s0 =	sor.u32 s3, s0;
	s1 =	sshll.u32 s1, $0x11  }
0xbb: {  	s0 =	sor.u32 s1, s0  }
0xbc: {  	s0 =	sadd.s32 $0x8F2B, s0  }
0xbd: {  	[sflag:s0] =	ssyncadd.remote.s32 $0x1  }
0xbe: {  	_ =	sfence.sel $0xFFFF  }
0xbf: {  	[dreg:$0x0] =	wrdreg $0xFFFFFFFF;
	(pc) =	sbr.abs _section_cstart, $3  }
0xc0: {  	[dreg:$0x1] =	wrdreg $0xFFFFFFFF  }
0xc1: {  	_ =	task.clear_ibuf [dreg:s6], $0x2FFFF;
	_ =	strace $0x9FFFFFFF  }
0xc2: {  	(tm) =	ssettm $0x7FFFFFFF  }
0xc3: {  	_ =	shalt  }
tec
execute0_lowered:
.L_overlay_start_1:
0x0: {  	(tag) =	ssettag $0x1  }
0x1: {  	s11 =	rddreg [dreg:$0x0]  }
0x2: {  	s1 =	rddreg [dreg:$0x1]  }
0x3: {  	s0 =	rddreg [dreg:$0x2];
	s2 =	simm.s32 $0x0;
	s15 =	stileid.u32  }
0x4: {  	s5 =	srdreg.scid;
	s21 =	simm.s32 $0x2900;
	s22 =	simm.s32 $0x1  }
0x5: {  	s28 =	simm.s32 $0x0;
	[smem:$0x7FF] =	sst s2;
	s3 =	sadd.s32 $0x2F800, s11  }
0x6: {  	s4 =	sadd.s32 $0x4FE200, s11;
	s12 =	smul.u32 $0x13800, s15;
	s9 =	sand.u32 $0x1, s5  }
0x7: {  	s7 =	sshll.u32 s15, $0x1;
	s5 =	sadd.s32 $0x4F4400, s11;
	s6 =	sadd.s32 $0x4EA600, s11  }
0x8: {  	s14 =	smul.u32 $0x4E000, s15;
	s16 =	sadd.s32 $0x84800, s11;
	s30 =	sshll.u32 s15, $0x6  }
0x9: {  	s20 =	sadd.s32 $0x138000, s1;
	p0 =	sne.s32 s15, $0x0;
	_ =	strace $0x8000004A  }
0xa: {  	s7 =	sor.u32 s9, s7;
	s10 =	ssub.s32 $0x2, s9;
	s18 =	smul.u32 $0x138800, s9  }
0xb: {  	s8 =	sshrl.u32 s12, $0x3;
	s7 =	smul.u32 $0x2710, s7;
	s26 =	sshrl.u32 s10, $0x1  }
0xc: {  	s29 =	sshrl.u32 s14, $0x2;
	s13 =	sadd.s32 s8, s11;
	s17 =	ssub.s32 s10, s26  }
0xd: {  	s19 =	sadd.s32 s29, s1;
	s10 =	sor.u32 $0x1C02, s30;
	s12 =	sadd.s32 s12, s18  }
0xe: {  	s31 =	sshrl.u32 s18, $0x3;
	s11 =	sadd.s32 $0x2F600, s11;
	s18 =	simm.s32 $0x80  }
0xf: {  	s8 =	sadd.s32 $0x4E200, s7;
	s9 =	sadd.s32 $0x8600, s13;
	s12 =	sshrl.u32 s12, $0x3  }
0x10: {  	s13 =	sadd.s32 s16, s31;
	s14 =	smax.u32 s17, $0x1;
	s15 =	sshrl.u32 s19, $0x3  }
0x11: {  	s17 =	sshrl.u32 @!p0 s20, $0x3;
	s19 =	simm.s32 $0x50;
	s20 =	simm.s32 $0x100  }
0x12: {  	s12 =	sadd.s32 s16, s12;
	s13 =	sadd.s32 $0x27000, s13;
	s16 =	simm.s32 $0x2  }
.LBB2_1:
0x13: {  	[spmem:s15], [sflag:s10] =	dma.local [hbm:s9], $0x2700  }
0x14: {  	_ =	swait.ge [sflag:s16], $0x2700  }
0x15: {  	[sflag:s16] =	ssyncset.done $0x0  }
0x16: {  	s23 =	simm.s32 @!p0 $0x2;
	[sflag:s16] =	ssyncadd.s32 $0xFFFFD900  }
0x17: {  	[spmem:s17], [sflag:s10] =	dma.local @!p0 [hbm:s11], $0x100  }
0x18: {  	_ =	swait.ge @!p0 [sflag:s23], $0x100  }
0x19: {  	[sflag:s23] =	ssyncset.done @!p0 $0x0  }
0x1a: {  	[sflag:s23] =	ssyncadd.s32 @!p0 $0xFFFFFF00  }
0x1b: {  	s23 =	simm.s32 $0x0;
	[bflag:$0x0] =	sbarrier.arrive $0xFFFF  }
.LBB2_2:
0x1c: {  	s24 =	smul.u32 $0x50, s23;
	_ =	sdelay $0x1  }
0x1d: {  	s25 =	sadd.s32 s7, s24  }
0x1e: {  	s25 =	sshrl.u32 s25, $0x3  }
0x1f: {  	s26 =	sadd.s32 s5, s25  }
0x20: {  	[tilespmem:s28], [sflag:$0x2] =	stream.linear.gather [hbm4b:s26+s28], $0x50, $0x38;
	[tilespmem:$0x18980] =	vst v63  }
0x21: {  	_ =	swait.ge [sflag:s16], $0x50  }
0x22: {  	[sflag:s16] =	ssyncset.done $0x0  }
0x23: {  	s25 =	sadd.s32 s6, s25;
	[sflag:s16] =	ssyncadd.s32 $0xFFFFFFB0  }
0x24: {  	[tilespmem:s18], [sflag:$0x2] =	stream.linear.gather [hbm4b:s25+s28], $0x50, $0x38;
	[tilespmem:$0x18980] =	vst v63  }
0x25: {  	_ =	swait.ge [sflag:s16], $0x50  }
0x26: {  	s24 =	sadd.s32 s24, s8;
	[sflag:s16] =	ssyncset.done $0x0  }
0x27: {  	s24 =	sshll.u32 s24, $0x4;
	[sflag:s16] =	ssyncadd.s32 $0xFFFFFFB0  }
0x28: {  	[tilespmem:s20], [sflag:$0x1] =	stream.indirect.gather [hbm4b:s3+s19], $0x80, s28, s19, $0xb8;
	[tilespmem:$0x18980] =	vst v63  }
0x29: {  	s24 =	sadd.s32 s4, s24  }
0x2a: {  	[tilespmem:s21], [sflag:$0x2] =	stream.linear.gather [hbm4b:s24+s28], $0x2800, $0x38;
	[tilespmem:$0x18980] =	vst v63  }
0x2b: {  	_ =	swait.ge [sflag:s16], $0x2800  }
0x2c: {  	[sflag:s16] =	ssyncset.done $0x0  }
0x2d: {  	[sflag:s16] =	ssyncadd.s32 $0xFFFFD800  }
0x2e: {  	_ =	swait.ge [sflag:s22], $0x2800  }
0x2f: {  	[sflag:s22] =	ssyncset.done $0x0  }
0x30: {  	s24 =	simm.s32 $0x0;
	[sflag:s22] =	ssyncadd.s32 $0xFFFFD800  }
0x31: {  	v6 =	vld [tilespmem:s24+$0x2900]  }
0x32: {  	v11 =	vld [tilespmem:s24+$0x2910]  }
0x33: {  	v5 =	vld [tilespmem:s24+$0x2920]  }
0x34: {  	v4 =	vld [tilespmem:s24+$0x2930]  }
0x35: {  	v3 =	vld [tilespmem:s24+$0x2940]  }
0x36: {  	v2 =	vld [tilespmem:s24+$0x2950]  }
0x37: {  	v1 =	vld [tilespmem:s24+$0x2960]  }
0x38: {  	v0 =	vld [tilespmem:s24+$0x2970]  }
0x39: {  	v12 =	vld [tilespmem:s24+$0x100]  }
0x3a: {  	v13 =	vld [tilespmem:s24+$0x110]  }
0x3b: {  	v10 =	vld [tilespmem:s24+$0x120]  }
0x3c: {  	v9 =	vld [tilespmem:s24+$0x130]  }
0x3d: {  	v8 =	vld [tilespmem:s24+$0x140]  }
0x3e: {  	v7 =	vld [tilespmem:s24+$0x150];
	v12 =	vadd.f32 v6, v12  }
0x3f: {  	s25 =	simm.s32 $0x200;
	v11 =	vadd.f32 v11, v13;
	v6 =	vld [tilespmem:s24+$0x160]  }
.LBB2_3:
0x40: {  	s26 =	sshra.s32 s25, $0x2;
	p1 =	sne.s32 s25, $0x9E00;
	v12 =	vmax.f32 v12, $0.0e+00;
	v5 =	vadd.f32 v5, v10;
	v10 =	vld [tilespmem:s24+$0x170]  }
0x41: {  	v13 =	vld [tilespmem:s26+$0x2900];
	[tilespmem:s24+$0x100] =	vst v12;
	v11 =	vmax.f32 v11, $0.0e+00;
	v4 =	vadd.f32 v4, v9  }
0x42: {  	v14 =	vld [tilespmem:s26+$0x2910];
	[tilespmem:s24+$0x110] =	vst v11;
	v9 =	vmax.f32 v5, $0.0e+00;
	v3 =	vadd.f32 v3, v8  }
0x43: {  	v5 =	vld [tilespmem:s26+$0x2920];
	[tilespmem:s24+$0x120] =	vst v9;
	v8 =	vmax.f32 v4, $0.0e+00;
	v2 =	vadd.f32 v2, v7  }
0x44: {  	v4 =	vld [tilespmem:s26+$0x2930];
	[tilespmem:s24+$0x130] =	vst v8;
	v7 =	vmax.f32 v3, $0.0e+00;
	v1 =	vadd.f32 v1, v6  }
0x45: {  	v3 =	vld [tilespmem:s26+$0x2940];
	[tilespmem:s24+$0x140] =	vst v7;
	v6 =	vmax.f32 v2, $0.0e+00;
	v0 =	vadd.f32 v0, v10  }
0x46: {  	v2 =	vld [tilespmem:s26+$0x2950];
	[tilespmem:s24+$0x150] =	vst v6;
	v6 =	vmax.f32 v1, $0.0e+00  }
0x47: {  	v1 =	vld [tilespmem:s26+$0x2960];
	[tilespmem:s24+$0x160] =	vst v6;
	v6 =	vmax.f32 v0, $0.0e+00  }
0x48: {  	v0 =	vld [tilespmem:s26+$0x2970];
	[tilespmem:s24+$0x170] =	vst v6;
	s24 =	smov.u32 s26  }
0x49: {  	v6 =	vld [tilespmem:s24+$0x100]  }
0x4a: {  	v11 =	vld [tilespmem:s24+$0x110]  }
.Ltmp0:
0x4b: {  	v10 =	vld [tilespmem:s24+$0x120];
	(pc) =	sbr.rel @p1 .LBB2_3-.Ltmp0, $4  }
0x4c: {  	v9 =	vld [tilespmem:s24+$0x130]  }
0x4d: {  	v8 =	vld [tilespmem:s24+$0x140]  }
0x4e: {  	v12 =	vadd.f32 v13, v6;
	v7 =	vld [tilespmem:s24+$0x150]  }
0x4f: {  	s25 =	sadd.s32 $0x200, s25;
	v11 =	vadd.f32 v14, v11;
	v6 =	vld [tilespmem:s24+$0x160]  }
0x50: {  	v12 =	vmax.f32 v12, $0.0e+00;
	v5 =	vadd.f32 v5, v10;
	v63 =	vld [tilespmem:s24+$0x170]  }
0x51: {  	[tilespmem:s24+$0x100] =	vst v12;
	v11 =	vmax.f32 v11, $0.0e+00;
	v4 =	vadd.f32 v4, v9  }
0x52: {  	[tilespmem:s24+$0x110] =	vst v11;
	v5 =	vmax.f32 v5, $0.0e+00;
	v3 =	vadd.f32 v3, v8  }
0x53: {  	[tilespmem:s24+$0x120] =	vst v5;
	v4 =	vmax.f32 v4, $0.0e+00;
	v2 =	vadd.f32 v2, v7  }
0x54: {  	[tilespmem:s24+$0x130] =	vst v4;
	v3 =	vmax.f32 v3, $0.0e+00;
	v1 =	vadd.f32 v1, v6  }
0x55: {  	[tilespmem:s24+$0x140] =	vst v3;
	v2 =	vmax.f32 v2, $0.0e+00;
	v0 =	vadd.f32 v0, v63  }
0x56: {  	s23 =	sadd.s32 $0x1, s23;
	[tilespmem:s24+$0x150] =	vst v2;
	v1 =	vmax.f32 v1, $0.0e+00  }
0x57: {  	p1 =	sne.s32 s23, $0x7D;
	[tilespmem:s24+$0x160] =	vst v1;
	v0 =	vmax.f32 v0, $0.0e+00  }
.Ltmp1:
0x58: {  	[tilespmem:s24+$0x170] =	vst v0;
	(pc) =	sbr.rel @p1 .LBB2_2-.Ltmp1, $4  }
0x59: {  	[spmem:s1] =	stream.indirect.scatter.add.f32 [tilespmem:s20], [sflag:$0x2], $0x80, s18, s19, $0xb8;
	[tilespmem:$0x18980] =	vst v63  }
0x5a: {  	_ =	swait.ge [sflag:s16], $0x2800  }
0x5b: {  	[sflag:s16] =	ssyncset.done $0x0  }
0x5c: {  	[sflag:s16] =	ssyncadd.s32 $0xFFFFD800  }
0x5d: {  	[bflag:$0x0] =	sbarrier.arrive $0xFFFF  }
0x5e: {  	[hbm:s12], [sflag:s10] =	dma.local [spmem:s15], $0x2700  }
0x5f: {  	s2 =	sadd.s32 $0x1, s2;
	_ =	swait.ge [sflag:s16], $0x2700  }
0x60: {  	p1 =	sne.s32 s2, s14;
	[sflag:s16] =	ssyncset.done $0x0  }
.Ltmp2:
0x61: {  	s23 =	simm.s32 @!p0 $0x2;
	[sflag:s16] =	ssyncadd.s32 $0xFFFFD900;
	(pc) =	sbr.rel @p1 .LBB2_1-.Ltmp2, $4  }
0x62: {  	[hbm:s13], [sflag:s10] =	dma.local @!p0 [spmem:s17], $0x100  }
0x63: {  	_ =	swait.ge @!p0 [sflag:s23], $0x100  }
0x64: {  	[sflag:s23] =	ssyncset.done @!p0 $0x0  }
0x65: {  	[sflag:s23] =	ssyncadd.s32 @!p0 $0xFFFFFF00  }
0x66: {  	_ =	sfence.sel $0x180000  }
0x67: {  	[bflag:$0x0] =	sbarrier.arrive $0xFFFF  }
0x68: {  	_ =	strace $0x9000004A  }
0x69: {  	s0 =	sadd.s32 @!p0 $0x100000, s0;
	[bflag:$0x2] =	sbarrier.arrive $0xFFFF  }
0x6a: {  	[sflag:s0] =	ssyncadd.tile.s32 @!p0 $0x1;
	_ =	shalt  }
.Lfunc_end2:
_tile_overlayer_lowered:
.L_overlay_start_2:
0x6b: {  	(tag) =	ssettag $0x2  }
0x6c: {  	s0 =	rddreg [dreg:$0x0];
	s2 =	stileid.u32  }
0x6d: {  	s1 =	rddreg [dreg:$0x1];
	p0 =	sne.s32 s2, $0x0  }
0x6e: {  	s3 =	rddreg [dreg:$0x2];
	[bflag:$0x3] =	sbarrier.arrive $0xFFFF;
	s2 =	simm.s32 @!p0 $0x1C02  }
0x6f: {  	[timem:s3], [sflag:s2] =	dma.local @!p0 [hbm:s0], s1  }
0x70: {  	s0 =	simm.s32 @!p0 $0x2  }
0x71: {  	_ =	swait.ge @!p0 [sflag:s0], s1  }
0x72: {  	s1 =	ssub.s32 @!p0 $0x0, s1;
	[sflag:s0] =	ssyncset.done @!p0 $0x0  }
0x73: {  	[sflag:s0] =	ssyncadd.s32 @!p0 s1  }
0x74: {  	[bflag:$0x3] =	sbarrier.arrive $0xFFFF  }
0x75: {  	_ =	shalt  }

// kernel: kernel.22.cloned.1.call-start
scs
__scs_entry_jumppad:
0x0: {  	(pc) =	sbr.rel $0x88, $3  }
0x1: {  	(tag) =	ssettag $0x0;
	lr =	simm.s32 $0x1  }
0x2: {  	[smem:$0x3F8C] =	sst lr;
	_ =	strace $0xD0000000  }
0x3: {  	_ = 	snop  }
0x4: {  	_ = 	snop  }
0x5: {  	_ = 	snop  }
0x6: {  	_ = 	snop  }
0x7: {  	_ = 	snop  }
__scs_overlays_trampoline_lowered:
0x8: {  	[smem:$0x3F9B] =	sst s0  }
0x9: {  	[smem:$0x3F9C] =	sst s1  }
0xa: {  	[smem:$0x3F9D] =	sst s2  }
0xb: {  	[smem:$0x3F9E] =	sst s3  }
0xc: {  	[smem:$0x3F9F] =	sst s4  }
0xd: {  	[smem:$0x3FA0] =	sst s5  }
0xe: {  	[smem:$0x3FA1] =	sst s6  }
0xf: {  	[smem:$0x3FA2] =	sst s7  }
0x10: {  	[smem:$0x3FA3] =	sst s8  }
0x11: {  	[smem:$0x3FA4] =	sst s9;
	s0 =	simm.s32 @!p0 $0x0  }
0x12: {  	s1 =	sld [smem:$0x3F8A];
	s0 =	simm.s32 @p0 $0x1  }
0x13: {  	[smem:$0x3FA5] =	sst s0;
	s0 =	simm.s32 @!p1 $0x0  }
0x14: {  	s2 =	sld [smem:$0x3F89];
	s0 =	simm.s32 @p1 $0x1  }
0x15: {  	[smem:$0x3FA6] =	sst s0;
	s0 =	simm.s32 @!p2 $0x0  }
0x16: {  	s3 =	sld [smem:$0x3FDB];
	s0 =	simm.s32 @p2 $0x1  }
0x17: {  	s4 =	simm.s32 $0x1BF5;
	[smem:$0x3FA8] =	sst s0  }
0x18: {  	s0 =	sld [smem:$0x3F8B];
	_ =	swait.ge [sflag:s4], $0x0  }
0x19: {  	s7 =	sld [smem:$0x3F8C]  }
0x1a: {  	s8 =	sadd.s32 $0xFFFFE003, lr  }
0x1b: {  	s9 =	sadd.s32 $0xFFFFFEF7, lr;
	s5 =	simm.s32 $0xFFFFFFFF;
	p2 =	slt.u32 s8, $0xFFFFF086  }
0x1c: {  	p1 =	slt.u32 s9, $0xF7A;
	s5 =	simm.s32 @!p2 $0x0  }
0x1d: {  	s5 =	simm.s32 @p1 $0x1;
	p0 =	seq.s32 s7, s2  }
0x1e: {  	s7 =	smul.u32 @!p0 $0xF7A, s2;
	p2 =	seq.s32 @!p0 s5, $0x0  }
0x1f: {  	s9 =	smul.u32 $0xF7A, s1;
	s8 =	simm.s32 @!p0 $0x1BF5;
	p2 =	por !p2, p0  }
0x20: {  	[sflag:s8] =	ssyncset.s32 @!p0 $0xFFFFF086;
	s6 =	sadd.s32 @!p0 s3, s7;
	s7 =	simm.s32 @!p0 $0x108  }
0x21: {  	s3 =	sadd.s32 s3, s9;
	s6 =	sadd.s32 @!p0 $0x88, s6;
	s7 =	simm.s32 @p2 $0x1082  }
0x22: {  	[simem:s7], [sflag:s8] =	dma.local @!p0 [hbm:s6], $0xF7A  }
0x23: {  	s9 =	sor.u32 $0xD0000000, s2;
	s6 =	simm.s32 $0x108;
	_ =	swait.ge @!p0 [sflag:s8], $0x0  }
0x24: {  	s3 =	sadd.s32 $0x88, s3;
	s6 =	simm.s32 @!p1 $0x1082;
	[sflag:s4] =	ssyncset.s32 $0xFFFFF086  }
0x25: {  	[simem:s6], [sflag:s4] =	dma.local [hbm:s3], $0xF7A  }
0x26: {  	[smem:$0x3F8C] =	sst s1;
	(tag) =	ssettag s2;
	_ =	strace s9  }
0x27: {  	s1 =	sld [smem:$0x3F9C]  }
0x28: {  	s2 =	sld [smem:$0x3F9D]  }
0x29: {  	s4 =	sld [smem:$0x3F9F]  }
0x2a: {  	p0 =	seq.s32 s5, $0x0;
	s5 =	sld [smem:$0x3FA0]  }
0x2b: {  	s6 =	sld [smem:$0x3FA1]  }
0x2c: {  	s7 =	sld [smem:$0x3FA2]  }
0x2d: {  	s3 =	simm.s32 $0x108;
	s8 =	sld [smem:$0x3FA3]  }
0x2e: {  	s3 =	simm.s32 @!p0 $0x1082;
	s9 =	sld [smem:$0x3FA4]  }
0x2f: {  	lr =	sadd.s32 s0, s3;
	s0 =	sld [smem:$0x3F9B]  }
0x30: {  	s3 =	sld [smem:$0x3F9E]  }
0x31: {  	[smem:$0x3FA7] =	sst s10  }
0x32: {  	s10 =	sld [smem:$0x3FA5];
	_ =	sdelay $0x3  }
0x33: {  	p0 =	seq.s32 s10, $0x1;
	s10 =	sld [smem:$0x3FA7];
	_ =	sdelay $0x3  }
0x34: {  	[smem:$0x3FA7] =	sst s10  }
0x35: {  	s10 =	sld [smem:$0x3FA6];
	_ =	sdelay $0x3  }
0x36: {  	p1 =	seq.s32 s10, $0x1;
	s10 =	sld [smem:$0x3FA7];
	_ =	sdelay $0x3  }
0x37: {  	[smem:$0x3FA7] =	sst s10  }
0x38: {  	s10 =	sld [smem:$0x3FA8]  }
0x39: {  	_ = 	snop;
	(pc) =	sbr.ind lr, $3  }
0x3a: {  	_ = 	snop  }
0x3b: {  	_ = 	snop  }
0x3c: {  	p2 =	seq.s32 s10, $0x1;
	s10 =	sld [smem:$0x3FA7]  }
0x3d: {  	_ =	shalt  }
0x3e: {  	_ =	shalt  }
0x3f: {  	_ =	shalt  }
0x40: {  	_ =	shalt  }
0x41: {  	_ =	shalt  }
0x42: {  	_ =	shalt  }
0x43: {  	_ =	shalt  }
0x44: {  	_ =	shalt  }
0x45: {  	_ =	shalt  }
0x46: {  	_ =	shalt  }
0x47: {  	_ =	shalt  }
0x48: {  	_ =	shalt  }
0x49: {  	_ =	shalt  }
0x4a: {  	_ =	shalt  }
0x4b: {  	_ =	shalt  }
0x4c: {  	_ =	shalt  }
0x4d: {  	_ =	shalt  }
0x4e: {  	_ =	shalt  }
0x4f: {  	_ =	shalt  }
0x50: {  	_ =	shalt  }
0x51: {  	_ =	shalt  }
0x52: {  	_ =	shalt  }
0x53: {  	_ =	shalt  }
0x54: {  	_ =	shalt  }
0x55: {  	_ =	shalt  }
0x56: {  	_ =	shalt  }
0x57: {  	_ =	shalt  }
0x58: {  	_ =	shalt  }
0x59: {  	_ =	shalt  }
0x5a: {  	_ =	shalt  }
0x5b: {  	_ =	shalt  }
0x5c: {  	_ =	shalt  }
0x5d: {  	_ =	shalt  }
0x5e: {  	_ =	shalt  }
0x5f: {  	_ =	shalt  }
0x60: {  	_ =	shalt  }
0x61: {  	_ =	shalt  }
0x62: {  	_ =	shalt  }
0x63: {  	_ =	shalt  }
0x64: {  	_ =	shalt  }
0x65: {  	_ =	shalt  }
0x66: {  	_ =	shalt  }
0x67: {  	_ =	shalt  }
0x68: {  	_ =	shalt  }
0x69: {  	_ =	shalt  }
0x6a: {  	_ =	shalt  }
0x6b: {  	_ =	shalt  }
0x6c: {  	_ =	shalt  }
0x6d: {  	_ =	shalt  }
0x6e: {  	_ =	shalt  }
0x6f: {  	_ =	shalt  }
0x70: {  	_ =	shalt  }
0x71: {  	_ =	shalt  }
0x72: {  	_ =	shalt  }
0x73: {  	_ =	shalt  }
0x74: {  	_ =	shalt  }
0x75: {  	_ =	shalt  }
0x76: {  	_ =	shalt  }
0x77: {  	_ =	shalt  }
0x78: {  	_ =	shalt  }
0x79: {  	_ =	shalt  }
0x7a: {  	_ =	shalt  }
0x7b: {  	_ =	shalt  }
0x7c: {  	_ =	shalt  }
0x7d: {  	_ =	shalt  }
0x7e: {  	_ =	shalt  }
0x7f: {  	_ =	shalt  }
0x80: {  	_ =	shalt  }
0x81: {  	_ =	shalt  }
0x82: {  	_ =	shalt  }
0x83: {  	_ =	shalt  }
0x84: {  	_ =	shalt  }
0x85: {  	_ =	shalt  }
0x86: {  	_ =	shalt  }
0x87: {  	_ =	shalt  }
.Lfunc_end0:
.L_simem_size_0:
called_computation.2_lowered:
.L_overlay_start_0:
0x88: {  	s2 =	sld [smem:$0x3FD9]  }
0x89: {  	s3 =	sld [smem:$0x3FFE];
	_ =	sdelay $0x1  }
0x8a: {  	s1 =	srdreg.scid  }
0x8b: {  	s0 =	sand.u32 $0x1, s1  }
0x8c: {  	s16 =	sshll.u32 s0, $0xA;
	s2 =	sadd.s32 s3, s2  }
0x8d: {  	s2 =	sadd.s32 s2, s16  }
0x8e: {  	[smem:$0x3FB3] =	sst s2  }
0x8f: {  	_ = 	snop  }
0x90: {  	(tm) =	ssettm $0x1  }
0x91: {  	s17 =	sld [smem:$0x3FFB];
	_ =	sdelay $0x3  }
0x92: {  	_ =	strace s17  }
0x93: {  	s2 =	sld [smem:$0x3FFC];
	_ =	sdelay $0x3  }
0x94: {  	_ =	strace s2  }
0x95: {  	s2 =	sld [smem:$0x3FFD];
	_ =	sdelay $0x3  }
0x96: {  	_ =	strace s2  }
0x97: {  	_ =	strace $0x8FFFFFFF  }
0x98: {  	s18 =	sld [smem:$0x3FDB];
	_ =	sdelay $0x1  }
0x99: {  	s19 =	simm.s32 $_scs_section_size  }
0x9a: {  	s4 =	simm.s32 $_size__tile_overlayer_lowered;
	s5 =	simm.s32 $_tile_overlayer_lowered  }
0x9b: {  	s22 =	simm.s32 $0x1BFF;
	s21 =	sshll.u32 s5, $0x1;
	s2 =	sadd.s32 s19, s18  }
0x9c: {  	s6 =	simm.s32 $0x0;
	s20 =	sshll.u32 s4, $0x1;
	s4 =	sadd.s32 s21, s2  }
0x9d: {  	[timem:s6], [sflag:s22] =	dma.local [hbm:s4], s20  }
0x9e: {  	_ =	swait.ge [sflag:s22], s20  }
0x9f: {  	s3 =	ssub.s32 $0x0, s20;
	[sflag:s22] =	ssyncset.done $0x0  }
0xa0: {  	[sflag:s22] =	ssyncadd.s32 s3;
	_ =	sdelay $0x1  }
0xa1: {  	s23 =	simm.s32 $0x1B8B  }
0xa2: {  	_ =	swait.ge [sflag:s23], $0x1  }
0xa3: {  	[sflag:s23] =	ssyncset.done $0x0  }
0xa4: {  	s25 =	simm.s32 $0x1B8E;
	s24 =	sld [smem:$0x3FFE];
	[sflag:s23] =	ssyncadd.s32 $0xFFFFFFFF  }
0xa5: {  	s26 =	simm.s32 $execute0_lowered;
	[smem:$0x3FD2] =	sst s25  }
0xa6: {  	s4 =	sshll.u32 s26, $0x1;
	_ =	strace $0x8000004C;
	[dreg:$0x1] =	wrdreg $0xFFFFFFFF  }
0xa7: {  	s28 =	simm.s32 $_size_execute0_lowered;
	s2 =	sadd.s32 s2, s4;
	[dreg:$0x0] =	wrdreg $0x0  }
0xa8: {  	s4 =	sshll.u32 s28, $0x1;
	[dreg:$0x2] =	wrdreg s2  }
0xa9: {  	[dreg:$0x3] =	wrdreg s4  }
0xaa: {  	[dreg:$0x4] =	wrdreg $0xC0  }
0xab: {  	_ =	task [dreg:s6], $0x5FFFF  }
0xac: {  	[dreg:$0x1] =	wrdreg $0xFFFFFFFF  }
0xad: {  	[dreg:$0x0] =	wrdreg $0x60  }
0xae: {  	[dreg:$0x2] =	wrdreg s24  }
0xaf: {  	[dreg:$0x3] =	wrdreg $0x51000  }
0xb0: {  	[dreg:$0x4] =	wrdreg $0x9  }
0xb1: {  	_ =	task.clear_ibuf [dreg:s6], $0x5FFFF;
	_ =	strace $0x9000004C  }
0xb2: {  	s29 =	simm.s32 $0x9;
	_ =	strace $0x8000004E  }
0xb3: {  	_ =	swait.ge [sflag:s29], $0x1  }
0xb4: {  	[sflag:s29] =	ssyncadd.s32 $0xFFFFFFFF  }
0xb5: {  	_ =	strace $0x9000004E  }
0xb6: {  	_ =	sfence  }
0xb7: {  	s30 =	sld [smem:$0x0];
	_ =	sdelay $0x2  }
0xb8: {  	s31 =	sshll.u32 s1, $0xD;
	s1 =	sshrl.u32 s1, $0x2  }
0xb9: {  	s3 =	sand.u32 $0x4000, s31;
	s1 =	sadd.s32 s1, s30  }
0xba: {  	s0 =	sor.u32 s3, s0;
	s1 =	sshll.u32 s1, $0x11  }
0xbb: {  	s0 =	sor.u32 s1, s0  }
0xbc: {  	s0 =	sadd.s32 $0x8F2B, s0  }
0xbd: {  	[sflag:s0] =	ssyncadd.remote.s32 $0x1  }
0xbe: {  	_ =	sfence.sel $0xFFFF  }
0xbf: {  	[dreg:$0x0] =	wrdreg $0xFFFFFFFF;
	(pc) =	sbr.abs _section_cstart, $3  }
0xc0: {  	[dreg:$0x1] =	wrdreg $0xFFFFFFFF  }
0xc1: {  	_ =	task.clear_ibuf [dreg:s6], $0x2FFFF;
	_ =	strace $0x9FFFFFFF  }
0xc2: {  	(tm) =	ssettm $0x7FFFFFFF  }
0xc3: {  	_ =	shalt  }
tec
execute0_lowered:
.L_overlay_start_1:
0x0: {  	(tag) =	ssettag $0x1  }
0x1: {  	s11 =	rddreg [dreg:$0x0]  }
0x2: {  	s1 =	rddreg [dreg:$0x1]  }
0x3: {  	s0 =	rddreg [dreg:$0x2];
	s2 =	simm.s32 $0x0;
	s15 =	stileid.u32  }
0x4: {  	s5 =	srdreg.scid;
	s21 =	simm.s32 $0x2900;
	s22 =	simm.s32 $0x1  }
0x5: {  	s28 =	simm.s32 $0x0;
	[smem:$0x7FF] =	sst s2;
	s3 =	sadd.s32 $0x2F800, s11  }
0x6: {  	s4 =	sadd.s32 $0x4FE200, s11;
	s12 =	smul.u32 $0x13800, s15;
	s9 =	sand.u32 $0x1, s5  }
0x7: {  	s7 =	sshll.u32 s15, $0x1;
	s5 =	sadd.s32 $0x4F4400, s11;
	s6 =	sadd.s32 $0x4EA600, s11  }
0x8: {  	s14 =	smul.u32 $0x4E000, s15;
	s16 =	sadd.s32 $0x84800, s11;
	s30 =	sshll.u32 s15, $0x6  }
0x9: {  	s20 =	sadd.s32 $0x138000, s1;
	p0 =	sne.s32 s15, $0x0;
	_ =	strace $0x8000004D  }
0xa: {  	s7 =	sor.u32 s9, s7;
	s10 =	ssub.s32 $0x2, s9;
	s18 =	smul.u32 $0x138800, s9  }
0xb: {  	s8 =	sshrl.u32 s12, $0x3;
	s7 =	smul.u32 $0x2710, s7;
	s26 =	sshrl.u32 s10, $0x1  }
0xc: {  	s29 =	sshrl.u32 s14, $0x2;
	s13 =	sadd.s32 s8, s11;
	s17 =	ssub.s32 s10, s26  }
0xd: {  	s19 =	sadd.s32 s29, s1;
	s10 =	sor.u32 $0x1C02, s30;
	s12 =	sadd.s32 s12, s18  }
0xe: {  	s31 =	sshrl.u32 s18, $0x3;
	s11 =	sadd.s32 $0x2F600, s11;
	s18 =	simm.s32 $0x80  }
0xf: {  	s8 =	sadd.s32 $0x9C400, s7;
	s9 =	sadd.s32 $0x8600, s13;
	s12 =	sshrl.u32 s12, $0x3  }
0x10: {  	s13 =	sadd.s32 s16, s31;
	s14 =	smax.u32 s17, $0x1;
	s15 =	sshrl.u32 s19, $0x3  }
0x11: {  	s17 =	sshrl.u32 @!p0 s20, $0x3;
	s19 =	simm.s32 $0x50;
	s20 =	simm.s32 $0x100  }
0x12: {  	s12 =	sadd.s32 s16, s12;
	s13 =	sadd.s32 $0x27000, s13;
	s16 =	simm.s32 $0x2  }
.LBB2_1:
0x13: {  	[spmem:s15], [sflag:s10] =	dma.local [hbm:s9], $0x2700  }
0x14: {  	_ =	swait.ge [sflag:s16], $0x2700  }
0x15: {  	[sflag:s16] =	ssyncset.done $0x0  }
0x16: {  	s23 =	simm.s32 @!p0 $0x2;
	[sflag:s16] =	ssyncadd.s32 $0xFFFFD900  }
0x17: {  	[spmem:s17], [sflag:s10] =	dma.local @!p0 [hbm:s11], $0x100  }
0x18: {  	_ =	swait.ge @!p0 [sflag:s23], $0x100  }
0x19: {  	[sflag:s23] =	ssyncset.done @!p0 $0x0  }
0x1a: {  	[sflag:s23] =	ssyncadd.s32 @!p0 $0xFFFFFF00  }
0x1b: {  	s23 =	simm.s32 $0x0;
	[bflag:$0x0] =	sbarrier.arrive $0xFFFF  }
.LBB2_2:
0x1c: {  	s24 =	smul.u32 $0x50, s23;
	_ =	sdelay $0x1  }
0x1d: {  	s25 =	sadd.s32 s7, s24  }
0x1e: {  	s25 =	sshrl.u32 s25, $0x3  }
0x1f: {  	s26 =	sadd.s32 s5, s25  }
0x20: {  	[tilespmem:s28], [sflag:$0x2] =	stream.linear.gather [hbm4b:s26+s28], $0x50, $0x38;
	[tilespmem:$0x18980] =	vst v63  }
0x21: {  	_ =	swait.ge [sflag:s16], $0x50  }
0x22: {  	[sflag:s16] =	ssyncset.done $0x0  }
0x23: {  	s25 =	sadd.s32 s6, s25;
	[sflag:s16] =	ssyncadd.s32 $0xFFFFFFB0  }
0x24: {  	[tilespmem:s18], [sflag:$0x2] =	stream.linear.gather [hbm4b:s25+s28], $0x50, $0x38;
	[tilespmem:$0x18980] =	vst v63  }
0x25: {  	_ =	swait.ge [sflag:s16], $0x50  }
0x26: {  	s24 =	sadd.s32 s24, s8;
	[sflag:s16] =	ssyncset.done $0x0  }
0x27: {  	s24 =	sshll.u32 s24, $0x4;
	[sflag:s16] =	ssyncadd.s32 $0xFFFFFFB0  }
0x28: {  	[tilespmem:s20], [sflag:$0x1] =	stream.indirect.gather [hbm4b:s3+s19], $0x80, s28, s19, $0xb8;
	[tilespmem:$0x18980] =	vst v63  }
0x29: {  	s24 =	sadd.s32 s4, s24  }
0x2a: {  	[tilespmem:s21], [sflag:$0x2] =	stream.linear.gather [hbm4b:s24+s28], $0x2800, $0x38;
	[tilespmem:$0x18980] =	vst v63  }
0x2b: {  	_ =	swait.ge [sflag:s16], $0x2800  }
0x2c: {  	[sflag:s16] =	ssyncset.done $0x0  }
0x2d: {  	[sflag:s16] =	ssyncadd.s32 $0xFFFFD800  }
0x2e: {  	_ =	swait.ge [sflag:s22], $0x2800  }
0x2f: {  	[sflag:s22] =	ssyncset.done $0x0  }
0x30: {  	s24 =	simm.s32 $0x0;
	[sflag:s22] =	ssyncadd.s32 $0xFFFFD800  }
0x31: {  	v6 =	vld [tilespmem:s24+$0x2900]  }
0x32: {  	v11 =	vld [tilespmem:s24+$0x2910]  }
0x33: {  	v5 =	vld [tilespmem:s24+$0x2920]  }
0x34: {  	v4 =	vld [tilespmem:s24+$0x2930]  }
0x35: {  	v3 =	vld [tilespmem:s24+$0x2940]  }
0x36: {  	v2 =	vld [tilespmem:s24+$0x2950]  }
0x37: {  	v1 =	vld [tilespmem:s24+$0x2960]  }
0x38: {  	v0 =	vld [tilespmem:s24+$0x2970]  }
0x39: {  	v12 =	vld [tilespmem:s24+$0x100]  }
0x3a: {  	v13 =	vld [tilespmem:s24+$0x110]  }
0x3b: {  	v10 =	vld [tilespmem:s24+$0x120]  }
0x3c: {  	v9 =	vld [tilespmem:s24+$0x130]  }
0x3d: {  	v8 =	vld [tilespmem:s24+$0x140]  }
0x3e: {  	v7 =	vld [tilespmem:s24+$0x150];
	v12 =	vadd.f32 v6, v12  }
0x3f: {  	s25 =	simm.s32 $0x200;
	v11 =	vadd.f32 v11, v13;
	v6 =	vld [tilespmem:s24+$0x160]  }
.LBB2_3:
0x40: {  	s26 =	sshra.s32 s25, $0x2;
	p1 =	sne.s32 s25, $0x9E00;
	v12 =	vmax.f32 v12, $0.0e+00;
	v5 =	vadd.f32 v5, v10;
	v10 =	vld [tilespmem:s24+$0x170]  }
0x41: {  	v13 =	vld [tilespmem:s26+$0x2900];
	[tilespmem:s24+$0x100] =	vst v12;
	v11 =	vmax.f32 v11, $0.0e+00;
	v4 =	vadd.f32 v4, v9  }
0x42: {  	v14 =	vld [tilespmem:s26+$0x2910];
	[tilespmem:s24+$0x110] =	vst v11;
	v9 =	vmax.f32 v5, $0.0e+00;
	v3 =	vadd.f32 v3, v8  }
0x43: {  	v5 =	vld [tilespmem:s26+$0x2920];
	[tilespmem:s24+$0x120] =	vst v9;
	v8 =	vmax.f32 v4, $0.0e+00;
	v2 =	vadd.f32 v2, v7  }
0x44: {  	v4 =	vld [tilespmem:s26+$0x2930];
	[tilespmem:s24+$0x130] =	vst v8;
	v7 =	vmax.f32 v3, $0.0e+00;
	v1 =	vadd.f32 v1, v6  }
0x45: {  	v3 =	vld [tilespmem:s26+$0x2940];
	[tilespmem:s24+$0x140] =	vst v7;
	v6 =	vmax.f32 v2, $0.0e+00;
	v0 =	vadd.f32 v0, v10  }
0x46: {  	v2 =	vld [tilespmem:s26+$0x2950];
	[tilespmem:s24+$0x150] =	vst v6;
	v6 =	vmax.f32 v1, $0.0e+00  }
0x47: {  	v1 =	vld [tilespmem:s26+$0x2960];
	[tilespmem:s24+$0x160] =	vst v6;
	v6 =	vmax.f32 v0, $0.0e+00  }
0x48: {  	v0 =	vld [tilespmem:s26+$0x2970];
	[tilespmem:s24+$0x170] =	vst v6;
	s24 =	smov.u32 s26  }
0x49: {  	v6 =	vld [tilespmem:s24+$0x100]  }
0x4a: {  	v11 =	vld [tilespmem:s24+$0x110]  }
.Ltmp0:
0x4b: {  	v10 =	vld [tilespmem:s24+$0x120];
	(pc) =	sbr.rel @p1 .LBB2_3-.Ltmp0, $4  }
0x4c: {  	v9 =	vld [tilespmem:s24+$0x130]  }
0x4d: {  	v8 =	vld [tilespmem:s24+$0x140]  }
0x4e: {  	v12 =	vadd.f32 v13, v6;
	v7 =	vld [tilespmem:s24+$0x150]  }
0x4f: {  	s25 =	sadd.s32 $0x200, s25;
	v11 =	vadd.f32 v14, v11;
	v6 =	vld [tilespmem:s24+$0x160]  }
0x50: {  	v12 =	vmax.f32 v12, $0.0e+00;
	v5 =	vadd.f32 v5, v10;
	v63 =	vld [tilespmem:s24+$0x170]  }
0x51: {  	[tilespmem:s24+$0x100] =	vst v12;
	v11 =	vmax.f32 v11, $0.0e+00;
	v4 =	vadd.f32 v4, v9  }
0x52: {  	[tilespmem:s24+$0x110] =	vst v11;
	v5 =	vmax.f32 v5, $0.0e+00;
	v3 =	vadd.f32 v3, v8  }
0x53: {  	[tilespmem:s24+$0x120] =	vst v5;
	v4 =	vmax.f32 v4, $0.0e+00;
	v2 =	vadd.f32 v2, v7  }
0x54: {  	[tilespmem:s24+$0x130] =	vst v4;
	v3 =	vmax.f32 v3, $0.0e+00;
	v1 =	vadd.f32 v1, v6  }
0x55: {  	[tilespmem:s24+$0x140] =	vst v3;
	v2 =	vmax.f32 v2, $0.0e+00;
	v0 =	vadd.f32 v0, v63  }
0x56: {  	s23 =	sadd.s32 $0x1, s23;
	[tilespmem:s24+$0x150] =	vst v2;
	v1 =	vmax.f32 v1, $0.0e+00  }
0x57: {  	p1 =	sne.s32 s23, $0x7D;
	[tilespmem:s24+$0x160] =	vst v1;
	v0 =	vmax.f32 v0, $0.0e+00  }
.Ltmp1:
0x58: {  	[tilespmem:s24+$0x170] =	vst v0;
	(pc) =	sbr.rel @p1 .LBB2_2-.Ltmp1, $4  }
0x59: {  	[spmem:s1] =	stream.indirect.scatter.add.f32 [tilespmem:s20], [sflag:$0x2], $0x80, s18, s19, $0xb8;
	[tilespmem:$0x18980] =	vst v63  }
0x5a: {  	_ =	swait.ge [sflag:s16], $0x2800  }
0x5b: {  	[sflag:s16] =	ssyncset.done $0x0  }
0x5c: {  	[sflag:s16] =	ssyncadd.s32 $0xFFFFD800  }
0x5d: {  	[bflag:$0x0] =	sbarrier.arrive $0xFFFF  }
0x5e: {  	[hbm:s12], [sflag:s10] =	dma.local [spmem:s15], $0x2700  }
0x5f: {  	s2 =	sadd.s32 $0x1, s2;
	_ =	swait.ge [sflag:s16], $0x2700  }
0x60: {  	p1 =	sne.s32 s2, s14;
	[sflag:s16] =	ssyncset.done $0x0  }
.Ltmp2:
0x61: {  	s23 =	simm.s32 @!p0 $0x2;
	[sflag:s16] =	ssyncadd.s32 $0xFFFFD900;
	(pc) =	sbr.rel @p1 .LBB2_1-.Ltmp2, $4  }
0x62: {  	[hbm:s13], [sflag:s10] =	dma.local @!p0 [spmem:s17], $0x100  }
0x63: {  	_ =	swait.ge @!p0 [sflag:s23], $0x100  }
0x64: {  	[sflag:s23] =	ssyncset.done @!p0 $0x0  }
0x65: {  	[sflag:s23] =	ssyncadd.s32 @!p0 $0xFFFFFF00  }
0x66: {  	_ =	sfence.sel $0x180000  }
0x67: {  	[bflag:$0x0] =	sbarrier.arrive $0xFFFF  }
0x68: {  	_ =	strace $0x9000004D  }
0x69: {  	s0 =	sadd.s32 @!p0 $0x100000, s0;
	[bflag:$0x2] =	sbarrier.arrive $0xFFFF  }
0x6a: {  	[sflag:s0] =	ssyncadd.tile.s32 @!p0 $0x1;
	_ =	shalt  }
.Lfunc_end2:
_tile_overlayer_lowered:
.L_overlay_start_2:
0x6b: {  	(tag) =	ssettag $0x2  }
0x6c: {  	s0 =	rddreg [dreg:$0x0];
	s2 =	stileid.u32  }
0x6d: {  	s1 =	rddreg [dreg:$0x1];
	p0 =	sne.s32 s2, $0x0  }
0x6e: {  	s3 =	rddreg [dreg:$0x2];
	[bflag:$0x3] =	sbarrier.arrive $0xFFFF;
	s2 =	simm.s32 @!p0 $0x1C02  }
0x6f: {  	[timem:s3], [sflag:s2] =	dma.local @!p0 [hbm:s0], s1  }
0x70: {  	s0 =	simm.s32 @!p0 $0x2  }
0x71: {  	_ =	swait.ge @!p0 [sflag:s0], s1  }
0x72: {  	s1 =	ssub.s32 @!p0 $0x0, s1;
	[sflag:s0] =	ssyncset.done @!p0 $0x0  }
0x73: {  	[sflag:s0] =	ssyncadd.s32 @!p0 s1  }
0x74: {  	[bflag:$0x3] =	sbarrier.arrive $0xFFFF  }
0x75: {  	_ =	shalt  }

// kernel: kernel.25.cloned.1.call-start
scs
__scs_entry_jumppad:
0x0: {  	(pc) =	sbr.rel $0x88, $3  }
0x1: {  	(tag) =	ssettag $0x0;
	lr =	simm.s32 $0x1  }
0x2: {  	[smem:$0x3F8C] =	sst lr;
	_ =	strace $0xD0000000  }
0x3: {  	_ = 	snop  }
0x4: {  	_ = 	snop  }
0x5: {  	_ = 	snop  }
0x6: {  	_ = 	snop  }
0x7: {  	_ = 	snop  }
__scs_overlays_trampoline_lowered:
0x8: {  	[smem:$0x3F9B] =	sst s0  }
0x9: {  	[smem:$0x3F9C] =	sst s1  }
0xa: {  	[smem:$0x3F9D] =	sst s2  }
0xb: {  	[smem:$0x3F9E] =	sst s3  }
0xc: {  	[smem:$0x3F9F] =	sst s4  }
0xd: {  	[smem:$0x3FA0] =	sst s5  }
0xe: {  	[smem:$0x3FA1] =	sst s6  }
0xf: {  	[smem:$0x3FA2] =	sst s7  }
0x10: {  	[smem:$0x3FA3] =	sst s8  }
0x11: {  	[smem:$0x3FA4] =	sst s9;
	s0 =	simm.s32 @!p0 $0x0  }
0x12: {  	s1 =	sld [smem:$0x3F8A];
	s0 =	simm.s32 @p0 $0x1  }
0x13: {  	[smem:$0x3FA5] =	sst s0;
	s0 =	simm.s32 @!p1 $0x0  }
0x14: {  	s2 =	sld [smem:$0x3F89];
	s0 =	simm.s32 @p1 $0x1  }
0x15: {  	[smem:$0x3FA6] =	sst s0;
	s0 =	simm.s32 @!p2 $0x0  }
0x16: {  	s3 =	sld [smem:$0x3FDB];
	s0 =	simm.s32 @p2 $0x1  }
0x17: {  	s4 =	simm.s32 $0x1BF5;
	[smem:$0x3FA8] =	sst s0  }
0x18: {  	s0 =	sld [smem:$0x3F8B];
	_ =	swait.ge [sflag:s4], $0x0  }
0x19: {  	s7 =	sld [smem:$0x3F8C]  }
0x1a: {  	s8 =	sadd.s32 $0xFFFFE003, lr  }
0x1b: {  	s9 =	sadd.s32 $0xFFFFFEF7, lr;
	s5 =	simm.s32 $0xFFFFFFFF;
	p2 =	slt.u32 s8, $0xFFFFF086  }
0x1c: {  	p1 =	slt.u32 s9, $0xF7A;
	s5 =	simm.s32 @!p2 $0x0  }
0x1d: {  	s5 =	simm.s32 @p1 $0x1;
	p0 =	seq.s32 s7, s2  }
0x1e: {  	s7 =	smul.u32 @!p0 $0xF7A, s2;
	p2 =	seq.s32 @!p0 s5, $0x0  }
0x1f: {  	s9 =	smul.u32 $0xF7A, s1;
	s8 =	simm.s32 @!p0 $0x1BF5;
	p2 =	por !p2, p0  }
0x20: {  	[sflag:s8] =	ssyncset.s32 @!p0 $0xFFFFF086;
	s6 =	sadd.s32 @!p0 s3, s7;
	s7 =	simm.s32 @!p0 $0x108  }
0x21: {  	s3 =	sadd.s32 s3, s9;
	s6 =	sadd.s32 @!p0 $0x88, s6;
	s7 =	simm.s32 @p2 $0x1082  }
0x22: {  	[simem:s7], [sflag:s8] =	dma.local @!p0 [hbm:s6], $0xF7A  }
0x23: {  	s9 =	sor.u32 $0xD0000000, s2;
	s6 =	simm.s32 $0x108;
	_ =	swait.ge @!p0 [sflag:s8], $0x0  }
0x24: {  	s3 =	sadd.s32 $0x88, s3;
	s6 =	simm.s32 @!p1 $0x1082;
	[sflag:s4] =	ssyncset.s32 $0xFFFFF086  }
0x25: {  	[simem:s6], [sflag:s4] =	dma.local [hbm:s3], $0xF7A  }
0x26: {  	[smem:$0x3F8C] =	sst s1;
	(tag) =	ssettag s2;
	_ =	strace s9  }
0x27: {  	s1 =	sld [smem:$0x3F9C]  }
0x28: {  	s2 =	sld [smem:$0x3F9D]  }
0x29: {  	s4 =	sld [smem:$0x3F9F]  }
0x2a: {  	p0 =	seq.s32 s5, $0x0;
	s5 =	sld [smem:$0x3FA0]  }
0x2b: {  	s6 =	sld [smem:$0x3FA1]  }
0x2c: {  	s7 =	sld [smem:$0x3FA2]  }
0x2d: {  	s3 =	simm.s32 $0x108;
	s8 =	sld [smem:$0x3FA3]  }
0x2e: {  	s3 =	simm.s32 @!p0 $0x1082;
	s9 =	sld [smem:$0x3FA4]  }
0x2f: {  	lr =	sadd.s32 s0, s3;
	s0 =	sld [smem:$0x3F9B]  }
0x30: {  	s3 =	sld [smem:$0x3F9E]  }
0x31: {  	[smem:$0x3FA7] =	sst s10  }
0x32: {  	s10 =	sld [smem:$0x3FA5];
	_ =	sdelay $0x3  }
0x33: {  	p0 =	seq.s32 s10, $0x1;
	s10 =	sld [smem:$0x3FA7];
	_ =	sdelay $0x3  }
0x34: {  	[smem:$0x3FA7] =	sst s10  }
0x35: {  	s10 =	sld [smem:$0x3FA6];
	_ =	sdelay $0x3  }
0x36: {  	p1 =	seq.s32 s10, $0x1;
	s10 =	sld [smem:$0x3FA7];
	_ =	sdelay $0x3  }
0x37: {  	[smem:$0x3FA7] =	sst s10  }
0x38: {  	s10 =	sld [smem:$0x3FA8]  }
0x39: {  	_ = 	snop;
	(pc) =	sbr.ind lr, $3  }
0x3a: {  	_ = 	snop  }
0x3b: {  	_ = 	snop  }
0x3c: {  	p2 =	seq.s32 s10, $0x1;
	s10 =	sld [smem:$0x3FA7]  }
0x3d: {  	_ =	shalt  }
0x3e: {  	_ =	shalt  }
0x3f: {  	_ =	shalt  }
0x40: {  	_ =	shalt  }
0x41: {  	_ =	shalt  }
0x42: {  	_ =	shalt  }
0x43: {  	_ =	shalt  }
0x44: {  	_ =	shalt  }
0x45: {  	_ =	shalt  }
0x46: {  	_ =	shalt  }
0x47: {  	_ =	shalt  }
0x48: {  	_ =	shalt  }
0x49: {  	_ =	shalt  }
0x4a: {  	_ =	shalt  }
0x4b: {  	_ =	shalt  }
0x4c: {  	_ =	shalt  }
0x4d: {  	_ =	shalt  }
0x4e: {  	_ =	shalt  }
0x4f: {  	_ =	shalt  }
0x50: {  	_ =	shalt  }
0x51: {  	_ =	shalt  }
0x52: {  	_ =	shalt  }
0x53: {  	_ =	shalt  }
0x54: {  	_ =	shalt  }
0x55: {  	_ =	shalt  }
0x56: {  	_ =	shalt  }
0x57: {  	_ =	shalt  }
0x58: {  	_ =	shalt  }
0x59: {  	_ =	shalt  }
0x5a: {  	_ =	shalt  }
0x5b: {  	_ =	shalt  }
0x5c: {  	_ =	shalt  }
0x5d: {  	_ =	shalt  }
0x5e: {  	_ =	shalt  }
0x5f: {  	_ =	shalt  }
0x60: {  	_ =	shalt  }
0x61: {  	_ =	shalt  }
0x62: {  	_ =	shalt  }
0x63: {  	_ =	shalt  }
0x64: {  	_ =	shalt  }
0x65: {  	_ =	shalt  }
0x66: {  	_ =	shalt  }
0x67: {  	_ =	shalt  }
0x68: {  	_ =	shalt  }
0x69: {  	_ =	shalt  }
0x6a: {  	_ =	shalt  }
0x6b: {  	_ =	shalt  }
0x6c: {  	_ =	shalt  }
0x6d: {  	_ =	shalt  }
0x6e: {  	_ =	shalt  }
0x6f: {  	_ =	shalt  }
0x70: {  	_ =	shalt  }
0x71: {  	_ =	shalt  }
0x72: {  	_ =	shalt  }
0x73: {  	_ =	shalt  }
0x74: {  	_ =	shalt  }
0x75: {  	_ =	shalt  }
0x76: {  	_ =	shalt  }
0x77: {  	_ =	shalt  }
0x78: {  	_ =	shalt  }
0x79: {  	_ =	shalt  }
0x7a: {  	_ =	shalt  }
0x7b: {  	_ =	shalt  }
0x7c: {  	_ =	shalt  }
0x7d: {  	_ =	shalt  }
0x7e: {  	_ =	shalt  }
0x7f: {  	_ =	shalt  }
0x80: {  	_ =	shalt  }
0x81: {  	_ =	shalt  }
0x82: {  	_ =	shalt  }
0x83: {  	_ =	shalt  }
0x84: {  	_ =	shalt  }
0x85: {  	_ =	shalt  }
0x86: {  	_ =	shalt  }
0x87: {  	_ =	shalt  }
.Lfunc_end0:
.L_simem_size_0:
called_computation.3_lowered:
.L_overlay_start_0:
0x88: {  	s2 =	sld [smem:$0x3FD9]  }
0x89: {  	s3 =	sld [smem:$0x3FFE];
	_ =	sdelay $0x1  }
0x8a: {  	s1 =	srdreg.scid  }
0x8b: {  	s0 =	sand.u32 $0x1, s1  }
0x8c: {  	s16 =	sshll.u32 s0, $0xA;
	s2 =	sadd.s32 s3, s2  }
0x8d: {  	s2 =	sadd.s32 s2, s16  }
0x8e: {  	[smem:$0x3FB3] =	sst s2  }
0x8f: {  	_ = 	snop  }
0x90: {  	(tm) =	ssettm $0x1  }
0x91: {  	s17 =	sld [smem:$0x3FFB];
	_ =	sdelay $0x3  }
0x92: {  	_ =	strace s17  }
0x93: {  	s2 =	sld [smem:$0x3FFC];
	_ =	sdelay $0x3  }
0x94: {  	_ =	strace s2  }
0x95: {  	s2 =	sld [smem:$0x3FFD];
	_ =	sdelay $0x3  }
0x96: {  	_ =	strace s2  }
0x97: {  	_ =	strace $0x8FFFFFFF  }
0x98: {  	s18 =	sld [smem:$0x3FDB];
	_ =	sdelay $0x1  }
0x99: {  	s19 =	simm.s32 $_scs_section_size  }
0x9a: {  	s4 =	simm.s32 $_size__tile_overlayer_lowered;
	s5 =	simm.s32 $_tile_overlayer_lowered  }
0x9b: {  	s22 =	simm.s32 $0x1BFF;
	s21 =	sshll.u32 s5, $0x1;
	s2 =	sadd.s32 s19, s18  }
0x9c: {  	s6 =	simm.s32 $0x0;
	s20 =	sshll.u32 s4, $0x1;
	s4 =	sadd.s32 s21, s2  }
0x9d: {  	[timem:s6], [sflag:s22] =	dma.local [hbm:s4], s20  }
0x9e: {  	_ =	swait.ge [sflag:s22], s20  }
0x9f: {  	s3 =	ssub.s32 $0x0, s20;
	[sflag:s22] =	ssyncset.done $0x0  }
0xa0: {  	[sflag:s22] =	ssyncadd.s32 s3;
	_ =	sdelay $0x1  }
0xa1: {  	s23 =	simm.s32 $0x1B8B  }
0xa2: {  	_ =	swait.ge [sflag:s23], $0x1  }
0xa3: {  	[sflag:s23] =	ssyncset.done $0x0  }
0xa4: {  	s25 =	simm.s32 $0x1B8E;
	s24 =	sld [smem:$0x3FFE];
	[sflag:s23] =	ssyncadd.s32 $0xFFFFFFFF  }
0xa5: {  	s26 =	simm.s32 $execute0_lowered;
	[smem:$0x3FD2] =	sst s25  }
0xa6: {  	s4 =	sshll.u32 s26, $0x1;
	_ =	strace $0x8000004F;
	[dreg:$0x1] =	wrdreg $0xFFFFFFFF  }
0xa7: {  	s28 =	simm.s32 $_size_execute0_lowered;
	s2 =	sadd.s32 s2, s4;
	[dreg:$0x0] =	wrdreg $0x0  }
0xa8: {  	s4 =	sshll.u32 s28, $0x1;
	[dreg:$0x2] =	wrdreg s2  }
0xa9: {  	[dreg:$0x3] =	wrdreg s4  }
0xaa: {  	[dreg:$0x4] =	wrdreg $0xC0  }
0xab: {  	_ =	task [dreg:s6], $0x5FFFF  }
0xac: {  	[dreg:$0x1] =	wrdreg $0xFFFFFFFF  }
0xad: {  	[dreg:$0x0] =	wrdreg $0x60  }
0xae: {  	[dreg:$0x2] =	wrdreg s24  }
0xaf: {  	[dreg:$0x3] =	wrdreg $0x51000  }
0xb0: {  	[dreg:$0x4] =	wrdreg $0x9  }
0xb1: {  	_ =	task.clear_ibuf [dreg:s6], $0x5FFFF;
	_ =	strace $0x9000004F  }
0xb2: {  	s29 =	simm.s32 $0x9;
	_ =	strace $0x80000051  }
0xb3: {  	_ =	swait.ge [sflag:s29], $0x1  }
0xb4: {  	[sflag:s29] =	ssyncadd.s32 $0xFFFFFFFF  }
0xb5: {  	_ =	strace $0x90000051  }
0xb6: {  	_ =	sfence  }
0xb7: {  	s30 =	sld [smem:$0x0];
	_ =	sdelay $0x2  }
0xb8: {  	s31 =	sshll.u32 s1, $0xD;
	s1 =	sshrl.u32 s1, $0x2  }
0xb9: {  	s3 =	sand.u32 $0x4000, s31;
	s1 =	sadd.s32 s1, s30  }
0xba: {  	s0 =	sor.u32 s3, s0;
	s1 =	sshll.u32 s1, $0x11  }
0xbb: {  	s0 =	sor.u32 s1, s0  }
0xbc: {  	s0 =	sadd.s32 $0x8F2B, s0  }
0xbd: {  	[sflag:s0] =	ssyncadd.remote.s32 $0x1  }
0xbe: {  	_ =	sfence.sel $0xFFFF  }
0xbf: {  	[dreg:$0x0] =	wrdreg $0xFFFFFFFF;
	(pc) =	sbr.abs _section_cstart, $3  }
0xc0: {  	[dreg:$0x1] =	wrdreg $0xFFFFFFFF  }
0xc1: {  	_ =	task.clear_ibuf [dreg:s6], $0x2FFFF;
	_ =	strace $0x9FFFFFFF  }
0xc2: {  	(tm) =	ssettm $0x7FFFFFFF  }
0xc3: {  	_ =	shalt  }
tec
execute0_lowered:
.L_overlay_start_1:
0x0: {  	(tag) =	ssettag $0x1  }
0x1: {  	s11 =	rddreg [dreg:$0x0]  }
0x2: {  	s1 =	rddreg [dreg:$0x1]  }
0x3: {  	s0 =	rddreg [dreg:$0x2];
	s2 =	simm.s32 $0x0;
	s15 =	stileid.u32  }
0x4: {  	s5 =	srdreg.scid;
	s21 =	simm.s32 $0x2900;
	s22 =	simm.s32 $0x1  }
0x5: {  	s28 =	simm.s32 $0x0;
	[smem:$0x7FF] =	sst s2;
	s3 =	sadd.s32 $0x2F800, s11  }
0x6: {  	s4 =	sadd.s32 $0x4FE200, s11;
	s12 =	smul.u32 $0x13800, s15;
	s9 =	sand.u32 $0x1, s5  }
0x7: {  	s7 =	sshll.u32 s15, $0x1;
	s5 =	sadd.s32 $0x4F4400, s11;
	s6 =	sadd.s32 $0x4EA600, s11  }
0x8: {  	s14 =	smul.u32 $0x4E000, s15;
	s16 =	sadd.s32 $0x84800, s11;
	s30 =	sshll.u32 s15, $0x6  }
0x9: {  	s20 =	sadd.s32 $0x138000, s1;
	p0 =	sne.s32 s15, $0x0;
	_ =	strace $0x80000050  }
0xa: {  	s7 =	sor.u32 s9, s7;
	s10 =	ssub.s32 $0x2, s9;
	s18 =	smul.u32 $0x138800, s9  }
0xb: {  	s8 =	sshrl.u32 s12, $0x3;
	s7 =	smul.u32 $0x2710, s7;
	s26 =	sshrl.u32 s10, $0x1  }
0xc: {  	s29 =	sshrl.u32 s14, $0x2;
	s13 =	sadd.s32 s8, s11;
	s17 =	ssub.s32 s10, s26  }
0xd: {  	s19 =	sadd.s32 s29, s1;
	s10 =	sor.u32 $0x1C02, s30;
	s12 =	sadd.s32 s12, s18  }
0xe: {  	s31 =	sshrl.u32 s18, $0x3;
	s11 =	sadd.s32 $0x2F600, s11;
	s18 =	simm.s32 $0x80  }
0xf: {  	s8 =	sadd.s32 $0xEA600, s7;
	s9 =	sadd.s32 $0x8600, s13;
	s12 =	sshrl.u32 s12, $0x3  }
0x10: {  	s13 =	sadd.s32 s16, s31;
	s14 =	smax.u32 s17, $0x1;
	s15 =	sshrl.u32 s19, $0x3  }
0x11: {  	s17 =	sshrl.u32 @!p0 s20, $0x3;
	s19 =	simm.s32 $0x50;
	s20 =	simm.s32 $0x100  }
0x12: {  	s12 =	sadd.s32 s16, s12;
	s13 =	sadd.s32 $0x27000, s13;
	s16 =	simm.s32 $0x2  }
.LBB2_1:
0x13: {  	[spmem:s15], [sflag:s10] =	dma.local [hbm:s9], $0x2700  }
0x14: {  	_ =	swait.ge [sflag:s16], $0x2700  }
0x15: {  	[sflag:s16] =	ssyncset.done $0x0  }
0x16: {  	s23 =	simm.s32 @!p0 $0x2;
	[sflag:s16] =	ssyncadd.s32 $0xFFFFD900  }
0x17: {  	[spmem:s17], [sflag:s10] =	dma.local @!p0 [hbm:s11], $0x100  }
0x18: {  	_ =	swait.ge @!p0 [sflag:s23], $0x100  }
0x19: {  	[sflag:s23] =	ssyncset.done @!p0 $0x0  }
0x1a: {  	[sflag:s23] =	ssyncadd.s32 @!p0 $0xFFFFFF00  }
0x1b: {  	s23 =	simm.s32 $0x0;
	[bflag:$0x0] =	sbarrier.arrive $0xFFFF  }
.LBB2_2:
0x1c: {  	s24 =	smul.u32 $0x50, s23;
	_ =	sdelay $0x1  }
0x1d: {  	s25 =	sadd.s32 s7, s24  }
0x1e: {  	s25 =	sshrl.u32 s25, $0x3  }
0x1f: {  	s26 =	sadd.s32 s5, s25  }
0x20: {  	[tilespmem:s28], [sflag:$0x2] =	stream.linear.gather [hbm4b:s26+s28], $0x50, $0x38;
	[tilespmem:$0x18980] =	vst v63  }
0x21: {  	_ =	swait.ge [sflag:s16], $0x50  }
0x22: {  	[sflag:s16] =	ssyncset.done $0x0  }
0x23: {  	s25 =	sadd.s32 s6, s25;
	[sflag:s16] =	ssyncadd.s32 $0xFFFFFFB0  }
0x24: {  	[tilespmem:s18], [sflag:$0x2] =	stream.linear.gather [hbm4b:s25+s28], $0x50, $0x38;
	[tilespmem:$0x18980] =	vst v63  }
0x25: {  	_ =	swait.ge [sflag:s16], $0x50  }
0x26: {  	s24 =	sadd.s32 s24, s8;
	[sflag:s16] =	ssyncset.done $0x0  }
0x27: {  	s24 =	sshll.u32 s24, $0x4;
	[sflag:s16] =	ssyncadd.s32 $0xFFFFFFB0  }
0x28: {  	[tilespmem:s20], [sflag:$0x1] =	stream.indirect.gather [hbm4b:s3+s19], $0x80, s28, s19, $0xb8;
	[tilespmem:$0x18980] =	vst v63  }
0x29: {  	s24 =	sadd.s32 s4, s24  }
0x2a: {  	[tilespmem:s21], [sflag:$0x2] =	stream.linear.gather [hbm4b:s24+s28], $0x2800, $0x38;
	[tilespmem:$0x18980] =	vst v63  }
0x2b: {  	_ =	swait.ge [sflag:s16], $0x2800  }
0x2c: {  	[sflag:s16] =	ssyncset.done $0x0  }
0x2d: {  	[sflag:s16] =	ssyncadd.s32 $0xFFFFD800  }
0x2e: {  	_ =	swait.ge [sflag:s22], $0x2800  }
0x2f: {  	[sflag:s22] =	ssyncset.done $0x0  }
0x30: {  	s24 =	simm.s32 $0x0;
	[sflag:s22] =	ssyncadd.s32 $0xFFFFD800  }
0x31: {  	v6 =	vld [tilespmem:s24+$0x2900]  }
0x32: {  	v11 =	vld [tilespmem:s24+$0x2910]  }
0x33: {  	v5 =	vld [tilespmem:s24+$0x2920]  }
0x34: {  	v4 =	vld [tilespmem:s24+$0x2930]  }
0x35: {  	v3 =	vld [tilespmem:s24+$0x2940]  }
0x36: {  	v2 =	vld [tilespmem:s24+$0x2950]  }
0x37: {  	v1 =	vld [tilespmem:s24+$0x2960]  }
0x38: {  	v0 =	vld [tilespmem:s24+$0x2970]  }
0x39: {  	v12 =	vld [tilespmem:s24+$0x100]  }
0x3a: {  	v13 =	vld [tilespmem:s24+$0x110]  }
0x3b: {  	v10 =	vld [tilespmem:s24+$0x120]  }
0x3c: {  	v9 =	vld [tilespmem:s24+$0x130]  }
0x3d: {  	v8 =	vld [tilespmem:s24+$0x140]  }
0x3e: {  	v7 =	vld [tilespmem:s24+$0x150];
	v12 =	vadd.f32 v6, v12  }
0x3f: {  	s25 =	simm.s32 $0x200;
	v11 =	vadd.f32 v11, v13;
	v6 =	vld [tilespmem:s24+$0x160]  }
.LBB2_3:
0x40: {  	s26 =	sshra.s32 s25, $0x2;
	p1 =	sne.s32 s25, $0x9E00;
	v12 =	vmax.f32 v12, $0.0e+00;
	v5 =	vadd.f32 v5, v10;
	v10 =	vld [tilespmem:s24+$0x170]  }
0x41: {  	v13 =	vld [tilespmem:s26+$0x2900];
	[tilespmem:s24+$0x100] =	vst v12;
	v11 =	vmax.f32 v11, $0.0e+00;
	v4 =	vadd.f32 v4, v9  }
0x42: {  	v14 =	vld [tilespmem:s26+$0x2910];
	[tilespmem:s24+$0x110] =	vst v11;
	v9 =	vmax.f32 v5, $0.0e+00;
	v3 =	vadd.f32 v3, v8  }
0x43: {  	v5 =	vld [tilespmem:s26+$0x2920];
	[tilespmem:s24+$0x120] =	vst v9;
	v8 =	vmax.f32 v4, $0.0e+00;
	v2 =	vadd.f32 v2, v7  }
0x44: {  	v4 =	vld [tilespmem:s26+$0x2930];
	[tilespmem:s24+$0x130] =	vst v8;
	v7 =	vmax.f32 v3, $0.0e+00;
	v1 =	vadd.f32 v1, v6  }
0x45: {  	v3 =	vld [tilespmem:s26+$0x2940];
	[tilespmem:s24+$0x140] =	vst v7;
	v6 =	vmax.f32 v2, $0.0e+00;
	v0 =	vadd.f32 v0, v10  }
0x46: {  	v2 =	vld [tilespmem:s26+$0x2950];
	[tilespmem:s24+$0x150] =	vst v6;
	v6 =	vmax.f32 v1, $0.0e+00  }
0x47: {  	v1 =	vld [tilespmem:s26+$0x2960];
	[tilespmem:s24+$0x160] =	vst v6;
	v6 =	vmax.f32 v0, $0.0e+00  }
0x48: {  	v0 =	vld [tilespmem:s26+$0x2970];
	[tilespmem:s24+$0x170] =	vst v6;
	s24 =	smov.u32 s26  }
0x49: {  	v6 =	vld [tilespmem:s24+$0x100]  }
0x4a: {  	v11 =	vld [tilespmem:s24+$0x110]  }
.Ltmp0:
0x4b: {  	v10 =	vld [tilespmem:s24+$0x120];
	(pc) =	sbr.rel @p1 .LBB2_3-.Ltmp0, $4  }
0x4c: {  	v9 =	vld [tilespmem:s24+$0x130]  }
0x4d: {  	v8 =	vld [tilespmem:s24+$0x140]  }
0x4e: {  	v12 =	vadd.f32 v13, v6;
	v7 =	vld [tilespmem:s24+$0x150]  }
0x4f: {  	s25 =	sadd.s32 $0x200, s25;
	v11 =	vadd.f32 v14, v11;
	v6 =	vld [tilespmem:s24+$0x160]  }
0x50: {  	v12 =	vmax.f32 v12, $0.0e+00;
	v5 =	vadd.f32 v5, v10;
	v63 =	vld [tilespmem:s24+$0x170]  }
0x51: {  	[tilespmem:s24+$0x100] =	vst v12;
	v11 =	vmax.f32 v11, $0.0e+00;
	v4 =	vadd.f32 v4, v9  }
0x52: {  	[tilespmem:s24+$0x110] =	vst v11;
	v5 =	vmax.f32 v5, $0.0e+00;
	v3 =	vadd.f32 v3, v8  }
0x53: {  	[tilespmem:s24+$0x120] =	vst v5;
	v4 =	vmax.f32 v4, $0.0e+00;
	v2 =	vadd.f32 v2, v7  }
0x54: {  	[tilespmem:s24+$0x130] =	vst v4;
	v3 =	vmax.f32 v3, $0.0e+00;
	v1 =	vadd.f32 v1, v6  }
0x55: {  	[tilespmem:s24+$0x140] =	vst v3;
	v2 =	vmax.f32 v2, $0.0e+00;
	v0 =	vadd.f32 v0, v63  }
0x56: {  	s23 =	sadd.s32 $0x1, s23;
	[tilespmem:s24+$0x150] =	vst v2;
	v1 =	vmax.f32 v1, $0.0e+00  }
0x57: {  	p1 =	sne.s32 s23, $0x7D;
	[tilespmem:s24+$0x160] =	vst v1;
	v0 =	vmax.f32 v0, $0.0e+00  }
.Ltmp1:
0x58: {  	[tilespmem:s24+$0x170] =	vst v0;
	(pc) =	sbr.rel @p1 .LBB2_2-.Ltmp1, $4  }
0x59: {  	[spmem:s1] =	stream.indirect.scatter.add.f32 [tilespmem:s20], [sflag:$0x2], $0x80, s18, s19, $0xb8;
	[tilespmem:$0x18980] =	vst v63  }
0x5a: {  	_ =	swait.ge [sflag:s16], $0x2800  }
0x5b: {  	[sflag:s16] =	ssyncset.done $0x0  }
0x5c: {  	[sflag:s16] =	ssyncadd.s32 $0xFFFFD800  }
0x5d: {  	[bflag:$0x0] =	sbarrier.arrive $0xFFFF  }
0x5e: {  	[hbm:s12], [sflag:s10] =	dma.local [spmem:s15], $0x2700  }
0x5f: {  	s2 =	sadd.s32 $0x1, s2;
	_ =	swait.ge [sflag:s16], $0x2700  }
0x60: {  	p1 =	sne.s32 s2, s14;
	[sflag:s16] =	ssyncset.done $0x0  }
.Ltmp2:
0x61: {  	s23 =	simm.s32 @!p0 $0x2;
	[sflag:s16] =	ssyncadd.s32 $0xFFFFD900;
	(pc) =	sbr.rel @p1 .LBB2_1-.Ltmp2, $4  }
0x62: {  	[hbm:s13], [sflag:s10] =	dma.local @!p0 [spmem:s17], $0x100  }
0x63: {  	_ =	swait.ge @!p0 [sflag:s23], $0x100  }
0x64: {  	[sflag:s23] =	ssyncset.done @!p0 $0x0  }
0x65: {  	[sflag:s23] =	ssyncadd.s32 @!p0 $0xFFFFFF00  }
0x66: {  	_ =	sfence.sel $0x180000  }
0x67: {  	[bflag:$0x0] =	sbarrier.arrive $0xFFFF  }
0x68: {  	_ =	strace $0x90000050  }
0x69: {  	s0 =	sadd.s32 @!p0 $0x100000, s0;
	[bflag:$0x2] =	sbarrier.arrive $0xFFFF  }
0x6a: {  	[sflag:s0] =	ssyncadd.tile.s32 @!p0 $0x1;
	_ =	shalt  }
.Lfunc_end2:
_tile_overlayer_lowered:
.L_overlay_start_2:
0x6b: {  	(tag) =	ssettag $0x2  }
0x6c: {  	s0 =	rddreg [dreg:$0x0];
	s2 =	stileid.u32  }
0x6d: {  	s1 =	rddreg [dreg:$0x1];
	p0 =	sne.s32 s2, $0x0  }
0x6e: {  	s3 =	rddreg [dreg:$0x2];
	[bflag:$0x3] =	sbarrier.arrive $0xFFFF;
	s2 =	simm.s32 @!p0 $0x1C02  }
0x6f: {  	[timem:s3], [sflag:s2] =	dma.local @!p0 [hbm:s0], s1  }
0x70: {  	s0 =	simm.s32 @!p0 $0x2  }
0x71: {  	_ =	swait.ge @!p0 [sflag:s0], s1  }
0x72: {  	s1 =	ssub.s32 @!p0 $0x0, s1;
	[sflag:s0] =	ssyncset.done @!p0 $0x0  }
0x73: {  	[sflag:s0] =	ssyncadd.s32 @!p0 s1  }
0x74: {  	[bflag:$0x3] =	sbarrier.arrive $0xFFFF  }
0x75: {  	_ =	shalt  }

// kernel: kernel.28.cloned.1.call-start
scs
__scs_entry_jumppad:
0x0: {  	(pc) =	sbr.rel $0x88, $3  }
0x1: {  	(tag) =	ssettag $0x0;
	lr =	simm.s32 $0x1  }
0x2: {  	[smem:$0x3F8C] =	sst lr;
	_ =	strace $0xD0000000  }
0x3: {  	_ = 	snop  }
0x4: {  	_ = 	snop  }
0x5: {  	_ = 	snop  }
0x6: {  	_ = 	snop  }
0x7: {  	_ = 	snop  }
__scs_overlays_trampoline_lowered:
0x8: {  	[smem:$0x3F9B] =	sst s0  }
0x9: {  	[smem:$0x3F9C] =	sst s1  }
0xa: {  	[smem:$0x3F9D] =	sst s2  }
0xb: {  	[smem:$0x3F9E] =	sst s3  }
0xc: {  	[smem:$0x3F9F] =	sst s4  }
0xd: {  	[smem:$0x3FA0] =	sst s5  }
0xe: {  	[smem:$0x3FA1] =	sst s6  }
0xf: {  	[smem:$0x3FA2] =	sst s7  }
0x10: {  	[smem:$0x3FA3] =	sst s8  }
0x11: {  	[smem:$0x3FA4] =	sst s9;
	s0 =	simm.s32 @!p0 $0x0  }
0x12: {  	s1 =	sld [smem:$0x3F8A];
	s0 =	simm.s32 @p0 $0x1  }
0x13: {  	[smem:$0x3FA5] =	sst s0;
	s0 =	simm.s32 @!p1 $0x0  }
0x14: {  	s2 =	sld [smem:$0x3F89];
	s0 =	simm.s32 @p1 $0x1  }
0x15: {  	[smem:$0x3FA6] =	sst s0;
	s0 =	simm.s32 @!p2 $0x0  }
0x16: {  	s3 =	sld [smem:$0x3FDB];
	s0 =	simm.s32 @p2 $0x1  }
0x17: {  	s4 =	simm.s32 $0x1BF5;
	[smem:$0x3FA8] =	sst s0  }
0x18: {  	s0 =	sld [smem:$0x3F8B];
	_ =	swait.ge [sflag:s4], $0x0  }
0x19: {  	s7 =	sld [smem:$0x3F8C]  }
0x1a: {  	s8 =	sadd.s32 $0xFFFFE003, lr  }
0x1b: {  	s9 =	sadd.s32 $0xFFFFFEF7, lr;
	s5 =	simm.s32 $0xFFFFFFFF;
	p2 =	slt.u32 s8, $0xFFFFF086  }
0x1c: {  	p1 =	slt.u32 s9, $0xF7A;
	s5 =	simm.s32 @!p2 $0x0  }
0x1d: {  	s5 =	simm.s32 @p1 $0x1;
	p0 =	seq.s32 s7, s2  }
0x1e: {  	s7 =	smul.u32 @!p0 $0xF7A, s2;
	p2 =	seq.s32 @!p0 s5, $0x0  }
0x1f: {  	s9 =	smul.u32 $0xF7A, s1;
	s8 =	simm.s32 @!p0 $0x1BF5;
	p2 =	por !p2, p0  }
0x20: {  	[sflag:s8] =	ssyncset.s32 @!p0 $0xFFFFF086;
	s6 =	sadd.s32 @!p0 s3, s7;
	s7 =	simm.s32 @!p0 $0x108  }
0x21: {  	s3 =	sadd.s32 s3, s9;
	s6 =	sadd.s32 @!p0 $0x88, s6;
	s7 =	simm.s32 @p2 $0x1082  }
0x22: {  	[simem:s7], [sflag:s8] =	dma.local @!p0 [hbm:s6], $0xF7A  }
0x23: {  	s9 =	sor.u32 $0xD0000000, s2;
	s6 =	simm.s32 $0x108;
	_ =	swait.ge @!p0 [sflag:s8], $0x0  }
0x24: {  	s3 =	sadd.s32 $0x88, s3;
	s6 =	simm.s32 @!p1 $0x1082;
	[sflag:s4] =	ssyncset.s32 $0xFFFFF086  }
0x25: {  	[simem:s6], [sflag:s4] =	dma.local [hbm:s3], $0xF7A  }
0x26: {  	[smem:$0x3F8C] =	sst s1;
	(tag) =	ssettag s2;
	_ =	strace s9  }
0x27: {  	s1 =	sld [smem:$0x3F9C]  }
0x28: {  	s2 =	sld [smem:$0x3F9D]  }
0x29: {  	s4 =	sld [smem:$0x3F9F]  }
0x2a: {  	p0 =	seq.s32 s5, $0x0;
	s5 =	sld [smem:$0x3FA0]  }
0x2b: {  	s6 =	sld [smem:$0x3FA1]  }
0x2c: {  	s7 =	sld [smem:$0x3FA2]  }
0x2d: {  	s3 =	simm.s32 $0x108;
	s8 =	sld [smem:$0x3FA3]  }
0x2e: {  	s3 =	simm.s32 @!p0 $0x1082;
	s9 =	sld [smem:$0x3FA4]  }
0x2f: {  	lr =	sadd.s32 s0, s3;
	s0 =	sld [smem:$0x3F9B]  }
0x30: {  	s3 =	sld [smem:$0x3F9E]  }
0x31: {  	[smem:$0x3FA7] =	sst s10  }
0x32: {  	s10 =	sld [smem:$0x3FA5];
	_ =	sdelay $0x3  }
0x33: {  	p0 =	seq.s32 s10, $0x1;
	s10 =	sld [smem:$0x3FA7];
	_ =	sdelay $0x3  }
0x34: {  	[smem:$0x3FA7] =	sst s10  }
0x35: {  	s10 =	sld [smem:$0x3FA6];
	_ =	sdelay $0x3  }
0x36: {  	p1 =	seq.s32 s10, $0x1;
	s10 =	sld [smem:$0x3FA7];
	_ =	sdelay $0x3  }
0x37: {  	[smem:$0x3FA7] =	sst s10  }
0x38: {  	s10 =	sld [smem:$0x3FA8]  }
0x39: {  	_ = 	snop;
	(pc) =	sbr.ind lr, $3  }
0x3a: {  	_ = 	snop  }
0x3b: {  	_ = 	snop  }
0x3c: {  	p2 =	seq.s32 s10, $0x1;
	s10 =	sld [smem:$0x3FA7]  }
0x3d: {  	_ =	shalt  }
0x3e: {  	_ =	shalt  }
0x3f: {  	_ =	shalt  }
0x40: {  	_ =	shalt  }
0x41: {  	_ =	shalt  }
0x42: {  	_ =	shalt  }
0x43: {  	_ =	shalt  }
0x44: {  	_ =	shalt  }
0x45: {  	_ =	shalt  }
0x46: {  	_ =	shalt  }
0x47: {  	_ =	shalt  }
0x48: {  	_ =	shalt  }
0x49: {  	_ =	shalt  }
0x4a: {  	_ =	shalt  }
0x4b: {  	_ =	shalt  }
0x4c: {  	_ =	shalt  }
0x4d: {  	_ =	shalt  }
0x4e: {  	_ =	shalt  }
0x4f: {  	_ =	shalt  }
0x50: {  	_ =	shalt  }
0x51: {  	_ =	shalt  }
0x52: {  	_ =	shalt  }
0x53: {  	_ =	shalt  }
0x54: {  	_ =	shalt  }
0x55: {  	_ =	shalt  }
0x56: {  	_ =	shalt  }
0x57: {  	_ =	shalt  }
0x58: {  	_ =	shalt  }
0x59: {  	_ =	shalt  }
0x5a: {  	_ =	shalt  }
0x5b: {  	_ =	shalt  }
0x5c: {  	_ =	shalt  }
0x5d: {  	_ =	shalt  }
0x5e: {  	_ =	shalt  }
0x5f: {  	_ =	shalt  }
0x60: {  	_ =	shalt  }
0x61: {  	_ =	shalt  }
0x62: {  	_ =	shalt  }
0x63: {  	_ =	shalt  }
0x64: {  	_ =	shalt  }
0x65: {  	_ =	shalt  }
0x66: {  	_ =	shalt  }
0x67: {  	_ =	shalt  }
0x68: {  	_ =	shalt  }
0x69: {  	_ =	shalt  }
0x6a: {  	_ =	shalt  }
0x6b: {  	_ =	shalt  }
0x6c: {  	_ =	shalt  }
0x6d: {  	_ =	shalt  }
0x6e: {  	_ =	shalt  }
0x6f: {  	_ =	shalt  }
0x70: {  	_ =	shalt  }
0x71: {  	_ =	shalt  }
0x72: {  	_ =	shalt  }
0x73: {  	_ =	shalt  }
0x74: {  	_ =	shalt  }
0x75: {  	_ =	shalt  }
0x76: {  	_ =	shalt  }
0x77: {  	_ =	shalt  }
0x78: {  	_ =	shalt  }
0x79: {  	_ =	shalt  }
0x7a: {  	_ =	shalt  }
0x7b: {  	_ =	shalt  }
0x7c: {  	_ =	shalt  }
0x7d: {  	_ =	shalt  }
0x7e: {  	_ =	shalt  }
0x7f: {  	_ =	shalt  }
0x80: {  	_ =	shalt  }
0x81: {  	_ =	shalt  }
0x82: {  	_ =	shalt  }
0x83: {  	_ =	shalt  }
0x84: {  	_ =	shalt  }
0x85: {  	_ =	shalt  }
0x86: {  	_ =	shalt  }
0x87: {  	_ =	shalt  }
.Lfunc_end0:
.L_simem_size_0:
called_computation.4_lowered:
.L_overlay_start_0:
0x88: {  	s2 =	sld [smem:$0x3FD9]  }
0x89: {  	s3 =	sld [smem:$0x3FFE];
	_ =	sdelay $0x1  }
0x8a: {  	s1 =	srdreg.scid  }
0x8b: {  	s0 =	sand.u32 $0x1, s1  }
0x8c: {  	s16 =	sshll.u32 s0, $0xA;
	s2 =	sadd.s32 s3, s2  }
0x8d: {  	s2 =	sadd.s32 s2, s16  }
0x8e: {  	[smem:$0x3FB3] =	sst s2  }
0x8f: {  	_ = 	snop  }
0x90: {  	(tm) =	ssettm $0x1  }
0x91: {  	s17 =	sld [smem:$0x3FFB];
	_ =	sdelay $0x3  }
0x92: {  	_ =	strace s17  }
0x93: {  	s2 =	sld [smem:$0x3FFC];
	_ =	sdelay $0x3  }
0x94: {  	_ =	strace s2  }
0x95: {  	s2 =	sld [smem:$0x3FFD];
	_ =	sdelay $0x3  }
0x96: {  	_ =	strace s2  }
0x97: {  	_ =	strace $0x8FFFFFFF  }
0x98: {  	s18 =	sld [smem:$0x3FDB];
	_ =	sdelay $0x1  }
0x99: {  	s19 =	simm.s32 $_scs_section_size  }
0x9a: {  	s4 =	simm.s32 $_size__tile_overlayer_lowered;
	s5 =	simm.s32 $_tile_overlayer_lowered  }
0x9b: {  	s22 =	simm.s32 $0x1BFF;
	s21 =	sshll.u32 s5, $0x1;
	s2 =	sadd.s32 s19, s18  }
0x9c: {  	s6 =	simm.s32 $0x0;
	s20 =	sshll.u32 s4, $0x1;
	s4 =	sadd.s32 s21, s2  }
0x9d: {  	[timem:s6], [sflag:s22] =	dma.local [hbm:s4], s20  }
0x9e: {  	_ =	swait.ge [sflag:s22], s20  }
0x9f: {  	s3 =	ssub.s32 $0x0, s20;
	[sflag:s22] =	ssyncset.done $0x0  }
0xa0: {  	[sflag:s22] =	ssyncadd.s32 s3;
	_ =	sdelay $0x1  }
0xa1: {  	s23 =	simm.s32 $0x1B8B  }
0xa2: {  	_ =	swait.ge [sflag:s23], $0x1  }
0xa3: {  	[sflag:s23] =	ssyncset.done $0x0  }
0xa4: {  	s25 =	simm.s32 $0x1B8E;
	s24 =	sld [smem:$0x3FFE];
	[sflag:s23] =	ssyncadd.s32 $0xFFFFFFFF  }
0xa5: {  	s26 =	simm.s32 $execute0_lowered;
	[smem:$0x3FD2] =	sst s25  }
0xa6: {  	s4 =	sshll.u32 s26, $0x1;
	_ =	strace $0x80000052;
	[dreg:$0x1] =	wrdreg $0xFFFFFFFF  }
0xa7: {  	s28 =	simm.s32 $_size_execute0_lowered;
	s2 =	sadd.s32 s2, s4;
	[dreg:$0x0] =	wrdreg $0x0  }
0xa8: {  	s4 =	sshll.u32 s28, $0x1;
	[dreg:$0x2] =	wrdreg s2  }
0xa9: {  	[dreg:$0x3] =	wrdreg s4  }
0xaa: {  	[dreg:$0x4] =	wrdreg $0xC0  }
0xab: {  	_ =	task [dreg:s6], $0x5FFFF  }
0xac: {  	[dreg:$0x1] =	wrdreg $0xFFFFFFFF  }
0xad: {  	[dreg:$0x0] =	wrdreg $0x60  }
0xae: {  	[dreg:$0x2] =	wrdreg s24  }
0xaf: {  	[dreg:$0x3] =	wrdreg $0x51000  }
0xb0: {  	[dreg:$0x4] =	wrdreg $0x9  }
0xb1: {  	_ =	task.clear_ibuf [dreg:s6], $0x5FFFF;
	_ =	strace $0x90000052  }
0xb2: {  	s29 =	simm.s32 $0x9;
	_ =	strace $0x80000054  }
0xb3: {  	_ =	swait.ge [sflag:s29], $0x1  }
0xb4: {  	[sflag:s29] =	ssyncadd.s32 $0xFFFFFFFF  }
0xb5: {  	_ =	strace $0x90000054  }
0xb6: {  	_ =	sfence  }
0xb7: {  	s30 =	sld [smem:$0x0];
	_ =	sdelay $0x2  }
0xb8: {  	s31 =	sshll.u32 s1, $0xD;
	s1 =	sshrl.u32 s1, $0x2  }
0xb9: {  	s3 =	sand.u32 $0x4000, s31;
	s1 =	sadd.s32 s1, s30  }
0xba: {  	s0 =	sor.u32 s3, s0;
	s1 =	sshll.u32 s1, $0x11  }
0xbb: {  	s0 =	sor.u32 s1, s0  }
0xbc: {  	s0 =	sadd.s32 $0x8F2B, s0  }
0xbd: {  	[sflag:s0] =	ssyncadd.remote.s32 $0x1  }
0xbe: {  	_ =	sfence.sel $0xFFFF  }
0xbf: {  	[dreg:$0x0] =	wrdreg $0xFFFFFFFF;
	(pc) =	sbr.abs _section_cstart, $3  }
0xc0: {  	[dreg:$0x1] =	wrdreg $0xFFFFFFFF  }
0xc1: {  	_ =	task.clear_ibuf [dreg:s6], $0x2FFFF;
	_ =	strace $0x9FFFFFFF  }
0xc2: {  	(tm) =	ssettm $0x7FFFFFFF  }
0xc3: {  	_ =	shalt  }
tec
execute0_lowered:
.L_overlay_start_1:
0x0: {  	(tag) =	ssettag $0x1  }
0x1: {  	s11 =	rddreg [dreg:$0x0]  }
0x2: {  	s1 =	rddreg [dreg:$0x1]  }
0x3: {  	s0 =	rddreg [dreg:$0x2];
	s2 =	simm.s32 $0x0;
	s15 =	stileid.u32  }
0x4: {  	s5 =	srdreg.scid;
	s21 =	simm.s32 $0x2900;
	s22 =	simm.s32 $0x1  }
0x5: {  	s28 =	simm.s32 $0x0;
	[smem:$0x7FF] =	sst s2;
	s3 =	sadd.s32 $0x2F800, s11  }
0x6: {  	s4 =	sadd.s32 $0x4FE200, s11;
	s12 =	smul.u32 $0x13800, s15;
	s9 =	sand.u32 $0x1, s5  }
0x7: {  	s7 =	sshll.u32 s15, $0x1;
	s5 =	sadd.s32 $0x4F4400, s11;
	s6 =	sadd.s32 $0x4EA600, s11  }
0x8: {  	s14 =	smul.u32 $0x4E000, s15;
	s16 =	sadd.s32 $0x84800, s11;
	s30 =	sshll.u32 s15, $0x6  }
0x9: {  	s20 =	sadd.s32 $0x138000, s1;
	p0 =	sne.s32 s15, $0x0;
	_ =	strace $0x80000053  }
0xa: {  	s7 =	sor.u32 s9, s7;
	s10 =	ssub.s32 $0x2, s9;
	s18 =	smul.u32 $0x138800, s9  }
0xb: {  	s8 =	sshrl.u32 s12, $0x3;
	s7 =	smul.u32 $0x2710, s7;
	s26 =	sshrl.u32 s10, $0x1  }
0xc: {  	s29 =	sshrl.u32 s14, $0x2;
	s13 =	sadd.s32 s8, s11;
	s17 =	ssub.s32 s10, s26  }
0xd: {  	s19 =	sadd.s32 s29, s1;
	s10 =	sor.u32 $0x1C02, s30;
	s12 =	sadd.s32 s12, s18  }
0xe: {  	s31 =	sshrl.u32 s18, $0x3;
	s11 =	sadd.s32 $0x2F600, s11;
	s18 =	simm.s32 $0x80  }
0xf: {  	s8 =	sadd.s32 $0x138800, s7;
	s9 =	sadd.s32 $0x8600, s13;
	s12 =	sshrl.u32 s12, $0x3  }
0x10: {  	s13 =	sadd.s32 s16, s31;
	s14 =	smax.u32 s17, $0x1;
	s15 =	sshrl.u32 s19, $0x3  }
0x11: {  	s17 =	sshrl.u32 @!p0 s20, $0x3;
	s19 =	simm.s32 $0x50;
	s20 =	simm.s32 $0x100  }
0x12: {  	s12 =	sadd.s32 s16, s12;
	s13 =	sadd.s32 $0x27000, s13;
	s16 =	simm.s32 $0x2  }
.LBB2_1:
0x13: {  	[spmem:s15], [sflag:s10] =	dma.local [hbm:s9], $0x2700  }
0x14: {  	_ =	swait.ge [sflag:s16], $0x2700  }
0x15: {  	[sflag:s16] =	ssyncset.done $0x0  }
0x16: {  	s23 =	simm.s32 @!p0 $0x2;
	[sflag:s16] =	ssyncadd.s32 $0xFFFFD900  }
0x17: {  	[spmem:s17], [sflag:s10] =	dma.local @!p0 [hbm:s11], $0x100  }
0x18: {  	_ =	swait.ge @!p0 [sflag:s23], $0x100  }
0x19: {  	[sflag:s23] =	ssyncset.done @!p0 $0x0  }
0x1a: {  	[sflag:s23] =	ssyncadd.s32 @!p0 $0xFFFFFF00  }
0x1b: {  	s23 =	simm.s32 $0x0;
	[bflag:$0x0] =	sbarrier.arrive $0xFFFF  }
.LBB2_2:
0x1c: {  	s24 =	smul.u32 $0x50, s23;
	_ =	sdelay $0x1  }
0x1d: {  	s25 =	sadd.s32 s7, s24  }
0x1e: {  	s25 =	sshrl.u32 s25, $0x3  }
0x1f: {  	s26 =	sadd.s32 s5, s25  }
0x20: {  	[tilespmem:s28], [sflag:$0x2] =	stream.linear.gather [hbm4b:s26+s28], $0x50, $0x38;
	[tilespmem:$0x18980] =	vst v63  }
0x21: {  	_ =	swait.ge [sflag:s16], $0x50  }
0x22: {  	[sflag:s16] =	ssyncset.done $0x0  }
0x23: {  	s25 =	sadd.s32 s6, s25;
	[sflag:s16] =	ssyncadd.s32 $0xFFFFFFB0  }
0x24: {  	[tilespmem:s18], [sflag:$0x2] =	stream.linear.gather [hbm4b:s25+s28], $0x50, $0x38;
	[tilespmem:$0x18980] =	vst v63  }
0x25: {  	_ =	swait.ge [sflag:s16], $0x50  }
0x26: {  	s24 =	sadd.s32 s24, s8;
	[sflag:s16] =	ssyncset.done $0x0  }
0x27: {  	s24 =	sshll.u32 s24, $0x4;
	[sflag:s16] =	ssyncadd.s32 $0xFFFFFFB0  }
0x28: {  	[tilespmem:s20], [sflag:$0x1] =	stream.indirect.gather [hbm4b:s3+s19], $0x80, s28, s19, $0xb8;
	[tilespmem:$0x18980] =	vst v63  }
0x29: {  	s24 =	sadd.s32 s4, s24  }
0x2a: {  	[tilespmem:s21], [sflag:$0x2] =	stream.linear.gather [hbm4b:s24+s28], $0x2800, $0x38;
	[tilespmem:$0x18980] =	vst v63  }
0x2b: {  	_ =	swait.ge [sflag:s16], $0x2800  }
0x2c: {  	[sflag:s16] =	ssyncset.done $0x0  }
0x2d: {  	[sflag:s16] =	ssyncadd.s32 $0xFFFFD800  }
0x2e: {  	_ =	swait.ge [sflag:s22], $0x2800  }
0x2f: {  	[sflag:s22] =	ssyncset.done $0x0  }
0x30: {  	s24 =	simm.s32 $0x0;
	[sflag:s22] =	ssyncadd.s32 $0xFFFFD800  }
0x31: {  	v6 =	vld [tilespmem:s24+$0x2900]  }
0x32: {  	v11 =	vld [tilespmem:s24+$0x2910]  }
0x33: {  	v5 =	vld [tilespmem:s24+$0x2920]  }
0x34: {  	v4 =	vld [tilespmem:s24+$0x2930]  }
0x35: {  	v3 =	vld [tilespmem:s24+$0x2940]  }
0x36: {  	v2 =	vld [tilespmem:s24+$0x2950]  }
0x37: {  	v1 =	vld [tilespmem:s24+$0x2960]  }
0x38: {  	v0 =	vld [tilespmem:s24+$0x2970]  }
0x39: {  	v12 =	vld [tilespmem:s24+$0x100]  }
0x3a: {  	v13 =	vld [tilespmem:s24+$0x110]  }
0x3b: {  	v10 =	vld [tilespmem:s24+$0x120]  }
0x3c: {  	v9 =	vld [tilespmem:s24+$0x130]  }
0x3d: {  	v8 =	vld [tilespmem:s24+$0x140]  }
0x3e: {  	v7 =	vld [tilespmem:s24+$0x150];
	v12 =	vadd.f32 v6, v12  }
0x3f: {  	s25 =	simm.s32 $0x200;
	v11 =	vadd.f32 v11, v13;
	v6 =	vld [tilespmem:s24+$0x160]  }
.LBB2_3:
0x40: {  	s26 =	sshra.s32 s25, $0x2;
	p1 =	sne.s32 s25, $0x9E00;
	v12 =	vmax.f32 v12, $0.0e+00;
	v5 =	vadd.f32 v5, v10;
	v10 =	vld [tilespmem:s24+$0x170]  }
0x41: {  	v13 =	vld [tilespmem:s26+$0x2900];
	[tilespmem:s24+$0x100] =	vst v12;
	v11 =	vmax.f32 v11, $0.0e+00;
	v4 =	vadd.f32 v4, v9  }
0x42: {  	v14 =	vld [tilespmem:s26+$0x2910];
	[tilespmem:s24+$0x110] =	vst v11;
	v9 =	vmax.f32 v5, $0.0e+00;
	v3 =	vadd.f32 v3, v8  }
0x43: {  	v5 =	vld [tilespmem:s26+$0x2920];
	[tilespmem:s24+$0x120] =	vst v9;
	v8 =	vmax.f32 v4, $0.0e+00;
	v2 =	vadd.f32 v2, v7  }
0x44: {  	v4 =	vld [tilespmem:s26+$0x2930];
	[tilespmem:s24+$0x130] =	vst v8;
	v7 =	vmax.f32 v3, $0.0e+00;
	v1 =	vadd.f32 v1, v6  }
0x45: {  	v3 =	vld [tilespmem:s26+$0x2940];
	[tilespmem:s24+$0x140] =	vst v7;
	v6 =	vmax.f32 v2, $0.0e+00;
	v0 =	vadd.f32 v0, v10  }
0x46: {  	v2 =	vld [tilespmem:s26+$0x2950];
	[tilespmem:s24+$0x150] =	vst v6;
	v6 =	vmax.f32 v1, $0.0e+00  }
0x47: {  	v1 =	vld [tilespmem:s26+$0x2960];
	[tilespmem:s24+$0x160] =	vst v6;
	v6 =	vmax.f32 v0, $0.0e+00  }
0x48: {  	v0 =	vld [tilespmem:s26+$0x2970];
	[tilespmem:s24+$0x170] =	vst v6;
	s24 =	smov.u32 s26  }
0x49: {  	v6 =	vld [tilespmem:s24+$0x100]  }
0x4a: {  	v11 =	vld [tilespmem:s24+$0x110]  }
.Ltmp0:
0x4b: {  	v10 =	vld [tilespmem:s24+$0x120];
	(pc) =	sbr.rel @p1 .LBB2_3-.Ltmp0, $4  }
0x4c: {  	v9 =	vld [tilespmem:s24+$0x130]  }
0x4d: {  	v8 =	vld [tilespmem:s24+$0x140]  }
0x4e: {  	v12 =	vadd.f32 v13, v6;
	v7 =	vld [tilespmem:s24+$0x150]  }
0x4f: {  	s25 =	sadd.s32 $0x200, s25;
	v11 =	vadd.f32 v14, v11;
	v6 =	vld [tilespmem:s24+$0x160]  }
0x50: {  	v12 =	vmax.f32 v12, $0.0e+00;
	v5 =	vadd.f32 v5, v10;
	v63 =	vld [tilespmem:s24+$0x170]  }
0x51: {  	[tilespmem:s24+$0x100] =	vst v12;
	v11 =	vmax.f32 v11, $0.0e+00;
	v4 =	vadd.f32 v4, v9  }
0x52: {  	[tilespmem:s24+$0x110] =	vst v11;
	v5 =	vmax.f32 v5, $0.0e+00;
	v3 =	vadd.f32 v3, v8  }
0x53: {  	[tilespmem:s24+$0x120] =	vst v5;
	v4 =	vmax.f32 v4, $0.0e+00;
	v2 =	vadd.f32 v2, v7  }
0x54: {  	[tilespmem:s24+$0x130] =	vst v4;
	v3 =	vmax.f32 v3, $0.0e+00;
	v1 =	vadd.f32 v1, v6  }
0x55: {  	[tilespmem:s24+$0x140] =	vst v3;
	v2 =	vmax.f32 v2, $0.0e+00;
	v0 =	vadd.f32 v0, v63  }
0x56: {  	s23 =	sadd.s32 $0x1, s23;
	[tilespmem:s24+$0x150] =	vst v2;
	v1 =	vmax.f32 v1, $0.0e+00  }
0x57: {  	p1 =	sne.s32 s23, $0x7D;
	[tilespmem:s24+$0x160] =	vst v1;
	v0 =	vmax.f32 v0, $0.0e+00  }
.Ltmp1:
0x58: {  	[tilespmem:s24+$0x170] =	vst v0;
	(pc) =	sbr.rel @p1 .LBB2_2-.Ltmp1, $4  }
0x59: {  	[spmem:s1] =	stream.indirect.scatter.add.f32 [tilespmem:s20], [sflag:$0x2], $0x80, s18, s19, $0xb8;
	[tilespmem:$0x18980] =	vst v63  }
0x5a: {  	_ =	swait.ge [sflag:s16], $0x2800  }
0x5b: {  	[sflag:s16] =	ssyncset.done $0x0  }
0x5c: {  	[sflag:s16] =	ssyncadd.s32 $0xFFFFD800  }
0x5d: {  	[bflag:$0x0] =	sbarrier.arrive $0xFFFF  }
0x5e: {  	[hbm:s12], [sflag:s10] =	dma.local [spmem:s15], $0x2700  }
0x5f: {  	s2 =	sadd.s32 $0x1, s2;
	_ =	swait.ge [sflag:s16], $0x2700  }
0x60: {  	p1 =	sne.s32 s2, s14;
	[sflag:s16] =	ssyncset.done $0x0  }
.Ltmp2:
0x61: {  	s23 =	simm.s32 @!p0 $0x2;
	[sflag:s16] =	ssyncadd.s32 $0xFFFFD900;
	(pc) =	sbr.rel @p1 .LBB2_1-.Ltmp2, $4  }
0x62: {  	[hbm:s13], [sflag:s10] =	dma.local @!p0 [spmem:s17], $0x100  }
0x63: {  	_ =	swait.ge @!p0 [sflag:s23], $0x100  }
0x64: {  	[sflag:s23] =	ssyncset.done @!p0 $0x0  }
0x65: {  	[sflag:s23] =	ssyncadd.s32 @!p0 $0xFFFFFF00  }
0x66: {  	_ =	sfence.sel $0x180000  }
0x67: {  	[bflag:$0x0] =	sbarrier.arrive $0xFFFF  }
0x68: {  	_ =	strace $0x90000053  }
0x69: {  	s0 =	sadd.s32 @!p0 $0x100000, s0;
	[bflag:$0x2] =	sbarrier.arrive $0xFFFF  }
0x6a: {  	[sflag:s0] =	ssyncadd.tile.s32 @!p0 $0x1;
	_ =	shalt  }
.Lfunc_end2:
_tile_overlayer_lowered:
.L_overlay_start_2:
0x6b: {  	(tag) =	ssettag $0x2  }
0x6c: {  	s0 =	rddreg [dreg:$0x0];
	s2 =	stileid.u32  }
0x6d: {  	s1 =	rddreg [dreg:$0x1];
	p0 =	sne.s32 s2, $0x0  }
0x6e: {  	s3 =	rddreg [dreg:$0x2];
	[bflag:$0x3] =	sbarrier.arrive $0xFFFF;
	s2 =	simm.s32 @!p0 $0x1C02  }
0x6f: {  	[timem:s3], [sflag:s2] =	dma.local @!p0 [hbm:s0], s1  }
0x70: {  	s0 =	simm.s32 @!p0 $0x2  }
0x71: {  	_ =	swait.ge @!p0 [sflag:s0], s1  }
0x72: {  	s1 =	ssub.s32 @!p0 $0x0, s1;
	[sflag:s0] =	ssyncset.done @!p0 $0x0  }
0x73: {  	[sflag:s0] =	ssyncadd.s32 @!p0 s1  }
0x74: {  	[bflag:$0x3] =	sbarrier.arrive $0xFFFF  }
0x75: {  	_ =	shalt  }

// kernel: kernel.31.cloned.1.call-start
scs
__scs_entry_jumppad:
0x0: {  	(pc) =	sbr.rel $0x88, $3  }
0x1: {  	(tag) =	ssettag $0x0;
	lr =	simm.s32 $0x1  }
0x2: {  	[smem:$0x3F8C] =	sst lr;
	_ =	strace $0xD0000000  }
0x3: {  	_ = 	snop  }
0x4: {  	_ = 	snop  }
0x5: {  	_ = 	snop  }
0x6: {  	_ = 	snop  }
0x7: {  	_ = 	snop  }
__scs_overlays_trampoline_lowered:
0x8: {  	[smem:$0x3F9B] =	sst s0  }
0x9: {  	[smem:$0x3F9C] =	sst s1  }
0xa: {  	[smem:$0x3F9D] =	sst s2  }
0xb: {  	[smem:$0x3F9E] =	sst s3  }
0xc: {  	[smem:$0x3F9F] =	sst s4  }
0xd: {  	[smem:$0x3FA0] =	sst s5  }
0xe: {  	[smem:$0x3FA1] =	sst s6  }
0xf: {  	[smem:$0x3FA2] =	sst s7  }
0x10: {  	[smem:$0x3FA3] =	sst s8  }
0x11: {  	[smem:$0x3FA4] =	sst s9;
	s0 =	simm.s32 @!p0 $0x0  }
0x12: {  	s1 =	sld [smem:$0x3F8A];
	s0 =	simm.s32 @p0 $0x1  }
0x13: {  	[smem:$0x3FA5] =	sst s0;
	s0 =	simm.s32 @!p1 $0x0  }
0x14: {  	s2 =	sld [smem:$0x3F89];
	s0 =	simm.s32 @p1 $0x1  }
0x15: {  	[smem:$0x3FA6] =	sst s0;
	s0 =	simm.s32 @!p2 $0x0  }
0x16: {  	s3 =	sld [smem:$0x3FDB];
	s0 =	simm.s32 @p2 $0x1  }
0x17: {  	s4 =	simm.s32 $0x1BF5;
	[smem:$0x3FA8] =	sst s0  }
0x18: {  	s0 =	sld [smem:$0x3F8B];
	_ =	swait.ge [sflag:s4], $0x0  }
0x19: {  	s7 =	sld [smem:$0x3F8C]  }
0x1a: {  	s8 =	sadd.s32 $0xFFFFE003, lr  }
0x1b: {  	s9 =	sadd.s32 $0xFFFFFEF7, lr;
	s5 =	simm.s32 $0xFFFFFFFF;
	p2 =	slt.u32 s8, $0xFFFFF086  }
0x1c: {  	p1 =	slt.u32 s9, $0xF7A;
	s5 =	simm.s32 @!p2 $0x0  }
0x1d: {  	s5 =	simm.s32 @p1 $0x1;
	p0 =	seq.s32 s7, s2  }
0x1e: {  	s7 =	smul.u32 @!p0 $0xF7A, s2;
	p2 =	seq.s32 @!p0 s5, $0x0  }
0x1f: {  	s9 =	smul.u32 $0xF7A, s1;
	s8 =	simm.s32 @!p0 $0x1BF5;
	p2 =	por !p2, p0  }
0x20: {  	[sflag:s8] =	ssyncset.s32 @!p0 $0xFFFFF086;
	s6 =	sadd.s32 @!p0 s3, s7;
	s7 =	simm.s32 @!p0 $0x108  }
0x21: {  	s3 =	sadd.s32 s3, s9;
	s6 =	sadd.s32 @!p0 $0x88, s6;
	s7 =	simm.s32 @p2 $0x1082  }
0x22: {  	[simem:s7], [sflag:s8] =	dma.local @!p0 [hbm:s6], $0xF7A  }
0x23: {  	s9 =	sor.u32 $0xD0000000, s2;
	s6 =	simm.s32 $0x108;
	_ =	swait.ge @!p0 [sflag:s8], $0x0  }
0x24: {  	s3 =	sadd.s32 $0x88, s3;
	s6 =	simm.s32 @!p1 $0x1082;
	[sflag:s4] =	ssyncset.s32 $0xFFFFF086  }
0x25: {  	[simem:s6], [sflag:s4] =	dma.local [hbm:s3], $0xF7A  }
0x26: {  	[smem:$0x3F8C] =	sst s1;
	(tag) =	ssettag s2;
	_ =	strace s9  }
0x27: {  	s1 =	sld [smem:$0x3F9C]  }
0x28: {  	s2 =	sld [smem:$0x3F9D]  }
0x29: {  	s4 =	sld [smem:$0x3F9F]  }
0x2a: {  	p0 =	seq.s32 s5, $0x0;
	s5 =	sld [smem:$0x3FA0]  }
0x2b: {  	s6 =	sld [smem:$0x3FA1]  }
0x2c: {  	s7 =	sld [smem:$0x3FA2]  }
0x2d: {  	s3 =	simm.s32 $0x108;
	s8 =	sld [smem:$0x3FA3]  }
0x2e: {  	s3 =	simm.s32 @!p0 $0x1082;
	s9 =	sld [smem:$0x3FA4]  }
0x2f: {  	lr =	sadd.s32 s0, s3;
	s0 =	sld [smem:$0x3F9B]  }
0x30: {  	s3 =	sld [smem:$0x3F9E]  }
0x31: {  	[smem:$0x3FA7] =	sst s10  }
0x32: {  	s10 =	sld [smem:$0x3FA5];
	_ =	sdelay $0x3  }
0x33: {  	p0 =	seq.s32 s10, $0x1;
	s10 =	sld [smem:$0x3FA7];
	_ =	sdelay $0x3  }
0x34: {  	[smem:$0x3FA7] =	sst s10  }
0x35: {  	s10 =	sld [smem:$0x3FA6];
	_ =	sdelay $0x3  }
0x36: {  	p1 =	seq.s32 s10, $0x1;
	s10 =	sld [smem:$0x3FA7];
	_ =	sdelay $0x3  }
0x37: {  	[smem:$0x3FA7] =	sst s10  }
0x38: {  	s10 =	sld [smem:$0x3FA8]  }
0x39: {  	_ = 	snop;
	(pc) =	sbr.ind lr, $3  }
0x3a: {  	_ = 	snop  }
0x3b: {  	_ = 	snop  }
0x3c: {  	p2 =	seq.s32 s10, $0x1;
	s10 =	sld [smem:$0x3FA7]  }
0x3d: {  	_ =	shalt  }
0x3e: {  	_ =	shalt  }
0x3f: {  	_ =	shalt  }
0x40: {  	_ =	shalt  }
0x41: {  	_ =	shalt  }
0x42: {  	_ =	shalt  }
0x43: {  	_ =	shalt  }
0x44: {  	_ =	shalt  }
0x45: {  	_ =	shalt  }
0x46: {  	_ =	shalt  }
0x47: {  	_ =	shalt  }
0x48: {  	_ =	shalt  }
0x49: {  	_ =	shalt  }
0x4a: {  	_ =	shalt  }
0x4b: {  	_ =	shalt  }
0x4c: {  	_ =	shalt  }
0x4d: {  	_ =	shalt  }
0x4e: {  	_ =	shalt  }
0x4f: {  	_ =	shalt  }
0x50: {  	_ =	shalt  }
0x51: {  	_ =	shalt  }
0x52: {  	_ =	shalt  }
0x53: {  	_ =	shalt  }
0x54: {  	_ =	shalt  }
0x55: {  	_ =	shalt  }
0x56: {  	_ =	shalt  }
0x57: {  	_ =	shalt  }
0x58: {  	_ =	shalt  }
0x59: {  	_ =	shalt  }
0x5a: {  	_ =	shalt  }
0x5b: {  	_ =	shalt  }
0x5c: {  	_ =	shalt  }
0x5d: {  	_ =	shalt  }
0x5e: {  	_ =	shalt  }
0x5f: {  	_ =	shalt  }
0x60: {  	_ =	shalt  }
0x61: {  	_ =	shalt  }
0x62: {  	_ =	shalt  }
0x63: {  	_ =	shalt  }
0x64: {  	_ =	shalt  }
0x65: {  	_ =	shalt  }
0x66: {  	_ =	shalt  }
0x67: {  	_ =	shalt  }
0x68: {  	_ =	shalt  }
0x69: {  	_ =	shalt  }
0x6a: {  	_ =	shalt  }
0x6b: {  	_ =	shalt  }
0x6c: {  	_ =	shalt  }
0x6d: {  	_ =	shalt  }
0x6e: {  	_ =	shalt  }
0x6f: {  	_ =	shalt  }
0x70: {  	_ =	shalt  }
0x71: {  	_ =	shalt  }
0x72: {  	_ =	shalt  }
0x73: {  	_ =	shalt  }
0x74: {  	_ =	shalt  }
0x75: {  	_ =	shalt  }
0x76: {  	_ =	shalt  }
0x77: {  	_ =	shalt  }
0x78: {  	_ =	shalt  }
0x79: {  	_ =	shalt  }
0x7a: {  	_ =	shalt  }
0x7b: {  	_ =	shalt  }
0x7c: {  	_ =	shalt  }
0x7d: {  	_ =	shalt  }
0x7e: {  	_ =	shalt  }
0x7f: {  	_ =	shalt  }
0x80: {  	_ =	shalt  }
0x81: {  	_ =	shalt  }
0x82: {  	_ =	shalt  }
0x83: {  	_ =	shalt  }
0x84: {  	_ =	shalt  }
0x85: {  	_ =	shalt  }
0x86: {  	_ =	shalt  }
0x87: {  	_ =	shalt  }
.Lfunc_end0:
.L_simem_size_0:
called_computation.5_lowered:
.L_overlay_start_0:
0x88: {  	s2 =	sld [smem:$0x3FD9]  }
0x89: {  	s3 =	sld [smem:$0x3FFE];
	_ =	sdelay $0x1  }
0x8a: {  	s1 =	srdreg.scid  }
0x8b: {  	s0 =	sand.u32 $0x1, s1  }
0x8c: {  	s16 =	sshll.u32 s0, $0xA;
	s2 =	sadd.s32 s3, s2  }
0x8d: {  	s2 =	sadd.s32 s2, s16  }
0x8e: {  	[smem:$0x3FB3] =	sst s2  }
0x8f: {  	_ = 	snop  }
0x90: {  	(tm) =	ssettm $0x1  }
0x91: {  	s17 =	sld [smem:$0x3FFB];
	_ =	sdelay $0x3  }
0x92: {  	_ =	strace s17  }
0x93: {  	s2 =	sld [smem:$0x3FFC];
	_ =	sdelay $0x3  }
0x94: {  	_ =	strace s2  }
0x95: {  	s2 =	sld [smem:$0x3FFD];
	_ =	sdelay $0x3  }
0x96: {  	_ =	strace s2  }
0x97: {  	_ =	strace $0x8FFFFFFF  }
0x98: {  	s18 =	sld [smem:$0x3FDB];
	_ =	sdelay $0x1  }
0x99: {  	s19 =	simm.s32 $_scs_section_size  }
0x9a: {  	s4 =	simm.s32 $_size__tile_overlayer_lowered;
	s5 =	simm.s32 $_tile_overlayer_lowered  }
0x9b: {  	s22 =	simm.s32 $0x1BFF;
	s21 =	sshll.u32 s5, $0x1;
	s2 =	sadd.s32 s19, s18  }
0x9c: {  	s6 =	simm.s32 $0x0;
	s20 =	sshll.u32 s4, $0x1;
	s4 =	sadd.s32 s21, s2  }
0x9d: {  	[timem:s6], [sflag:s22] =	dma.local [hbm:s4], s20  }
0x9e: {  	_ =	swait.ge [sflag:s22], s20  }
0x9f: {  	s3 =	ssub.s32 $0x0, s20;
	[sflag:s22] =	ssyncset.done $0x0  }
0xa0: {  	[sflag:s22] =	ssyncadd.s32 s3;
	_ =	sdelay $0x1  }
0xa1: {  	s23 =	simm.s32 $0x1B8B  }
0xa2: {  	_ =	swait.ge [sflag:s23], $0x1  }
0xa3: {  	[sflag:s23] =	ssyncset.done $0x0  }
0xa4: {  	s25 =	simm.s32 $0x1B8E;
	s24 =	sld [smem:$0x3FFE];
	[sflag:s23] =	ssyncadd.s32 $0xFFFFFFFF  }
0xa5: {  	s26 =	simm.s32 $execute0_lowered;
	[smem:$0x3FD2] =	sst s25  }
0xa6: {  	s4 =	sshll.u32 s26, $0x1;
	_ =	strace $0x80000055;
	[dreg:$0x1] =	wrdreg $0xFFFFFFFF  }
0xa7: {  	s28 =	simm.s32 $_size_execute0_lowered;
	s2 =	sadd.s32 s2, s4;
	[dreg:$0x0] =	wrdreg $0x0  }
0xa8: {  	s4 =	sshll.u32 s28, $0x1;
	[dreg:$0x2] =	wrdreg s2  }
0xa9: {  	[dreg:$0x3] =	wrdreg s4  }
0xaa: {  	[dreg:$0x4] =	wrdreg $0xC0  }
0xab: {  	_ =	task [dreg:s6], $0x5FFFF  }
0xac: {  	[dreg:$0x1] =	wrdreg $0xFFFFFFFF  }
0xad: {  	[dreg:$0x0] =	wrdreg $0x60  }
0xae: {  	[dreg:$0x2] =	wrdreg s24  }
0xaf: {  	[dreg:$0x3] =	wrdreg $0x51000  }
0xb0: {  	[dreg:$0x4] =	wrdreg $0x9  }
0xb1: {  	_ =	task.clear_ibuf [dreg:s6], $0x5FFFF;
	_ =	strace $0x90000055  }
0xb2: {  	s29 =	simm.s32 $0x9;
	_ =	strace $0x80000057  }
0xb3: {  	_ =	swait.ge [sflag:s29], $0x1  }
0xb4: {  	[sflag:s29] =	ssyncadd.s32 $0xFFFFFFFF  }
0xb5: {  	_ =	strace $0x90000057  }
0xb6: {  	_ =	sfence  }
0xb7: {  	s30 =	sld [smem:$0x0];
	_ =	sdelay $0x2  }
0xb8: {  	s31 =	sshll.u32 s1, $0xD;
	s1 =	sshrl.u32 s1, $0x2  }
0xb9: {  	s3 =	sand.u32 $0x4000, s31;
	s1 =	sadd.s32 s1, s30  }
0xba: {  	s0 =	sor.u32 s3, s0;
	s1 =	sshll.u32 s1, $0x11  }
0xbb: {  	s0 =	sor.u32 s1, s0  }
0xbc: {  	s0 =	sadd.s32 $0x8F2B, s0  }
0xbd: {  	[sflag:s0] =	ssyncadd.remote.s32 $0x1  }
0xbe: {  	_ =	sfence.sel $0xFFFF  }
0xbf: {  	[dreg:$0x0] =	wrdreg $0xFFFFFFFF;
	(pc) =	sbr.abs _section_cstart, $3  }
0xc0: {  	[dreg:$0x1] =	wrdreg $0xFFFFFFFF  }
0xc1: {  	_ =	task.clear_ibuf [dreg:s6], $0x2FFFF;
	_ =	strace $0x9FFFFFFF  }
0xc2: {  	(tm) =	ssettm $0x7FFFFFFF  }
0xc3: {  	_ =	shalt  }
tec
execute0_lowered:
.L_overlay_start_1:
0x0: {  	(tag) =	ssettag $0x1  }
0x1: {  	s11 =	rddreg [dreg:$0x0]  }
0x2: {  	s1 =	rddreg [dreg:$0x1]  }
0x3: {  	s0 =	rddreg [dreg:$0x2];
	s2 =	simm.s32 $0x0;
	s15 =	stileid.u32  }
0x4: {  	s5 =	srdreg.scid;
	s21 =	simm.s32 $0x2900;
	s22 =	simm.s32 $0x1  }
0x5: {  	s28 =	simm.s32 $0x0;
	[smem:$0x7FF] =	sst s2;
	s3 =	sadd.s32 $0x2F800, s11  }
0x6: {  	s4 =	sadd.s32 $0x4FE200, s11;
	s12 =	smul.u32 $0x13800, s15;
	s9 =	sand.u32 $0x1, s5  }
0x7: {  	s7 =	sshll.u32 s15, $0x1;
	s5 =	sadd.s32 $0x4F4400, s11;
	s6 =	sadd.s32 $0x4EA600, s11  }
0x8: {  	s14 =	smul.u32 $0x4E000, s15;
	s16 =	sadd.s32 $0x84800, s11;
	s30 =	sshll.u32 s15, $0x6  }
0x9: {  	s20 =	sadd.s32 $0x138000, s1;
	p0 =	sne.s32 s15, $0x0;
	_ =	strace $0x80000056  }
0xa: {  	s7 =	sor.u32 s9, s7;
	s10 =	ssub.s32 $0x2, s9;
	s18 =	smul.u32 $0x138800, s9  }
0xb: {  	s8 =	sshrl.u32 s12, $0x3;
	s7 =	smul.u32 $0x2710, s7;
	s26 =	sshrl.u32 s10, $0x1  }
0xc: {  	s29 =	sshrl.u32 s14, $0x2;
	s13 =	sadd.s32 s8, s11;
	s17 =	ssub.s32 s10, s26  }
0xd: {  	s19 =	sadd.s32 s29, s1;
	s10 =	sor.u32 $0x1C02, s30;
	s12 =	sadd.s32 s12, s18  }
0xe: {  	s31 =	sshrl.u32 s18, $0x3;
	s11 =	sadd.s32 $0x2F600, s11;
	s18 =	simm.s32 $0x80  }
0xf: {  	s8 =	sadd.s32 $0x186A00, s7;
	s9 =	sadd.s32 $0x8600, s13;
	s12 =	sshrl.u32 s12, $0x3  }
0x10: {  	s13 =	sadd.s32 s16, s31;
	s14 =	smax.u32 s17, $0x1;
	s15 =	sshrl.u32 s19, $0x3  }
0x11: {  	s17 =	sshrl.u32 @!p0 s20, $0x3;
	s19 =	simm.s32 $0x50;
	s20 =	simm.s32 $0x100  }
0x12: {  	s12 =	sadd.s32 s16, s12;
	s13 =	sadd.s32 $0x27000, s13;
	s16 =	simm.s32 $0x2  }
.LBB2_1:
0x13: {  	[spmem:s15], [sflag:s10] =	dma.local [hbm:s9], $0x2700  }
0x14: {  	_ =	swait.ge [sflag:s16], $0x2700  }
0x15: {  	[sflag:s16] =	ssyncset.done $0x0  }
0x16: {  	s23 =	simm.s32 @!p0 $0x2;
	[sflag:s16] =	ssyncadd.s32 $0xFFFFD900  }
0x17: {  	[spmem:s17], [sflag:s10] =	dma.local @!p0 [hbm:s11], $0x100  }
0x18: {  	_ =	swait.ge @!p0 [sflag:s23], $0x100  }
0x19: {  	[sflag:s23] =	ssyncset.done @!p0 $0x0  }
0x1a: {  	[sflag:s23] =	ssyncadd.s32 @!p0 $0xFFFFFF00  }
0x1b: {  	s23 =	simm.s32 $0x0;
	[bflag:$0x0] =	sbarrier.arrive $0xFFFF  }
.LBB2_2:
0x1c: {  	s24 =	smul.u32 $0x50, s23;
	_ =	sdelay $0x1  }
0x1d: {  	s25 =	sadd.s32 s7, s24  }
0x1e: {  	s25 =	sshrl.u32 s25, $0x3  }
0x1f: {  	s26 =	sadd.s32 s5, s25  }
0x20: {  	[tilespmem:s28], [sflag:$0x2] =	stream.linear.gather [hbm4b:s26+s28], $0x50, $0x38;
	[tilespmem:$0x18980] =	vst v63  }
0x21: {  	_ =	swait.ge [sflag:s16], $0x50  }
0x22: {  	[sflag:s16] =	ssyncset.done $0x0  }
0x23: {  	s25 =	sadd.s32 s6, s25;
	[sflag:s16] =	ssyncadd.s32 $0xFFFFFFB0  }
0x24: {  	[tilespmem:s18], [sflag:$0x2] =	stream.linear.gather [hbm4b:s25+s28], $0x50, $0x38;
	[tilespmem:$0x18980] =	vst v63  }
0x25: {  	_ =	swait.ge [sflag:s16], $0x50  }
0x26: {  	s24 =	sadd.s32 s24, s8;
	[sflag:s16] =	ssyncset.done $0x0  }
0x27: {  	s24 =	sshll.u32 s24, $0x4;
	[sflag:s16] =	ssyncadd.s32 $0xFFFFFFB0  }
0x28: {  	[tilespmem:s20], [sflag:$0x1] =	stream.indirect.gather [hbm4b:s3+s19], $0x80, s28, s19, $0xb8;
	[tilespmem:$0x18980] =	vst v63  }
0x29: {  	s24 =	sadd.s32 s4, s24  }
0x2a: {  	[tilespmem:s21], [sflag:$0x2] =	stream.linear.gather [hbm4b:s24+s28], $0x2800, $0x38;
	[tilespmem:$0x18980] =	vst v63  }
0x2b: {  	_ =	swait.ge [sflag:s16], $0x2800  }
0x2c: {  	[sflag:s16] =	ssyncset.done $0x0  }
0x2d: {  	[sflag:s16] =	ssyncadd.s32 $0xFFFFD800  }
0x2e: {  	_ =	swait.ge [sflag:s22], $0x2800  }
0x2f: {  	[sflag:s22] =	ssyncset.done $0x0  }
0x30: {  	s24 =	simm.s32 $0x0;
	[sflag:s22] =	ssyncadd.s32 $0xFFFFD800  }
0x31: {  	v6 =	vld [tilespmem:s24+$0x2900]  }
0x32: {  	v11 =	vld [tilespmem:s24+$0x2910]  }
0x33: {  	v5 =	vld [tilespmem:s24+$0x2920]  }
0x34: {  	v4 =	vld [tilespmem:s24+$0x2930]  }
0x35: {  	v3 =	vld [tilespmem:s24+$0x2940]  }
0x36: {  	v2 =	vld [tilespmem:s24+$0x2950]  }
0x37: {  	v1 =	vld [tilespmem:s24+$0x2960]  }
0x38: {  	v0 =	vld [tilespmem:s24+$0x2970]  }
0x39: {  	v12 =	vld [tilespmem:s24+$0x100]  }
0x3a: {  	v13 =	vld [tilespmem:s24+$0x110]  }
0x3b: {  	v10 =	vld [tilespmem:s24+$0x120]  }
0x3c: {  	v9 =	vld [tilespmem:s24+$0x130]  }
0x3d: {  	v8 =	vld [tilespmem:s24+$0x140]  }
0x3e: {  	v7 =	vld [tilespmem:s24+$0x150];
	v12 =	vadd.f32 v6, v12  }
0x3f: {  	s25 =	simm.s32 $0x200;
	v11 =	vadd.f32 v11, v13;
	v6 =	vld [tilespmem:s24+$0x160]  }
.LBB2_3:
0x40: {  	s26 =	sshra.s32 s25, $0x2;
	p1 =	sne.s32 s25, $0x9E00;
	v12 =	vmax.f32 v12, $0.0e+00;
	v5 =	vadd.f32 v5, v10;
	v10 =	vld [tilespmem:s24+$0x170]  }
0x41: {  	v13 =	vld [tilespmem:s26+$0x2900];
	[tilespmem:s24+$0x100] =	vst v12;
	v11 =	vmax.f32 v11, $0.0e+00;
	v4 =	vadd.f32 v4, v9  }
0x42: {  	v14 =	vld [tilespmem:s26+$0x2910];
	[tilespmem:s24+$0x110] =	vst v11;
	v9 =	vmax.f32 v5, $0.0e+00;
	v3 =	vadd.f32 v3, v8  }
0x43: {  	v5 =	vld [tilespmem:s26+$0x2920];
	[tilespmem:s24+$0x120] =	vst v9;
	v8 =	vmax.f32 v4, $0.0e+00;
	v2 =	vadd.f32 v2, v7  }
0x44: {  	v4 =	vld [tilespmem:s26+$0x2930];
	[tilespmem:s24+$0x130] =	vst v8;
	v7 =	vmax.f32 v3, $0.0e+00;
	v1 =	vadd.f32 v1, v6  }
0x45: {  	v3 =	vld [tilespmem:s26+$0x2940];
	[tilespmem:s24+$0x140] =	vst v7;
	v6 =	vmax.f32 v2, $0.0e+00;
	v0 =	vadd.f32 v0, v10  }
0x46: {  	v2 =	vld [tilespmem:s26+$0x2950];
	[tilespmem:s24+$0x150] =	vst v6;
	v6 =	vmax.f32 v1, $0.0e+00  }
0x47: {  	v1 =	vld [tilespmem:s26+$0x2960];
	[tilespmem:s24+$0x160] =	vst v6;
	v6 =	vmax.f32 v0, $0.0e+00  }
0x48: {  	v0 =	vld [tilespmem:s26+$0x2970];
	[tilespmem:s24+$0x170] =	vst v6;
	s24 =	smov.u32 s26  }
0x49: {  	v6 =	vld [tilespmem:s24+$0x100]  }
0x4a: {  	v11 =	vld [tilespmem:s24+$0x110]  }
.Ltmp0:
0x4b: {  	v10 =	vld [tilespmem:s24+$0x120];
	(pc) =	sbr.rel @p1 .LBB2_3-.Ltmp0, $4  }
0x4c: {  	v9 =	vld [tilespmem:s24+$0x130]  }
0x4d: {  	v8 =	vld [tilespmem:s24+$0x140]  }
0x4e: {  	v12 =	vadd.f32 v13, v6;
	v7 =	vld [tilespmem:s24+$0x150]  }
0x4f: {  	s25 =	sadd.s32 $0x200, s25;
	v11 =	vadd.f32 v14, v11;
	v6 =	vld [tilespmem:s24+$0x160]  }
0x50: {  	v12 =	vmax.f32 v12, $0.0e+00;
	v5 =	vadd.f32 v5, v10;
	v63 =	vld [tilespmem:s24+$0x170]  }
0x51: {  	[tilespmem:s24+$0x100] =	vst v12;
	v11 =	vmax.f32 v11, $0.0e+00;
	v4 =	vadd.f32 v4, v9  }
0x52: {  	[tilespmem:s24+$0x110] =	vst v11;
	v5 =	vmax.f32 v5, $0.0e+00;
	v3 =	vadd.f32 v3, v8  }
0x53: {  	[tilespmem:s24+$0x120] =	vst v5;
	v4 =	vmax.f32 v4, $0.0e+00;
	v2 =	vadd.f32 v2, v7  }
0x54: {  	[tilespmem:s24+$0x130] =	vst v4;
	v3 =	vmax.f32 v3, $0.0e+00;
	v1 =	vadd.f32 v1, v6  }
0x55: {  	[tilespmem:s24+$0x140] =	vst v3;
	v2 =	vmax.f32 v2, $0.0e+00;
	v0 =	vadd.f32 v0, v63  }
0x56: {  	s23 =	sadd.s32 $0x1, s23;
	[tilespmem:s24+$0x150] =	vst v2;
	v1 =	vmax.f32 v1, $0.0e+00  }
0x57: {  	p1 =	sne.s32 s23, $0x7D;
	[tilespmem:s24+$0x160] =	vst v1;
	v0 =	vmax.f32 v0, $0.0e+00  }
.Ltmp1:
0x58: {  	[tilespmem:s24+$0x170] =	vst v0;
	(pc) =	sbr.rel @p1 .LBB2_2-.Ltmp1, $4  }
0x59: {  	[spmem:s1] =	stream.indirect.scatter.add.f32 [tilespmem:s20], [sflag:$0x2], $0x80, s18, s19, $0xb8;
	[tilespmem:$0x18980] =	vst v63  }
0x5a: {  	_ =	swait.ge [sflag:s16], $0x2800  }
0x5b: {  	[sflag:s16] =	ssyncset.done $0x0  }
0x5c: {  	[sflag:s16] =	ssyncadd.s32 $0xFFFFD800  }
0x5d: {  	[bflag:$0x0] =	sbarrier.arrive $0xFFFF  }
0x5e: {  	[hbm:s12], [sflag:s10] =	dma.local [spmem:s15], $0x2700  }
0x5f: {  	s2 =	sadd.s32 $0x1, s2;
	_ =	swait.ge [sflag:s16], $0x2700  }
0x60: {  	p1 =	sne.s32 s2, s14;
	[sflag:s16] =	ssyncset.done $0x0  }
.Ltmp2:
0x61: {  	s23 =	simm.s32 @!p0 $0x2;
	[sflag:s16] =	ssyncadd.s32 $0xFFFFD900;
	(pc) =	sbr.rel @p1 .LBB2_1-.Ltmp2, $4  }
0x62: {  	[hbm:s13], [sflag:s10] =	dma.local @!p0 [spmem:s17], $0x100  }
0x63: {  	_ =	swait.ge @!p0 [sflag:s23], $0x100  }
0x64: {  	[sflag:s23] =	ssyncset.done @!p0 $0x0  }
0x65: {  	[sflag:s23] =	ssyncadd.s32 @!p0 $0xFFFFFF00  }
0x66: {  	_ =	sfence.sel $0x180000  }
0x67: {  	[bflag:$0x0] =	sbarrier.arrive $0xFFFF  }
0x68: {  	_ =	strace $0x90000056  }
0x69: {  	s0 =	sadd.s32 @!p0 $0x100000, s0;
	[bflag:$0x2] =	sbarrier.arrive $0xFFFF  }
0x6a: {  	[sflag:s0] =	ssyncadd.tile.s32 @!p0 $0x1;
	_ =	shalt  }
.Lfunc_end2:
_tile_overlayer_lowered:
.L_overlay_start_2:
0x6b: {  	(tag) =	ssettag $0x2  }
0x6c: {  	s0 =	rddreg [dreg:$0x0];
	s2 =	stileid.u32  }
0x6d: {  	s1 =	rddreg [dreg:$0x1];
	p0 =	sne.s32 s2, $0x0  }
0x6e: {  	s3 =	rddreg [dreg:$0x2];
	[bflag:$0x3] =	sbarrier.arrive $0xFFFF;
	s2 =	simm.s32 @!p0 $0x1C02  }
0x6f: {  	[timem:s3], [sflag:s2] =	dma.local @!p0 [hbm:s0], s1  }
0x70: {  	s0 =	simm.s32 @!p0 $0x2  }
0x71: {  	_ =	swait.ge @!p0 [sflag:s0], s1  }
0x72: {  	s1 =	ssub.s32 @!p0 $0x0, s1;
	[sflag:s0] =	ssyncset.done @!p0 $0x0  }
0x73: {  	[sflag:s0] =	ssyncadd.s32 @!p0 s1  }
0x74: {  	[bflag:$0x3] =	sbarrier.arrive $0xFFFF  }
0x75: {  	_ =	shalt  }

</sc_bundles>
